<compile_context>
chip_gen: v7x
topology: tpu7x:2x2x1
jax: 0.10.2.dev20260603
libtpu: 0.0.44.dev20260713+nightly
codegen_flags: <defaults>
</compile_context>

<pallas_src>
import functools

import jax
import jax.numpy as jnp
from jax import lax
from jax.experimental import pallas as pl
from jax.experimental.pallas import tpu as pltpu
from jax.experimental.pallas import tpu_sc as plsc

_N = 50000
_E = 800000
_EMB = 16
_H = 2
_HID = 64
_HE = _H * _EMB
_NW = 16
_EPW = _E // _NW
_CH = _EPW // 16
_GRP = 8
_NG = _CH // _GRP

_NEG = -1e30

_R_X0, _R_X1 = 0, 1
_R_WL = 2
_R_WR = 6
_R_BL = 10
_R_BR = 12
_R_WE = 14
_R_ATT = 16
_R_B2 = 18
_R_BFC = 20
_R_WFC = 24
_WROWS = 24 + _HE * 4


def _sc_kernel_factory():
    mesh = plsc.VectorSubcoreMesh(
        core_axis_name="c", subcore_axis_name="s", num_cores=1)

    @functools.partial(
        pl.kernel,
        mesh=mesh,
        out_type=jax.ShapeDtypeStruct((4, 16), jnp.float32),
        compiler_params=pltpu.CompilerParams(
            needs_layout_passes=False, use_tc_tiling_on_sc=False),
        scratch_types=[
            pltpu.VMEM((_EPW,), jnp.int32),
            pltpu.VMEM((_EPW + 16,), jnp.int32),
            pltpu.VMEM((_WROWS, 16), jnp.float32),
            pltpu.VMEM((16,), jnp.int32),
            pltpu.VMEM((16,), jnp.int32),
            pltpu.VMEM((16,), jnp.float32),
            pltpu.VMEM((16,), jnp.float32),
            pltpu.VMEM((16,), jnp.float32),
            pltpu.VMEM((6, 16), jnp.float32),
            pltpu.VMEM_SHARED((_NW, 6, 16), jnp.float32),
            pltpu.VMEM((_NW, 6, 16), jnp.float32),
            pltpu.VMEM((4, 16), jnp.float32),
            pltpu.SemaphoreType.DMA,
            pltpu.SemaphoreType.DMA,
        ],
    )
    def sck(dst_hbm, src_hbm, ea_hbm, x0_hbm, x1_hbm, w_hbm, out_hbm,
            dst_v, buf_v, w_v, eid_v, srcg_v, eag_v, x0g_v, x1g_v,
            part_v, shr_v, comb_v, out_v, sem, sem2):
        wid = lax.axis_index("s")
        base = wid * _EPW

        cp_dst = pltpu.async_copy(dst_hbm.at[pl.ds(base, _EPW)], dst_v, sem)
        cp_w = pltpu.async_copy(w_hbm, w_v, sem2)
        cp_dst.wait()
        cp_w.wait()

        iota = lax.iota(jnp.int32, 16)

        def scan_chunk(c, cnt):
            v = dst_v[pl.ds(c * 16, 16)]
            msk = v == 0
            cs = plsc.cumsum(msk.astype(jnp.int32))
            eids = (base + c * 16) + iota
            plsc.store_scatter(buf_v, [cnt + cs - 1], eids, mask=msk)
            return cnt + jnp.max(cs)

        def group_body(g, cnt):
            c0 = g * _GRP
            mn = dst_v[pl.ds(c0 * 16, 16)]
            for k in range(1, _GRP):
                mn = jnp.minimum(mn, dst_v[pl.ds((c0 + k) * 16, 16)])
            return lax.cond(
                jnp.min(mn) == 0,
                lambda c: lax.fori_loop(c0, c0 + _GRP, scan_chunk, c),
                lambda c: c,
                cnt)

        cnt = lax.fori_loop(0, _NG, group_body, jnp.int32(0))
        cnt = lax.fori_loop(_NG * _GRP, _CH, scan_chunk, cnt)
        plsc.store_scatter(buf_v, [cnt + iota],
                           jnp.zeros((16,), jnp.int32), mask=iota >= 0)

        xr00 = w_v[_R_X0] * w_v[_R_WR] + w_v[_R_X1] * w_v[_R_WR + 2] + w_v[_R_BR]
        xr01 = w_v[_R_X0] * w_v[_R_WR + 1] + w_v[_R_X1] * w_v[_R_WR + 3] + w_v[_R_BR + 1]
        att0 = w_v[_R_ATT]
        att1 = w_v[_R_ATT + 1]

        def chunk_body(c, state):
            cb = c * 16
            eid_v[...] = buf_v[pl.ds(cb, 16)]
            cpa = pltpu.async_copy(src_hbm.at[eid_v], srcg_v, sem)
            cpb = pltpu.async_copy(ea_hbm.at[eid_v], eag_v, sem2)
            cpa.wait()
            cpb.wait()
            cpc = pltpu.async_copy(x0_hbm.at[srcg_v], x0g_v, sem)
            cpd = pltpu.async_copy(x1_hbm.at[srcg_v], x1g_v, sem2)
            cpc.wait()
            cpd.wait()
            rem = jnp.minimum(cnt - cb, 16)

            def edge_body(j, st):
                m0, m1, d0, d1, n0, n1 = st
                jj = jnp.full((16,), j, jnp.int32)
                xs0 = plsc.load_gather(x0g_v, [jj])
                xs1 = plsc.load_gather(x1g_v, [jj])
                eas = plsc.load_gather(eag_v, [jj])
                xl0 = xs0 * w_v[_R_WL] + xs1 * w_v[_R_WL + 2] + w_v[_R_BL]
                xl1 = xs0 * w_v[_R_WL + 1] + xs1 * w_v[_R_WL + 3] + w_v[_R_BL + 1]
                z0 = xl0 + xr00 + eas * w_v[_R_WE]
                z1 = xl1 + xr01 + eas * w_v[_R_WE + 1]
                lr0 = jnp.maximum(z0, 0.2 * z0)
                lr1 = jnp.maximum(z1, 0.2 * z1)
                a0 = jnp.full((16,), jnp.sum(lr0 * att0), jnp.float32)
                a1 = jnp.full((16,), jnp.sum(lr1 * att1), jnp.float32)
                nm0 = jnp.maximum(m0, a0)
                nm1 = jnp.maximum(m1, a1)
                co0 = jnp.exp(m0 - nm0)
                cn0 = jnp.exp(a0 - nm0)
                co1 = jnp.exp(m1 - nm1)
                cn1 = jnp.exp(a1 - nm1)
                return (nm0, nm1,
                        d0 * co0 + cn0, d1 * co1 + cn1,
                        n0 * co0 + cn0 * xl0, n1 * co1 + cn1 * xl1)

            return lax.fori_loop(0, rem, edge_body, state)

        zf = jnp.zeros((16,), jnp.float32)
        neg = jnp.full((16,), _NEG, jnp.float32)
        nch = (cnt + 15) // 16
        m0, m1, d0, d1, n0, n1 = lax.fori_loop(
            0, nch, chunk_body, (neg, neg, zf, zf, zf, zf))

        part_v[0] = m0
        part_v[1] = m1
        part_v[2] = d0
        part_v[3] = d1
        part_v[4] = n0
        part_v[5] = n1
        pltpu.sync_copy(part_v, shr_v.at[wid])
        plsc.subcore_barrier()

        @pl.when(wid == 0)
        def _():
            pltpu.sync_copy(shr_v, comb_v)
            M0 = comb_v[0, 0]
            M1 = comb_v[0, 1]
            D0 = comb_v[0, 2]
            D1 = comb_v[0, 3]
            N0 = comb_v[0, 4]
            N1 = comb_v[0, 5]
            for w in range(1, _NW):
                mw0 = comb_v[w, 0]
                mw1 = comb_v[w, 1]
                nm0 = jnp.maximum(M0, mw0)
                nm1 = jnp.maximum(M1, mw1)
                co0 = jnp.exp(M0 - nm0)
                cw0 = jnp.exp(mw0 - nm0)
                co1 = jnp.exp(M1 - nm1)
                cw1 = jnp.exp(mw1 - nm1)
                D0 = D0 * co0 + comb_v[w, 2] * cw0
                D1 = D1 * co1 + comb_v[w, 3] * cw1
                N0 = N0 * co0 + comb_v[w, 4] * cw0
                N1 = N1 * co1 + comb_v[w, 5] * cw1
                M0 = nm0
                M1 = nm1
            h00 = jnp.maximum(N0 / (D0 + 1e-16) + w_v[_R_B2], 0.0)
            h01 = jnp.maximum(N1 / (D1 + 1e-16) + w_v[_R_B2 + 1], 0.0)
            acc = [w_v[_R_BFC + j] for j in range(4)]
            for i in range(_HE):
                hrow = h00 if i < 16 else h01
                sel = jnp.where(iota == (i % 16), hrow,
                                jnp.zeros((16,), jnp.float32))
                s = jnp.full((16,), jnp.sum(sel), jnp.float32)
                for j in range(4):
                    acc[j] = acc[j] + s * w_v[_R_WFC + i * 4 + j]
            for j in range(4):
                out_v[j] = acc[j]
            pltpu.sync_copy(out_v, out_hbm)

    return sck


def kernel(x, edge_index, edge_attr, labels,
           Wl1, bl1, Wr1, br1, We1, att1, b1,
           Wl2, bl2, Wr2, br2, We2, att2, b2,
           Wfc, bfc):
    src = edge_index[0]
    dst = edge_index[1]
    ea = edge_attr.reshape(_E)
    x0 = x[:, 0]
    x1 = x[:, 1]

    wl = Wl2.reshape(2, _H, _EMB)
    wr = Wr2.reshape(2, _H, _EMB)
    head = jnp.stack([
        jnp.full((16,), x[0, 0], jnp.float32),
        jnp.full((16,), x[0, 1], jnp.float32),
        wl[0, 0], wl[0, 1], wl[1, 0], wl[1, 1],
        wr[0, 0], wr[0, 1], wr[1, 0], wr[1, 1],
        bl2.reshape(_H, _EMB)[0], bl2.reshape(_H, _EMB)[1],
        br2.reshape(_H, _EMB)[0], br2.reshape(_H, _EMB)[1],
        We2.reshape(_H, _EMB)[0], We2.reshape(_H, _EMB)[1],
        att2[0], att2[1],
        b2.reshape(_H, _EMB)[0], b2.reshape(_H, _EMB)[1],
    ])
    wpack = jnp.concatenate(
        [head, bfc.reshape(4, 16), Wfc.reshape(_HE * 4, 16)])

    out = _sc_kernel_factory()(dst, src, ea, x0, x1, wpack)
    return out.reshape(1, _HID)

# --- scband reference (transcript-rebuilt; emitter-appended) ---
"""Pipeline reference for scband-sender-61083024884022 (READ-ONLY COPY).

The authoritative reference and input builder live on the scoring server;
editing this copy changes nothing except your own understanding.
"""

import jax, jax.numpy as jnp
import numpy as np

N = 50000
E = 800000
EMB = 16
H = 2
HID = 64
DIN = 2
HE = H * EMB


def _p(key, shape):
    return jax.random.normal(key, shape, dtype=jnp.float32) * 0.1


def setup_inputs(seed: int = 0):
    key = jax.random.key(seed)
    ks = jax.random.split(key, 24)
    inp = {}
    inp["x"] = jax.random.normal(ks[0], (N, DIN), dtype=jnp.float32)
    inp["edge_index"] = jax.random.randint(ks[1], (2, E), 0, N, dtype=jnp.int32)
    inp["edge_attr"] = jax.random.normal(ks[2], (E, 1), dtype=jnp.float32)
    inp["labels"] = jnp.ones((1,), dtype=jnp.float32)
    names = ["Wl1", "bl1", "Wr1", "br1", "We1", "att1", "b1",
             "Wl2", "bl2", "Wr2", "br2", "We2", "att2", "b2",
             "Wfc", "bfc"]
    shapes = [(DIN, HE), (HE,), (DIN, HE), (HE,), (1, HE), (H, EMB), (HE,),
              (DIN, HE), (HE,), (DIN, HE), (HE,), (1, HE), (H, EMB), (HE,),
              (HE, HID), (HID,)]
    for i, (nm, sh) in enumerate(zip(names, shapes)):
        inp[nm] = _p(ks[3 + i], sh)
    return inp


def _gatv2(x, src, dst, edge_attr, Wl, bl, Wr, br, We, att, bias):
    # GATv2Conv (PyG semantics): lin_l on source nodes, lin_r on target nodes,
    # lin_edge (no bias) on edge attrs; attention = att . leaky_relu(x_j + x_i + e)
    xl = (x @ Wl + bl).reshape(N, H, EMB)
    xr = (x @ Wr + br).reshape(N, H, EMB)
    e = (edge_attr @ We).reshape(-1, H, EMB)
    m = xl[src] + xr[dst] + e                      # gather: [E, H, EMB]
    m = jax.nn.leaky_relu(m, 0.2)
    alpha = jnp.sum(m * att[None, :, :], axis=-1)  # [E, H]
    amax = jax.ops.segment_max(alpha, dst, num_segments=N)
    amax = jnp.where(jnp.isfinite(amax), amax, 0.0)
    ex = jnp.exp(alpha - amax[dst])
    denom = jax.ops.segment_sum(ex, dst, num_segments=N)
    a = ex / (denom[dst] + 1e-16)
    out = jax.ops.segment_sum(xl[src] * a[:, :, None], dst, num_segments=N)
    return out.reshape(N, HE) + bias


def reference(x, edge_index, edge_attr, labels,
              Wl1, bl1, Wr1, br1, We1, att1, b1,
              Wl2, bl2, Wr2, br2, We2, att2, b2,
              Wfc, bfc):
    src = edge_index[0]
    dst = edge_index[1]
    h = jax.nn.relu(_gatv2(x, src, dst, edge_attr, Wl1, bl1, Wr1, br1, We1, att1, b1))
    # NOTE: faithful to the original module, conv2 consumes x again (not h)
    h = jax.nn.relu(_gatv2(x, src, dst, edge_attr, Wl2, bl2, Wr2, br2, We2, att2, b2))
    tgt = jnp.nonzero(labels, size=1)[0][0]
    te = h[tgt][None, :]
    return te @ Wfc + bfc

if __name__ == "__main__":
    import jax
    _d = setup_inputs()
    print(jax.jit(kernel)(*tuple(_d.values())))

</pallas_src>

<mosaic_0001>
#map = affine_map<(d0, d1) -> (0)>
#map1 = affine_map<(d0, d1) -> (0, 0)>
module attributes {stable_mosaic.version = 14 : i64} {
  func.func @sck(%arg0: i32, %arg1: i32, %arg2: memref<800000xi32, #tpu.memory_space<hbm>>, %arg3: memref<800000xi32, #tpu.memory_space<hbm>>, %arg4: memref<800000xf32, #tpu.memory_space<hbm>>, %arg5: memref<50000xf32, #tpu.memory_space<hbm>>, %arg6: memref<50000xf32, #tpu.memory_space<hbm>>, %arg7: memref<152x16xf32, #tpu.memory_space<hbm>>, %arg8: memref<4x16xf32, #tpu.memory_space<hbm>>, %arg9: memref<50000xi32, #tpu.memory_space<vmem>>, %arg10: memref<50016xi32, #tpu.memory_space<vmem>>, %arg11: memref<152x16xf32, #tpu.memory_space<vmem>>, %arg12: memref<16xi32, #tpu.memory_space<vmem>>, %arg13: memref<16xi32, #tpu.memory_space<vmem>>, %arg14: memref<16xf32, #tpu.memory_space<vmem>>, %arg15: memref<16xf32, #tpu.memory_space<vmem>>, %arg16: memref<16xf32, #tpu.memory_space<vmem>>, %arg17: memref<6x16xf32, #tpu.memory_space<vmem>>, %arg18: memref<16x6x16xf32, #tpu.memory_space<vmem_shared>>, %arg19: memref<16x6x16xf32, #tpu.memory_space<vmem>>, %arg20: memref<4x16xf32, #tpu.memory_space<vmem>>, %arg21: memref<!tpu.dma_semaphore, #tpu.memory_space<semaphore_mem>>, %arg22: memref<!tpu.dma_semaphore, #tpu.memory_space<semaphore_mem>>) attributes {dimension_semantics = [#tpu.dimension_semantics<core_parallel>, #tpu.dimension_semantics<subcore_parallel>], iteration_bounds = array<i64: 1, 16>, scalar_prefetch = 0 : i64, scratch_operands = 14 : i64, tpu.core_type = #tpu.core_type<sc_vector_subcore>, window_params = [{transform_indices = #map}, {transform_indices = #map}, {transform_indices = #map}, {transform_indices = #map}, {transform_indices = #map}, {transform_indices = #map1}, {transform_indices = #map1}]} {
    %mul3A = arith.constant 50000 : i32
    %mul3A_0 = arith.muli %arg1, %mul3A : i32
    %dma_start3A = tpu.memref_slice %arg2[%mul3A_0] : memref<800000xi32, #tpu.memory_space<hbm>> -> memref<50000xi32, #tpu.memory_space<hbm>>
    %dma_start3A_1 = tpu.memref_slice %arg2[%mul3A_0] : memref<800000xi32, #tpu.memory_space<hbm>> -> memref<50000xi32, #tpu.memory_space<hbm>>
    tpu.enqueue_dma source(%dma_start3A_1 : memref<50000xi32, #tpu.memory_space<hbm>>) target(%arg9 : memref<50000xi32, #tpu.memory_space<vmem>>) target_semaphore(%arg21 : memref<!tpu.dma_semaphore, #tpu.memory_space<semaphore_mem>>)
    tpu.enqueue_dma source(%arg7 : memref<152x16xf32, #tpu.memory_space<hbm>>) target(%arg11 : memref<152x16xf32, #tpu.memory_space<vmem>>) target_semaphore(%arg22 : memref<!tpu.dma_semaphore, #tpu.memory_space<semaphore_mem>>)
    %dma_wait3A = tpu.memref_slice %arg2[%mul3A_0] : memref<800000xi32, #tpu.memory_space<hbm>> -> memref<50000xi32, #tpu.memory_space<hbm>>
    %dma_wait3A_2 = tpu.memref_slice %arg2[%mul3A_0] : memref<800000xi32, #tpu.memory_space<hbm>> -> memref<50000xi32, #tpu.memory_space<hbm>>
    tpu.wait_dma2 semaphore(%arg21 : memref<!tpu.dma_semaphore, #tpu.memory_space<semaphore_mem>>) src(%dma_wait3A_2 : memref<50000xi32, #tpu.memory_space<hbm>>) dst(%arg9 : memref<50000xi32, #tpu.memory_space<vmem>>)
    tpu.wait_dma2 semaphore(%arg22 : memref<!tpu.dma_semaphore, #tpu.memory_space<semaphore_mem>>) src(%arg7 : memref<152x16xf32, #tpu.memory_space<hbm>>) dst(%arg11 : memref<152x16xf32, #tpu.memory_space<vmem>>)
    %iota3A = tpu.iota {dimensions = array<i32: 0>} : vector<16xi32>
    %scan3A = arith.constant 0 : i32
    %scan3A_3 = arith.constant 0 : i32
    %scan3A_4 = arith.constant 390 : i32
    %scan3A_5 = arith.addi %scan3A_3, %scan3A_4 : i32
    %scan3A_6 = arith.constant 1 : i32
    %scan3A_7 = scf.for %scan3A_131 = %scan3A_3 to %scan3A_5 step %scan3A_6 iter_args(%scan3A_132 = %scan3A) -> (i32)  : i32 {
      %mul3A_133 = arith.constant 8 : i32
      %mul3A_134 = arith.muli %scan3A_131, %mul3A_133 : i32
      %mul3A_135 = arith.constant 16 : i32
      %mul3A_136 = arith.muli %mul3A_134, %mul3A_135 : i32
      %get3A_137 = arith.index_cast %mul3A_136 : i32 to index
      %get3A_138 = tpu.vector_load %arg9[%get3A_137] {strides = array<i32>} : memref<50000xi32, #tpu.memory_space<vmem>>, vector<16xi32>,
      %add3A_139 = arith.constant 1 : i32
      %add3A_140 = arith.addi %mul3A_134, %add3A_139 : i32
      %mul3A_141 = arith.constant 16 : i32
      %mul3A_142 = arith.muli %add3A_140, %mul3A_141 : i32
      %get3A_143 = arith.index_cast %mul3A_142 : i32 to index
      %get3A_144 = tpu.vector_load %arg9[%get3A_143] {strides = array<i32>} : memref<50000xi32, #tpu.memory_space<vmem>>, vector<16xi32>,
      %min3A = arith.minsi %get3A_138, %get3A_144 : vector<16xi32>
      %add3A_145 = arith.constant 2 : i32
      %add3A_146 = arith.addi %mul3A_134, %add3A_145 : i32
      %mul3A_147 = arith.constant 16 : i32
      %mul3A_148 = arith.muli %add3A_146, %mul3A_147 : i32
      %get3A_149 = arith.index_cast %mul3A_148 : i32 to index
      %get3A_150 = tpu.vector_load %arg9[%get3A_149] {strides = array<i32>} : memref<50000xi32, #tpu.memory_space<vmem>>, vector<16xi32>,
      %min3A_151 = arith.minsi %min3A, %get3A_150 : vector<16xi32>
      %add3A_152 = arith.constant 3 : i32
      %add3A_153 = arith.addi %mul3A_134, %add3A_152 : i32
      %mul3A_154 = arith.constant 16 : i32
      %mul3A_155 = arith.muli %add3A_153, %mul3A_154 : i32
      %get3A_156 = arith.index_cast %mul3A_155 : i32 to index
      %get3A_157 = tpu.vector_load %arg9[%get3A_156] {strides = array<i32>} : memref<50000xi32, #tpu.memory_space<vmem>>, vector<16xi32>,
      %min3A_158 = arith.minsi %min3A_151, %get3A_157 : vector<16xi32>
      %add3A_159 = arith.constant 4 : i32
      %add3A_160 = arith.addi %mul3A_134, %add3A_159 : i32
      %mul3A_161 = arith.constant 16 : i32
      %mul3A_162 = arith.muli %add3A_160, %mul3A_161 : i32
      %get3A_163 = arith.index_cast %mul3A_162 : i32 to index
      %get3A_164 = tpu.vector_load %arg9[%get3A_163] {strides = array<i32>} : memref<50000xi32, #tpu.memory_space<vmem>>, vector<16xi32>,
      %min3A_165 = arith.minsi %min3A_158, %get3A_164 : vector<16xi32>
      %add3A_166 = arith.constant 5 : i32
      %add3A_167 = arith.addi %mul3A_134, %add3A_166 : i32
      %mul3A_168 = arith.constant 16 : i32
      %mul3A_169 = arith.muli %add3A_167, %mul3A_168 : i32
      %get3A_170 = arith.index_cast %mul3A_169 : i32 to index
      %get3A_171 = tpu.vector_load %arg9[%get3A_170] {strides = array<i32>} : memref<50000xi32, #tpu.memory_space<vmem>>, vector<16xi32>,
      %min3A_172 = arith.minsi %min3A_165, %get3A_171 : vector<16xi32>
      %add3A_173 = arith.constant 6 : i32
      %add3A_174 = arith.addi %mul3A_134, %add3A_173 : i32
      %mul3A_175 = arith.constant 16 : i32
      %mul3A_176 = arith.muli %add3A_174, %mul3A_175 : i32
      %get3A_177 = arith.index_cast %mul3A_176 : i32 to index
      %get3A_178 = tpu.vector_load %arg9[%get3A_177] {strides = array<i32>} : memref<50000xi32, #tpu.memory_space<vmem>>, vector<16xi32>,
      %min3A_179 = arith.minsi %min3A_172, %get3A_178 : vector<16xi32>
      %add3A_180 = arith.constant 7 : i32
      %add3A_181 = arith.addi %mul3A_134, %add3A_180 : i32
      %mul3A_182 = arith.constant 16 : i32
      %mul3A_183 = arith.muli %add3A_181, %mul3A_182 : i32
      %get3A_184 = arith.index_cast %mul3A_183 : i32 to index
      %get3A_185 = tpu.vector_load %arg9[%get3A_184] {strides = array<i32>} : memref<50000xi32, #tpu.memory_space<vmem>>, vector<16xi32>,
      %min3A_186 = arith.minsi %min3A_179, %get3A_185 : vector<16xi32>
      %reduce_min3A = arith.constant true
      %reduce_min3A_187 = vector.broadcast %reduce_min3A : i1 to vector<16xi1>
      %reduce_min3A_188 = arith.constant -2147483648 : i32
      %reduce_min3A_189 = vector.broadcast %reduce_min3A_188 : i32 to vector<16xi32>
      %reduce_min3A_190 = arith.xori %min3A_186, %reduce_min3A_189 : vector<16xi32>
      %reduce_min3A_191 = tpu.scan <min>, %reduce_min3A_190 masked %reduce_min3A_187 : vector<16xi32>, vector<16xi1> -> vector<16xi32>
      %reduce_min3A_192 = arith.xori %reduce_min3A_191, %reduce_min3A_189 : vector<16xi32>
      %reduce_min3A_193 = vector.extract %reduce_min3A_192[15] : i32 from vector<16xi32>
      %eq3A_194 = arith.constant 0 : i32
      %eq3A_195 = arith.cmpi eq, %reduce_min3A_193, %eq3A_194 : i32
      %convert_element_type3A_196 = arith.extui %eq3A_195 : i1 to i32
      %cond3A_197 = arith.constant 0 : i32
      %cond3A_198 = arith.cmpi ne, %convert_element_type3A_196, %cond3A_197 : i32
      %cond3A_199 = scf.if %cond3A_198 -> (i32) {
        %add3A_200 = arith.constant 8 : i32
        %add3A_201 = arith.addi %mul3A_134, %add3A_200 : i32
        %while3A_202 = arith.subi %add3A_201, %mul3A_134 : i32
        %while3A_203 = arith.addi %mul3A_134, %while3A_202 : i32
        %while3A_204 = arith.constant 1 : i32
        %while3A_205 = arith.divsi %while3A_202, %while3A_204 : i32
        %while3A_206 = arith.muli %while3A_205, %while3A_204 : i32
        %while3A_207 = arith.addi %mul3A_134, %while3A_206 : i32
        %while3A_208 = arith.constant 1 : i32
        %while3A_209 = scf.for %while3A_212 = %mul3A_134 to %while3A_207 step %while3A_208 iter_args(%while3A_213 = %scan3A_132) -> (i32)  : i32 {
          %mul3A_214 = arith.constant 16 : i32
          %mul3A_215 = arith.muli %while3A_212, %mul3A_214 : i32
          %get3A_216 = arith.index_cast %mul3A_215 : i32 to index
          %get3A_217 = tpu.vector_load %arg9[%get3A_216] {strides = array<i32>} : memref<50000xi32, #tpu.memory_space<vmem>>, vector<16xi32>,
          %eq3A_218 = arith.constant 0 : i32
          %eq3A_219 = vector.broadcast %eq3A_218 : i32 to vector<16xi32>
          %eq3A_220 = arith.cmpi eq, %get3A_217, %eq3A_219 : vector<16xi32>
          %convert_element_type3A_221 = arith.extui %eq3A_220 : vector<16xi1> to vector<16xi32>
          %broadcast_in_dim3A_222 = arith.constant true
          %broadcast_in_dim3A_223 = vector.broadcast %broadcast_in_dim3A_222 : i1 to vector<16xi1>
          %masked_cumsum3A = tpu.scan <sum>, %convert_element_type3A_221 masked %broadcast_in_dim3A_223 : vector<16xi32>, vector<16xi1> -> vector<16xi32>
          %mul3A_224 = arith.constant 16 : i32
          %mul3A_225 = arith.muli %while3A_212, %mul3A_224 : i32
          %add3A_226 = arith.addi %mul3A_0, %mul3A_225 : i32
          %add3A_227 = vector.broadcast %add3A_226 : i32 to vector<16xi32>
          %add3A_228 = arith.addi %add3A_227, %iota3A : vector<16xi32>
          %add3A_229 = vector.broadcast %while3A_213 : i32 to vector<16xi32>
          %add3A_230 = arith.addi %add3A_229, %masked_cumsum3A : vector<16xi32>
          %sub3A_231 = arith.constant 1 : i32
          %sub3A_232 = vector.broadcast %sub3A_231 : i32 to vector<16xi32>
          %sub3A_233 = arith.subi %add3A_230, %sub3A_232 : vector<16xi32>
          tpu.vector_store_idx %arg10[%sub3A_233], %add3A_228 masked %eq3A_220 : memref<50016xi32, #tpu.memory_space<vmem>>[vector<16xi32>], vector<16xi32>, vector<16xi1>
          %reduce_max3A = arith.constant true
          %reduce_max3A_234 = vector.broadcast %reduce_max3A : i1 to vector<16xi1>
          %reduce_max3A_235 = arith.constant -2147483648 : i32
          %reduce_max3A_236 = vector.broadcast %reduce_max3A_235 : i32 to vector<16xi32>
          %reduce_max3A_237 = arith.xori %masked_cumsum3A, %reduce_max3A_236 : vector<16xi32>
          %reduce_max3A_238 = tpu.scan <max>, %reduce_max3A_237 masked %reduce_max3A_234 : vector<16xi32>, vector<16xi1> -> vector<16xi32>
          %reduce_max3A_239 = arith.xori %reduce_max3A_238, %reduce_max3A_236 : vector<16xi32>
          %reduce_max3A_240 = vector.extract %reduce_max3A_239[15] : i32 from vector<16xi32>
          %add3A_241 = arith.addi %while3A_213, %reduce_max3A_240 : i32
          scf.yield %add3A_241 : i32
        }
        %while3A_210 = arith.constant 1 : i32
        %while3A_211 = scf.for %while3A_212 = %while3A_207 to %while3A_203 step %while3A_210 iter_args(%while3A_213 = %while3A_209) -> (i32)  : i32 {
          %mul3A_214 = arith.constant 16 : i32
          %mul3A_215 = arith.muli %while3A_212, %mul3A_214 : i32
          %get3A_216 = arith.index_cast %mul3A_215 : i32 to index
          %get3A_217 = tpu.vector_load %arg9[%get3A_216] {strides = array<i32>} : memref<50000xi32, #tpu.memory_space<vmem>>, vector<16xi32>,
          %eq3A_218 = arith.constant 0 : i32
          %eq3A_219 = vector.broadcast %eq3A_218 : i32 to vector<16xi32>
          %eq3A_220 = arith.cmpi eq, %get3A_217, %eq3A_219 : vector<16xi32>
          %convert_element_type3A_221 = arith.extui %eq3A_220 : vector<16xi1> to vector<16xi32>
          %broadcast_in_dim3A_222 = arith.constant true
          %broadcast_in_dim3A_223 = vector.broadcast %broadcast_in_dim3A_222 : i1 to vector<16xi1>
          %masked_cumsum3A = tpu.scan <sum>, %convert_element_type3A_221 masked %broadcast_in_dim3A_223 : vector<16xi32>, vector<16xi1> -> vector<16xi32>
          %mul3A_224 = arith.constant 16 : i32
          %mul3A_225 = arith.muli %while3A_212, %mul3A_224 : i32
          %add3A_226 = arith.addi %mul3A_0, %mul3A_225 : i32
          %add3A_227 = vector.broadcast %add3A_226 : i32 to vector<16xi32>
          %add3A_228 = arith.addi %add3A_227, %iota3A : vector<16xi32>
          %add3A_229 = vector.broadcast %while3A_213 : i32 to vector<16xi32>
          %add3A_230 = arith.addi %add3A_229, %masked_cumsum3A : vector<16xi32>
          %sub3A_231 = arith.constant 1 : i32
          %sub3A_232 = vector.broadcast %sub3A_231 : i32 to vector<16xi32>
          %sub3A_233 = arith.subi %add3A_230, %sub3A_232 : vector<16xi32>
          tpu.vector_store_idx %arg10[%sub3A_233], %add3A_228 masked %eq3A_220 : memref<50016xi32, #tpu.memory_space<vmem>>[vector<16xi32>], vector<16xi32>, vector<16xi1>
          %reduce_max3A = arith.constant true
          %reduce_max3A_234 = vector.broadcast %reduce_max3A : i1 to vector<16xi1>
          %reduce_max3A_235 = arith.constant -2147483648 : i32
          %reduce_max3A_236 = vector.broadcast %reduce_max3A_235 : i32 to vector<16xi32>
          %reduce_max3A_237 = arith.xori %masked_cumsum3A, %reduce_max3A_236 : vector<16xi32>
          %reduce_max3A_238 = tpu.scan <max>, %reduce_max3A_237 masked %reduce_max3A_234 : vector<16xi32>, vector<16xi1> -> vector<16xi32>
          %reduce_max3A_239 = arith.xori %reduce_max3A_238, %reduce_max3A_236 : vector<16xi32>
          %reduce_max3A_240 = vector.extract %reduce_max3A_239[15] : i32 from vector<16xi32>
          %add3A_241 = arith.addi %while3A_213, %reduce_max3A_240 : i32
          scf.yield %add3A_241 : i32
        }
        scf.yield %while3A_211 : i32
      } else {
        scf.yield %scan3A_132 : i32
      }
      scf.yield %cond3A_199 : i32
    }
    %scan3A_8 = arith.constant 390 : i32
    %scan3A_9 = arith.constant 3120 : i32
    %scan3A_10 = arith.constant 5 : i32
    %scan3A_11 = arith.addi %scan3A_9, %scan3A_10 : i32
    %scan3A_12 = arith.constant 1 : i32
    %scan3A_13 = scf.for %scan3A_131 = %scan3A_9 to %scan3A_11 step %scan3A_12 iter_args(%scan3A_132 = %scan3A_7) -> (i32)  : i32 {
      %mul3A_133 = arith.constant 16 : i32
      %mul3A_134 = arith.muli %scan3A_131, %mul3A_133 : i32
      %get3A_135 = arith.index_cast %mul3A_134 : i32 to index
      %get3A_136 = tpu.vector_load %arg9[%get3A_135] {strides = array<i32>} : memref<50000xi32, #tpu.memory_space<vmem>>, vector<16xi32>,
      %eq3A_137 = arith.constant 0 : i32
      %eq3A_138 = vector.broadcast %eq3A_137 : i32 to vector<16xi32>
      %eq3A_139 = arith.cmpi eq, %get3A_136, %eq3A_138 : vector<16xi32>
      %convert_element_type3A_140 = arith.extui %eq3A_139 : vector<16xi1> to vector<16xi32>
      %broadcast_in_dim3A_141 = arith.constant true
      %broadcast_in_dim3A_142 = vector.broadcast %broadcast_in_dim3A_141 : i1 to vector<16xi1>
      %masked_cumsum3A = tpu.scan <sum>, %convert_element_type3A_140 masked %broadcast_in_dim3A_142 : vector<16xi32>, vector<16xi1> -> vector<16xi32>
      %mul3A_143 = arith.constant 16 : i32
      %mul3A_144 = arith.muli %scan3A_131, %mul3A_143 : i32
      %add3A_145 = arith.addi %mul3A_0, %mul3A_144 : i32
      %add3A_146 = vector.broadcast %add3A_145 : i32 to vector<16xi32>
      %add3A_147 = arith.addi %add3A_146, %iota3A : vector<16xi32>
      %add3A_148 = vector.broadcast %scan3A_132 : i32 to vector<16xi32>
      %add3A_149 = arith.addi %add3A_148, %masked_cumsum3A : vector<16xi32>
      %sub3A_150 = arith.constant 1 : i32
      %sub3A_151 = vector.broadcast %sub3A_150 : i32 to vector<16xi32>
      %sub3A_152 = arith.subi %add3A_149, %sub3A_151 : vector<16xi32>
      tpu.vector_store_idx %arg10[%sub3A_152], %add3A_147 masked %eq3A_139 : memref<50016xi32, #tpu.memory_space<vmem>>[vector<16xi32>], vector<16xi32>, vector<16xi1>
      %reduce_max3A = arith.constant true
      %reduce_max3A_153 = vector.broadcast %reduce_max3A : i1 to vector<16xi1>
      %reduce_max3A_154 = arith.constant -2147483648 : i32
      %reduce_max3A_155 = vector.broadcast %reduce_max3A_154 : i32 to vector<16xi32>
      %reduce_max3A_156 = arith.xori %masked_cumsum3A, %reduce_max3A_155 : vector<16xi32>
      %reduce_max3A_157 = tpu.scan <max>, %reduce_max3A_156 masked %reduce_max3A_153 : vector<16xi32>, vector<16xi1> -> vector<16xi32>
      %reduce_max3A_158 = arith.xori %reduce_max3A_157, %reduce_max3A_155 : vector<16xi32>
      %reduce_max3A_159 = vector.extract %reduce_max3A_158[15] : i32 from vector<16xi32>
      %add3A_160 = arith.addi %scan3A_132, %reduce_max3A_159 : i32
      scf.yield %add3A_160 : i32
    }
    %scan3A_14 = arith.constant 5 : i32
    %add3A = vector.broadcast %scan3A_13 : i32 to vector<16xi32>
    %add3A_15 = arith.addi %add3A, %iota3A : vector<16xi32>
    %broadcast_in_dim3A = arith.constant 0 : i32
    %broadcast_in_dim3A_16 = vector.broadcast %broadcast_in_dim3A : i32 to vector<16xi32>
    %ge3A = arith.constant 0 : i32
    %ge3A_17 = vector.broadcast %ge3A : i32 to vector<16xi32>
    %ge3A_18 = arith.cmpi sge, %iota3A, %ge3A_17 : vector<16xi32>
    tpu.vector_store_idx %arg10[%add3A_15], %broadcast_in_dim3A_16 masked %ge3A_18 : memref<50016xi32, #tpu.memory_space<vmem>>[vector<16xi32>], vector<16xi32>, vector<16xi1>
    %get3A = arith.constant 0 : i32
    %get3A_19 = arith.index_cast %get3A : i32 to index
    %get3A_20 = arith.constant 0 : index
    %get3A_21 = tpu.vector_load %arg11[%get3A_19, %get3A_20] {strides = array<i32>} : memref<152x16xf32, #tpu.memory_space<vmem>>, vector<16xf32>,
    %get3A_22 = arith.constant 6 : i32
    %get3A_23 = arith.index_cast %get3A_22 : i32 to index
    %get3A_24 = arith.constant 0 : index
    %get3A_25 = tpu.vector_load %arg11[%get3A_23, %get3A_24] {strides = array<i32>} : memref<152x16xf32, #tpu.memory_space<vmem>>, vector<16xf32>,
    %mul3A_26 = arith.mulf %get3A_21, %get3A_25 : vector<16xf32>
    %get3A_27 = arith.constant 1 : i32
    %get3A_28 = arith.index_cast %get3A_27 : i32 to index
    %get3A_29 = arith.constant 0 : index
    %get3A_30 = tpu.vector_load %arg11[%get3A_28, %get3A_29] {strides = array<i32>} : memref<152x16xf32, #tpu.memory_space<vmem>>, vector<16xf32>,
    %get3A_31 = arith.constant 8 : i32
    %get3A_32 = arith.index_cast %get3A_31 : i32 to index
    %get3A_33 = arith.constant 0 : index
    %get3A_34 = tpu.vector_load %arg11[%get3A_32, %get3A_33] {strides = array<i32>} : memref<152x16xf32, #tpu.memory_space<vmem>>, vector<16xf32>,
    %mul3A_35 = arith.mulf %get3A_30, %get3A_34 : vector<16xf32>
    %add3A_36 = arith.addf %mul3A_26, %mul3A_35 : vector<16xf32>
    %get3A_37 = arith.constant 12 : i32
    %get3A_38 = arith.index_cast %get3A_37 : i32 to index
    %get3A_39 = arith.constant 0 : index
    %get3A_40 = tpu.vector_load %arg11[%get3A_38, %get3A_39] {strides = array<i32>} : memref<152x16xf32, #tpu.memory_space<vmem>>, vector<16xf32>,
    %add3A_41 = arith.addf %add3A_36, %get3A_40 : vector<16xf32>
    %get3A_42 = arith.constant 0 : i32
    %get3A_43 = arith.index_cast %get3A_42 : i32 to index
    %get3A_44 = arith.constant 0 : index
    %get3A_45 = tpu.vector_load %arg11[%get3A_43, %get3A_44] {strides = array<i32>} : memref<152x16xf32, #tpu.memory_space<vmem>>, vector<16xf32>,
    %get3A_46 = arith.constant 7 : i32
    %get3A_47 = arith.index_cast %get3A_46 : i32 to index
    %get3A_48 = arith.constant 0 : index
    %get3A_49 = tpu.vector_load %arg11[%get3A_47, %get3A_48] {strides = array<i32>} : memref<152x16xf32, #tpu.memory_space<vmem>>, vector<16xf32>,
    %mul3A_50 = arith.mulf %get3A_45, %get3A_49 : vector<16xf32>
    %get3A_51 = arith.constant 1 : i32
    %get3A_52 = arith.index_cast %get3A_51 : i32 to index
    %get3A_53 = arith.constant 0 : index
    %get3A_54 = tpu.vector_load %arg11[%get3A_52, %get3A_53] {strides = array<i32>} : memref<152x16xf32, #tpu.memory_space<vmem>>, vector<16xf32>,
    %get3A_55 = arith.constant 9 : i32
    %get3A_56 = arith.index_cast %get3A_55 : i32 to index
    %get3A_57 = arith.constant 0 : index
    %get3A_58 = tpu.vector_load %arg11[%get3A_56, %get3A_57] {strides = array<i32>} : memref<152x16xf32, #tpu.memory_space<vmem>>, vector<16xf32>,
    %mul3A_59 = arith.mulf %get3A_54, %get3A_58 : vector<16xf32>
    %add3A_60 = arith.addf %mul3A_50, %mul3A_59 : vector<16xf32>
    %get3A_61 = arith.constant 13 : i32
    %get3A_62 = arith.index_cast %get3A_61 : i32 to index
    %get3A_63 = arith.constant 0 : index
    %get3A_64 = tpu.vector_load %arg11[%get3A_62, %get3A_63] {strides = array<i32>} : memref<152x16xf32, #tpu.memory_space<vmem>>, vector<16xf32>,
    %add3A_65 = arith.addf %add3A_60, %get3A_64 : vector<16xf32>
    %get3A_66 = arith.constant 16 : i32
    %get3A_67 = arith.index_cast %get3A_66 : i32 to index
    %get3A_68 = arith.constant 0 : index
    %get3A_69 = tpu.vector_load %arg11[%get3A_67, %get3A_68] {strides = array<i32>} : memref<152x16xf32, #tpu.memory_space<vmem>>, vector<16xf32>,
    %get3A_70 = arith.constant 17 : i32
    %get3A_71 = arith.index_cast %get3A_70 : i32 to index
    %get3A_72 = arith.constant 0 : index
    %get3A_73 = tpu.vector_load %arg11[%get3A_71, %get3A_72] {strides = array<i32>} : memref<152x16xf32, #tpu.memory_space<vmem>>, vector<16xf32>,
    %broadcast_in_dim3A_74 = arith.constant 0.000000e+00 : f32
    %broadcast_in_dim3A_75 = vector.broadcast %broadcast_in_dim3A_74 : f32 to vector<16xf32>
    %broadcast_in_dim3A_76 = arith.constant -1.000000e+30 : f32
    %broadcast_in_dim3A_77 = vector.broadcast %broadcast_in_dim3A_76 : f32 to vector<16xf32>
    %add3A_78 = arith.constant 15 : i32
    %add3A_79 = arith.addi %scan3A_13, %add3A_78 : i32
    %jit3A = arith.constant 16 : i32
    %div3A = arith.divsi %add3A_79, %jit3A : i32
    %sign3A = arith.constant 0 : i32
    %sign3A_80 = arith.cmpi sgt, %add3A_79, %sign3A : i32
    %sign3A_81 = arith.extui %sign3A_80 : i1 to i32
    %sign3A_82 = arith.constant 0 : i32
    %sign3A_83 = arith.cmpi slt, %add3A_79, %sign3A_82 : i32
    %sign3A_84 = arith.extui %sign3A_83 : i1 to i32
    %sign3A_85 = arith.subi %sign3A_81, %sign3A_84 : i32
    %sign3A_86 = arith.constant 0 : i32
    %sign3A_87 = arith.cmpi sgt, %jit3A, %sign3A_86 : i32
    %sign3A_88 = arith.extui %sign3A_87 : i1 to i32
    %sign3A_89 = arith.constant 0 : i32
    %sign3A_90 = arith.cmpi slt, %jit3A, %sign3A_89 : i32
    %sign3A_91 = arith.extui %sign3A_90 : i1 to i32
    %sign3A_92 = arith.subi %sign3A_88, %sign3A_91 : i32
    %ne3A = arith.cmpi ne, %sign3A_85, %sign3A_92 : i32
    %rem3A = arith.remsi %add3A_79, %jit3A : i32
    %ne3A_93 = arith.constant 0 : i32
    %ne3A_94 = arith.cmpi ne, %rem3A, %ne3A_93 : i32
    %and3A = arith.andi %ne3A, %ne3A_94 : i1
    %sub3A = arith.constant 1 : i32
    %sub3A_95 = arith.subi %div3A, %sub3A : i32
    %select_n3A = arith.select %and3A, %sub3A_95, %div3A : i32
    %while3A = arith.constant 0 : i32
    %while3A_96 = arith.subi %select_n3A, %while3A : i32
    %while3A_97 = arith.addi %while3A, %while3A_96 : i32
    %while3A_98 = arith.constant 1 : i32
    %while3A_99 = arith.divsi %while3A_96, %while3A_98 : i32
    %while3A_100 = arith.muli %while3A_99, %while3A_98 : i32
    %while3A_101 = arith.addi %while3A, %while3A_100 : i32
    %while3A_102 = arith.constant 1 : i32
    %while3A_103:6 = scf.for %while3A_131 = %while3A to %while3A_101 step %while3A_102 iter_args(%while3A_132 = %broadcast_in_dim3A_77, %while3A_133 = %broadcast_in_dim3A_77, %while3A_134 = %broadcast_in_dim3A_75, %while3A_135 = %broadcast_in_dim3A_75, %while3A_136 = %broadcast_in_dim3A_75, %while3A_137 = %broadcast_in_dim3A_75) -> (vector<16xf32>, vector<16xf32>, vector<16xf32>, vector<16xf32>, vector<16xf32>, vector<16xf32>)  : i32 {
      %mul3A_138 = arith.constant 16 : i32
      %mul3A_139 = arith.muli %while3A_131, %mul3A_138 : i32
      %get3A_140 = arith.index_cast %mul3A_139 : i32 to index
      %get3A_141 = tpu.vector_load %arg10[%get3A_140] {strides = array<i32>} : memref<50016xi32, #tpu.memory_space<vmem>>, vector<16xi32>,
      %swap3A_142 = arith.constant 0 : index
      %swap3A_143 = tpu.vector_load %arg12[%swap3A_142] {strides = array<i32>} : memref<16xi32, #tpu.memory_space<vmem>>, vector<16xi32>,
      tpu.vector_store %arg12[%swap3A_142], %get3A_141 {strides = array<i32>} : memref<16xi32, #tpu.memory_space<vmem>>, vector<16xi32>,
      %dma_start3A_144 = arith.constant 0 : i32
      %dma_start3A_145 = tpu.memref_slice %arg3[%dma_start3A_144] : memref<800000xi32, #tpu.memory_space<hbm>> -> memref<800000xi32, #tpu.memory_space<hbm>>
      tpu.enqueue_indirect_dma source(%dma_start3A_145 : memref<800000xi32, #tpu.memory_space<hbm>>) target(%arg13 : memref<16xi32, #tpu.memory_space<vmem>>) offsets(%arg12 : memref<16xi32, #tpu.memory_space<vmem>>) semaphore(%arg21 : memref<!tpu.dma_semaphore, #tpu.memory_space<semaphore_mem>>)
      %dma_start3A_146 = arith.constant 0 : i32
      %dma_start3A_147 = tpu.memref_slice %arg4[%dma_start3A_146] : memref<800000xf32, #tpu.memory_space<hbm>> -> memref<800000xf32, #tpu.memory_space<hbm>>
      tpu.enqueue_indirect_dma source(%dma_start3A_147 : memref<800000xf32, #tpu.memory_space<hbm>>) target(%arg14 : memref<16xf32, #tpu.memory_space<vmem>>) offsets(%arg12 : memref<16xi32, #tpu.memory_space<vmem>>) semaphore(%arg22 : memref<!tpu.dma_semaphore, #tpu.memory_space<semaphore_mem>>)
      %dma_wait3A_148 = arith.constant 0 : i32
      %dma_wait3A_149 = tpu.memref_slice %arg3[%dma_wait3A_148] : memref<800000xi32, #tpu.memory_space<hbm>> -> memref<800000xi32, #tpu.memory_space<hbm>>
      tpu.wait_indirect_dma semaphore(%arg21 : memref<!tpu.dma_semaphore, #tpu.memory_space<semaphore_mem>>) src(%dma_wait3A_149 : memref<800000xi32, #tpu.memory_space<hbm>>) dst(%arg13 : memref<16xi32, #tpu.memory_space<vmem>>)
      %dma_wait3A_150 = arith.constant 0 : i32
      %dma_wait3A_151 = tpu.memref_slice %arg4[%dma_wait3A_150] : memref<800000xf32, #tpu.memory_space<hbm>> -> memref<800000xf32, #tpu.memory_space<hbm>>
      tpu.wait_indirect_dma semaphore(%arg22 : memref<!tpu.dma_semaphore, #tpu.memory_space<semaphore_mem>>) src(%dma_wait3A_151 : memref<800000xf32, #tpu.memory_space<hbm>>) dst(%arg14 : memref<16xf32, #tpu.memory_space<vmem>>)
      %dma_start3A_152 = arith.constant 0 : i32
      %dma_start3A_153 = tpu.memref_slice %arg5[%dma_start3A_152] : memref<50000xf32, #tpu.memory_space<hbm>> -> memref<50000xf32, #tpu.memory_space<hbm>>
      tpu.enqueue_indirect_dma source(%dma_start3A_153 : memref<50000xf32, #tpu.memory_space<hbm>>) target(%arg15 : memref<16xf32, #tpu.memory_space<vmem>>) offsets(%arg13 : memref<16xi32, #tpu.memory_space<vmem>>) semaphore(%arg21 : memref<!tpu.dma_semaphore, #tpu.memory_space<semaphore_mem>>)
      %dma_start3A_154 = arith.constant 0 : i32
      %dma_start3A_155 = tpu.memref_slice %arg6[%dma_start3A_154] : memref<50000xf32, #tpu.memory_space<hbm>> -> memref<50000xf32, #tpu.memory_space<hbm>>
      tpu.enqueue_indirect_dma source(%dma_start3A_155 : memref<50000xf32, #tpu.memory_space<hbm>>) target(%arg16 : memref<16xf32, #tpu.memory_space<vmem>>) offsets(%arg13 : memref<16xi32, #tpu.memory_space<vmem>>) semaphore(%arg22 : memref<!tpu.dma_semaphore, #tpu.memory_space<semaphore_mem>>)
      %dma_wait3A_156 = arith.constant 0 : i32
      %dma_wait3A_157 = tpu.memref_slice %arg5[%dma_wait3A_156] : memref<50000xf32, #tpu.memory_space<hbm>> -> memref<50000xf32, #tpu.memory_space<hbm>>
      tpu.wait_indirect_dma semaphore(%arg21 : memref<!tpu.dma_semaphore, #tpu.memory_space<semaphore_mem>>) src(%dma_wait3A_157 : memref<50000xf32, #tpu.memory_space<hbm>>) dst(%arg15 : memref<16xf32, #tpu.memory_space<vmem>>)
      %dma_wait3A_158 = arith.constant 0 : i32
      %dma_wait3A_159 = tpu.memref_slice %arg6[%dma_wait3A_158] : memref<50000xf32, #tpu.memory_space<hbm>> -> memref<50000xf32, #tpu.memory_space<hbm>>
      tpu.wait_indirect_dma semaphore(%arg22 : memref<!tpu.dma_semaphore, #tpu.memory_space<semaphore_mem>>) src(%dma_wait3A_159 : memref<50000xf32, #tpu.memory_space<hbm>>) dst(%arg16 : memref<16xf32, #tpu.memory_space<vmem>>)
      %sub3A_160 = arith.subi %scan3A_13, %mul3A_139 : i32
      %min3A = arith.constant 16 : i32
      %min3A_161 = arith.minsi %sub3A_160, %min3A : i32
      %while3A_162 = arith.constant 0 : i32
      %while3A_163 = arith.subi %min3A_161, %while3A_162 : i32
      %while3A_164 = arith.addi %while3A_162, %while3A_163 : i32
      %while3A_165 = arith.constant 1 : i32
      %while3A_166 = arith.divsi %while3A_163, %while3A_165 : i32
      %while3A_167 = arith.muli %while3A_166, %while3A_165 : i32
      %while3A_168 = arith.addi %while3A_162, %while3A_167 : i32
      %while3A_169 = arith.constant 1 : i32
      %while3A_170:6 = scf.for %while3A_173 = %while3A_162 to %while3A_168 step %while3A_169 iter_args(%while3A_174 = %while3A_132, %while3A_175 = %while3A_133, %while3A_176 = %while3A_134, %while3A_177 = %while3A_135, %while3A_178 = %while3A_136, %while3A_179 = %while3A_137) -> (vector<16xf32>, vector<16xf32>, vector<16xf32>, vector<16xf32>, vector<16xf32>, vector<16xf32>)  : i32 {
        %broadcast_in_dim3A_180 = vector.broadcast %while3A_173 : i32 to vector<16xi32>
        %gather3A = tpu.vector_load_idx %arg15[%broadcast_in_dim3A_180] : memref<16xf32, #tpu.memory_space<vmem>>[vector<16xi32>], vector<16xf32>,
        %gather3A_181 = tpu.vector_load_idx %arg16[%broadcast_in_dim3A_180] : memref<16xf32, #tpu.memory_space<vmem>>[vector<16xi32>], vector<16xf32>,
        %gather3A_182 = tpu.vector_load_idx %arg14[%broadcast_in_dim3A_180] : memref<16xf32, #tpu.memory_space<vmem>>[vector<16xi32>], vector<16xf32>,
        %get3A_183 = arith.constant 2 : i32
        %get3A_184 = arith.index_cast %get3A_183 : i32 to index
        %get3A_185 = arith.constant 0 : index
        %get3A_186 = tpu.vector_load %arg11[%get3A_184, %get3A_185] {strides = array<i32>} : memref<152x16xf32, #tpu.memory_space<vmem>>, vector<16xf32>,
        %mul3A_187 = arith.mulf %gather3A, %get3A_186 : vector<16xf32>
        %get3A_188 = arith.constant 4 : i32
        %get3A_189 = arith.index_cast %get3A_188 : i32 to index
        %get3A_190 = arith.constant 0 : index
        %get3A_191 = tpu.vector_load %arg11[%get3A_189, %get3A_190] {strides = array<i32>} : memref<152x16xf32, #tpu.memory_space<vmem>>, vector<16xf32>,
        %mul3A_192 = arith.mulf %gather3A_181, %get3A_191 : vector<16xf32>
        %add3A_193 = arith.addf %mul3A_187, %mul3A_192 : vector<16xf32>
        %get3A_194 = arith.constant 10 : i32
        %get3A_195 = arith.index_cast %get3A_194 : i32 to index
        %get3A_196 = arith.constant 0 : index
        %get3A_197 = tpu.vector_load %arg11[%get3A_195, %get3A_196] {strides = array<i32>} : memref<152x16xf32, #tpu.memory_space<vmem>>, vector<16xf32>,
        %add3A_198 = arith.addf %add3A_193, %get3A_197 : vector<16xf32>
        %get3A_199 = arith.constant 3 : i32
        %get3A_200 = arith.index_cast %get3A_199 : i32 to index
        %get3A_201 = arith.constant 0 : index
        %get3A_202 = tpu.vector_load %arg11[%get3A_200, %get3A_201] {strides = array<i32>} : memref<152x16xf32, #tpu.memory_space<vmem>>, vector<16xf32>,
        %mul3A_203 = arith.mulf %gather3A, %get3A_202 : vector<16xf32>
        %get3A_204 = arith.constant 5 : i32
        %get3A_205 = arith.index_cast %get3A_204 : i32 to index
        %get3A_206 = arith.constant 0 : index
        %get3A_207 = tpu.vector_load %arg11[%get3A_205, %get3A_206] {strides = array<i32>} : memref<152x16xf32, #tpu.memory_space<vmem>>, vector<16xf32>,
        %mul3A_208 = arith.mulf %gather3A_181, %get3A_207 : vector<16xf32>
        %add3A_209 = arith.addf %mul3A_203, %mul3A_208 : vector<16xf32>
        %get3A_210 = arith.constant 11 : i32
        %get3A_211 = arith.index_cast %get3A_210 : i32 to index
        %get3A_212 = arith.constant 0 : index
        %get3A_213 = tpu.vector_load %arg11[%get3A_211, %get3A_212] {strides = array<i32>} : memref<152x16xf32, #tpu.memory_space<vmem>>, vector<16xf32>,
        %add3A_214 = arith.addf %add3A_209, %get3A_213 : vector<16xf32>
        %add3A_215 = arith.addf %add3A_198, %add3A_41 : vector<16xf32>
        %get3A_216 = arith.constant 14 : i32
        %get3A_217 = arith.index_cast %get3A_216 : i32 to index
        %get3A_218 = arith.constant 0 : index
        %get3A_219 = tpu.vector_load %arg11[%get3A_217, %get3A_218] {strides = array<i32>} : memref<152x16xf32, #tpu.memory_space<vmem>>, vector<16xf32>,
        %mul3A_220 = arith.mulf %gather3A_182, %get3A_219 : vector<16xf32>
        %add3A_221 = arith.addf %add3A_215, %mul3A_220 : vector<16xf32>
        %add3A_222 = arith.addf %add3A_214, %add3A_65 : vector<16xf32>
        %get3A_223 = arith.constant 15 : i32
        %get3A_224 = arith.index_cast %get3A_223 : i32 to index
        %get3A_225 = arith.constant 0 : index
        %get3A_226 = tpu.vector_load %arg11[%get3A_224, %get3A_225] {strides = array<i32>} : memref<152x16xf32, #tpu.memory_space<vmem>>, vector<16xf32>,
        %mul3A_227 = arith.mulf %gather3A_182, %get3A_226 : vector<16xf32>
        %add3A_228 = arith.addf %add3A_222, %mul3A_227 : vector<16xf32>
        %mul3A_229 = arith.constant 2.000000e-01 : f32
        %mul3A_230 = vector.broadcast %mul3A_229 : f32 to vector<16xf32>
        %mul3A_231 = arith.mulf %mul3A_230, %add3A_221 : vector<16xf32>
        %max3A = arith.maximumf %add3A_221, %mul3A_231 : vector<16xf32>
        %mul3A_232 = arith.constant 2.000000e-01 : f32
        %mul3A_233 = vector.broadcast %mul3A_232 : f32 to vector<16xf32>
        %mul3A_234 = arith.mulf %mul3A_233, %add3A_228 : vector<16xf32>
        %max3A_235 = arith.maximumf %add3A_228, %mul3A_234 : vector<16xf32>
        %mul3A_236 = arith.mulf %max3A, %get3A_69 : vector<16xf32>
        %reduce_sum3A = arith.constant true
        %reduce_sum3A_237 = vector.broadcast %reduce_sum3A : i1 to vector<16xi1>
        %reduce_sum3A_238 = tpu.scan <sum>, %mul3A_236 masked %reduce_sum3A_237 : vector<16xf32>, vector<16xi1> -> vector<16xf32>
        %reduce_sum3A_239 = vector.extract %reduce_sum3A_238[15] : f32 from vector<16xf32>
        %broadcast_in_dim3A_240 = vector.broadcast %reduce_sum3A_239 : f32 to vector<16xf32>
        %mul3A_241 = arith.mulf %max3A_235, %get3A_73 : vector<16xf32>
        %reduce_sum3A_242 = arith.constant true
        %reduce_sum3A_243 = vector.broadcast %reduce_sum3A_242 : i1 to vector<16xi1>
        %reduce_sum3A_244 = tpu.scan <sum>, %mul3A_241 masked %reduce_sum3A_243 : vector<16xf32>, vector<16xi1> -> vector<16xf32>
        %reduce_sum3A_245 = vector.extract %reduce_sum3A_244[15] : f32 from vector<16xf32>
        %broadcast_in_dim3A_246 = vector.broadcast %reduce_sum3A_245 : f32 to vector<16xf32>
        %max3A_247 = arith.maximumf %while3A_174, %broadcast_in_dim3A_240 : vector<16xf32>
        %max3A_248 = arith.maximumf %while3A_175, %broadcast_in_dim3A_246 : vector<16xf32>
        %sub3A_249 = arith.subf %while3A_174, %max3A_247 : vector<16xf32>
        %exp3A = math.exp %sub3A_249 : vector<16xf32>
        %sub3A_250 = arith.subf %broadcast_in_dim3A_240, %max3A_247 : vector<16xf32>
        %exp3A_251 = math.exp %sub3A_250 : vector<16xf32>
        %sub3A_252 = arith.subf %while3A_175, %max3A_248 : vector<16xf32>
        %exp3A_253 = math.exp %sub3A_252 : vector<16xf32>
        %sub3A_254 = arith.subf %broadcast_in_dim3A_246, %max3A_248 : vector<16xf32>
        %exp3A_255 = math.exp %sub3A_254 : vector<16xf32>
        %mul3A_256 = arith.mulf %while3A_176, %exp3A : vector<16xf32>
        %add3A_257 = arith.addf %mul3A_256, %exp3A_251 : vector<16xf32>
        %mul3A_258 = arith.mulf %while3A_177, %exp3A_253 : vector<16xf32>
        %add3A_259 = arith.addf %mul3A_258, %exp3A_255 : vector<16xf32>
        %mul3A_260 = arith.mulf %while3A_178, %exp3A : vector<16xf32>
        %mul3A_261 = arith.mulf %exp3A_251, %add3A_198 : vector<16xf32>
        %add3A_262 = arith.addf %mul3A_260, %mul3A_261 : vector<16xf32>
        %mul3A_263 = arith.mulf %while3A_179, %exp3A_253 : vector<16xf32>
        %mul3A_264 = arith.mulf %exp3A_255, %add3A_214 : vector<16xf32>
        %add3A_265 = arith.addf %mul3A_263, %mul3A_264 : vector<16xf32>
        scf.yield %max3A_247, %max3A_248, %add3A_257, %add3A_259, %add3A_262, %add3A_265 : vector<16xf32>, vector<16xf32>, vector<16xf32>, vector<16xf32>, vector<16xf32>, vector<16xf32>
      }
      %while3A_171 = arith.constant 1 : i32
      %while3A_172:6 = scf.for %while3A_173 = %while3A_168 to %while3A_164 step %while3A_171 iter_args(%while3A_174 = %while3A_170#0, %while3A_175 = %while3A_170#1, %while3A_176 = %while3A_170#2, %while3A_177 = %while3A_170#3, %while3A_178 = %while3A_170#4, %while3A_179 = %while3A_170#5) -> (vector<16xf32>, vector<16xf32>, vector<16xf32>, vector<16xf32>, vector<16xf32>, vector<16xf32>)  : i32 {
        %broadcast_in_dim3A_180 = vector.broadcast %while3A_173 : i32 to vector<16xi32>
        %gather3A = tpu.vector_load_idx %arg15[%broadcast_in_dim3A_180] : memref<16xf32, #tpu.memory_space<vmem>>[vector<16xi32>], vector<16xf32>,
        %gather3A_181 = tpu.vector_load_idx %arg16[%broadcast_in_dim3A_180] : memref<16xf32, #tpu.memory_space<vmem>>[vector<16xi32>], vector<16xf32>,
        %gather3A_182 = tpu.vector_load_idx %arg14[%broadcast_in_dim3A_180] : memref<16xf32, #tpu.memory_space<vmem>>[vector<16xi32>], vector<16xf32>,
        %get3A_183 = arith.constant 2 : i32
        %get3A_184 = arith.index_cast %get3A_183 : i32 to index
        %get3A_185 = arith.constant 0 : index
        %get3A_186 = tpu.vector_load %arg11[%get3A_184, %get3A_185] {strides = array<i32>} : memref<152x16xf32, #tpu.memory_space<vmem>>, vector<16xf32>,
        %mul3A_187 = arith.mulf %gather3A, %get3A_186 : vector<16xf32>
        %get3A_188 = arith.constant 4 : i32
        %get3A_189 = arith.index_cast %get3A_188 : i32 to index
        %get3A_190 = arith.constant 0 : index
        %get3A_191 = tpu.vector_load %arg11[%get3A_189, %get3A_190] {strides = array<i32>} : memref<152x16xf32, #tpu.memory_space<vmem>>, vector<16xf32>,
        %mul3A_192 = arith.mulf %gather3A_181, %get3A_191 : vector<16xf32>
        %add3A_193 = arith.addf %mul3A_187, %mul3A_192 : vector<16xf32>
        %get3A_194 = arith.constant 10 : i32
        %get3A_195 = arith.index_cast %get3A_194 : i32 to index
        %get3A_196 = arith.constant 0 : index
        %get3A_197 = tpu.vector_load %arg11[%get3A_195, %get3A_196] {strides = array<i32>} : memref<152x16xf32, #tpu.memory_space<vmem>>, vector<16xf32>,
        %add3A_198 = arith.addf %add3A_193, %get3A_197 : vector<16xf32>
        %get3A_199 = arith.constant 3 : i32
        %get3A_200 = arith.index_cast %get3A_199 : i32 to index
        %get3A_201 = arith.constant 0 : index
        %get3A_202 = tpu.vector_load %arg11[%get3A_200, %get3A_201] {strides = array<i32>} : memref<152x16xf32, #tpu.memory_space<vmem>>, vector<16xf32>,
        %mul3A_203 = arith.mulf %gather3A, %get3A_202 : vector<16xf32>
        %get3A_204 = arith.constant 5 : i32
        %get3A_205 = arith.index_cast %get3A_204 : i32 to index
        %get3A_206 = arith.constant 0 : index
        %get3A_207 = tpu.vector_load %arg11[%get3A_205, %get3A_206] {strides = array<i32>} : memref<152x16xf32, #tpu.memory_space<vmem>>, vector<16xf32>,
        %mul3A_208 = arith.mulf %gather3A_181, %get3A_207 : vector<16xf32>
        %add3A_209 = arith.addf %mul3A_203, %mul3A_208 : vector<16xf32>
        %get3A_210 = arith.constant 11 : i32
        %get3A_211 = arith.index_cast %get3A_210 : i32 to index
        %get3A_212 = arith.constant 0 : index
        %get3A_213 = tpu.vector_load %arg11[%get3A_211, %get3A_212] {strides = array<i32>} : memref<152x16xf32, #tpu.memory_space<vmem>>, vector<16xf32>,
        %add3A_214 = arith.addf %add3A_209, %get3A_213 : vector<16xf32>
        %add3A_215 = arith.addf %add3A_198, %add3A_41 : vector<16xf32>
        %get3A_216 = arith.constant 14 : i32
        %get3A_217 = arith.index_cast %get3A_216 : i32 to index
        %get3A_218 = arith.constant 0 : index
        %get3A_219 = tpu.vector_load %arg11[%get3A_217, %get3A_218] {strides = array<i32>} : memref<152x16xf32, #tpu.memory_space<vmem>>, vector<16xf32>,
        %mul3A_220 = arith.mulf %gather3A_182, %get3A_219 : vector<16xf32>
        %add3A_221 = arith.addf %add3A_215, %mul3A_220 : vector<16xf32>
        %add3A_222 = arith.addf %add3A_214, %add3A_65 : vector<16xf32>
        %get3A_223 = arith.constant 15 : i32
        %get3A_224 = arith.index_cast %get3A_223 : i32 to index
        %get3A_225 = arith.constant 0 : index
        %get3A_226 = tpu.vector_load %arg11[%get3A_224, %get3A_225] {strides = array<i32>} : memref<152x16xf32, #tpu.memory_space<vmem>>, vector<16xf32>,
        %mul3A_227 = arith.mulf %gather3A_182, %get3A_226 : vector<16xf32>
        %add3A_228 = arith.addf %add3A_222, %mul3A_227 : vector<16xf32>
        %mul3A_229 = arith.constant 2.000000e-01 : f32
        %mul3A_230 = vector.broadcast %mul3A_229 : f32 to vector<16xf32>
        %mul3A_231 = arith.mulf %mul3A_230, %add3A_221 : vector<16xf32>
        %max3A = arith.maximumf %add3A_221, %mul3A_231 : vector<16xf32>
        %mul3A_232 = arith.constant 2.000000e-01 : f32
        %mul3A_233 = vector.broadcast %mul3A_232 : f32 to vector<16xf32>
        %mul3A_234 = arith.mulf %mul3A_233, %add3A_228 : vector<16xf32>
        %max3A_235 = arith.maximumf %add3A_228, %mul3A_234 : vector<16xf32>
        %mul3A_236 = arith.mulf %max3A, %get3A_69 : vector<16xf32>
        %reduce_sum3A = arith.constant true
        %reduce_sum3A_237 = vector.broadcast %reduce_sum3A : i1 to vector<16xi1>
        %reduce_sum3A_238 = tpu.scan <sum>, %mul3A_236 masked %reduce_sum3A_237 : vector<16xf32>, vector<16xi1> -> vector<16xf32>
        %reduce_sum3A_239 = vector.extract %reduce_sum3A_238[15] : f32 from vector<16xf32>
        %broadcast_in_dim3A_240 = vector.broadcast %reduce_sum3A_239 : f32 to vector<16xf32>
        %mul3A_241 = arith.mulf %max3A_235, %get3A_73 : vector<16xf32>
        %reduce_sum3A_242 = arith.constant true
        %reduce_sum3A_243 = vector.broadcast %reduce_sum3A_242 : i1 to vector<16xi1>
        %reduce_sum3A_244 = tpu.scan <sum>, %mul3A_241 masked %reduce_sum3A_243 : vector<16xf32>, vector<16xi1> -> vector<16xf32>
        %reduce_sum3A_245 = vector.extract %reduce_sum3A_244[15] : f32 from vector<16xf32>
        %broadcast_in_dim3A_246 = vector.broadcast %reduce_sum3A_245 : f32 to vector<16xf32>
        %max3A_247 = arith.maximumf %while3A_174, %broadcast_in_dim3A_240 : vector<16xf32>
        %max3A_248 = arith.maximumf %while3A_175, %broadcast_in_dim3A_246 : vector<16xf32>
        %sub3A_249 = arith.subf %while3A_174, %max3A_247 : vector<16xf32>
        %exp3A = math.exp %sub3A_249 : vector<16xf32>
        %sub3A_250 = arith.subf %broadcast_in_dim3A_240, %max3A_247 : vector<16xf32>
        %exp3A_251 = math.exp %sub3A_250 : vector<16xf32>
        %sub3A_252 = arith.subf %while3A_175, %max3A_248 : vector<16xf32>
        %exp3A_253 = math.exp %sub3A_252 : vector<16xf32>
        %sub3A_254 = arith.subf %broadcast_in_dim3A_246, %max3A_248 : vector<16xf32>
        %exp3A_255 = math.exp %sub3A_254 : vector<16xf32>
        %mul3A_256 = arith.mulf %while3A_176, %exp3A : vector<16xf32>
        %add3A_257 = arith.addf %mul3A_256, %exp3A_251 : vector<16xf32>
        %mul3A_258 = arith.mulf %while3A_177, %exp3A_253 : vector<16xf32>
        %add3A_259 = arith.addf %mul3A_258, %exp3A_255 : vector<16xf32>
        %mul3A_260 = arith.mulf %while3A_178, %exp3A : vector<16xf32>
        %mul3A_261 = arith.mulf %exp3A_251, %add3A_198 : vector<16xf32>
        %add3A_262 = arith.addf %mul3A_260, %mul3A_261 : vector<16xf32>
        %mul3A_263 = arith.mulf %while3A_179, %exp3A_253 : vector<16xf32>
        %mul3A_264 = arith.mulf %exp3A_255, %add3A_214 : vector<16xf32>
        %add3A_265 = arith.addf %mul3A_263, %mul3A_264 : vector<16xf32>
        scf.yield %max3A_247, %max3A_248, %add3A_257, %add3A_259, %add3A_262, %add3A_265 : vector<16xf32>, vector<16xf32>, vector<16xf32>, vector<16xf32>, vector<16xf32>, vector<16xf32>
      }
      scf.yield %while3A_172#0, %while3A_172#1, %while3A_172#2, %while3A_172#3, %while3A_172#4, %while3A_172#5 : vector<16xf32>, vector<16xf32>, vector<16xf32>, vector<16xf32>, vector<16xf32>, vector<16xf32>
    }
    %while3A_104 = arith.constant 1 : i32
    %while3A_105:6 = scf.for %while3A_131 = %while3A_101 to %while3A_97 step %while3A_104 iter_args(%while3A_132 = %while3A_103#0, %while3A_133 = %while3A_103#1, %while3A_134 = %while3A_103#2, %while3A_135 = %while3A_103#3, %while3A_136 = %while3A_103#4, %while3A_137 = %while3A_103#5) -> (vector<16xf32>, vector<16xf32>, vector<16xf32>, vector<16xf32>, vector<16xf32>, vector<16xf32>)  : i32 {
      %mul3A_138 = arith.constant 16 : i32
      %mul3A_139 = arith.muli %while3A_131, %mul3A_138 : i32
      %get3A_140 = arith.index_cast %mul3A_139 : i32 to index
      %get3A_141 = tpu.vector_load %arg10[%get3A_140] {strides = array<i32>} : memref<50016xi32, #tpu.memory_space<vmem>>, vector<16xi32>,
      %swap3A_142 = arith.constant 0 : index
      %swap3A_143 = tpu.vector_load %arg12[%swap3A_142] {strides = array<i32>} : memref<16xi32, #tpu.memory_space<vmem>>, vector<16xi32>,
      tpu.vector_store %arg12[%swap3A_142], %get3A_141 {strides = array<i32>} : memref<16xi32, #tpu.memory_space<vmem>>, vector<16xi32>,
      %dma_start3A_144 = arith.constant 0 : i32
      %dma_start3A_145 = tpu.memref_slice %arg3[%dma_start3A_144] : memref<800000xi32, #tpu.memory_space<hbm>> -> memref<800000xi32, #tpu.memory_space<hbm>>
      tpu.enqueue_indirect_dma source(%dma_start3A_145 : memref<800000xi32, #tpu.memory_space<hbm>>) target(%arg13 : memref<16xi32, #tpu.memory_space<vmem>>) offsets(%arg12 : memref<16xi32, #tpu.memory_space<vmem>>) semaphore(%arg21 : memref<!tpu.dma_semaphore, #tpu.memory_space<semaphore_mem>>)
      %dma_start3A_146 = arith.constant 0 : i32
      %dma_start3A_147 = tpu.memref_slice %arg4[%dma_start3A_146] : memref<800000xf32, #tpu.memory_space<hbm>> -> memref<800000xf32, #tpu.memory_space<hbm>>
      tpu.enqueue_indirect_dma source(%dma_start3A_147 : memref<800000xf32, #tpu.memory_space<hbm>>) target(%arg14 : memref<16xf32, #tpu.memory_space<vmem>>) offsets(%arg12 : memref<16xi32, #tpu.memory_space<vmem>>) semaphore(%arg22 : memref<!tpu.dma_semaphore, #tpu.memory_space<semaphore_mem>>)
      %dma_wait3A_148 = arith.constant 0 : i32
      %dma_wait3A_149 = tpu.memref_slice %arg3[%dma_wait3A_148] : memref<800000xi32, #tpu.memory_space<hbm>> -> memref<800000xi32, #tpu.memory_space<hbm>>
      tpu.wait_indirect_dma semaphore(%arg21 : memref<!tpu.dma_semaphore, #tpu.memory_space<semaphore_mem>>) src(%dma_wait3A_149 : memref<800000xi32, #tpu.memory_space<hbm>>) dst(%arg13 : memref<16xi32, #tpu.memory_space<vmem>>)
      %dma_wait3A_150 = arith.constant 0 : i32
      %dma_wait3A_151 = tpu.memref_slice %arg4[%dma_wait3A_150] : memref<800000xf32, #tpu.memory_space<hbm>> -> memref<800000xf32, #tpu.memory_space<hbm>>
      tpu.wait_indirect_dma semaphore(%arg22 : memref<!tpu.dma_semaphore, #tpu.memory_space<semaphore_mem>>) src(%dma_wait3A_151 : memref<800000xf32, #tpu.memory_space<hbm>>) dst(%arg14 : memref<16xf32, #tpu.memory_space<vmem>>)
      %dma_start3A_152 = arith.constant 0 : i32
      %dma_start3A_153 = tpu.memref_slice %arg5[%dma_start3A_152] : memref<50000xf32, #tpu.memory_space<hbm>> -> memref<50000xf32, #tpu.memory_space<hbm>>
      tpu.enqueue_indirect_dma source(%dma_start3A_153 : memref<50000xf32, #tpu.memory_space<hbm>>) target(%arg15 : memref<16xf32, #tpu.memory_space<vmem>>) offsets(%arg13 : memref<16xi32, #tpu.memory_space<vmem>>) semaphore(%arg21 : memref<!tpu.dma_semaphore, #tpu.memory_space<semaphore_mem>>)
      %dma_start3A_154 = arith.constant 0 : i32
      %dma_start3A_155 = tpu.memref_slice %arg6[%dma_start3A_154] : memref<50000xf32, #tpu.memory_space<hbm>> -> memref<50000xf32, #tpu.memory_space<hbm>>
      tpu.enqueue_indirect_dma source(%dma_start3A_155 : memref<50000xf32, #tpu.memory_space<hbm>>) target(%arg16 : memref<16xf32, #tpu.memory_space<vmem>>) offsets(%arg13 : memref<16xi32, #tpu.memory_space<vmem>>) semaphore(%arg22 : memref<!tpu.dma_semaphore, #tpu.memory_space<semaphore_mem>>)
      %dma_wait3A_156 = arith.constant 0 : i32
      %dma_wait3A_157 = tpu.memref_slice %arg5[%dma_wait3A_156] : memref<50000xf32, #tpu.memory_space<hbm>> -> memref<50000xf32, #tpu.memory_space<hbm>>
      tpu.wait_indirect_dma semaphore(%arg21 : memref<!tpu.dma_semaphore, #tpu.memory_space<semaphore_mem>>) src(%dma_wait3A_157 : memref<50000xf32, #tpu.memory_space<hbm>>) dst(%arg15 : memref<16xf32, #tpu.memory_space<vmem>>)
      %dma_wait3A_158 = arith.constant 0 : i32
      %dma_wait3A_159 = tpu.memref_slice %arg6[%dma_wait3A_158] : memref<50000xf32, #tpu.memory_space<hbm>> -> memref<50000xf32, #tpu.memory_space<hbm>>
      tpu.wait_indirect_dma semaphore(%arg22 : memref<!tpu.dma_semaphore, #tpu.memory_space<semaphore_mem>>) src(%dma_wait3A_159 : memref<50000xf32, #tpu.memory_space<hbm>>) dst(%arg16 : memref<16xf32, #tpu.memory_space<vmem>>)
      %sub3A_160 = arith.subi %scan3A_13, %mul3A_139 : i32
      %min3A = arith.constant 16 : i32
      %min3A_161 = arith.minsi %sub3A_160, %min3A : i32
      %while3A_162 = arith.constant 0 : i32
      %while3A_163 = arith.subi %min3A_161, %while3A_162 : i32
      %while3A_164 = arith.addi %while3A_162, %while3A_163 : i32
      %while3A_165 = arith.constant 1 : i32
      %while3A_166 = arith.divsi %while3A_163, %while3A_165 : i32
      %while3A_167 = arith.muli %while3A_166, %while3A_165 : i32
      %while3A_168 = arith.addi %while3A_162, %while3A_167 : i32
      %while3A_169 = arith.constant 1 : i32
      %while3A_170:6 = scf.for %while3A_173 = %while3A_162 to %while3A_168 step %while3A_169 iter_args(%while3A_174 = %while3A_132, %while3A_175 = %while3A_133, %while3A_176 = %while3A_134, %while3A_177 = %while3A_135, %while3A_178 = %while3A_136, %while3A_179 = %while3A_137) -> (vector<16xf32>, vector<16xf32>, vector<16xf32>, vector<16xf32>, vector<16xf32>, vector<16xf32>)  : i32 {
        %broadcast_in_dim3A_180 = vector.broadcast %while3A_173 : i32 to vector<16xi32>
        %gather3A = tpu.vector_load_idx %arg15[%broadcast_in_dim3A_180] : memref<16xf32, #tpu.memory_space<vmem>>[vector<16xi32>], vector<16xf32>,
        %gather3A_181 = tpu.vector_load_idx %arg16[%broadcast_in_dim3A_180] : memref<16xf32, #tpu.memory_space<vmem>>[vector<16xi32>], vector<16xf32>,
        %gather3A_182 = tpu.vector_load_idx %arg14[%broadcast_in_dim3A_180] : memref<16xf32, #tpu.memory_space<vmem>>[vector<16xi32>], vector<16xf32>,
        %get3A_183 = arith.constant 2 : i32
        %get3A_184 = arith.index_cast %get3A_183 : i32 to index
        %get3A_185 = arith.constant 0 : index
        %get3A_186 = tpu.vector_load %arg11[%get3A_184, %get3A_185] {strides = array<i32>} : memref<152x16xf32, #tpu.memory_space<vmem>>, vector<16xf32>,
        %mul3A_187 = arith.mulf %gather3A, %get3A_186 : vector<16xf32>
        %get3A_188 = arith.constant 4 : i32
        %get3A_189 = arith.index_cast %get3A_188 : i32 to index
        %get3A_190 = arith.constant 0 : index
        %get3A_191 = tpu.vector_load %arg11[%get3A_189, %get3A_190] {strides = array<i32>} : memref<152x16xf32, #tpu.memory_space<vmem>>, vector<16xf32>,
        %mul3A_192 = arith.mulf %gather3A_181, %get3A_191 : vector<16xf32>
        %add3A_193 = arith.addf %mul3A_187, %mul3A_192 : vector<16xf32>
        %get3A_194 = arith.constant 10 : i32
        %get3A_195 = arith.index_cast %get3A_194 : i32 to index
        %get3A_196 = arith.constant 0 : index
        %get3A_197 = tpu.vector_load %arg11[%get3A_195, %get3A_196] {strides = array<i32>} : memref<152x16xf32, #tpu.memory_space<vmem>>, vector<16xf32>,
        %add3A_198 = arith.addf %add3A_193, %get3A_197 : vector<16xf32>
        %get3A_199 = arith.constant 3 : i32
        %get3A_200 = arith.index_cast %get3A_199 : i32 to index
        %get3A_201 = arith.constant 0 : index
        %get3A_202 = tpu.vector_load %arg11[%get3A_200, %get3A_201] {strides = array<i32>} : memref<152x16xf32, #tpu.memory_space<vmem>>, vector<16xf32>,
        %mul3A_203 = arith.mulf %gather3A, %get3A_202 : vector<16xf32>
        %get3A_204 = arith.constant 5 : i32
        %get3A_205 = arith.index_cast %get3A_204 : i32 to index
        %get3A_206 = arith.constant 0 : index
        %get3A_207 = tpu.vector_load %arg11[%get3A_205, %get3A_206] {strides = array<i32>} : memref<152x16xf32, #tpu.memory_space<vmem>>, vector<16xf32>,
        %mul3A_208 = arith.mulf %gather3A_181, %get3A_207 : vector<16xf32>
        %add3A_209 = arith.addf %mul3A_203, %mul3A_208 : vector<16xf32>
        %get3A_210 = arith.constant 11 : i32
        %get3A_211 = arith.index_cast %get3A_210 : i32 to index
        %get3A_212 = arith.constant 0 : index
        %get3A_213 = tpu.vector_load %arg11[%get3A_211, %get3A_212] {strides = array<i32>} : memref<152x16xf32, #tpu.memory_space<vmem>>, vector<16xf32>,
        %add3A_214 = arith.addf %add3A_209, %get3A_213 : vector<16xf32>
        %add3A_215 = arith.addf %add3A_198, %add3A_41 : vector<16xf32>
        %get3A_216 = arith.constant 14 : i32
        %get3A_217 = arith.index_cast %get3A_216 : i32 to index
        %get3A_218 = arith.constant 0 : index
        %get3A_219 = tpu.vector_load %arg11[%get3A_217, %get3A_218] {strides = array<i32>} : memref<152x16xf32, #tpu.memory_space<vmem>>, vector<16xf32>,
        %mul3A_220 = arith.mulf %gather3A_182, %get3A_219 : vector<16xf32>
        %add3A_221 = arith.addf %add3A_215, %mul3A_220 : vector<16xf32>
        %add3A_222 = arith.addf %add3A_214, %add3A_65 : vector<16xf32>
        %get3A_223 = arith.constant 15 : i32
        %get3A_224 = arith.index_cast %get3A_223 : i32 to index
        %get3A_225 = arith.constant 0 : index
        %get3A_226 = tpu.vector_load %arg11[%get3A_224, %get3A_225] {strides = array<i32>} : memref<152x16xf32, #tpu.memory_space<vmem>>, vector<16xf32>,
        %mul3A_227 = arith.mulf %gather3A_182, %get3A_226 : vector<16xf32>
        %add3A_228 = arith.addf %add3A_222, %mul3A_227 : vector<16xf32>
        %mul3A_229 = arith.constant 2.000000e-01 : f32
        %mul3A_230 = vector.broadcast %mul3A_229 : f32 to vector<16xf32>
        %mul3A_231 = arith.mulf %mul3A_230, %add3A_221 : vector<16xf32>
        %max3A = arith.maximumf %add3A_221, %mul3A_231 : vector<16xf32>
        %mul3A_232 = arith.constant 2.000000e-01 : f32
        %mul3A_233 = vector.broadcast %mul3A_232 : f32 to vector<16xf32>
        %mul3A_234 = arith.mulf %mul3A_233, %add3A_228 : vector<16xf32>
        %max3A_235 = arith.maximumf %add3A_228, %mul3A_234 : vector<16xf32>
        %mul3A_236 = arith.mulf %max3A, %get3A_69 : vector<16xf32>
        %reduce_sum3A = arith.constant true
        %reduce_sum3A_237 = vector.broadcast %reduce_sum3A : i1 to vector<16xi1>
        %reduce_sum3A_238 = tpu.scan <sum>, %mul3A_236 masked %reduce_sum3A_237 : vector<16xf32>, vector<16xi1> -> vector<16xf32>
        %reduce_sum3A_239 = vector.extract %reduce_sum3A_238[15] : f32 from vector<16xf32>
        %broadcast_in_dim3A_240 = vector.broadcast %reduce_sum3A_239 : f32 to vector<16xf32>
        %mul3A_241 = arith.mulf %max3A_235, %get3A_73 : vector<16xf32>
        %reduce_sum3A_242 = arith.constant true
        %reduce_sum3A_243 = vector.broadcast %reduce_sum3A_242 : i1 to vector<16xi1>
        %reduce_sum3A_244 = tpu.scan <sum>, %mul3A_241 masked %reduce_sum3A_243 : vector<16xf32>, vector<16xi1> -> vector<16xf32>
        %reduce_sum3A_245 = vector.extract %reduce_sum3A_244[15] : f32 from vector<16xf32>
        %broadcast_in_dim3A_246 = vector.broadcast %reduce_sum3A_245 : f32 to vector<16xf32>
        %max3A_247 = arith.maximumf %while3A_174, %broadcast_in_dim3A_240 : vector<16xf32>
        %max3A_248 = arith.maximumf %while3A_175, %broadcast_in_dim3A_246 : vector<16xf32>
        %sub3A_249 = arith.subf %while3A_174, %max3A_247 : vector<16xf32>
        %exp3A = math.exp %sub3A_249 : vector<16xf32>
        %sub3A_250 = arith.subf %broadcast_in_dim3A_240, %max3A_247 : vector<16xf32>
        %exp3A_251 = math.exp %sub3A_250 : vector<16xf32>
        %sub3A_252 = arith.subf %while3A_175, %max3A_248 : vector<16xf32>
        %exp3A_253 = math.exp %sub3A_252 : vector<16xf32>
        %sub3A_254 = arith.subf %broadcast_in_dim3A_246, %max3A_248 : vector<16xf32>
        %exp3A_255 = math.exp %sub3A_254 : vector<16xf32>
        %mul3A_256 = arith.mulf %while3A_176, %exp3A : vector<16xf32>
        %add3A_257 = arith.addf %mul3A_256, %exp3A_251 : vector<16xf32>
        %mul3A_258 = arith.mulf %while3A_177, %exp3A_253 : vector<16xf32>
        %add3A_259 = arith.addf %mul3A_258, %exp3A_255 : vector<16xf32>
        %mul3A_260 = arith.mulf %while3A_178, %exp3A : vector<16xf32>
        %mul3A_261 = arith.mulf %exp3A_251, %add3A_198 : vector<16xf32>
        %add3A_262 = arith.addf %mul3A_260, %mul3A_261 : vector<16xf32>
        %mul3A_263 = arith.mulf %while3A_179, %exp3A_253 : vector<16xf32>
        %mul3A_264 = arith.mulf %exp3A_255, %add3A_214 : vector<16xf32>
        %add3A_265 = arith.addf %mul3A_263, %mul3A_264 : vector<16xf32>
        scf.yield %max3A_247, %max3A_248, %add3A_257, %add3A_259, %add3A_262, %add3A_265 : vector<16xf32>, vector<16xf32>, vector<16xf32>, vector<16xf32>, vector<16xf32>, vector<16xf32>
      }
      %while3A_171 = arith.constant 1 : i32
      %while3A_172:6 = scf.for %while3A_173 = %while3A_168 to %while3A_164 step %while3A_171 iter_args(%while3A_174 = %while3A_170#0, %while3A_175 = %while3A_170#1, %while3A_176 = %while3A_170#2, %while3A_177 = %while3A_170#3, %while3A_178 = %while3A_170#4, %while3A_179 = %while3A_170#5) -> (vector<16xf32>, vector<16xf32>, vector<16xf32>, vector<16xf32>, vector<16xf32>, vector<16xf32>)  : i32 {
        %broadcast_in_dim3A_180 = vector.broadcast %while3A_173 : i32 to vector<16xi32>
        %gather3A = tpu.vector_load_idx %arg15[%broadcast_in_dim3A_180] : memref<16xf32, #tpu.memory_space<vmem>>[vector<16xi32>], vector<16xf32>,
        %gather3A_181 = tpu.vector_load_idx %arg16[%broadcast_in_dim3A_180] : memref<16xf32, #tpu.memory_space<vmem>>[vector<16xi32>], vector<16xf32>,
        %gather3A_182 = tpu.vector_load_idx %arg14[%broadcast_in_dim3A_180] : memref<16xf32, #tpu.memory_space<vmem>>[vector<16xi32>], vector<16xf32>,
        %get3A_183 = arith.constant 2 : i32
        %get3A_184 = arith.index_cast %get3A_183 : i32 to index
        %get3A_185 = arith.constant 0 : index
        %get3A_186 = tpu.vector_load %arg11[%get3A_184, %get3A_185] {strides = array<i32>} : memref<152x16xf32, #tpu.memory_space<vmem>>, vector<16xf32>,
        %mul3A_187 = arith.mulf %gather3A, %get3A_186 : vector<16xf32>
        %get3A_188 = arith.constant 4 : i32
        %get3A_189 = arith.index_cast %get3A_188 : i32 to index
        %get3A_190 = arith.constant 0 : index
        %get3A_191 = tpu.vector_load %arg11[%get3A_189, %get3A_190] {strides = array<i32>} : memref<152x16xf32, #tpu.memory_space<vmem>>, vector<16xf32>,
        %mul3A_192 = arith.mulf %gather3A_181, %get3A_191 : vector<16xf32>
        %add3A_193 = arith.addf %mul3A_187, %mul3A_192 : vector<16xf32>
        %get3A_194 = arith.constant 10 : i32
        %get3A_195 = arith.index_cast %get3A_194 : i32 to index
        %get3A_196 = arith.constant 0 : index
        %get3A_197 = tpu.vector_load %arg11[%get3A_195, %get3A_196] {strides = array<i32>} : memref<152x16xf32, #tpu.memory_space<vmem>>, vector<16xf32>,
        %add3A_198 = arith.addf %add3A_193, %get3A_197 : vector<16xf32>
        %get3A_199 = arith.constant 3 : i32
        %get3A_200 = arith.index_cast %get3A_199 : i32 to index
        %get3A_201 = arith.constant 0 : index
        %get3A_202 = tpu.vector_load %arg11[%get3A_200, %get3A_201] {strides = array<i32>} : memref<152x16xf32, #tpu.memory_space<vmem>>, vector<16xf32>,
        %mul3A_203 = arith.mulf %gather3A, %get3A_202 : vector<16xf32>
        %get3A_204 = arith.constant 5 : i32
        %get3A_205 = arith.index_cast %get3A_204 : i32 to index
        %get3A_206 = arith.constant 0 : index
        %get3A_207 = tpu.vector_load %arg11[%get3A_205, %get3A_206] {strides = array<i32>} : memref<152x16xf32, #tpu.memory_space<vmem>>, vector<16xf32>,
        %mul3A_208 = arith.mulf %gather3A_181, %get3A_207 : vector<16xf32>
        %add3A_209 = arith.addf %mul3A_203, %mul3A_208 : vector<16xf32>
        %get3A_210 = arith.constant 11 : i32
        %get3A_211 = arith.index_cast %get3A_210 : i32 to index
        %get3A_212 = arith.constant 0 : index
        %get3A_213 = tpu.vector_load %arg11[%get3A_211, %get3A_212] {strides = array<i32>} : memref<152x16xf32, #tpu.memory_space<vmem>>, vector<16xf32>,
        %add3A_214 = arith.addf %add3A_209, %get3A_213 : vector<16xf32>
        %add3A_215 = arith.addf %add3A_198, %add3A_41 : vector<16xf32>
        %get3A_216 = arith.constant 14 : i32
        %get3A_217 = arith.index_cast %get3A_216 : i32 to index
        %get3A_218 = arith.constant 0 : index
        %get3A_219 = tpu.vector_load %arg11[%get3A_217, %get3A_218] {strides = array<i32>} : memref<152x16xf32, #tpu.memory_space<vmem>>, vector<16xf32>,
        %mul3A_220 = arith.mulf %gather3A_182, %get3A_219 : vector<16xf32>
        %add3A_221 = arith.addf %add3A_215, %mul3A_220 : vector<16xf32>
        %add3A_222 = arith.addf %add3A_214, %add3A_65 : vector<16xf32>
        %get3A_223 = arith.constant 15 : i32
        %get3A_224 = arith.index_cast %get3A_223 : i32 to index
        %get3A_225 = arith.constant 0 : index
        %get3A_226 = tpu.vector_load %arg11[%get3A_224, %get3A_225] {strides = array<i32>} : memref<152x16xf32, #tpu.memory_space<vmem>>, vector<16xf32>,
        %mul3A_227 = arith.mulf %gather3A_182, %get3A_226 : vector<16xf32>
        %add3A_228 = arith.addf %add3A_222, %mul3A_227 : vector<16xf32>
        %mul3A_229 = arith.constant 2.000000e-01 : f32
        %mul3A_230 = vector.broadcast %mul3A_229 : f32 to vector<16xf32>
        %mul3A_231 = arith.mulf %mul3A_230, %add3A_221 : vector<16xf32>
        %max3A = arith.maximumf %add3A_221, %mul3A_231 : vector<16xf32>
        %mul3A_232 = arith.constant 2.000000e-01 : f32
        %mul3A_233 = vector.broadcast %mul3A_232 : f32 to vector<16xf32>
        %mul3A_234 = arith.mulf %mul3A_233, %add3A_228 : vector<16xf32>
        %max3A_235 = arith.maximumf %add3A_228, %mul3A_234 : vector<16xf32>
        %mul3A_236 = arith.mulf %max3A, %get3A_69 : vector<16xf32>
        %reduce_sum3A = arith.constant true
        %reduce_sum3A_237 = vector.broadcast %reduce_sum3A : i1 to vector<16xi1>
        %reduce_sum3A_238 = tpu.scan <sum>, %mul3A_236 masked %reduce_sum3A_237 : vector<16xf32>, vector<16xi1> -> vector<16xf32>
        %reduce_sum3A_239 = vector.extract %reduce_sum3A_238[15] : f32 from vector<16xf32>
        %broadcast_in_dim3A_240 = vector.broadcast %reduce_sum3A_239 : f32 to vector<16xf32>
        %mul3A_241 = arith.mulf %max3A_235, %get3A_73 : vector<16xf32>
        %reduce_sum3A_242 = arith.constant true
        %reduce_sum3A_243 = vector.broadcast %reduce_sum3A_242 : i1 to vector<16xi1>
        %reduce_sum3A_244 = tpu.scan <sum>, %mul3A_241 masked %reduce_sum3A_243 : vector<16xf32>, vector<16xi1> -> vector<16xf32>
        %reduce_sum3A_245 = vector.extract %reduce_sum3A_244[15] : f32 from vector<16xf32>
        %broadcast_in_dim3A_246 = vector.broadcast %reduce_sum3A_245 : f32 to vector<16xf32>
        %max3A_247 = arith.maximumf %while3A_174, %broadcast_in_dim3A_240 : vector<16xf32>
        %max3A_248 = arith.maximumf %while3A_175, %broadcast_in_dim3A_246 : vector<16xf32>
        %sub3A_249 = arith.subf %while3A_174, %max3A_247 : vector<16xf32>
        %exp3A = math.exp %sub3A_249 : vector<16xf32>
        %sub3A_250 = arith.subf %broadcast_in_dim3A_240, %max3A_247 : vector<16xf32>
        %exp3A_251 = math.exp %sub3A_250 : vector<16xf32>
        %sub3A_252 = arith.subf %while3A_175, %max3A_248 : vector<16xf32>
        %exp3A_253 = math.exp %sub3A_252 : vector<16xf32>
        %sub3A_254 = arith.subf %broadcast_in_dim3A_246, %max3A_248 : vector<16xf32>
        %exp3A_255 = math.exp %sub3A_254 : vector<16xf32>
        %mul3A_256 = arith.mulf %while3A_176, %exp3A : vector<16xf32>
        %add3A_257 = arith.addf %mul3A_256, %exp3A_251 : vector<16xf32>
        %mul3A_258 = arith.mulf %while3A_177, %exp3A_253 : vector<16xf32>
        %add3A_259 = arith.addf %mul3A_258, %exp3A_255 : vector<16xf32>
        %mul3A_260 = arith.mulf %while3A_178, %exp3A : vector<16xf32>
        %mul3A_261 = arith.mulf %exp3A_251, %add3A_198 : vector<16xf32>
        %add3A_262 = arith.addf %mul3A_260, %mul3A_261 : vector<16xf32>
        %mul3A_263 = arith.mulf %while3A_179, %exp3A_253 : vector<16xf32>
        %mul3A_264 = arith.mulf %exp3A_255, %add3A_214 : vector<16xf32>
        %add3A_265 = arith.addf %mul3A_263, %mul3A_264 : vector<16xf32>
        scf.yield %max3A_247, %max3A_248, %add3A_257, %add3A_259, %add3A_262, %add3A_265 : vector<16xf32>, vector<16xf32>, vector<16xf32>, vector<16xf32>, vector<16xf32>, vector<16xf32>
      }
      scf.yield %while3A_172#0, %while3A_172#1, %while3A_172#2, %while3A_172#3, %while3A_172#4, %while3A_172#5 : vector<16xf32>, vector<16xf32>, vector<16xf32>, vector<16xf32>, vector<16xf32>, vector<16xf32>
    }
    %swap3A = arith.constant 0 : i32
    %swap3A_106 = arith.index_cast %swap3A : i32 to index
    %swap3A_107 = arith.constant 0 : index
    %swap3A_108 = tpu.vector_load %arg17[%swap3A_106, %swap3A_107] {strides = array<i32>} : memref<6x16xf32, #tpu.memory_space<vmem>>, vector<16xf32>,
    tpu.vector_store %arg17[%swap3A_106, %swap3A_107], %while3A_105#0 {strides = array<i32>} : memref<6x16xf32, #tpu.memory_space<vmem>>, vector<16xf32>,
    %swap3A_109 = arith.constant 1 : i32
    %swap3A_110 = arith.index_cast %swap3A_109 : i32 to index
    %swap3A_111 = arith.constant 0 : index
    %swap3A_112 = tpu.vector_load %arg17[%swap3A_110, %swap3A_111] {strides = array<i32>} : memref<6x16xf32, #tpu.memory_space<vmem>>, vector<16xf32>,
    tpu.vector_store %arg17[%swap3A_110, %swap3A_111], %while3A_105#1 {strides = array<i32>} : memref<6x16xf32, #tpu.memory_space<vmem>>, vector<16xf32>,
    %swap3A_113 = arith.constant 2 : i32
    %swap3A_114 = arith.index_cast %swap3A_113 : i32 to index
    %swap3A_115 = arith.constant 0 : index
    %swap3A_116 = tpu.vector_load %arg17[%swap3A_114, %swap3A_115] {strides = array<i32>} : memref<6x16xf32, #tpu.memory_space<vmem>>, vector<16xf32>,
    tpu.vector_store %arg17[%swap3A_114, %swap3A_115], %while3A_105#2 {strides = array<i32>} : memref<6x16xf32, #tpu.memory_space<vmem>>, vector<16xf32>,
    %swap3A_117 = arith.constant 3 : i32
    %swap3A_118 = arith.index_cast %swap3A_117 : i32 to index
    %swap3A_119 = arith.constant 0 : index
    %swap3A_120 = tpu.vector_load %arg17[%swap3A_118, %swap3A_119] {strides = array<i32>} : memref<6x16xf32, #tpu.memory_space<vmem>>, vector<16xf32>,
    tpu.vector_store %arg17[%swap3A_118, %swap3A_119], %while3A_105#3 {strides = array<i32>} : memref<6x16xf32, #tpu.memory_space<vmem>>, vector<16xf32>,
    %swap3A_121 = arith.constant 4 : i32
    %swap3A_122 = arith.index_cast %swap3A_121 : i32 to index
    %swap3A_123 = arith.constant 0 : index
    %swap3A_124 = tpu.vector_load %arg17[%swap3A_122, %swap3A_123] {strides = array<i32>} : memref<6x16xf32, #tpu.memory_space<vmem>>, vector<16xf32>,
    tpu.vector_store %arg17[%swap3A_122, %swap3A_123], %while3A_105#4 {strides = array<i32>} : memref<6x16xf32, #tpu.memory_space<vmem>>, vector<16xf32>,
    %swap3A_125 = arith.constant 5 : i32
    %swap3A_126 = arith.index_cast %swap3A_125 : i32 to index
    %swap3A_127 = arith.constant 0 : index
    %swap3A_128 = tpu.vector_load %arg17[%swap3A_126, %swap3A_127] {strides = array<i32>} : memref<6x16xf32, #tpu.memory_space<vmem>>, vector<16xf32>,
    tpu.vector_store %arg17[%swap3A_126, %swap3A_127], %while3A_105#5 {strides = array<i32>} : memref<6x16xf32, #tpu.memory_space<vmem>>, vector<16xf32>,
    "tpu.region"() ({
      %run_scoped3A = tpu.sem_alloc : memref<!tpu.dma_semaphore, #tpu.memory_space<semaphore_mem>>
      %dma_start3A_131 = arith.constant 0 : i32
      %dma_start3A_132 = arith.constant 0 : i32
      %dma_start3A_133 = tpu.memref_slice %arg18[%arg1, %dma_start3A_131, %dma_start3A_132] : memref<16x6x16xf32, #tpu.memory_space<vmem_shared>> -> memref<1x6x16xf32, #tpu.memory_space<vmem_shared>>
      %dma_start3A_134 = tpu.memref_squeeze %dma_start3A_133 : memref<1x6x16xf32, #tpu.memory_space<vmem_shared>> -> memref<6x16xf32, #tpu.memory_space<vmem_shared>>
      %dma_start3A_135 = arith.constant 0 : i32
      %dma_start3A_136 = arith.constant 0 : i32
      %dma_start3A_137 = tpu.memref_slice %arg18[%arg1, %dma_start3A_135, %dma_start3A_136] : memref<16x6x16xf32, #tpu.memory_space<vmem_shared>> -> memref<1x6x16xf32, #tpu.memory_space<vmem_shared>>
      %dma_start3A_138 = tpu.memref_squeeze %dma_start3A_137 : memref<1x6x16xf32, #tpu.memory_space<vmem_shared>> -> memref<6x16xf32, #tpu.memory_space<vmem_shared>>
      tpu.enqueue_dma source(%arg17 : memref<6x16xf32, #tpu.memory_space<vmem>>) target(%dma_start3A_138 : memref<6x16xf32, #tpu.memory_space<vmem_shared>>) target_semaphore(%run_scoped3A : memref<!tpu.dma_semaphore, #tpu.memory_space<semaphore_mem>>)
      %dma_wait3A_139 = arith.constant 0 : i32
      %dma_wait3A_140 = arith.constant 0 : i32
      %dma_wait3A_141 = tpu.memref_slice %arg18[%arg1, %dma_wait3A_139, %dma_wait3A_140] : memref<16x6x16xf32, #tpu.memory_space<vmem_shared>> -> memref<1x6x16xf32, #tpu.memory_space<vmem_shared>>
      %dma_wait3A_142 = tpu.memref_squeeze %dma_wait3A_141 : memref<1x6x16xf32, #tpu.memory_space<vmem_shared>> -> memref<6x16xf32, #tpu.memory_space<vmem_shared>>
      %dma_wait3A_143 = arith.constant 0 : i32
      %dma_wait3A_144 = arith.constant 0 : i32
      %dma_wait3A_145 = tpu.memref_slice %arg18[%arg1, %dma_wait3A_143, %dma_wait3A_144] : memref<16x6x16xf32, #tpu.memory_space<vmem_shared>> -> memref<1x6x16xf32, #tpu.memory_space<vmem_shared>>
      %dma_wait3A_146 = tpu.memref_squeeze %dma_wait3A_145 : memref<1x6x16xf32, #tpu.memory_space<vmem_shared>> -> memref<6x16xf32, #tpu.memory_space<vmem_shared>>
      tpu.wait_dma2 semaphore(%run_scoped3A : memref<!tpu.dma_semaphore, #tpu.memory_space<semaphore_mem>>) src(%arg17 : memref<6x16xf32, #tpu.memory_space<vmem>>) dst(%dma_wait3A_146 : memref<6x16xf32, #tpu.memory_space<vmem_shared>>)
      tpu.yield
    }) : () -> ()
    %barrier3A = arith.constant 0 : index
    tpu.barrier barrier_id(%barrier3A)
    %eq3A = arith.constant 0 : i32
    %eq3A_129 = arith.cmpi eq, %arg1, %eq3A : i32
    %convert_element_type3A = arith.extui %eq3A_129 : i1 to i32
    %cond3A = arith.constant 0 : i32
    %cond3A_130 = arith.cmpi ne, %convert_element_type3A, %cond3A : i32
    scf.if %cond3A_130 {
      "tpu.region"() ({
        %run_scoped3A = tpu.sem_alloc : memref<!tpu.dma_semaphore, #tpu.memory_space<semaphore_mem>>
        tpu.enqueue_dma source(%arg18 : memref<16x6x16xf32, #tpu.memory_space<vmem_shared>>) target(%arg19 : memref<16x6x16xf32, #tpu.memory_space<vmem>>) target_semaphore(%run_scoped3A : memref<!tpu.dma_semaphore, #tpu.memory_space<semaphore_mem>>)
        tpu.wait_dma2 semaphore(%run_scoped3A : memref<!tpu.dma_semaphore, #tpu.memory_space<semaphore_mem>>) src(%arg18 : memref<16x6x16xf32, #tpu.memory_space<vmem_shared>>) dst(%arg19 : memref<16x6x16xf32, #tpu.memory_space<vmem>>)
        tpu.yield
      }) : () -> ()
      %get3A_131 = arith.constant 0 : i32
      %get3A_132 = arith.constant 0 : i32
      %get3A_133 = arith.index_cast %get3A_131 : i32 to index
      %get3A_134 = arith.index_cast %get3A_132 : i32 to index
      %get3A_135 = arith.constant 0 : index
      %get3A_136 = tpu.vector_load %arg19[%get3A_133, %get3A_134, %get3A_135] {strides = array<i32>} : memref<16x6x16xf32, #tpu.memory_space<vmem>>, vector<16xf32>,
      %get3A_137 = arith.constant 0 : i32
      %get3A_138 = arith.constant 1 : i32
      %get3A_139 = arith.index_cast %get3A_137 : i32 to index
      %get3A_140 = arith.index_cast %get3A_138 : i32 to index
      %get3A_141 = arith.constant 0 : index
      %get3A_142 = tpu.vector_load %arg19[%get3A_139, %get3A_140, %get3A_141] {strides = array<i32>} : memref<16x6x16xf32, #tpu.memory_space<vmem>>, vector<16xf32>,
      %get3A_143 = arith.constant 0 : i32
      %get3A_144 = arith.constant 2 : i32
      %get3A_145 = arith.index_cast %get3A_143 : i32 to index
      %get3A_146 = arith.index_cast %get3A_144 : i32 to index
      %get3A_147 = arith.constant 0 : index
      %get3A_148 = tpu.vector_load %arg19[%get3A_145, %get3A_146, %get3A_147] {strides = array<i32>} : memref<16x6x16xf32, #tpu.memory_space<vmem>>, vector<16xf32>,
      %get3A_149 = arith.constant 0 : i32
      %get3A_150 = arith.constant 3 : i32
      %get3A_151 = arith.index_cast %get3A_149 : i32 to index
      %get3A_152 = arith.index_cast %get3A_150 : i32 to index
      %get3A_153 = arith.constant 0 : index
      %get3A_154 = tpu.vector_load %arg19[%get3A_151, %get3A_152, %get3A_153] {strides = array<i32>} : memref<16x6x16xf32, #tpu.memory_space<vmem>>, vector<16xf32>,
      %get3A_155 = arith.constant 0 : i32
      %get3A_156 = arith.constant 4 : i32
      %get3A_157 = arith.index_cast %get3A_155 : i32 to index
      %get3A_158 = arith.index_cast %get3A_156 : i32 to index
      %get3A_159 = arith.constant 0 : index
      %get3A_160 = tpu.vector_load %arg19[%get3A_157, %get3A_158, %get3A_159] {strides = array<i32>} : memref<16x6x16xf32, #tpu.memory_space<vmem>>, vector<16xf32>,
      %get3A_161 = arith.constant 0 : i32
      %get3A_162 = arith.constant 5 : i32
      %get3A_163 = arith.index_cast %get3A_161 : i32 to index
      %get3A_164 = arith.index_cast %get3A_162 : i32 to index
      %get3A_165 = arith.constant 0 : index
      %get3A_166 = tpu.vector_load %arg19[%get3A_163, %get3A_164, %get3A_165] {strides = array<i32>} : memref<16x6x16xf32, #tpu.memory_space<vmem>>, vector<16xf32>,
      %get3A_167 = arith.constant 1 : i32
      %get3A_168 = arith.constant 0 : i32
      %get3A_169 = arith.index_cast %get3A_167 : i32 to index
      %get3A_170 = arith.index_cast %get3A_168 : i32 to index
      %get3A_171 = arith.constant 0 : index
      %get3A_172 = tpu.vector_load %arg19[%get3A_169, %get3A_170, %get3A_171] {strides = array<i32>} : memref<16x6x16xf32, #tpu.memory_space<vmem>>, vector<16xf32>,
      %get3A_173 = arith.constant 1 : i32
      %get3A_174 = arith.constant 1 : i32
      %get3A_175 = arith.index_cast %get3A_173 : i32 to index
      %get3A_176 = arith.index_cast %get3A_174 : i32 to index
      %get3A_177 = arith.constant 0 : index
      %get3A_178 = tpu.vector_load %arg19[%get3A_175, %get3A_176, %get3A_177] {strides = array<i32>} : memref<16x6x16xf32, #tpu.memory_space<vmem>>, vector<16xf32>,
      %max3A = arith.maximumf %get3A_136, %get3A_172 : vector<16xf32>
      %max3A_179 = arith.maximumf %get3A_142, %get3A_178 : vector<16xf32>
      %sub3A_180 = arith.subf %get3A_136, %max3A : vector<16xf32>
      %exp3A = math.exp %sub3A_180 : vector<16xf32>
      %sub3A_181 = arith.subf %get3A_172, %max3A : vector<16xf32>
      %exp3A_182 = math.exp %sub3A_181 : vector<16xf32>
      %sub3A_183 = arith.subf %get3A_142, %max3A_179 : vector<16xf32>
      %exp3A_184 = math.exp %sub3A_183 : vector<16xf32>
      %sub3A_185 = arith.subf %get3A_178, %max3A_179 : vector<16xf32>
      %exp3A_186 = math.exp %sub3A_185 : vector<16xf32>
      %mul3A_187 = arith.mulf %get3A_148, %exp3A : vector<16xf32>
      %get3A_188 = arith.constant 1 : i32
      %get3A_189 = arith.constant 2 : i32
      %get3A_190 = arith.index_cast %get3A_188 : i32 to index
      %get3A_191 = arith.index_cast %get3A_189 : i32 to index
      %get3A_192 = arith.constant 0 : index
      %get3A_193 = tpu.vector_load %arg19[%get3A_190, %get3A_191, %get3A_192] {strides = array<i32>} : memref<16x6x16xf32, #tpu.memory_space<vmem>>, vector<16xf32>,
      %mul3A_194 = arith.mulf %get3A_193, %exp3A_182 : vector<16xf32>
      %add3A_195 = arith.addf %mul3A_187, %mul3A_194 : vector<16xf32>
      %mul3A_196 = arith.mulf %get3A_154, %exp3A_184 : vector<16xf32>
      %get3A_197 = arith.constant 1 : i32
      %get3A_198 = arith.constant 3 : i32
      %get3A_199 = arith.index_cast %get3A_197 : i32 to index
      %get3A_200 = arith.index_cast %get3A_198 : i32 to index
      %get3A_201 = arith.constant 0 : index
      %get3A_202 = tpu.vector_load %arg19[%get3A_199, %get3A_200, %get3A_201] {strides = array<i32>} : memref<16x6x16xf32, #tpu.memory_space<vmem>>, vector<16xf32>,
      %mul3A_203 = arith.mulf %get3A_202, %exp3A_186 : vector<16xf32>
      %add3A_204 = arith.addf %mul3A_196, %mul3A_203 : vector<16xf32>
      %mul3A_205 = arith.mulf %get3A_160, %exp3A : vector<16xf32>
      %get3A_206 = arith.constant 1 : i32
      %get3A_207 = arith.constant 4 : i32
      %get3A_208 = arith.index_cast %get3A_206 : i32 to index
      %get3A_209 = arith.index_cast %get3A_207 : i32 to index
      %get3A_210 = arith.constant 0 : index
      %get3A_211 = tpu.vector_load %arg19[%get3A_208, %get3A_209, %get3A_210] {strides = array<i32>} : memref<16x6x16xf32, #tpu.memory_space<vmem>>, vector<16xf32>,
      %mul3A_212 = arith.mulf %get3A_211, %exp3A_182 : vector<16xf32>
      %add3A_213 = arith.addf %mul3A_205, %mul3A_212 : vector<16xf32>
      %mul3A_214 = arith.mulf %get3A_166, %exp3A_184 : vector<16xf32>
      %get3A_215 = arith.constant 1 : i32
      %get3A_216 = arith.constant 5 : i32
      %get3A_217 = arith.index_cast %get3A_215 : i32 to index
      %get3A_218 = arith.index_cast %get3A_216 : i32 to index
      %get3A_219 = arith.constant 0 : index
      %get3A_220 = tpu.vector_load %arg19[%get3A_217, %get3A_218, %get3A_219] {strides = array<i32>} : memref<16x6x16xf32, #tpu.memory_space<vmem>>, vector<16xf32>,
      %mul3A_221 = arith.mulf %get3A_220, %exp3A_186 : vector<16xf32>
      %add3A_222 = arith.addf %mul3A_214, %mul3A_221 : vector<16xf32>
      %get3A_223 = arith.constant 2 : i32
      %get3A_224 = arith.constant 0 : i32
      %get3A_225 = arith.index_cast %get3A_223 : i32 to index
      %get3A_226 = arith.index_cast %get3A_224 : i32 to index
      %get3A_227 = arith.constant 0 : index
      %get3A_228 = tpu.vector_load %arg19[%get3A_225, %get3A_226, %get3A_227] {strides = array<i32>} : memref<16x6x16xf32, #tpu.memory_space<vmem>>, vector<16xf32>,
      %get3A_229 = arith.constant 2 : i32
      %get3A_230 = arith.constant 1 : i32
      %get3A_231 = arith.index_cast %get3A_229 : i32 to index
      %get3A_232 = arith.index_cast %get3A_230 : i32 to index
      %get3A_233 = arith.constant 0 : index
      %get3A_234 = tpu.vector_load %arg19[%get3A_231, %get3A_232, %get3A_233] {strides = array<i32>} : memref<16x6x16xf32, #tpu.memory_space<vmem>>, vector<16xf32>,
      %max3A_235 = arith.maximumf %max3A, %get3A_228 : vector<16xf32>
      %max3A_236 = arith.maximumf %max3A_179, %get3A_234 : vector<16xf32>
      %sub3A_237 = arith.subf %max3A, %max3A_235 : vector<16xf32>
      %exp3A_238 = math.exp %sub3A_237 : vector<16xf32>
      %sub3A_239 = arith.subf %get3A_228, %max3A_235 : vector<16xf32>
      %exp3A_240 = math.exp %sub3A_239 : vector<16xf32>
      %sub3A_241 = arith.subf %max3A_179, %max3A_236 : vector<16xf32>
      %exp3A_242 = math.exp %sub3A_241 : vector<16xf32>
      %sub3A_243 = arith.subf %get3A_234, %max3A_236 : vector<16xf32>
      %exp3A_244 = math.exp %sub3A_243 : vector<16xf32>
      %mul3A_245 = arith.mulf %add3A_195, %exp3A_238 : vector<16xf32>
      %get3A_246 = arith.constant 2 : i32
      %get3A_247 = arith.constant 2 : i32
      %get3A_248 = arith.index_cast %get3A_246 : i32 to index
      %get3A_249 = arith.index_cast %get3A_247 : i32 to index
      %get3A_250 = arith.constant 0 : index
      %get3A_251 = tpu.vector_load %arg19[%get3A_248, %get3A_249, %get3A_250] {strides = array<i32>} : memref<16x6x16xf32, #tpu.memory_space<vmem>>, vector<16xf32>,
      %mul3A_252 = arith.mulf %get3A_251, %exp3A_240 : vector<16xf32>
      %add3A_253 = arith.addf %mul3A_245, %mul3A_252 : vector<16xf32>
      %mul3A_254 = arith.mulf %add3A_204, %exp3A_242 : vector<16xf32>
      %get3A_255 = arith.constant 2 : i32
      %get3A_256 = arith.constant 3 : i32
      %get3A_257 = arith.index_cast %get3A_255 : i32 to index
      %get3A_258 = arith.index_cast %get3A_256 : i32 to index
      %get3A_259 = arith.constant 0 : index
      %get3A_260 = tpu.vector_load %arg19[%get3A_257, %get3A_258, %get3A_259] {strides = array<i32>} : memref<16x6x16xf32, #tpu.memory_space<vmem>>, vector<16xf32>,
      %mul3A_261 = arith.mulf %get3A_260, %exp3A_244 : vector<16xf32>
      %add3A_262 = arith.addf %mul3A_254, %mul3A_261 : vector<16xf32>
      %mul3A_263 = arith.mulf %add3A_213, %exp3A_238 : vector<16xf32>
      %get3A_264 = arith.constant 2 : i32
      %get3A_265 = arith.constant 4 : i32
      %get3A_266 = arith.index_cast %get3A_264 : i32 to index
      %get3A_267 = arith.index_cast %get3A_265 : i32 to index
      %get3A_268 = arith.constant 0 : index
      %get3A_269 = tpu.vector_load %arg19[%get3A_266, %get3A_267, %get3A_268] {strides = array<i32>} : memref<16x6x16xf32, #tpu.memory_space<vmem>>, vector<16xf32>,
      %mul3A_270 = arith.mulf %get3A_269, %exp3A_240 : vector<16xf32>
      %add3A_271 = arith.addf %mul3A_263, %mul3A_270 : vector<16xf32>
      %mul3A_272 = arith.mulf %add3A_222, %exp3A_242 : vector<16xf32>
      %get3A_273 = arith.constant 2 : i32
      %get3A_274 = arith.constant 5 : i32
      %get3A_275 = arith.index_cast %get3A_273 : i32 to index
      %get3A_276 = arith.index_cast %get3A_274 : i32 to index
      %get3A_277 = arith.constant 0 : index
      %get3A_278 = tpu.vector_load %arg19[%get3A_275, %get3A_276, %get3A_277] {strides = array<i32>} : memref<16x6x16xf32, #tpu.memory_space<vmem>>, vector<16xf32>,
      %mul3A_279 = arith.mulf %get3A_278, %exp3A_244 : vector<16xf32>
      %add3A_280 = arith.addf %mul3A_272, %mul3A_279 : vector<16xf32>
      %get3A_281 = arith.constant 3 : i32
      %get3A_282 = arith.constant 0 : i32
      %get3A_283 = arith.index_cast %get3A_281 : i32 to index
      %get3A_284 = arith.index_cast %get3A_282 : i32 to index
      %get3A_285 = arith.constant 0 : index
      %get3A_286 = tpu.vector_load %arg19[%get3A_283, %get3A_284, %get3A_285] {strides = array<i32>} : memref<16x6x16xf32, #tpu.memory_space<vmem>>, vector<16xf32>,
      %get3A_287 = arith.constant 3 : i32
      %get3A_288 = arith.constant 1 : i32
      %get3A_289 = arith.index_cast %get3A_287 : i32 to index
      %get3A_290 = arith.index_cast %get3A_288 : i32 to index
      %get3A_291 = arith.constant 0 : index
      %get3A_292 = tpu.vector_load %arg19[%get3A_289, %get3A_290, %get3A_291] {strides = array<i32>} : memref<16x6x16xf32, #tpu.memory_space<vmem>>, vector<16xf32>,
      %max3A_293 = arith.maximumf %max3A_235, %get3A_286 : vector<16xf32>
      %max3A_294 = arith.maximumf %max3A_236, %get3A_292 : vector<16xf32>
      %sub3A_295 = arith.subf %max3A_235, %max3A_293 : vector<16xf32>
      %exp3A_296 = math.exp %sub3A_295 : vector<16xf32>
      %sub3A_297 = arith.subf %get3A_286, %max3A_293 : vector<16xf32>
      %exp3A_298 = math.exp %sub3A_297 : vector<16xf32>
      %sub3A_299 = arith.subf %max3A_236, %max3A_294 : vector<16xf32>
      %exp3A_300 = math.exp %sub3A_299 : vector<16xf32>
      %sub3A_301 = arith.subf %get3A_292, %max3A_294 : vector<16xf32>
      %exp3A_302 = math.exp %sub3A_301 : vector<16xf32>
      %mul3A_303 = arith.mulf %add3A_253, %exp3A_296 : vector<16xf32>
      %get3A_304 = arith.constant 3 : i32
      %get3A_305 = arith.constant 2 : i32
      %get3A_306 = arith.index_cast %get3A_304 : i32 to index
      %get3A_307 = arith.index_cast %get3A_305 : i32 to index
      %get3A_308 = arith.constant 0 : index
      %get3A_309 = tpu.vector_load %arg19[%get3A_306, %get3A_307, %get3A_308] {strides = array<i32>} : memref<16x6x16xf32, #tpu.memory_space<vmem>>, vector<16xf32>,
      %mul3A_310 = arith.mulf %get3A_309, %exp3A_298 : vector<16xf32>
      %add3A_311 = arith.addf %mul3A_303, %mul3A_310 : vector<16xf32>
      %mul3A_312 = arith.mulf %add3A_262, %exp3A_300 : vector<16xf32>
      %get3A_313 = arith.constant 3 : i32
      %get3A_314 = arith.constant 3 : i32
      %get3A_315 = arith.index_cast %get3A_313 : i32 to index
      %get3A_316 = arith.index_cast %get3A_314 : i32 to index
      %get3A_317 = arith.constant 0 : index
      %get3A_318 = tpu.vector_load %arg19[%get3A_315, %get3A_316, %get3A_317] {strides = array<i32>} : memref<16x6x16xf32, #tpu.memory_space<vmem>>, vector<16xf32>,
      %mul3A_319 = arith.mulf %get3A_318, %exp3A_302 : vector<16xf32>
      %add3A_320 = arith.addf %mul3A_312, %mul3A_319 : vector<16xf32>
      %mul3A_321 = arith.mulf %add3A_271, %exp3A_296 : vector<16xf32>
      %get3A_322 = arith.constant 3 : i32
      %get3A_323 = arith.constant 4 : i32
      %get3A_324 = arith.index_cast %get3A_322 : i32 to index
      %get3A_325 = arith.index_cast %get3A_323 : i32 to index
      %get3A_326 = arith.constant 0 : index
      %get3A_327 = tpu.vector_load %arg19[%get3A_324, %get3A_325, %get3A_326] {strides = array<i32>} : memref<16x6x16xf32, #tpu.memory_space<vmem>>, vector<16xf32>,
      %mul3A_328 = arith.mulf %get3A_327, %exp3A_298 : vector<16xf32>
      %add3A_329 = arith.addf %mul3A_321, %mul3A_328 : vector<16xf32>
      %mul3A_330 = arith.mulf %add3A_280, %exp3A_300 : vector<16xf32>
      %get3A_331 = arith.constant 3 : i32
      %get3A_332 = arith.constant 5 : i32
      %get3A_333 = arith.index_cast %get3A_331 : i32 to index
      %get3A_334 = arith.index_cast %get3A_332 : i32 to index
      %get3A_335 = arith.constant 0 : index
      %get3A_336 = tpu.vector_load %arg19[%get3A_333, %get3A_334, %get3A_335] {strides = array<i32>} : memref<16x6x16xf32, #tpu.memory_space<vmem>>, vector<16xf32>,
      %mul3A_337 = arith.mulf %get3A_336, %exp3A_302 : vector<16xf32>
      %add3A_338 = arith.addf %mul3A_330, %mul3A_337 : vector<16xf32>
      %get3A_339 = arith.constant 4 : i32
      %get3A_340 = arith.constant 0 : i32
      %get3A_341 = arith.index_cast %get3A_339 : i32 to index
      %get3A_342 = arith.index_cast %get3A_340 : i32 to index
      %get3A_343 = arith.constant 0 : index
      %get3A_344 = tpu.vector_load %arg19[%get3A_341, %get3A_342, %get3A_343] {strides = array<i32>} : memref<16x6x16xf32, #tpu.memory_space<vmem>>, vector<16xf32>,
      %get3A_345 = arith.constant 4 : i32
      %get3A_346 = arith.constant 1 : i32
      %get3A_347 = arith.index_cast %get3A_345 : i32 to index
      %get3A_348 = arith.index_cast %get3A_346 : i32 to index
      %get3A_349 = arith.constant 0 : index
      %get3A_350 = tpu.vector_load %arg19[%get3A_347, %get3A_348, %get3A_349] {strides = array<i32>} : memref<16x6x16xf32, #tpu.memory_space<vmem>>, vector<16xf32>,
      %max3A_351 = arith.maximumf %max3A_293, %get3A_344 : vector<16xf32>
      %max3A_352 = arith.maximumf %max3A_294, %get3A_350 : vector<16xf32>
      %sub3A_353 = arith.subf %max3A_293, %max3A_351 : vector<16xf32>
      %exp3A_354 = math.exp %sub3A_353 : vector<16xf32>
      %sub3A_355 = arith.subf %get3A_344, %max3A_351 : vector<16xf32>
      %exp3A_356 = math.exp %sub3A_355 : vector<16xf32>
      %sub3A_357 = arith.subf %max3A_294, %max3A_352 : vector<16xf32>
      %exp3A_358 = math.exp %sub3A_357 : vector<16xf32>
      %sub3A_359 = arith.subf %get3A_350, %max3A_352 : vector<16xf32>
      %exp3A_360 = math.exp %sub3A_359 : vector<16xf32>
      %mul3A_361 = arith.mulf %add3A_311, %exp3A_354 : vector<16xf32>
      %get3A_362 = arith.constant 4 : i32
      %get3A_363 = arith.constant 2 : i32
      %get3A_364 = arith.index_cast %get3A_362 : i32 to index
      %get3A_365 = arith.index_cast %get3A_363 : i32 to index
      %get3A_366 = arith.constant 0 : index
      %get3A_367 = tpu.vector_load %arg19[%get3A_364, %get3A_365, %get3A_366] {strides = array<i32>} : memref<16x6x16xf32, #tpu.memory_space<vmem>>, vector<16xf32>,
      %mul3A_368 = arith.mulf %get3A_367, %exp3A_356 : vector<16xf32>
      %add3A_369 = arith.addf %mul3A_361, %mul3A_368 : vector<16xf32>
      %mul3A_370 = arith.mulf %add3A_320, %exp3A_358 : vector<16xf32>
      %get3A_371 = arith.constant 4 : i32
      %get3A_372 = arith.constant 3 : i32
      %get3A_373 = arith.index_cast %get3A_371 : i32 to index
      %get3A_374 = arith.index_cast %get3A_372 : i32 to index
      %get3A_375 = arith.constant 0 : index
      %get3A_376 = tpu.vector_load %arg19[%get3A_373, %get3A_374, %get3A_375] {strides = array<i32>} : memref<16x6x16xf32, #tpu.memory_space<vmem>>, vector<16xf32>,
      %mul3A_377 = arith.mulf %get3A_376, %exp3A_360 : vector<16xf32>
      %add3A_378 = arith.addf %mul3A_370, %mul3A_377 : vector<16xf32>
      %mul3A_379 = arith.mulf %add3A_329, %exp3A_354 : vector<16xf32>
      %get3A_380 = arith.constant 4 : i32
      %get3A_381 = arith.constant 4 : i32
      %get3A_382 = arith.index_cast %get3A_380 : i32 to index
      %get3A_383 = arith.index_cast %get3A_381 : i32 to index
      %get3A_384 = arith.constant 0 : index
      %get3A_385 = tpu.vector_load %arg19[%get3A_382, %get3A_383, %get3A_384] {strides = array<i32>} : memref<16x6x16xf32, #tpu.memory_space<vmem>>, vector<16xf32>,
      %mul3A_386 = arith.mulf %get3A_385, %exp3A_356 : vector<16xf32>
      %add3A_387 = arith.addf %mul3A_379, %mul3A_386 : vector<16xf32>
      %mul3A_388 = arith.mulf %add3A_338, %exp3A_358 : vector<16xf32>
      %get3A_389 = arith.constant 4 : i32
      %get3A_390 = arith.constant 5 : i32
      %get3A_391 = arith.index_cast %get3A_389 : i32 to index
      %get3A_392 = arith.index_cast %get3A_390 : i32 to index
      %get3A_393 = arith.constant 0 : index
      %get3A_394 = tpu.vector_load %arg19[%get3A_391, %get3A_392, %get3A_393] {strides = array<i32>} : memref<16x6x16xf32, #tpu.memory_space<vmem>>, vector<16xf32>,
      %mul3A_395 = arith.mulf %get3A_394, %exp3A_360 : vector<16xf32>
      %add3A_396 = arith.addf %mul3A_388, %mul3A_395 : vector<16xf32>
      %get3A_397 = arith.constant 5 : i32
      %get3A_398 = arith.constant 0 : i32
      %get3A_399 = arith.index_cast %get3A_397 : i32 to index
      %get3A_400 = arith.index_cast %get3A_398 : i32 to index
      %get3A_401 = arith.constant 0 : index
      %get3A_402 = tpu.vector_load %arg19[%get3A_399, %get3A_400, %get3A_401] {strides = array<i32>} : memref<16x6x16xf32, #tpu.memory_space<vmem>>, vector<16xf32>,
      %get3A_403 = arith.constant 5 : i32
      %get3A_404 = arith.constant 1 : i32
      %get3A_405 = arith.index_cast %get3A_403 : i32 to index
      %get3A_406 = arith.index_cast %get3A_404 : i32 to index
      %get3A_407 = arith.constant 0 : index
      %get3A_408 = tpu.vector_load %arg19[%get3A_405, %get3A_406, %get3A_407] {strides = array<i32>} : memref<16x6x16xf32, #tpu.memory_space<vmem>>, vector<16xf32>,
      %max3A_409 = arith.maximumf %max3A_351, %get3A_402 : vector<16xf32>
      %max3A_410 = arith.maximumf %max3A_352, %get3A_408 : vector<16xf32>
      %sub3A_411 = arith.subf %max3A_351, %max3A_409 : vector<16xf32>
      %exp3A_412 = math.exp %sub3A_411 : vector<16xf32>
      %sub3A_413 = arith.subf %get3A_402, %max3A_409 : vector<16xf32>
      %exp3A_414 = math.exp %sub3A_413 : vector<16xf32>
      %sub3A_415 = arith.subf %max3A_352, %max3A_410 : vector<16xf32>
      %exp3A_416 = math.exp %sub3A_415 : vector<16xf32>
      %sub3A_417 = arith.subf %get3A_408, %max3A_410 : vector<16xf32>
      %exp3A_418 = math.exp %sub3A_417 : vector<16xf32>
      %mul3A_419 = arith.mulf %add3A_369, %exp3A_412 : vector<16xf32>
      %get3A_420 = arith.constant 5 : i32
      %get3A_421 = arith.constant 2 : i32
      %get3A_422 = arith.index_cast %get3A_420 : i32 to index
      %get3A_423 = arith.index_cast %get3A_421 : i32 to index
      %get3A_424 = arith.constant 0 : index
      %get3A_425 = tpu.vector_load %arg19[%get3A_422, %get3A_423, %get3A_424] {strides = array<i32>} : memref<16x6x16xf32, #tpu.memory_space<vmem>>, vector<16xf32>,
      %mul3A_426 = arith.mulf %get3A_425, %exp3A_414 : vector<16xf32>
      %add3A_427 = arith.addf %mul3A_419, %mul3A_426 : vector<16xf32>
      %mul3A_428 = arith.mulf %add3A_378, %exp3A_416 : vector<16xf32>
      %get3A_429 = arith.constant 5 : i32
      %get3A_430 = arith.constant 3 : i32
      %get3A_431 = arith.index_cast %get3A_429 : i32 to index
      %get3A_432 = arith.index_cast %get3A_430 : i32 to index
      %get3A_433 = arith.constant 0 : index
      %get3A_434 = tpu.vector_load %arg19[%get3A_431, %get3A_432, %get3A_433] {strides = array<i32>} : memref<16x6x16xf32, #tpu.memory_space<vmem>>, vector<16xf32>,
      %mul3A_435 = arith.mulf %get3A_434, %exp3A_418 : vector<16xf32>
      %add3A_436 = arith.addf %mul3A_428, %mul3A_435 : vector<16xf32>
      %mul3A_437 = arith.mulf %add3A_387, %exp3A_412 : vector<16xf32>
      %get3A_438 = arith.constant 5 : i32
      %get3A_439 = arith.constant 4 : i32
      %get3A_440 = arith.index_cast %get3A_438 : i32 to index
      %get3A_441 = arith.index_cast %get3A_439 : i32 to index
      %get3A_442 = arith.constant 0 : index
      %get3A_443 = tpu.vector_load %arg19[%get3A_440, %get3A_441, %get3A_442] {strides = array<i32>} : memref<16x6x16xf32, #tpu.memory_space<vmem>>, vector<16xf32>,
      %mul3A_444 = arith.mulf %get3A_443, %exp3A_414 : vector<16xf32>
      %add3A_445 = arith.addf %mul3A_437, %mul3A_444 : vector<16xf32>
      %mul3A_446 = arith.mulf %add3A_396, %exp3A_416 : vector<16xf32>
      %get3A_447 = arith.constant 5 : i32
      %get3A_448 = arith.constant 5 : i32
      %get3A_449 = arith.index_cast %get3A_447 : i32 to index
      %get3A_450 = arith.index_cast %get3A_448 : i32 to index
      %get3A_451 = arith.constant 0 : index
      %get3A_452 = tpu.vector_load %arg19[%get3A_449, %get3A_450, %get3A_451] {strides = array<i32>} : memref<16x6x16xf32, #tpu.memory_space<vmem>>, vector<16xf32>,
      %mul3A_453 = arith.mulf %get3A_452, %exp3A_418 : vector<16xf32>
      %add3A_454 = arith.addf %mul3A_446, %mul3A_453 : vector<16xf32>
      %get3A_455 = arith.constant 6 : i32
      %get3A_456 = arith.constant 0 : i32
      %get3A_457 = arith.index_cast %get3A_455 : i32 to index
      %get3A_458 = arith.index_cast %get3A_456 : i32 to index
      %get3A_459 = arith.constant 0 : index
      %get3A_460 = tpu.vector_load %arg19[%get3A_457, %get3A_458, %get3A_459] {strides = array<i32>} : memref<16x6x16xf32, #tpu.memory_space<vmem>>, vector<16xf32>,
      %get3A_461 = arith.constant 6 : i32
      %get3A_462 = arith.constant 1 : i32
      %get3A_463 = arith.index_cast %get3A_461 : i32 to index
      %get3A_464 = arith.index_cast %get3A_462 : i32 to index
      %get3A_465 = arith.constant 0 : index
      %get3A_466 = tpu.vector_load %arg19[%get3A_463, %get3A_464, %get3A_465] {strides = array<i32>} : memref<16x6x16xf32, #tpu.memory_space<vmem>>, vector<16xf32>,
      %max3A_467 = arith.maximumf %max3A_409, %get3A_460 : vector<16xf32>
      %max3A_468 = arith.maximumf %max3A_410, %get3A_466 : vector<16xf32>
      %sub3A_469 = arith.subf %max3A_409, %max3A_467 : vector<16xf32>
      %exp3A_470 = math.exp %sub3A_469 : vector<16xf32>
      %sub3A_471 = arith.subf %get3A_460, %max3A_467 : vector<16xf32>
      %exp3A_472 = math.exp %sub3A_471 : vector<16xf32>
      %sub3A_473 = arith.subf %max3A_410, %max3A_468 : vector<16xf32>
      %exp3A_474 = math.exp %sub3A_473 : vector<16xf32>
      %sub3A_475 = arith.subf %get3A_466, %max3A_468 : vector<16xf32>
      %exp3A_476 = math.exp %sub3A_475 : vector<16xf32>
      %mul3A_477 = arith.mulf %add3A_427, %exp3A_470 : vector<16xf32>
      %get3A_478 = arith.constant 6 : i32
      %get3A_479 = arith.constant 2 : i32
      %get3A_480 = arith.index_cast %get3A_478 : i32 to index
      %get3A_481 = arith.index_cast %get3A_479 : i32 to index
      %get3A_482 = arith.constant 0 : index
      %get3A_483 = tpu.vector_load %arg19[%get3A_480, %get3A_481, %get3A_482] {strides = array<i32>} : memref<16x6x16xf32, #tpu.memory_space<vmem>>, vector<16xf32>,
      %mul3A_484 = arith.mulf %get3A_483, %exp3A_472 : vector<16xf32>
      %add3A_485 = arith.addf %mul3A_477, %mul3A_484 : vector<16xf32>
      %mul3A_486 = arith.mulf %add3A_436, %exp3A_474 : vector<16xf32>
      %get3A_487 = arith.constant 6 : i32
      %get3A_488 = arith.constant 3 : i32
      %get3A_489 = arith.index_cast %get3A_487 : i32 to index
      %get3A_490 = arith.index_cast %get3A_488 : i32 to index
      %get3A_491 = arith.constant 0 : index
      %get3A_492 = tpu.vector_load %arg19[%get3A_489, %get3A_490, %get3A_491] {strides = array<i32>} : memref<16x6x16xf32, #tpu.memory_space<vmem>>, vector<16xf32>,
      %mul3A_493 = arith.mulf %get3A_492, %exp3A_476 : vector<16xf32>
      %add3A_494 = arith.addf %mul3A_486, %mul3A_493 : vector<16xf32>
      %mul3A_495 = arith.mulf %add3A_445, %exp3A_470 : vector<16xf32>
      %get3A_496 = arith.constant 6 : i32
      %get3A_497 = arith.constant 4 : i32
      %get3A_498 = arith.index_cast %get3A_496 : i32 to index
      %get3A_499 = arith.index_cast %get3A_497 : i32 to index
      %get3A_500 = arith.constant 0 : index
      %get3A_501 = tpu.vector_load %arg19[%get3A_498, %get3A_499, %get3A_500] {strides = array<i32>} : memref<16x6x16xf32, #tpu.memory_space<vmem>>, vector<16xf32>,
      %mul3A_502 = arith.mulf %get3A_501, %exp3A_472 : vector<16xf32>
      %add3A_503 = arith.addf %mul3A_495, %mul3A_502 : vector<16xf32>
      %mul3A_504 = arith.mulf %add3A_454, %exp3A_474 : vector<16xf32>
      %get3A_505 = arith.constant 6 : i32
      %get3A_506 = arith.constant 5 : i32
      %get3A_507 = arith.index_cast %get3A_505 : i32 to index
      %get3A_508 = arith.index_cast %get3A_506 : i32 to index
      %get3A_509 = arith.constant 0 : index
      %get3A_510 = tpu.vector_load %arg19[%get3A_507, %get3A_508, %get3A_509] {strides = array<i32>} : memref<16x6x16xf32, #tpu.memory_space<vmem>>, vector<16xf32>,
      %mul3A_511 = arith.mulf %get3A_510, %exp3A_476 : vector<16xf32>
      %add3A_512 = arith.addf %mul3A_504, %mul3A_511 : vector<16xf32>
      %get3A_513 = arith.constant 7 : i32
      %get3A_514 = arith.constant 0 : i32
      %get3A_515 = arith.index_cast %get3A_513 : i32 to index
      %get3A_516 = arith.index_cast %get3A_514 : i32 to index
      %get3A_517 = arith.constant 0 : index
      %get3A_518 = tpu.vector_load %arg19[%get3A_515, %get3A_516, %get3A_517] {strides = array<i32>} : memref<16x6x16xf32, #tpu.memory_space<vmem>>, vector<16xf32>,
      %get3A_519 = arith.constant 7 : i32
      %get3A_520 = arith.constant 1 : i32
      %get3A_521 = arith.index_cast %get3A_519 : i32 to index
      %get3A_522 = arith.index_cast %get3A_520 : i32 to index
      %get3A_523 = arith.constant 0 : index
      %get3A_524 = tpu.vector_load %arg19[%get3A_521, %get3A_522, %get3A_523] {strides = array<i32>} : memref<16x6x16xf32, #tpu.memory_space<vmem>>, vector<16xf32>,
      %max3A_525 = arith.maximumf %max3A_467, %get3A_518 : vector<16xf32>
      %max3A_526 = arith.maximumf %max3A_468, %get3A_524 : vector<16xf32>
      %sub3A_527 = arith.subf %max3A_467, %max3A_525 : vector<16xf32>
      %exp3A_528 = math.exp %sub3A_527 : vector<16xf32>
      %sub3A_529 = arith.subf %get3A_518, %max3A_525 : vector<16xf32>
      %exp3A_530 = math.exp %sub3A_529 : vector<16xf32>
      %sub3A_531 = arith.subf %max3A_468, %max3A_526 : vector<16xf32>
      %exp3A_532 = math.exp %sub3A_531 : vector<16xf32>
      %sub3A_533 = arith.subf %get3A_524, %max3A_526 : vector<16xf32>
      %exp3A_534 = math.exp %sub3A_533 : vector<16xf32>
      %mul3A_535 = arith.mulf %add3A_485, %exp3A_528 : vector<16xf32>
      %get3A_536 = arith.constant 7 : i32
      %get3A_537 = arith.constant 2 : i32
      %get3A_538 = arith.index_cast %get3A_536 : i32 to index
      %get3A_539 = arith.index_cast %get3A_537 : i32 to index
      %get3A_540 = arith.constant 0 : index
      %get3A_541 = tpu.vector_load %arg19[%get3A_538, %get3A_539, %get3A_540] {strides = array<i32>} : memref<16x6x16xf32, #tpu.memory_space<vmem>>, vector<16xf32>,
      %mul3A_542 = arith.mulf %get3A_541, %exp3A_530 : vector<16xf32>
      %add3A_543 = arith.addf %mul3A_535, %mul3A_542 : vector<16xf32>
      %mul3A_544 = arith.mulf %add3A_494, %exp3A_532 : vector<16xf32>
      %get3A_545 = arith.constant 7 : i32
      %get3A_546 = arith.constant 3 : i32
      %get3A_547 = arith.index_cast %get3A_545 : i32 to index
      %get3A_548 = arith.index_cast %get3A_546 : i32 to index
      %get3A_549 = arith.constant 0 : index
      %get3A_550 = tpu.vector_load %arg19[%get3A_547, %get3A_548, %get3A_549] {strides = array<i32>} : memref<16x6x16xf32, #tpu.memory_space<vmem>>, vector<16xf32>,
      %mul3A_551 = arith.mulf %get3A_550, %exp3A_534 : vector<16xf32>
      %add3A_552 = arith.addf %mul3A_544, %mul3A_551 : vector<16xf32>
      %mul3A_553 = arith.mulf %add3A_503, %exp3A_528 : vector<16xf32>
      %get3A_554 = arith.constant 7 : i32
      %get3A_555 = arith.constant 4 : i32
      %get3A_556 = arith.index_cast %get3A_554 : i32 to index
      %get3A_557 = arith.index_cast %get3A_555 : i32 to index
      %get3A_558 = arith.constant 0 : index
      %get3A_559 = tpu.vector_load %arg19[%get3A_556, %get3A_557, %get3A_558] {strides = array<i32>} : memref<16x6x16xf32, #tpu.memory_space<vmem>>, vector<16xf32>,
      %mul3A_560 = arith.mulf %get3A_559, %exp3A_530 : vector<16xf32>
      %add3A_561 = arith.addf %mul3A_553, %mul3A_560 : vector<16xf32>
      %mul3A_562 = arith.mulf %add3A_512, %exp3A_532 : vector<16xf32>
      %get3A_563 = arith.constant 7 : i32
      %get3A_564 = arith.constant 5 : i32
      %get3A_565 = arith.index_cast %get3A_563 : i32 to index
      %get3A_566 = arith.index_cast %get3A_564 : i32 to index
      %get3A_567 = arith.constant 0 : index
      %get3A_568 = tpu.vector_load %arg19[%get3A_565, %get3A_566, %get3A_567] {strides = array<i32>} : memref<16x6x16xf32, #tpu.memory_space<vmem>>, vector<16xf32>,
      %mul3A_569 = arith.mulf %get3A_568, %exp3A_534 : vector<16xf32>
      %add3A_570 = arith.addf %mul3A_562, %mul3A_569 : vector<16xf32>
      %get3A_571 = arith.constant 8 : i32
      %get3A_572 = arith.constant 0 : i32
      %get3A_573 = arith.index_cast %get3A_571 : i32 to index
      %get3A_574 = arith.index_cast %get3A_572 : i32 to index
      %get3A_575 = arith.constant 0 : index
      %get3A_576 = tpu.vector_load %arg19[%get3A_573, %get3A_574, %get3A_575] {strides = array<i32>} : memref<16x6x16xf32, #tpu.memory_space<vmem>>, vector<16xf32>,
      %get3A_577 = arith.constant 8 : i32
      %get3A_578 = arith.constant 1 : i32
      %get3A_579 = arith.index_cast %get3A_577 : i32 to index
      %get3A_580 = arith.index_cast %get3A_578 : i32 to index
      %get3A_581 = arith.constant 0 : index
      %get3A_582 = tpu.vector_load %arg19[%get3A_579, %get3A_580, %get3A_581] {strides = array<i32>} : memref<16x6x16xf32, #tpu.memory_space<vmem>>, vector<16xf32>,
      %max3A_583 = arith.maximumf %max3A_525, %get3A_576 : vector<16xf32>
      %max3A_584 = arith.maximumf %max3A_526, %get3A_582 : vector<16xf32>
      %sub3A_585 = arith.subf %max3A_525, %max3A_583 : vector<16xf32>
      %exp3A_586 = math.exp %sub3A_585 : vector<16xf32>
      %sub3A_587 = arith.subf %get3A_576, %max3A_583 : vector<16xf32>
      %exp3A_588 = math.exp %sub3A_587 : vector<16xf32>
      %sub3A_589 = arith.subf %max3A_526, %max3A_584 : vector<16xf32>
      %exp3A_590 = math.exp %sub3A_589 : vector<16xf32>
      %sub3A_591 = arith.subf %get3A_582, %max3A_584 : vector<16xf32>
      %exp3A_592 = math.exp %sub3A_591 : vector<16xf32>
      %mul3A_593 = arith.mulf %add3A_543, %exp3A_586 : vector<16xf32>
      %get3A_594 = arith.constant 8 : i32
      %get3A_595 = arith.constant 2 : i32
      %get3A_596 = arith.index_cast %get3A_594 : i32 to index
      %get3A_597 = arith.index_cast %get3A_595 : i32 to index
      %get3A_598 = arith.constant 0 : index
      %get3A_599 = tpu.vector_load %arg19[%get3A_596, %get3A_597, %get3A_598] {strides = array<i32>} : memref<16x6x16xf32, #tpu.memory_space<vmem>>, vector<16xf32>,
      %mul3A_600 = arith.mulf %get3A_599, %exp3A_588 : vector<16xf32>
      %add3A_601 = arith.addf %mul3A_593, %mul3A_600 : vector<16xf32>
      %mul3A_602 = arith.mulf %add3A_552, %exp3A_590 : vector<16xf32>
      %get3A_603 = arith.constant 8 : i32
      %get3A_604 = arith.constant 3 : i32
      %get3A_605 = arith.index_cast %get3A_603 : i32 to index
      %get3A_606 = arith.index_cast %get3A_604 : i32 to index
      %get3A_607 = arith.constant 0 : index
      %get3A_608 = tpu.vector_load %arg19[%get3A_605, %get3A_606, %get3A_607] {strides = array<i32>} : memref<16x6x16xf32, #tpu.memory_space<vmem>>, vector<16xf32>,
      %mul3A_609 = arith.mulf %get3A_608, %exp3A_592 : vector<16xf32>
      %add3A_610 = arith.addf %mul3A_602, %mul3A_609 : vector<16xf32>
      %mul3A_611 = arith.mulf %add3A_561, %exp3A_586 : vector<16xf32>
      %get3A_612 = arith.constant 8 : i32
      %get3A_613 = arith.constant 4 : i32
      %get3A_614 = arith.index_cast %get3A_612 : i32 to index
      %get3A_615 = arith.index_cast %get3A_613 : i32 to index
      %get3A_616 = arith.constant 0 : index
      %get3A_617 = tpu.vector_load %arg19[%get3A_614, %get3A_615, %get3A_616] {strides = array<i32>} : memref<16x6x16xf32, #tpu.memory_space<vmem>>, vector<16xf32>,
      %mul3A_618 = arith.mulf %get3A_617, %exp3A_588 : vector<16xf32>
      %add3A_619 = arith.addf %mul3A_611, %mul3A_618 : vector<16xf32>
      %mul3A_620 = arith.mulf %add3A_570, %exp3A_590 : vector<16xf32>
      %get3A_621 = arith.constant 8 : i32
      %get3A_622 = arith.constant 5 : i32
      %get3A_623 = arith.index_cast %get3A_621 : i32 to index
      %get3A_624 = arith.index_cast %get3A_622 : i32 to index
      %get3A_625 = arith.constant 0 : index
      %get3A_626 = tpu.vector_load %arg19[%get3A_623, %get3A_624, %get3A_625] {strides = array<i32>} : memref<16x6x16xf32, #tpu.memory_space<vmem>>, vector<16xf32>,
      %mul3A_627 = arith.mulf %get3A_626, %exp3A_592 : vector<16xf32>
      %add3A_628 = arith.addf %mul3A_620, %mul3A_627 : vector<16xf32>
      %get3A_629 = arith.constant 9 : i32
      %get3A_630 = arith.constant 0 : i32
      %get3A_631 = arith.index_cast %get3A_629 : i32 to index
      %get3A_632 = arith.index_cast %get3A_630 : i32 to index
      %get3A_633 = arith.constant 0 : index
      %get3A_634 = tpu.vector_load %arg19[%get3A_631, %get3A_632, %get3A_633] {strides = array<i32>} : memref<16x6x16xf32, #tpu.memory_space<vmem>>, vector<16xf32>,
      %get3A_635 = arith.constant 9 : i32
      %get3A_636 = arith.constant 1 : i32
      %get3A_637 = arith.index_cast %get3A_635 : i32 to index
      %get3A_638 = arith.index_cast %get3A_636 : i32 to index
      %get3A_639 = arith.constant 0 : index
      %get3A_640 = tpu.vector_load %arg19[%get3A_637, %get3A_638, %get3A_639] {strides = array<i32>} : memref<16x6x16xf32, #tpu.memory_space<vmem>>, vector<16xf32>,
      %max3A_641 = arith.maximumf %max3A_583, %get3A_634 : vector<16xf32>
      %max3A_642 = arith.maximumf %max3A_584, %get3A_640 : vector<16xf32>
      %sub3A_643 = arith.subf %max3A_583, %max3A_641 : vector<16xf32>
      %exp3A_644 = math.exp %sub3A_643 : vector<16xf32>
      %sub3A_645 = arith.subf %get3A_634, %max3A_641 : vector<16xf32>
      %exp3A_646 = math.exp %sub3A_645 : vector<16xf32>
      %sub3A_647 = arith.subf %max3A_584, %max3A_642 : vector<16xf32>
      %exp3A_648 = math.exp %sub3A_647 : vector<16xf32>
      %sub3A_649 = arith.subf %get3A_640, %max3A_642 : vector<16xf32>
      %exp3A_650 = math.exp %sub3A_649 : vector<16xf32>
      %mul3A_651 = arith.mulf %add3A_601, %exp3A_644 : vector<16xf32>
      %get3A_652 = arith.constant 9 : i32
      %get3A_653 = arith.constant 2 : i32
      %get3A_654 = arith.index_cast %get3A_652 : i32 to index
      %get3A_655 = arith.index_cast %get3A_653 : i32 to index
      %get3A_656 = arith.constant 0 : index
      %get3A_657 = tpu.vector_load %arg19[%get3A_654, %get3A_655, %get3A_656] {strides = array<i32>} : memref<16x6x16xf32, #tpu.memory_space<vmem>>, vector<16xf32>,
      %mul3A_658 = arith.mulf %get3A_657, %exp3A_646 : vector<16xf32>
      %add3A_659 = arith.addf %mul3A_651, %mul3A_658 : vector<16xf32>
      %mul3A_660 = arith.mulf %add3A_610, %exp3A_648 : vector<16xf32>
      %get3A_661 = arith.constant 9 : i32
      %get3A_662 = arith.constant 3 : i32
      %get3A_663 = arith.index_cast %get3A_661 : i32 to index
      %get3A_664 = arith.index_cast %get3A_662 : i32 to index
      %get3A_665 = arith.constant 0 : index
      %get3A_666 = tpu.vector_load %arg19[%get3A_663, %get3A_664, %get3A_665] {strides = array<i32>} : memref<16x6x16xf32, #tpu.memory_space<vmem>>, vector<16xf32>,
      %mul3A_667 = arith.mulf %get3A_666, %exp3A_650 : vector<16xf32>
      %add3A_668 = arith.addf %mul3A_660, %mul3A_667 : vector<16xf32>
      %mul3A_669 = arith.mulf %add3A_619, %exp3A_644 : vector<16xf32>
      %get3A_670 = arith.constant 9 : i32
      %get3A_671 = arith.constant 4 : i32
      %get3A_672 = arith.index_cast %get3A_670 : i32 to index
      %get3A_673 = arith.index_cast %get3A_671 : i32 to index
      %get3A_674 = arith.constant 0 : index
      %get3A_675 = tpu.vector_load %arg19[%get3A_672, %get3A_673, %get3A_674] {strides = array<i32>} : memref<16x6x16xf32, #tpu.memory_space<vmem>>, vector<16xf32>,
      %mul3A_676 = arith.mulf %get3A_675, %exp3A_646 : vector<16xf32>
      %add3A_677 = arith.addf %mul3A_669, %mul3A_676 : vector<16xf32>
      %mul3A_678 = arith.mulf %add3A_628, %exp3A_648 : vector<16xf32>
      %get3A_679 = arith.constant 9 : i32
      %get3A_680 = arith.constant 5 : i32
      %get3A_681 = arith.index_cast %get3A_679 : i32 to index
      %get3A_682 = arith.index_cast %get3A_680 : i32 to index
      %get3A_683 = arith.constant 0 : index
      %get3A_684 = tpu.vector_load %arg19[%get3A_681, %get3A_682, %get3A_683] {strides = array<i32>} : memref<16x6x16xf32, #tpu.memory_space<vmem>>, vector<16xf32>,
      %mul3A_685 = arith.mulf %get3A_684, %exp3A_650 : vector<16xf32>
      %add3A_686 = arith.addf %mul3A_678, %mul3A_685 : vector<16xf32>
      %get3A_687 = arith.constant 10 : i32
      %get3A_688 = arith.constant 0 : i32
      %get3A_689 = arith.index_cast %get3A_687 : i32 to index
      %get3A_690 = arith.index_cast %get3A_688 : i32 to index
      %get3A_691 = arith.constant 0 : index
      %get3A_692 = tpu.vector_load %arg19[%get3A_689, %get3A_690, %get3A_691] {strides = array<i32>} : memref<16x6x16xf32, #tpu.memory_space<vmem>>, vector<16xf32>,
      %get3A_693 = arith.constant 10 : i32
      %get3A_694 = arith.constant 1 : i32
      %get3A_695 = arith.index_cast %get3A_693 : i32 to index
      %get3A_696 = arith.index_cast %get3A_694 : i32 to index
      %get3A_697 = arith.constant 0 : index
      %get3A_698 = tpu.vector_load %arg19[%get3A_695, %get3A_696, %get3A_697] {strides = array<i32>} : memref<16x6x16xf32, #tpu.memory_space<vmem>>, vector<16xf32>,
      %max3A_699 = arith.maximumf %max3A_641, %get3A_692 : vector<16xf32>
      %max3A_700 = arith.maximumf %max3A_642, %get3A_698 : vector<16xf32>
      %sub3A_701 = arith.subf %max3A_641, %max3A_699 : vector<16xf32>
      %exp3A_702 = math.exp %sub3A_701 : vector<16xf32>
      %sub3A_703 = arith.subf %get3A_692, %max3A_699 : vector<16xf32>
      %exp3A_704 = math.exp %sub3A_703 : vector<16xf32>
      %sub3A_705 = arith.subf %max3A_642, %max3A_700 : vector<16xf32>
      %exp3A_706 = math.exp %sub3A_705 : vector<16xf32>
      %sub3A_707 = arith.subf %get3A_698, %max3A_700 : vector<16xf32>
      %exp3A_708 = math.exp %sub3A_707 : vector<16xf32>
      %mul3A_709 = arith.mulf %add3A_659, %exp3A_702 : vector<16xf32>
      %get3A_710 = arith.constant 10 : i32
      %get3A_711 = arith.constant 2 : i32
      %get3A_712 = arith.index_cast %get3A_710 : i32 to index
      %get3A_713 = arith.index_cast %get3A_711 : i32 to index
      %get3A_714 = arith.constant 0 : index
      %get3A_715 = tpu.vector_load %arg19[%get3A_712, %get3A_713, %get3A_714] {strides = array<i32>} : memref<16x6x16xf32, #tpu.memory_space<vmem>>, vector<16xf32>,
      %mul3A_716 = arith.mulf %get3A_715, %exp3A_704 : vector<16xf32>
      %add3A_717 = arith.addf %mul3A_709, %mul3A_716 : vector<16xf32>
      %mul3A_718 = arith.mulf %add3A_668, %exp3A_706 : vector<16xf32>
      %get3A_719 = arith.constant 10 : i32
      %get3A_720 = arith.constant 3 : i32
      %get3A_721 = arith.index_cast %get3A_719 : i32 to index
      %get3A_722 = arith.index_cast %get3A_720 : i32 to index
      %get3A_723 = arith.constant 0 : index
      %get3A_724 = tpu.vector_load %arg19[%get3A_721, %get3A_722, %get3A_723] {strides = array<i32>} : memref<16x6x16xf32, #tpu.memory_space<vmem>>, vector<16xf32>,
      %mul3A_725 = arith.mulf %get3A_724, %exp3A_708 : vector<16xf32>
      %add3A_726 = arith.addf %mul3A_718, %mul3A_725 : vector<16xf32>
      %mul3A_727 = arith.mulf %add3A_677, %exp3A_702 : vector<16xf32>
      %get3A_728 = arith.constant 10 : i32
      %get3A_729 = arith.constant 4 : i32
      %get3A_730 = arith.index_cast %get3A_728 : i32 to index
      %get3A_731 = arith.index_cast %get3A_729 : i32 to index
      %get3A_732 = arith.constant 0 : index
      %get3A_733 = tpu.vector_load %arg19[%get3A_730, %get3A_731, %get3A_732] {strides = array<i32>} : memref<16x6x16xf32, #tpu.memory_space<vmem>>, vector<16xf32>,
      %mul3A_734 = arith.mulf %get3A_733, %exp3A_704 : vector<16xf32>
      %add3A_735 = arith.addf %mul3A_727, %mul3A_734 : vector<16xf32>
      %mul3A_736 = arith.mulf %add3A_686, %exp3A_706 : vector<16xf32>
      %get3A_737 = arith.constant 10 : i32
      %get3A_738 = arith.constant 5 : i32
      %get3A_739 = arith.index_cast %get3A_737 : i32 to index
      %get3A_740 = arith.index_cast %get3A_738 : i32 to index
      %get3A_741 = arith.constant 0 : index
      %get3A_742 = tpu.vector_load %arg19[%get3A_739, %get3A_740, %get3A_741] {strides = array<i32>} : memref<16x6x16xf32, #tpu.memory_space<vmem>>, vector<16xf32>,
      %mul3A_743 = arith.mulf %get3A_742, %exp3A_708 : vector<16xf32>
      %add3A_744 = arith.addf %mul3A_736, %mul3A_743 : vector<16xf32>
      %get3A_745 = arith.constant 11 : i32
      %get3A_746 = arith.constant 0 : i32
      %get3A_747 = arith.index_cast %get3A_745 : i32 to index
      %get3A_748 = arith.index_cast %get3A_746 : i32 to index
      %get3A_749 = arith.constant 0 : index
      %get3A_750 = tpu.vector_load %arg19[%get3A_747, %get3A_748, %get3A_749] {strides = array<i32>} : memref<16x6x16xf32, #tpu.memory_space<vmem>>, vector<16xf32>,
      %get3A_751 = arith.constant 11 : i32
      %get3A_752 = arith.constant 1 : i32
      %get3A_753 = arith.index_cast %get3A_751 : i32 to index
      %get3A_754 = arith.index_cast %get3A_752 : i32 to index
      %get3A_755 = arith.constant 0 : index
      %get3A_756 = tpu.vector_load %arg19[%get3A_753, %get3A_754, %get3A_755] {strides = array<i32>} : memref<16x6x16xf32, #tpu.memory_space<vmem>>, vector<16xf32>,
      %max3A_757 = arith.maximumf %max3A_699, %get3A_750 : vector<16xf32>
      %max3A_758 = arith.maximumf %max3A_700, %get3A_756 : vector<16xf32>
      %sub3A_759 = arith.subf %max3A_699, %max3A_757 : vector<16xf32>
      %exp3A_760 = math.exp %sub3A_759 : vector<16xf32>
      %sub3A_761 = arith.subf %get3A_750, %max3A_757 : vector<16xf32>
      %exp3A_762 = math.exp %sub3A_761 : vector<16xf32>
      %sub3A_763 = arith.subf %max3A_700, %max3A_758 : vector<16xf32>
      %exp3A_764 = math.exp %sub3A_763 : vector<16xf32>
      %sub3A_765 = arith.subf %get3A_756, %max3A_758 : vector<16xf32>
      %exp3A_766 = math.exp %sub3A_765 : vector<16xf32>
      %mul3A_767 = arith.mulf %add3A_717, %exp3A_760 : vector<16xf32>
      %get3A_768 = arith.constant 11 : i32
      %get3A_769 = arith.constant 2 : i32
      %get3A_770 = arith.index_cast %get3A_768 : i32 to index
      %get3A_771 = arith.index_cast %get3A_769 : i32 to index
      %get3A_772 = arith.constant 0 : index
      %get3A_773 = tpu.vector_load %arg19[%get3A_770, %get3A_771, %get3A_772] {strides = array<i32>} : memref<16x6x16xf32, #tpu.memory_space<vmem>>, vector<16xf32>,
      %mul3A_774 = arith.mulf %get3A_773, %exp3A_762 : vector<16xf32>
      %add3A_775 = arith.addf %mul3A_767, %mul3A_774 : vector<16xf32>
      %mul3A_776 = arith.mulf %add3A_726, %exp3A_764 : vector<16xf32>
      %get3A_777 = arith.constant 11 : i32
      %get3A_778 = arith.constant 3 : i32
      %get3A_779 = arith.index_cast %get3A_777 : i32 to index
      %get3A_780 = arith.index_cast %get3A_778 : i32 to index
      %get3A_781 = arith.constant 0 : index
      %get3A_782 = tpu.vector_load %arg19[%get3A_779, %get3A_780, %get3A_781] {strides = array<i32>} : memref<16x6x16xf32, #tpu.memory_space<vmem>>, vector<16xf32>,
      %mul3A_783 = arith.mulf %get3A_782, %exp3A_766 : vector<16xf32>
      %add3A_784 = arith.addf %mul3A_776, %mul3A_783 : vector<16xf32>
      %mul3A_785 = arith.mulf %add3A_735, %exp3A_760 : vector<16xf32>
      %get3A_786 = arith.constant 11 : i32
      %get3A_787 = arith.constant 4 : i32
      %get3A_788 = arith.index_cast %get3A_786 : i32 to index
      %get3A_789 = arith.index_cast %get3A_787 : i32 to index
      %get3A_790 = arith.constant 0 : index
      %get3A_791 = tpu.vector_load %arg19[%get3A_788, %get3A_789, %get3A_790] {strides = array<i32>} : memref<16x6x16xf32, #tpu.memory_space<vmem>>, vector<16xf32>,
      %mul3A_792 = arith.mulf %get3A_791, %exp3A_762 : vector<16xf32>
      %add3A_793 = arith.addf %mul3A_785, %mul3A_792 : vector<16xf32>
      %mul3A_794 = arith.mulf %add3A_744, %exp3A_764 : vector<16xf32>
      %get3A_795 = arith.constant 11 : i32
      %get3A_796 = arith.constant 5 : i32
      %get3A_797 = arith.index_cast %get3A_795 : i32 to index
      %get3A_798 = arith.index_cast %get3A_796 : i32 to index
      %get3A_799 = arith.constant 0 : index
      %get3A_800 = tpu.vector_load %arg19[%get3A_797, %get3A_798, %get3A_799] {strides = array<i32>} : memref<16x6x16xf32, #tpu.memory_space<vmem>>, vector<16xf32>,
      %mul3A_801 = arith.mulf %get3A_800, %exp3A_766 : vector<16xf32>
      %add3A_802 = arith.addf %mul3A_794, %mul3A_801 : vector<16xf32>
      %get3A_803 = arith.constant 12 : i32
      %get3A_804 = arith.constant 0 : i32
      %get3A_805 = arith.index_cast %get3A_803 : i32 to index
      %get3A_806 = arith.index_cast %get3A_804 : i32 to index
      %get3A_807 = arith.constant 0 : index
      %get3A_808 = tpu.vector_load %arg19[%get3A_805, %get3A_806, %get3A_807] {strides = array<i32>} : memref<16x6x16xf32, #tpu.memory_space<vmem>>, vector<16xf32>,
      %get3A_809 = arith.constant 12 : i32
      %get3A_810 = arith.constant 1 : i32
      %get3A_811 = arith.index_cast %get3A_809 : i32 to index
      %get3A_812 = arith.index_cast %get3A_810 : i32 to index
      %get3A_813 = arith.constant 0 : index
      %get3A_814 = tpu.vector_load %arg19[%get3A_811, %get3A_812, %get3A_813] {strides = array<i32>} : memref<16x6x16xf32, #tpu.memory_space<vmem>>, vector<16xf32>,
      %max3A_815 = arith.maximumf %max3A_757, %get3A_808 : vector<16xf32>
      %max3A_816 = arith.maximumf %max3A_758, %get3A_814 : vector<16xf32>
      %sub3A_817 = arith.subf %max3A_757, %max3A_815 : vector<16xf32>
      %exp3A_818 = math.exp %sub3A_817 : vector<16xf32>
      %sub3A_819 = arith.subf %get3A_808, %max3A_815 : vector<16xf32>
      %exp3A_820 = math.exp %sub3A_819 : vector<16xf32>
      %sub3A_821 = arith.subf %max3A_758, %max3A_816 : vector<16xf32>
      %exp3A_822 = math.exp %sub3A_821 : vector<16xf32>
      %sub3A_823 = arith.subf %get3A_814, %max3A_816 : vector<16xf32>
      %exp3A_824 = math.exp %sub3A_823 : vector<16xf32>
      %mul3A_825 = arith.mulf %add3A_775, %exp3A_818 : vector<16xf32>
      %get3A_826 = arith.constant 12 : i32
      %get3A_827 = arith.constant 2 : i32
      %get3A_828 = arith.index_cast %get3A_826 : i32 to index
      %get3A_829 = arith.index_cast %get3A_827 : i32 to index
      %get3A_830 = arith.constant 0 : index
      %get3A_831 = tpu.vector_load %arg19[%get3A_828, %get3A_829, %get3A_830] {strides = array<i32>} : memref<16x6x16xf32, #tpu.memory_space<vmem>>, vector<16xf32>,
      %mul3A_832 = arith.mulf %get3A_831, %exp3A_820 : vector<16xf32>
      %add3A_833 = arith.addf %mul3A_825, %mul3A_832 : vector<16xf32>
      %mul3A_834 = arith.mulf %add3A_784, %exp3A_822 : vector<16xf32>
      %get3A_835 = arith.constant 12 : i32
      %get3A_836 = arith.constant 3 : i32
      %get3A_837 = arith.index_cast %get3A_835 : i32 to index
      %get3A_838 = arith.index_cast %get3A_836 : i32 to index
      %get3A_839 = arith.constant 0 : index
      %get3A_840 = tpu.vector_load %arg19[%get3A_837, %get3A_838, %get3A_839] {strides = array<i32>} : memref<16x6x16xf32, #tpu.memory_space<vmem>>, vector<16xf32>,
      %mul3A_841 = arith.mulf %get3A_840, %exp3A_824 : vector<16xf32>
      %add3A_842 = arith.addf %mul3A_834, %mul3A_841 : vector<16xf32>
      %mul3A_843 = arith.mulf %add3A_793, %exp3A_818 : vector<16xf32>
      %get3A_844 = arith.constant 12 : i32
      %get3A_845 = arith.constant 4 : i32
      %get3A_846 = arith.index_cast %get3A_844 : i32 to index
      %get3A_847 = arith.index_cast %get3A_845 : i32 to index
      %get3A_848 = arith.constant 0 : index
      %get3A_849 = tpu.vector_load %arg19[%get3A_846, %get3A_847, %get3A_848] {strides = array<i32>} : memref<16x6x16xf32, #tpu.memory_space<vmem>>, vector<16xf32>,
      %mul3A_850 = arith.mulf %get3A_849, %exp3A_820 : vector<16xf32>
      %add3A_851 = arith.addf %mul3A_843, %mul3A_850 : vector<16xf32>
      %mul3A_852 = arith.mulf %add3A_802, %exp3A_822 : vector<16xf32>
      %get3A_853 = arith.constant 12 : i32
      %get3A_854 = arith.constant 5 : i32
      %get3A_855 = arith.index_cast %get3A_853 : i32 to index
      %get3A_856 = arith.index_cast %get3A_854 : i32 to index
      %get3A_857 = arith.constant 0 : index
      %get3A_858 = tpu.vector_load %arg19[%get3A_855, %get3A_856, %get3A_857] {strides = array<i32>} : memref<16x6x16xf32, #tpu.memory_space<vmem>>, vector<16xf32>,
      %mul3A_859 = arith.mulf %get3A_858, %exp3A_824 : vector<16xf32>
      %add3A_860 = arith.addf %mul3A_852, %mul3A_859 : vector<16xf32>
      %get3A_861 = arith.constant 13 : i32
      %get3A_862 = arith.constant 0 : i32
      %get3A_863 = arith.index_cast %get3A_861 : i32 to index
      %get3A_864 = arith.index_cast %get3A_862 : i32 to index
      %get3A_865 = arith.constant 0 : index
      %get3A_866 = tpu.vector_load %arg19[%get3A_863, %get3A_864, %get3A_865] {strides = array<i32>} : memref<16x6x16xf32, #tpu.memory_space<vmem>>, vector<16xf32>,
      %get3A_867 = arith.constant 13 : i32
      %get3A_868 = arith.constant 1 : i32
      %get3A_869 = arith.index_cast %get3A_867 : i32 to index
      %get3A_870 = arith.index_cast %get3A_868 : i32 to index
      %get3A_871 = arith.constant 0 : index
      %get3A_872 = tpu.vector_load %arg19[%get3A_869, %get3A_870, %get3A_871] {strides = array<i32>} : memref<16x6x16xf32, #tpu.memory_space<vmem>>, vector<16xf32>,
      %max3A_873 = arith.maximumf %max3A_815, %get3A_866 : vector<16xf32>
      %max3A_874 = arith.maximumf %max3A_816, %get3A_872 : vector<16xf32>
      %sub3A_875 = arith.subf %max3A_815, %max3A_873 : vector<16xf32>
      %exp3A_876 = math.exp %sub3A_875 : vector<16xf32>
      %sub3A_877 = arith.subf %get3A_866, %max3A_873 : vector<16xf32>
      %exp3A_878 = math.exp %sub3A_877 : vector<16xf32>
      %sub3A_879 = arith.subf %max3A_816, %max3A_874 : vector<16xf32>
      %exp3A_880 = math.exp %sub3A_879 : vector<16xf32>
      %sub3A_881 = arith.subf %get3A_872, %max3A_874 : vector<16xf32>
      %exp3A_882 = math.exp %sub3A_881 : vector<16xf32>
      %mul3A_883 = arith.mulf %add3A_833, %exp3A_876 : vector<16xf32>
      %get3A_884 = arith.constant 13 : i32
      %get3A_885 = arith.constant 2 : i32
      %get3A_886 = arith.index_cast %get3A_884 : i32 to index
      %get3A_887 = arith.index_cast %get3A_885 : i32 to index
      %get3A_888 = arith.constant 0 : index
      %get3A_889 = tpu.vector_load %arg19[%get3A_886, %get3A_887, %get3A_888] {strides = array<i32>} : memref<16x6x16xf32, #tpu.memory_space<vmem>>, vector<16xf32>,
      %mul3A_890 = arith.mulf %get3A_889, %exp3A_878 : vector<16xf32>
      %add3A_891 = arith.addf %mul3A_883, %mul3A_890 : vector<16xf32>
      %mul3A_892 = arith.mulf %add3A_842, %exp3A_880 : vector<16xf32>
      %get3A_893 = arith.constant 13 : i32
      %get3A_894 = arith.constant 3 : i32
      %get3A_895 = arith.index_cast %get3A_893 : i32 to index
      %get3A_896 = arith.index_cast %get3A_894 : i32 to index
      %get3A_897 = arith.constant 0 : index
      %get3A_898 = tpu.vector_load %arg19[%get3A_895, %get3A_896, %get3A_897] {strides = array<i32>} : memref<16x6x16xf32, #tpu.memory_space<vmem>>, vector<16xf32>,
      %mul3A_899 = arith.mulf %get3A_898, %exp3A_882 : vector<16xf32>
      %add3A_900 = arith.addf %mul3A_892, %mul3A_899 : vector<16xf32>
      %mul3A_901 = arith.mulf %add3A_851, %exp3A_876 : vector<16xf32>
      %get3A_902 = arith.constant 13 : i32
      %get3A_903 = arith.constant 4 : i32
      %get3A_904 = arith.index_cast %get3A_902 : i32 to index
      %get3A_905 = arith.index_cast %get3A_903 : i32 to index
      %get3A_906 = arith.constant 0 : index
      %get3A_907 = tpu.vector_load %arg19[%get3A_904, %get3A_905, %get3A_906] {strides = array<i32>} : memref<16x6x16xf32, #tpu.memory_space<vmem>>, vector<16xf32>,
      %mul3A_908 = arith.mulf %get3A_907, %exp3A_878 : vector<16xf32>
      %add3A_909 = arith.addf %mul3A_901, %mul3A_908 : vector<16xf32>
      %mul3A_910 = arith.mulf %add3A_860, %exp3A_880 : vector<16xf32>
      %get3A_911 = arith.constant 13 : i32
      %get3A_912 = arith.constant 5 : i32
      %get3A_913 = arith.index_cast %get3A_911 : i32 to index
      %get3A_914 = arith.index_cast %get3A_912 : i32 to index
      %get3A_915 = arith.constant 0 : index
      %get3A_916 = tpu.vector_load %arg19[%get3A_913, %get3A_914, %get3A_915] {strides = array<i32>} : memref<16x6x16xf32, #tpu.memory_space<vmem>>, vector<16xf32>,
      %mul3A_917 = arith.mulf %get3A_916, %exp3A_882 : vector<16xf32>
      %add3A_918 = arith.addf %mul3A_910, %mul3A_917 : vector<16xf32>
      %get3A_919 = arith.constant 14 : i32
      %get3A_920 = arith.constant 0 : i32
      %get3A_921 = arith.index_cast %get3A_919 : i32 to index
      %get3A_922 = arith.index_cast %get3A_920 : i32 to index
      %get3A_923 = arith.constant 0 : index
      %get3A_924 = tpu.vector_load %arg19[%get3A_921, %get3A_922, %get3A_923] {strides = array<i32>} : memref<16x6x16xf32, #tpu.memory_space<vmem>>, vector<16xf32>,
      %get3A_925 = arith.constant 14 : i32
      %get3A_926 = arith.constant 1 : i32
      %get3A_927 = arith.index_cast %get3A_925 : i32 to index
      %get3A_928 = arith.index_cast %get3A_926 : i32 to index
      %get3A_929 = arith.constant 0 : index
      %get3A_930 = tpu.vector_load %arg19[%get3A_927, %get3A_928, %get3A_929] {strides = array<i32>} : memref<16x6x16xf32, #tpu.memory_space<vmem>>, vector<16xf32>,
      %max3A_931 = arith.maximumf %max3A_873, %get3A_924 : vector<16xf32>
      %max3A_932 = arith.maximumf %max3A_874, %get3A_930 : vector<16xf32>
      %sub3A_933 = arith.subf %max3A_873, %max3A_931 : vector<16xf32>
      %exp3A_934 = math.exp %sub3A_933 : vector<16xf32>
      %sub3A_935 = arith.subf %get3A_924, %max3A_931 : vector<16xf32>
      %exp3A_936 = math.exp %sub3A_935 : vector<16xf32>
      %sub3A_937 = arith.subf %max3A_874, %max3A_932 : vector<16xf32>
      %exp3A_938 = math.exp %sub3A_937 : vector<16xf32>
      %sub3A_939 = arith.subf %get3A_930, %max3A_932 : vector<16xf32>
      %exp3A_940 = math.exp %sub3A_939 : vector<16xf32>
      %mul3A_941 = arith.mulf %add3A_891, %exp3A_934 : vector<16xf32>
      %get3A_942 = arith.constant 14 : i32
      %get3A_943 = arith.constant 2 : i32
      %get3A_944 = arith.index_cast %get3A_942 : i32 to index
      %get3A_945 = arith.index_cast %get3A_943 : i32 to index
      %get3A_946 = arith.constant 0 : index
      %get3A_947 = tpu.vector_load %arg19[%get3A_944, %get3A_945, %get3A_946] {strides = array<i32>} : memref<16x6x16xf32, #tpu.memory_space<vmem>>, vector<16xf32>,
      %mul3A_948 = arith.mulf %get3A_947, %exp3A_936 : vector<16xf32>
      %add3A_949 = arith.addf %mul3A_941, %mul3A_948 : vector<16xf32>
      %mul3A_950 = arith.mulf %add3A_900, %exp3A_938 : vector<16xf32>
      %get3A_951 = arith.constant 14 : i32
      %get3A_952 = arith.constant 3 : i32
      %get3A_953 = arith.index_cast %get3A_951 : i32 to index
      %get3A_954 = arith.index_cast %get3A_952 : i32 to index
      %get3A_955 = arith.constant 0 : index
      %get3A_956 = tpu.vector_load %arg19[%get3A_953, %get3A_954, %get3A_955] {strides = array<i32>} : memref<16x6x16xf32, #tpu.memory_space<vmem>>, vector<16xf32>,
      %mul3A_957 = arith.mulf %get3A_956, %exp3A_940 : vector<16xf32>
      %add3A_958 = arith.addf %mul3A_950, %mul3A_957 : vector<16xf32>
      %mul3A_959 = arith.mulf %add3A_909, %exp3A_934 : vector<16xf32>
      %get3A_960 = arith.constant 14 : i32
      %get3A_961 = arith.constant 4 : i32
      %get3A_962 = arith.index_cast %get3A_960 : i32 to index
      %get3A_963 = arith.index_cast %get3A_961 : i32 to index
      %get3A_964 = arith.constant 0 : index
      %get3A_965 = tpu.vector_load %arg19[%get3A_962, %get3A_963, %get3A_964] {strides = array<i32>} : memref<16x6x16xf32, #tpu.memory_space<vmem>>, vector<16xf32>,
      %mul3A_966 = arith.mulf %get3A_965, %exp3A_936 : vector<16xf32>
      %add3A_967 = arith.addf %mul3A_959, %mul3A_966 : vector<16xf32>
      %mul3A_968 = arith.mulf %add3A_918, %exp3A_938 : vector<16xf32>
      %get3A_969 = arith.constant 14 : i32
      %get3A_970 = arith.constant 5 : i32
      %get3A_971 = arith.index_cast %get3A_969 : i32 to index
      %get3A_972 = arith.index_cast %get3A_970 : i32 to index
      %get3A_973 = arith.constant 0 : index
      %get3A_974 = tpu.vector_load %arg19[%get3A_971, %get3A_972, %get3A_973] {strides = array<i32>} : memref<16x6x16xf32, #tpu.memory_space<vmem>>, vector<16xf32>,
      %mul3A_975 = arith.mulf %get3A_974, %exp3A_940 : vector<16xf32>
      %add3A_976 = arith.addf %mul3A_968, %mul3A_975 : vector<16xf32>
      %get3A_977 = arith.constant 15 : i32
      %get3A_978 = arith.constant 0 : i32
      %get3A_979 = arith.index_cast %get3A_977 : i32 to index
      %get3A_980 = arith.index_cast %get3A_978 : i32 to index
      %get3A_981 = arith.constant 0 : index
      %get3A_982 = tpu.vector_load %arg19[%get3A_979, %get3A_980, %get3A_981] {strides = array<i32>} : memref<16x6x16xf32, #tpu.memory_space<vmem>>, vector<16xf32>,
      %get3A_983 = arith.constant 15 : i32
      %get3A_984 = arith.constant 1 : i32
      %get3A_985 = arith.index_cast %get3A_983 : i32 to index
      %get3A_986 = arith.index_cast %get3A_984 : i32 to index
      %get3A_987 = arith.constant 0 : index
      %get3A_988 = tpu.vector_load %arg19[%get3A_985, %get3A_986, %get3A_987] {strides = array<i32>} : memref<16x6x16xf32, #tpu.memory_space<vmem>>, vector<16xf32>,
      %max3A_989 = arith.maximumf %max3A_931, %get3A_982 : vector<16xf32>
      %max3A_990 = arith.maximumf %max3A_932, %get3A_988 : vector<16xf32>
      %sub3A_991 = arith.subf %max3A_931, %max3A_989 : vector<16xf32>
      %exp3A_992 = math.exp %sub3A_991 : vector<16xf32>
      %sub3A_993 = arith.subf %get3A_982, %max3A_989 : vector<16xf32>
      %exp3A_994 = math.exp %sub3A_993 : vector<16xf32>
      %sub3A_995 = arith.subf %max3A_932, %max3A_990 : vector<16xf32>
      %exp3A_996 = math.exp %sub3A_995 : vector<16xf32>
      %sub3A_997 = arith.subf %get3A_988, %max3A_990 : vector<16xf32>
      %exp3A_998 = math.exp %sub3A_997 : vector<16xf32>
      %mul3A_999 = arith.mulf %add3A_949, %exp3A_992 : vector<16xf32>
      %get3A_1000 = arith.constant 15 : i32
      %get3A_1001 = arith.constant 2 : i32
      %get3A_1002 = arith.index_cast %get3A_1000 : i32 to index
      %get3A_1003 = arith.index_cast %get3A_1001 : i32 to index
      %get3A_1004 = arith.constant 0 : index
      %get3A_1005 = tpu.vector_load %arg19[%get3A_1002, %get3A_1003, %get3A_1004] {strides = array<i32>} : memref<16x6x16xf32, #tpu.memory_space<vmem>>, vector<16xf32>,
      %mul3A_1006 = arith.mulf %get3A_1005, %exp3A_994 : vector<16xf32>
      %add3A_1007 = arith.addf %mul3A_999, %mul3A_1006 : vector<16xf32>
      %mul3A_1008 = arith.mulf %add3A_958, %exp3A_996 : vector<16xf32>
      %get3A_1009 = arith.constant 15 : i32
      %get3A_1010 = arith.constant 3 : i32
      %get3A_1011 = arith.index_cast %get3A_1009 : i32 to index
      %get3A_1012 = arith.index_cast %get3A_1010 : i32 to index
      %get3A_1013 = arith.constant 0 : index
      %get3A_1014 = tpu.vector_load %arg19[%get3A_1011, %get3A_1012, %get3A_1013] {strides = array<i32>} : memref<16x6x16xf32, #tpu.memory_space<vmem>>, vector<16xf32>,
      %mul3A_1015 = arith.mulf %get3A_1014, %exp3A_998 : vector<16xf32>
      %add3A_1016 = arith.addf %mul3A_1008, %mul3A_1015 : vector<16xf32>
      %mul3A_1017 = arith.mulf %add3A_967, %exp3A_992 : vector<16xf32>
      %get3A_1018 = arith.constant 15 : i32
      %get3A_1019 = arith.constant 4 : i32
      %get3A_1020 = arith.index_cast %get3A_1018 : i32 to index
      %get3A_1021 = arith.index_cast %get3A_1019 : i32 to index
      %get3A_1022 = arith.constant 0 : index
      %get3A_1023 = tpu.vector_load %arg19[%get3A_1020, %get3A_1021, %get3A_1022] {strides = array<i32>} : memref<16x6x16xf32, #tpu.memory_space<vmem>>, vector<16xf32>,
      %mul3A_1024 = arith.mulf %get3A_1023, %exp3A_994 : vector<16xf32>
      %add3A_1025 = arith.addf %mul3A_1017, %mul3A_1024 : vector<16xf32>
      %mul3A_1026 = arith.mulf %add3A_976, %exp3A_996 : vector<16xf32>
      %get3A_1027 = arith.constant 15 : i32
      %get3A_1028 = arith.constant 5 : i32
      %get3A_1029 = arith.index_cast %get3A_1027 : i32 to index
      %get3A_1030 = arith.index_cast %get3A_1028 : i32 to index
      %get3A_1031 = arith.constant 0 : index
      %get3A_1032 = tpu.vector_load %arg19[%get3A_1029, %get3A_1030, %get3A_1031] {strides = array<i32>} : memref<16x6x16xf32, #tpu.memory_space<vmem>>, vector<16xf32>,
      %mul3A_1033 = arith.mulf %get3A_1032, %exp3A_998 : vector<16xf32>
      %add3A_1034 = arith.addf %mul3A_1026, %mul3A_1033 : vector<16xf32>
      %add3A_1035 = arith.constant 1.000000e-16 : f32
      %add3A_1036 = vector.broadcast %add3A_1035 : f32 to vector<16xf32>
      %add3A_1037 = arith.addf %add3A_1007, %add3A_1036 : vector<16xf32>
      %div3A_1038 = arith.divf %add3A_1025, %add3A_1037 : vector<16xf32>
      %get3A_1039 = arith.constant 18 : i32
      %get3A_1040 = arith.index_cast %get3A_1039 : i32 to index
      %get3A_1041 = arith.constant 0 : index
      %get3A_1042 = tpu.vector_load %arg11[%get3A_1040, %get3A_1041] {strides = array<i32>} : memref<152x16xf32, #tpu.memory_space<vmem>>, vector<16xf32>,
      %add3A_1043 = arith.addf %div3A_1038, %get3A_1042 : vector<16xf32>
      %max3A_1044 = arith.constant 0.000000e+00 : f32
      %max3A_1045 = vector.broadcast %max3A_1044 : f32 to vector<16xf32>
      %max3A_1046 = arith.maximumf %add3A_1043, %max3A_1045 : vector<16xf32>
      %add3A_1047 = arith.constant 1.000000e-16 : f32
      %add3A_1048 = vector.broadcast %add3A_1047 : f32 to vector<16xf32>
      %add3A_1049 = arith.addf %add3A_1016, %add3A_1048 : vector<16xf32>
      %div3A_1050 = arith.divf %add3A_1034, %add3A_1049 : vector<16xf32>
      %get3A_1051 = arith.constant 19 : i32
      %get3A_1052 = arith.index_cast %get3A_1051 : i32 to index
      %get3A_1053 = arith.constant 0 : index
      %get3A_1054 = tpu.vector_load %arg11[%get3A_1052, %get3A_1053] {strides = array<i32>} : memref<152x16xf32, #tpu.memory_space<vmem>>, vector<16xf32>,
      %add3A_1055 = arith.addf %div3A_1050, %get3A_1054 : vector<16xf32>
      %max3A_1056 = arith.constant 0.000000e+00 : f32
      %max3A_1057 = vector.broadcast %max3A_1056 : f32 to vector<16xf32>
      %max3A_1058 = arith.maximumf %add3A_1055, %max3A_1057 : vector<16xf32>
      %get3A_1059 = arith.constant 20 : i32
      %get3A_1060 = arith.index_cast %get3A_1059 : i32 to index
      %get3A_1061 = arith.constant 0 : index
      %get3A_1062 = tpu.vector_load %arg11[%get3A_1060, %get3A_1061] {strides = array<i32>} : memref<152x16xf32, #tpu.memory_space<vmem>>, vector<16xf32>,
      %get3A_1063 = arith.constant 21 : i32
      %get3A_1064 = arith.index_cast %get3A_1063 : i32 to index
      %get3A_1065 = arith.constant 0 : index
      %get3A_1066 = tpu.vector_load %arg11[%get3A_1064, %get3A_1065] {strides = array<i32>} : memref<152x16xf32, #tpu.memory_space<vmem>>, vector<16xf32>,
      %get3A_1067 = arith.constant 22 : i32
      %get3A_1068 = arith.index_cast %get3A_1067 : i32 to index
      %get3A_1069 = arith.constant 0 : index
      %get3A_1070 = tpu.vector_load %arg11[%get3A_1068, %get3A_1069] {strides = array<i32>} : memref<152x16xf32, #tpu.memory_space<vmem>>, vector<16xf32>,
      %get3A_1071 = arith.constant 23 : i32
      %get3A_1072 = arith.index_cast %get3A_1071 : i32 to index
      %get3A_1073 = arith.constant 0 : index
      %get3A_1074 = tpu.vector_load %arg11[%get3A_1072, %get3A_1073] {strides = array<i32>} : memref<152x16xf32, #tpu.memory_space<vmem>>, vector<16xf32>,
      %eq3A_1075 = arith.constant 0 : i32
      %eq3A_1076 = vector.broadcast %eq3A_1075 : i32 to vector<16xi32>
      %eq3A_1077 = arith.cmpi eq, %iota3A, %eq3A_1076 : vector<16xi32>
      %broadcast_in_dim3A_1078 = arith.constant 0.000000e+00 : f32
      %broadcast_in_dim3A_1079 = vector.broadcast %broadcast_in_dim3A_1078 : f32 to vector<16xf32>
      %select_n3A_1080 = arith.select %eq3A_1077, %max3A_1046, %broadcast_in_dim3A_1079 : vector<16xi1>, vector<16xf32>
      %reduce_sum3A = arith.constant true
      %reduce_sum3A_1081 = vector.broadcast %reduce_sum3A : i1 to vector<16xi1>
      %reduce_sum3A_1082 = tpu.scan <sum>, %select_n3A_1080 masked %reduce_sum3A_1081 : vector<16xf32>, vector<16xi1> -> vector<16xf32>
      %reduce_sum3A_1083 = vector.extract %reduce_sum3A_1082[15] : f32 from vector<16xf32>
      %broadcast_in_dim3A_1084 = vector.broadcast %reduce_sum3A_1083 : f32 to vector<16xf32>
      %get3A_1085 = arith.constant 24 : i32
      %get3A_1086 = arith.index_cast %get3A_1085 : i32 to index
      %get3A_1087 = arith.constant 0 : index
      %get3A_1088 = tpu.vector_load %arg11[%get3A_1086, %get3A_1087] {strides = array<i32>} : memref<152x16xf32, #tpu.memory_space<vmem>>, vector<16xf32>,
      %mul3A_1089 = arith.mulf %broadcast_in_dim3A_1084, %get3A_1088 : vector<16xf32>
      %add3A_1090 = arith.addf %get3A_1062, %mul3A_1089 : vector<16xf32>
      %get3A_1091 = arith.constant 25 : i32
      %get3A_1092 = arith.index_cast %get3A_1091 : i32 to index
      %get3A_1093 = arith.constant 0 : index
      %get3A_1094 = tpu.vector_load %arg11[%get3A_1092, %get3A_1093] {strides = array<i32>} : memref<152x16xf32, #tpu.memory_space<vmem>>, vector<16xf32>,
      %mul3A_1095 = arith.mulf %broadcast_in_dim3A_1084, %get3A_1094 : vector<16xf32>
      %add3A_1096 = arith.addf %get3A_1066, %mul3A_1095 : vector<16xf32>
      %get3A_1097 = arith.constant 26 : i32
      %get3A_1098 = arith.index_cast %get3A_1097 : i32 to index
      %get3A_1099 = arith.constant 0 : index
      %get3A_1100 = tpu.vector_load %arg11[%get3A_1098, %get3A_1099] {strides = array<i32>} : memref<152x16xf32, #tpu.memory_space<vmem>>, vector<16xf32>,
      %mul3A_1101 = arith.mulf %broadcast_in_dim3A_1084, %get3A_1100 : vector<16xf32>
      %add3A_1102 = arith.addf %get3A_1070, %mul3A_1101 : vector<16xf32>
      %get3A_1103 = arith.constant 27 : i32
      %get3A_1104 = arith.index_cast %get3A_1103 : i32 to index
      %get3A_1105 = arith.constant 0 : index
      %get3A_1106 = tpu.vector_load %arg11[%get3A_1104, %get3A_1105] {strides = array<i32>} : memref<152x16xf32, #tpu.memory_space<vmem>>, vector<16xf32>,
      %mul3A_1107 = arith.mulf %broadcast_in_dim3A_1084, %get3A_1106 : vector<16xf32>
      %add3A_1108 = arith.addf %get3A_1074, %mul3A_1107 : vector<16xf32>
      %eq3A_1109 = arith.constant 1 : i32
      %eq3A_1110 = vector.broadcast %eq3A_1109 : i32 to vector<16xi32>
      %eq3A_1111 = arith.cmpi eq, %iota3A, %eq3A_1110 : vector<16xi32>
      %broadcast_in_dim3A_1112 = arith.constant 0.000000e+00 : f32
      %broadcast_in_dim3A_1113 = vector.broadcast %broadcast_in_dim3A_1112 : f32 to vector<16xf32>
      %select_n3A_1114 = arith.select %eq3A_1111, %max3A_1046, %broadcast_in_dim3A_1113 : vector<16xi1>, vector<16xf32>
      %reduce_sum3A_1115 = arith.constant true
      %reduce_sum3A_1116 = vector.broadcast %reduce_sum3A_1115 : i1 to vector<16xi1>
      %reduce_sum3A_1117 = tpu.scan <sum>, %select_n3A_1114 masked %reduce_sum3A_1116 : vector<16xf32>, vector<16xi1> -> vector<16xf32>
      %reduce_sum3A_1118 = vector.extract %reduce_sum3A_1117[15] : f32 from vector<16xf32>
      %broadcast_in_dim3A_1119 = vector.broadcast %reduce_sum3A_1118 : f32 to vector<16xf32>
      %get3A_1120 = arith.constant 28 : i32
      %get3A_1121 = arith.index_cast %get3A_1120 : i32 to index
      %get3A_1122 = arith.constant 0 : index
      %get3A_1123 = tpu.vector_load %arg11[%get3A_1121, %get3A_1122] {strides = array<i32>} : memref<152x16xf32, #tpu.memory_space<vmem>>, vector<16xf32>,
      %mul3A_1124 = arith.mulf %broadcast_in_dim3A_1119, %get3A_1123 : vector<16xf32>
      %add3A_1125 = arith.addf %add3A_1090, %mul3A_1124 : vector<16xf32>
      %get3A_1126 = arith.constant 29 : i32
      %get3A_1127 = arith.index_cast %get3A_1126 : i32 to index
      %get3A_1128 = arith.constant 0 : index
      %get3A_1129 = tpu.vector_load %arg11[%get3A_1127, %get3A_1128] {strides = array<i32>} : memref<152x16xf32, #tpu.memory_space<vmem>>, vector<16xf32>,
      %mul3A_1130 = arith.mulf %broadcast_in_dim3A_1119, %get3A_1129 : vector<16xf32>
      %add3A_1131 = arith.addf %add3A_1096, %mul3A_1130 : vector<16xf32>
      %get3A_1132 = arith.constant 30 : i32
      %get3A_1133 = arith.index_cast %get3A_1132 : i32 to index
      %get3A_1134 = arith.constant 0 : index
      %get3A_1135 = tpu.vector_load %arg11[%get3A_1133, %get3A_1134] {strides = array<i32>} : memref<152x16xf32, #tpu.memory_space<vmem>>, vector<16xf32>,
      %mul3A_1136 = arith.mulf %broadcast_in_dim3A_1119, %get3A_1135 : vector<16xf32>
      %add3A_1137 = arith.addf %add3A_1102, %mul3A_1136 : vector<16xf32>
      %get3A_1138 = arith.constant 31 : i32
      %get3A_1139 = arith.index_cast %get3A_1138 : i32 to index
      %get3A_1140 = arith.constant 0 : index
      %get3A_1141 = tpu.vector_load %arg11[%get3A_1139, %get3A_1140] {strides = array<i32>} : memref<152x16xf32, #tpu.memory_space<vmem>>, vector<16xf32>,
      %mul3A_1142 = arith.mulf %broadcast_in_dim3A_1119, %get3A_1141 : vector<16xf32>
      %add3A_1143 = arith.addf %add3A_1108, %mul3A_1142 : vector<16xf32>
      %eq3A_1144 = arith.constant 2 : i32
      %eq3A_1145 = vector.broadcast %eq3A_1144 : i32 to vector<16xi32>
      %eq3A_1146 = arith.cmpi eq, %iota3A, %eq3A_1145 : vector<16xi32>
      %broadcast_in_dim3A_1147 = arith.constant 0.000000e+00 : f32
      %broadcast_in_dim3A_1148 = vector.broadcast %broadcast_in_dim3A_1147 : f32 to vector<16xf32>
      %select_n3A_1149 = arith.select %eq3A_1146, %max3A_1046, %broadcast_in_dim3A_1148 : vector<16xi1>, vector<16xf32>
      %reduce_sum3A_1150 = arith.constant true
      %reduce_sum3A_1151 = vector.broadcast %reduce_sum3A_1150 : i1 to vector<16xi1>
      %reduce_sum3A_1152 = tpu.scan <sum>, %select_n3A_1149 masked %reduce_sum3A_1151 : vector<16xf32>, vector<16xi1> -> vector<16xf32>
      %reduce_sum3A_1153 = vector.extract %reduce_sum3A_1152[15] : f32 from vector<16xf32>
      %broadcast_in_dim3A_1154 = vector.broadcast %reduce_sum3A_1153 : f32 to vector<16xf32>
      %get3A_1155 = arith.constant 32 : i32
      %get3A_1156 = arith.index_cast %get3A_1155 : i32 to index
      %get3A_1157 = arith.constant 0 : index
      %get3A_1158 = tpu.vector_load %arg11[%get3A_1156, %get3A_1157] {strides = array<i32>} : memref<152x16xf32, #tpu.memory_space<vmem>>, vector<16xf32>,
      %mul3A_1159 = arith.mulf %broadcast_in_dim3A_1154, %get3A_1158 : vector<16xf32>
      %add3A_1160 = arith.addf %add3A_1125, %mul3A_1159 : vector<16xf32>
      %get3A_1161 = arith.constant 33 : i32
      %get3A_1162 = arith.index_cast %get3A_1161 : i32 to index
      %get3A_1163 = arith.constant 0 : index
      %get3A_1164 = tpu.vector_load %arg11[%get3A_1162, %get3A_1163] {strides = array<i32>} : memref<152x16xf32, #tpu.memory_space<vmem>>, vector<16xf32>,
      %mul3A_1165 = arith.mulf %broadcast_in_dim3A_1154, %get3A_1164 : vector<16xf32>
      %add3A_1166 = arith.addf %add3A_1131, %mul3A_1165 : vector<16xf32>
      %get3A_1167 = arith.constant 34 : i32
      %get3A_1168 = arith.index_cast %get3A_1167 : i32 to index
      %get3A_1169 = arith.constant 0 : index
      %get3A_1170 = tpu.vector_load %arg11[%get3A_1168, %get3A_1169] {strides = array<i32>} : memref<152x16xf32, #tpu.memory_space<vmem>>, vector<16xf32>,
      %mul3A_1171 = arith.mulf %broadcast_in_dim3A_1154, %get3A_1170 : vector<16xf32>
      %add3A_1172 = arith.addf %add3A_1137, %mul3A_1171 : vector<16xf32>
      %get3A_1173 = arith.constant 35 : i32
      %get3A_1174 = arith.index_cast %get3A_1173 : i32 to index
      %get3A_1175 = arith.constant 0 : index
      %get3A_1176 = tpu.vector_load %arg11[%get3A_1174, %get3A_1175] {strides = array<i32>} : memref<152x16xf32, #tpu.memory_space<vmem>>, vector<16xf32>,
      %mul3A_1177 = arith.mulf %broadcast_in_dim3A_1154, %get3A_1176 : vector<16xf32>
      %add3A_1178 = arith.addf %add3A_1143, %mul3A_1177 : vector<16xf32>
      %eq3A_1179 = arith.constant 3 : i32
      %eq3A_1180 = vector.broadcast %eq3A_1179 : i32 to vector<16xi32>
      %eq3A_1181 = arith.cmpi eq, %iota3A, %eq3A_1180 : vector<16xi32>
      %broadcast_in_dim3A_1182 = arith.constant 0.000000e+00 : f32
      %broadcast_in_dim3A_1183 = vector.broadcast %broadcast_in_dim3A_1182 : f32 to vector<16xf32>
      %select_n3A_1184 = arith.select %eq3A_1181, %max3A_1046, %broadcast_in_dim3A_1183 : vector<16xi1>, vector<16xf32>
      %reduce_sum3A_1185 = arith.constant true
      %reduce_sum3A_1186 = vector.broadcast %reduce_sum3A_1185 : i1 to vector<16xi1>
      %reduce_sum3A_1187 = tpu.scan <sum>, %select_n3A_1184 masked %reduce_sum3A_1186 : vector<16xf32>, vector<16xi1> -> vector<16xf32>
      %reduce_sum3A_1188 = vector.extract %reduce_sum3A_1187[15] : f32 from vector<16xf32>
      %broadcast_in_dim3A_1189 = vector.broadcast %reduce_sum3A_1188 : f32 to vector<16xf32>
      %get3A_1190 = arith.constant 36 : i32
      %get3A_1191 = arith.index_cast %get3A_1190 : i32 to index
      %get3A_1192 = arith.constant 0 : index
      %get3A_1193 = tpu.vector_load %arg11[%get3A_1191, %get3A_1192] {strides = array<i32>} : memref<152x16xf32, #tpu.memory_space<vmem>>, vector<16xf32>,
      %mul3A_1194 = arith.mulf %broadcast_in_dim3A_1189, %get3A_1193 : vector<16xf32>
      %add3A_1195 = arith.addf %add3A_1160, %mul3A_1194 : vector<16xf32>
      %get3A_1196 = arith.constant 37 : i32
      %get3A_1197 = arith.index_cast %get3A_1196 : i32 to index
      %get3A_1198 = arith.constant 0 : index
      %get3A_1199 = tpu.vector_load %arg11[%get3A_1197, %get3A_1198] {strides = array<i32>} : memref<152x16xf32, #tpu.memory_space<vmem>>, vector<16xf32>,
      %mul3A_1200 = arith.mulf %broadcast_in_dim3A_1189, %get3A_1199 : vector<16xf32>
      %add3A_1201 = arith.addf %add3A_1166, %mul3A_1200 : vector<16xf32>
      %get3A_1202 = arith.constant 38 : i32
      %get3A_1203 = arith.index_cast %get3A_1202 : i32 to index
      %get3A_1204 = arith.constant 0 : index
      %get3A_1205 = tpu.vector_load %arg11[%get3A_1203, %get3A_1204] {strides = array<i32>} : memref<152x16xf32, #tpu.memory_space<vmem>>, vector<16xf32>,
      %mul3A_1206 = arith.mulf %broadcast_in_dim3A_1189, %get3A_1205 : vector<16xf32>
      %add3A_1207 = arith.addf %add3A_1172, %mul3A_1206 : vector<16xf32>
      %get3A_1208 = arith.constant 39 : i32
      %get3A_1209 = arith.index_cast %get3A_1208 : i32 to index
      %get3A_1210 = arith.constant 0 : index
      %get3A_1211 = tpu.vector_load %arg11[%get3A_1209, %get3A_1210] {strides = array<i32>} : memref<152x16xf32, #tpu.memory_space<vmem>>, vector<16xf32>,
      %mul3A_1212 = arith.mulf %broadcast_in_dim3A_1189, %get3A_1211 : vector<16xf32>
      %add3A_1213 = arith.addf %add3A_1178, %mul3A_1212 : vector<16xf32>
      %eq3A_1214 = arith.constant 4 : i32
      %eq3A_1215 = vector.broadcast %eq3A_1214 : i32 to vector<16xi32>
      %eq3A_1216 = arith.cmpi eq, %iota3A, %eq3A_1215 : vector<16xi32>
      %broadcast_in_dim3A_1217 = arith.constant 0.000000e+00 : f32
      %broadcast_in_dim3A_1218 = vector.broadcast %broadcast_in_dim3A_1217 : f32 to vector<16xf32>
      %select_n3A_1219 = arith.select %eq3A_1216, %max3A_1046, %broadcast_in_dim3A_1218 : vector<16xi1>, vector<16xf32>
      %reduce_sum3A_1220 = arith.constant true
      %reduce_sum3A_1221 = vector.broadcast %reduce_sum3A_1220 : i1 to vector<16xi1>
      %reduce_sum3A_1222 = tpu.scan <sum>, %select_n3A_1219 masked %reduce_sum3A_1221 : vector<16xf32>, vector<16xi1> -> vector<16xf32>
      %reduce_sum3A_1223 = vector.extract %reduce_sum3A_1222[15] : f32 from vector<16xf32>
      %broadcast_in_dim3A_1224 = vector.broadcast %reduce_sum3A_1223 : f32 to vector<16xf32>
      %get3A_1225 = arith.constant 40 : i32
      %get3A_1226 = arith.index_cast %get3A_1225 : i32 to index
      %get3A_1227 = arith.constant 0 : index
      %get3A_1228 = tpu.vector_load %arg11[%get3A_1226, %get3A_1227] {strides = array<i32>} : memref<152x16xf32, #tpu.memory_space<vmem>>, vector<16xf32>,
      %mul3A_1229 = arith.mulf %broadcast_in_dim3A_1224, %get3A_1228 : vector<16xf32>
      %add3A_1230 = arith.addf %add3A_1195, %mul3A_1229 : vector<16xf32>
      %get3A_1231 = arith.constant 41 : i32
      %get3A_1232 = arith.index_cast %get3A_1231 : i32 to index
      %get3A_1233 = arith.constant 0 : index
      %get3A_1234 = tpu.vector_load %arg11[%get3A_1232, %get3A_1233] {strides = array<i32>} : memref<152x16xf32, #tpu.memory_space<vmem>>, vector<16xf32>,
      %mul3A_1235 = arith.mulf %broadcast_in_dim3A_1224, %get3A_1234 : vector<16xf32>
      %add3A_1236 = arith.addf %add3A_1201, %mul3A_1235 : vector<16xf32>
      %get3A_1237 = arith.constant 42 : i32
      %get3A_1238 = arith.index_cast %get3A_1237 : i32 to index
      %get3A_1239 = arith.constant 0 : index
      %get3A_1240 = tpu.vector_load %arg11[%get3A_1238, %get3A_1239] {strides = array<i32>} : memref<152x16xf32, #tpu.memory_space<vmem>>, vector<16xf32>,
      %mul3A_1241 = arith.mulf %broadcast_in_dim3A_1224, %get3A_1240 : vector<16xf32>
      %add3A_1242 = arith.addf %add3A_1207, %mul3A_1241 : vector<16xf32>
      %get3A_1243 = arith.constant 43 : i32
      %get3A_1244 = arith.index_cast %get3A_1243 : i32 to index
      %get3A_1245 = arith.constant 0 : index
      %get3A_1246 = tpu.vector_load %arg11[%get3A_1244, %get3A_1245] {strides = array<i32>} : memref<152x16xf32, #tpu.memory_space<vmem>>, vector<16xf32>,
      %mul3A_1247 = arith.mulf %broadcast_in_dim3A_1224, %get3A_1246 : vector<16xf32>
      %add3A_1248 = arith.addf %add3A_1213, %mul3A_1247 : vector<16xf32>
      %eq3A_1249 = arith.constant 5 : i32
      %eq3A_1250 = vector.broadcast %eq3A_1249 : i32 to vector<16xi32>
      %eq3A_1251 = arith.cmpi eq, %iota3A, %eq3A_1250 : vector<16xi32>
      %broadcast_in_dim3A_1252 = arith.constant 0.000000e+00 : f32
      %broadcast_in_dim3A_1253 = vector.broadcast %broadcast_in_dim3A_1252 : f32 to vector<16xf32>
      %select_n3A_1254 = arith.select %eq3A_1251, %max3A_1046, %broadcast_in_dim3A_1253 : vector<16xi1>, vector<16xf32>
      %reduce_sum3A_1255 = arith.constant true
      %reduce_sum3A_1256 = vector.broadcast %reduce_sum3A_1255 : i1 to vector<16xi1>
      %reduce_sum3A_1257 = tpu.scan <sum>, %select_n3A_1254 masked %reduce_sum3A_1256 : vector<16xf32>, vector<16xi1> -> vector<16xf32>
      %reduce_sum3A_1258 = vector.extract %reduce_sum3A_1257[15] : f32 from vector<16xf32>
      %broadcast_in_dim3A_1259 = vector.broadcast %reduce_sum3A_1258 : f32 to vector<16xf32>
      %get3A_1260 = arith.constant 44 : i32
      %get3A_1261 = arith.index_cast %get3A_1260 : i32 to index
      %get3A_1262 = arith.constant 0 : index
      %get3A_1263 = tpu.vector_load %arg11[%get3A_1261, %get3A_1262] {strides = array<i32>} : memref<152x16xf32, #tpu.memory_space<vmem>>, vector<16xf32>,
      %mul3A_1264 = arith.mulf %broadcast_in_dim3A_1259, %get3A_1263 : vector<16xf32>
      %add3A_1265 = arith.addf %add3A_1230, %mul3A_1264 : vector<16xf32>
      %get3A_1266 = arith.constant 45 : i32
      %get3A_1267 = arith.index_cast %get3A_1266 : i32 to index
      %get3A_1268 = arith.constant 0 : index
      %get3A_1269 = tpu.vector_load %arg11[%get3A_1267, %get3A_1268] {strides = array<i32>} : memref<152x16xf32, #tpu.memory_space<vmem>>, vector<16xf32>,
      %mul3A_1270 = arith.mulf %broadcast_in_dim3A_1259, %get3A_1269 : vector<16xf32>
      %add3A_1271 = arith.addf %add3A_1236, %mul3A_1270 : vector<16xf32>
      %get3A_1272 = arith.constant 46 : i32
      %get3A_1273 = arith.index_cast %get3A_1272 : i32 to index
      %get3A_1274 = arith.constant 0 : index
      %get3A_1275 = tpu.vector_load %arg11[%get3A_1273, %get3A_1274] {strides = array<i32>} : memref<152x16xf32, #tpu.memory_space<vmem>>, vector<16xf32>,
      %mul3A_1276 = arith.mulf %broadcast_in_dim3A_1259, %get3A_1275 : vector<16xf32>
      %add3A_1277 = arith.addf %add3A_1242, %mul3A_1276 : vector<16xf32>
      %get3A_1278 = arith.constant 47 : i32
      %get3A_1279 = arith.index_cast %get3A_1278 : i32 to index
      %get3A_1280 = arith.constant 0 : index
      %get3A_1281 = tpu.vector_load %arg11[%get3A_1279, %get3A_1280] {strides = array<i32>} : memref<152x16xf32, #tpu.memory_space<vmem>>, vector<16xf32>,
      %mul3A_1282 = arith.mulf %broadcast_in_dim3A_1259, %get3A_1281 : vector<16xf32>
      %add3A_1283 = arith.addf %add3A_1248, %mul3A_1282 : vector<16xf32>
      %eq3A_1284 = arith.constant 6 : i32
      %eq3A_1285 = vector.broadcast %eq3A_1284 : i32 to vector<16xi32>
      %eq3A_1286 = arith.cmpi eq, %iota3A, %eq3A_1285 : vector<16xi32>
      %broadcast_in_dim3A_1287 = arith.constant 0.000000e+00 : f32
      %broadcast_in_dim3A_1288 = vector.broadcast %broadcast_in_dim3A_1287 : f32 to vector<16xf32>
      %select_n3A_1289 = arith.select %eq3A_1286, %max3A_1046, %broadcast_in_dim3A_1288 : vector<16xi1>, vector<16xf32>
      %reduce_sum3A_1290 = arith.constant true
      %reduce_sum3A_1291 = vector.broadcast %reduce_sum3A_1290 : i1 to vector<16xi1>
      %reduce_sum3A_1292 = tpu.scan <sum>, %select_n3A_1289 masked %reduce_sum3A_1291 : vector<16xf32>, vector<16xi1> -> vector<16xf32>
      %reduce_sum3A_1293 = vector.extract %reduce_sum3A_1292[15] : f32 from vector<16xf32>
      %broadcast_in_dim3A_1294 = vector.broadcast %reduce_sum3A_1293 : f32 to vector<16xf32>
      %get3A_1295 = arith.constant 48 : i32
      %get3A_1296 = arith.index_cast %get3A_1295 : i32 to index
      %get3A_1297 = arith.constant 0 : index
      %get3A_1298 = tpu.vector_load %arg11[%get3A_1296, %get3A_1297] {strides = array<i32>} : memref<152x16xf32, #tpu.memory_space<vmem>>, vector<16xf32>,
      %mul3A_1299 = arith.mulf %broadcast_in_dim3A_1294, %get3A_1298 : vector<16xf32>
      %add3A_1300 = arith.addf %add3A_1265, %mul3A_1299 : vector<16xf32>
      %get3A_1301 = arith.constant 49 : i32
      %get3A_1302 = arith.index_cast %get3A_1301 : i32 to index
      %get3A_1303 = arith.constant 0 : index
      %get3A_1304 = tpu.vector_load %arg11[%get3A_1302, %get3A_1303] {strides = array<i32>} : memref<152x16xf32, #tpu.memory_space<vmem>>, vector<16xf32>,
      %mul3A_1305 = arith.mulf %broadcast_in_dim3A_1294, %get3A_1304 : vector<16xf32>
      %add3A_1306 = arith.addf %add3A_1271, %mul3A_1305 : vector<16xf32>
      %get3A_1307 = arith.constant 50 : i32
      %get3A_1308 = arith.index_cast %get3A_1307 : i32 to index
      %get3A_1309 = arith.constant 0 : index
      %get3A_1310 = tpu.vector_load %arg11[%get3A_1308, %get3A_1309] {strides = array<i32>} : memref<152x16xf32, #tpu.memory_space<vmem>>, vector<16xf32>,
      %mul3A_1311 = arith.mulf %broadcast_in_dim3A_1294, %get3A_1310 : vector<16xf32>
      %add3A_1312 = arith.addf %add3A_1277, %mul3A_1311 : vector<16xf32>
      %get3A_1313 = arith.constant 51 : i32
      %get3A_1314 = arith.index_cast %get3A_1313 : i32 to index
      %get3A_1315 = arith.constant 0 : index
      %get3A_1316 = tpu.vector_load %arg11[%get3A_1314, %get3A_1315] {strides = array<i32>} : memref<152x16xf32, #tpu.memory_space<vmem>>, vector<16xf32>,
      %mul3A_1317 = arith.mulf %broadcast_in_dim3A_1294, %get3A_1316 : vector<16xf32>
      %add3A_1318 = arith.addf %add3A_1283, %mul3A_1317 : vector<16xf32>
      %eq3A_1319 = arith.constant 7 : i32
      %eq3A_1320 = vector.broadcast %eq3A_1319 : i32 to vector<16xi32>
      %eq3A_1321 = arith.cmpi eq, %iota3A, %eq3A_1320 : vector<16xi32>
      %broadcast_in_dim3A_1322 = arith.constant 0.000000e+00 : f32
      %broadcast_in_dim3A_1323 = vector.broadcast %broadcast_in_dim3A_1322 : f32 to vector<16xf32>
      %select_n3A_1324 = arith.select %eq3A_1321, %max3A_1046, %broadcast_in_dim3A_1323 : vector<16xi1>, vector<16xf32>
      %reduce_sum3A_1325 = arith.constant true
      %reduce_sum3A_1326 = vector.broadcast %reduce_sum3A_1325 : i1 to vector<16xi1>
      %reduce_sum3A_1327 = tpu.scan <sum>, %select_n3A_1324 masked %reduce_sum3A_1326 : vector<16xf32>, vector<16xi1> -> vector<16xf32>
      %reduce_sum3A_1328 = vector.extract %reduce_sum3A_1327[15] : f32 from vector<16xf32>
      %broadcast_in_dim3A_1329 = vector.broadcast %reduce_sum3A_1328 : f32 to vector<16xf32>
      %get3A_1330 = arith.constant 52 : i32
      %get3A_1331 = arith.index_cast %get3A_1330 : i32 to index
      %get3A_1332 = arith.constant 0 : index
      %get3A_1333 = tpu.vector_load %arg11[%get3A_1331, %get3A_1332] {strides = array<i32>} : memref<152x16xf32, #tpu.memory_space<vmem>>, vector<16xf32>,
      %mul3A_1334 = arith.mulf %broadcast_in_dim3A_1329, %get3A_1333 : vector<16xf32>
      %add3A_1335 = arith.addf %add3A_1300, %mul3A_1334 : vector<16xf32>
      %get3A_1336 = arith.constant 53 : i32
      %get3A_1337 = arith.index_cast %get3A_1336 : i32 to index
      %get3A_1338 = arith.constant 0 : index
      %get3A_1339 = tpu.vector_load %arg11[%get3A_1337, %get3A_1338] {strides = array<i32>} : memref<152x16xf32, #tpu.memory_space<vmem>>, vector<16xf32>,
      %mul3A_1340 = arith.mulf %broadcast_in_dim3A_1329, %get3A_1339 : vector<16xf32>
      %add3A_1341 = arith.addf %add3A_1306, %mul3A_1340 : vector<16xf32>
      %get3A_1342 = arith.constant 54 : i32
      %get3A_1343 = arith.index_cast %get3A_1342 : i32 to index
      %get3A_1344 = arith.constant 0 : index
      %get3A_1345 = tpu.vector_load %arg11[%get3A_1343, %get3A_1344] {strides = array<i32>} : memref<152x16xf32, #tpu.memory_space<vmem>>, vector<16xf32>,
      %mul3A_1346 = arith.mulf %broadcast_in_dim3A_1329, %get3A_1345 : vector<16xf32>
      %add3A_1347 = arith.addf %add3A_1312, %mul3A_1346 : vector<16xf32>
      %get3A_1348 = arith.constant 55 : i32
      %get3A_1349 = arith.index_cast %get3A_1348 : i32 to index
      %get3A_1350 = arith.constant 0 : index
      %get3A_1351 = tpu.vector_load %arg11[%get3A_1349, %get3A_1350] {strides = array<i32>} : memref<152x16xf32, #tpu.memory_space<vmem>>, vector<16xf32>,
      %mul3A_1352 = arith.mulf %broadcast_in_dim3A_1329, %get3A_1351 : vector<16xf32>
      %add3A_1353 = arith.addf %add3A_1318, %mul3A_1352 : vector<16xf32>
      %eq3A_1354 = arith.constant 8 : i32
      %eq3A_1355 = vector.broadcast %eq3A_1354 : i32 to vector<16xi32>
      %eq3A_1356 = arith.cmpi eq, %iota3A, %eq3A_1355 : vector<16xi32>
      %broadcast_in_dim3A_1357 = arith.constant 0.000000e+00 : f32
      %broadcast_in_dim3A_1358 = vector.broadcast %broadcast_in_dim3A_1357 : f32 to vector<16xf32>
      %select_n3A_1359 = arith.select %eq3A_1356, %max3A_1046, %broadcast_in_dim3A_1358 : vector<16xi1>, vector<16xf32>
      %reduce_sum3A_1360 = arith.constant true
      %reduce_sum3A_1361 = vector.broadcast %reduce_sum3A_1360 : i1 to vector<16xi1>
      %reduce_sum3A_1362 = tpu.scan <sum>, %select_n3A_1359 masked %reduce_sum3A_1361 : vector<16xf32>, vector<16xi1> -> vector<16xf32>
      %reduce_sum3A_1363 = vector.extract %reduce_sum3A_1362[15] : f32 from vector<16xf32>
      %broadcast_in_dim3A_1364 = vector.broadcast %reduce_sum3A_1363 : f32 to vector<16xf32>
      %get3A_1365 = arith.constant 56 : i32
      %get3A_1366 = arith.index_cast %get3A_1365 : i32 to index
      %get3A_1367 = arith.constant 0 : index
      %get3A_1368 = tpu.vector_load %arg11[%get3A_1366, %get3A_1367] {strides = array<i32>} : memref<152x16xf32, #tpu.memory_space<vmem>>, vector<16xf32>,
      %mul3A_1369 = arith.mulf %broadcast_in_dim3A_1364, %get3A_1368 : vector<16xf32>
      %add3A_1370 = arith.addf %add3A_1335, %mul3A_1369 : vector<16xf32>
      %get3A_1371 = arith.constant 57 : i32
      %get3A_1372 = arith.index_cast %get3A_1371 : i32 to index
      %get3A_1373 = arith.constant 0 : index
      %get3A_1374 = tpu.vector_load %arg11[%get3A_1372, %get3A_1373] {strides = array<i32>} : memref<152x16xf32, #tpu.memory_space<vmem>>, vector<16xf32>,
      %mul3A_1375 = arith.mulf %broadcast_in_dim3A_1364, %get3A_1374 : vector<16xf32>
      %add3A_1376 = arith.addf %add3A_1341, %mul3A_1375 : vector<16xf32>
      %get3A_1377 = arith.constant 58 : i32
      %get3A_1378 = arith.index_cast %get3A_1377 : i32 to index
      %get3A_1379 = arith.constant 0 : index
      %get3A_1380 = tpu.vector_load %arg11[%get3A_1378, %get3A_1379] {strides = array<i32>} : memref<152x16xf32, #tpu.memory_space<vmem>>, vector<16xf32>,
      %mul3A_1381 = arith.mulf %broadcast_in_dim3A_1364, %get3A_1380 : vector<16xf32>
      %add3A_1382 = arith.addf %add3A_1347, %mul3A_1381 : vector<16xf32>
      %get3A_1383 = arith.constant 59 : i32
      %get3A_1384 = arith.index_cast %get3A_1383 : i32 to index
      %get3A_1385 = arith.constant 0 : index
      %get3A_1386 = tpu.vector_load %arg11[%get3A_1384, %get3A_1385] {strides = array<i32>} : memref<152x16xf32, #tpu.memory_space<vmem>>, vector<16xf32>,
      %mul3A_1387 = arith.mulf %broadcast_in_dim3A_1364, %get3A_1386 : vector<16xf32>
      %add3A_1388 = arith.addf %add3A_1353, %mul3A_1387 : vector<16xf32>
      %eq3A_1389 = arith.constant 9 : i32
      %eq3A_1390 = vector.broadcast %eq3A_1389 : i32 to vector<16xi32>
      %eq3A_1391 = arith.cmpi eq, %iota3A, %eq3A_1390 : vector<16xi32>
      %broadcast_in_dim3A_1392 = arith.constant 0.000000e+00 : f32
      %broadcast_in_dim3A_1393 = vector.broadcast %broadcast_in_dim3A_1392 : f32 to vector<16xf32>
      %select_n3A_1394 = arith.select %eq3A_1391, %max3A_1046, %broadcast_in_dim3A_1393 : vector<16xi1>, vector<16xf32>
      %reduce_sum3A_1395 = arith.constant true
      %reduce_sum3A_1396 = vector.broadcast %reduce_sum3A_1395 : i1 to vector<16xi1>
      %reduce_sum3A_1397 = tpu.scan <sum>, %select_n3A_1394 masked %reduce_sum3A_1396 : vector<16xf32>, vector<16xi1> -> vector<16xf32>
      %reduce_sum3A_1398 = vector.extract %reduce_sum3A_1397[15] : f32 from vector<16xf32>
      %broadcast_in_dim3A_1399 = vector.broadcast %reduce_sum3A_1398 : f32 to vector<16xf32>
      %get3A_1400 = arith.constant 60 : i32
      %get3A_1401 = arith.index_cast %get3A_1400 : i32 to index
      %get3A_1402 = arith.constant 0 : index
      %get3A_1403 = tpu.vector_load %arg11[%get3A_1401, %get3A_1402] {strides = array<i32>} : memref<152x16xf32, #tpu.memory_space<vmem>>, vector<16xf32>,
      %mul3A_1404 = arith.mulf %broadcast_in_dim3A_1399, %get3A_1403 : vector<16xf32>
      %add3A_1405 = arith.addf %add3A_1370, %mul3A_1404 : vector<16xf32>
      %get3A_1406 = arith.constant 61 : i32
      %get3A_1407 = arith.index_cast %get3A_1406 : i32 to index
      %get3A_1408 = arith.constant 0 : index
      %get3A_1409 = tpu.vector_load %arg11[%get3A_1407, %get3A_1408] {strides = array<i32>} : memref<152x16xf32, #tpu.memory_space<vmem>>, vector<16xf32>,
      %mul3A_1410 = arith.mulf %broadcast_in_dim3A_1399, %get3A_1409 : vector<16xf32>
      %add3A_1411 = arith.addf %add3A_1376, %mul3A_1410 : vector<16xf32>
      %get3A_1412 = arith.constant 62 : i32
      %get3A_1413 = arith.index_cast %get3A_1412 : i32 to index
      %get3A_1414 = arith.constant 0 : index
      %get3A_1415 = tpu.vector_load %arg11[%get3A_1413, %get3A_1414] {strides = array<i32>} : memref<152x16xf32, #tpu.memory_space<vmem>>, vector<16xf32>,
      %mul3A_1416 = arith.mulf %broadcast_in_dim3A_1399, %get3A_1415 : vector<16xf32>
      %add3A_1417 = arith.addf %add3A_1382, %mul3A_1416 : vector<16xf32>
      %get3A_1418 = arith.constant 63 : i32
      %get3A_1419 = arith.index_cast %get3A_1418 : i32 to index
      %get3A_1420 = arith.constant 0 : index
      %get3A_1421 = tpu.vector_load %arg11[%get3A_1419, %get3A_1420] {strides = array<i32>} : memref<152x16xf32, #tpu.memory_space<vmem>>, vector<16xf32>,
      %mul3A_1422 = arith.mulf %broadcast_in_dim3A_1399, %get3A_1421 : vector<16xf32>
      %add3A_1423 = arith.addf %add3A_1388, %mul3A_1422 : vector<16xf32>
      %eq3A_1424 = arith.constant 10 : i32
      %eq3A_1425 = vector.broadcast %eq3A_1424 : i32 to vector<16xi32>
      %eq3A_1426 = arith.cmpi eq, %iota3A, %eq3A_1425 : vector<16xi32>
      %broadcast_in_dim3A_1427 = arith.constant 0.000000e+00 : f32
      %broadcast_in_dim3A_1428 = vector.broadcast %broadcast_in_dim3A_1427 : f32 to vector<16xf32>
      %select_n3A_1429 = arith.select %eq3A_1426, %max3A_1046, %broadcast_in_dim3A_1428 : vector<16xi1>, vector<16xf32>
      %reduce_sum3A_1430 = arith.constant true
      %reduce_sum3A_1431 = vector.broadcast %reduce_sum3A_1430 : i1 to vector<16xi1>
      %reduce_sum3A_1432 = tpu.scan <sum>, %select_n3A_1429 masked %reduce_sum3A_1431 : vector<16xf32>, vector<16xi1> -> vector<16xf32>
      %reduce_sum3A_1433 = vector.extract %reduce_sum3A_1432[15] : f32 from vector<16xf32>
      %broadcast_in_dim3A_1434 = vector.broadcast %reduce_sum3A_1433 : f32 to vector<16xf32>
      %get3A_1435 = arith.constant 64 : i32
      %get3A_1436 = arith.index_cast %get3A_1435 : i32 to index
      %get3A_1437 = arith.constant 0 : index
      %get3A_1438 = tpu.vector_load %arg11[%get3A_1436, %get3A_1437] {strides = array<i32>} : memref<152x16xf32, #tpu.memory_space<vmem>>, vector<16xf32>,
      %mul3A_1439 = arith.mulf %broadcast_in_dim3A_1434, %get3A_1438 : vector<16xf32>
      %add3A_1440 = arith.addf %add3A_1405, %mul3A_1439 : vector<16xf32>
      %get3A_1441 = arith.constant 65 : i32
      %get3A_1442 = arith.index_cast %get3A_1441 : i32 to index
      %get3A_1443 = arith.constant 0 : index
      %get3A_1444 = tpu.vector_load %arg11[%get3A_1442, %get3A_1443] {strides = array<i32>} : memref<152x16xf32, #tpu.memory_space<vmem>>, vector<16xf32>,
      %mul3A_1445 = arith.mulf %broadcast_in_dim3A_1434, %get3A_1444 : vector<16xf32>
      %add3A_1446 = arith.addf %add3A_1411, %mul3A_1445 : vector<16xf32>
      %get3A_1447 = arith.constant 66 : i32
      %get3A_1448 = arith.index_cast %get3A_1447 : i32 to index
      %get3A_1449 = arith.constant 0 : index
      %get3A_1450 = tpu.vector_load %arg11[%get3A_1448, %get3A_1449] {strides = array<i32>} : memref<152x16xf32, #tpu.memory_space<vmem>>, vector<16xf32>,
      %mul3A_1451 = arith.mulf %broadcast_in_dim3A_1434, %get3A_1450 : vector<16xf32>
      %add3A_1452 = arith.addf %add3A_1417, %mul3A_1451 : vector<16xf32>
      %get3A_1453 = arith.constant 67 : i32
      %get3A_1454 = arith.index_cast %get3A_1453 : i32 to index
      %get3A_1455 = arith.constant 0 : index
      %get3A_1456 = tpu.vector_load %arg11[%get3A_1454, %get3A_1455] {strides = array<i32>} : memref<152x16xf32, #tpu.memory_space<vmem>>, vector<16xf32>,
      %mul3A_1457 = arith.mulf %broadcast_in_dim3A_1434, %get3A_1456 : vector<16xf32>
      %add3A_1458 = arith.addf %add3A_1423, %mul3A_1457 : vector<16xf32>
      %eq3A_1459 = arith.constant 11 : i32
      %eq3A_1460 = vector.broadcast %eq3A_1459 : i32 to vector<16xi32>
      %eq3A_1461 = arith.cmpi eq, %iota3A, %eq3A_1460 : vector<16xi32>
      %broadcast_in_dim3A_1462 = arith.constant 0.000000e+00 : f32
      %broadcast_in_dim3A_1463 = vector.broadcast %broadcast_in_dim3A_1462 : f32 to vector<16xf32>
      %select_n3A_1464 = arith.select %eq3A_1461, %max3A_1046, %broadcast_in_dim3A_1463 : vector<16xi1>, vector<16xf32>
      %reduce_sum3A_1465 = arith.constant true
      %reduce_sum3A_1466 = vector.broadcast %reduce_sum3A_1465 : i1 to vector<16xi1>
      %reduce_sum3A_1467 = tpu.scan <sum>, %select_n3A_1464 masked %reduce_sum3A_1466 : vector<16xf32>, vector<16xi1> -> vector<16xf32>
      %reduce_sum3A_1468 = vector.extract %reduce_sum3A_1467[15] : f32 from vector<16xf32>
      %broadcast_in_dim3A_1469 = vector.broadcast %reduce_sum3A_1468 : f32 to vector<16xf32>
      %get3A_1470 = arith.constant 68 : i32
      %get3A_1471 = arith.index_cast %get3A_1470 : i32 to index
      %get3A_1472 = arith.constant 0 : index
      %get3A_1473 = tpu.vector_load %arg11[%get3A_1471, %get3A_1472] {strides = array<i32>} : memref<152x16xf32, #tpu.memory_space<vmem>>, vector<16xf32>,
      %mul3A_1474 = arith.mulf %broadcast_in_dim3A_1469, %get3A_1473 : vector<16xf32>
      %add3A_1475 = arith.addf %add3A_1440, %mul3A_1474 : vector<16xf32>
      %get3A_1476 = arith.constant 69 : i32
      %get3A_1477 = arith.index_cast %get3A_1476 : i32 to index
      %get3A_1478 = arith.constant 0 : index
      %get3A_1479 = tpu.vector_load %arg11[%get3A_1477, %get3A_1478] {strides = array<i32>} : memref<152x16xf32, #tpu.memory_space<vmem>>, vector<16xf32>,
      %mul3A_1480 = arith.mulf %broadcast_in_dim3A_1469, %get3A_1479 : vector<16xf32>
      %add3A_1481 = arith.addf %add3A_1446, %mul3A_1480 : vector<16xf32>
      %get3A_1482 = arith.constant 70 : i32
      %get3A_1483 = arith.index_cast %get3A_1482 : i32 to index
      %get3A_1484 = arith.constant 0 : index
      %get3A_1485 = tpu.vector_load %arg11[%get3A_1483, %get3A_1484] {strides = array<i32>} : memref<152x16xf32, #tpu.memory_space<vmem>>, vector<16xf32>,
      %mul3A_1486 = arith.mulf %broadcast_in_dim3A_1469, %get3A_1485 : vector<16xf32>
      %add3A_1487 = arith.addf %add3A_1452, %mul3A_1486 : vector<16xf32>
      %get3A_1488 = arith.constant 71 : i32
      %get3A_1489 = arith.index_cast %get3A_1488 : i32 to index
      %get3A_1490 = arith.constant 0 : index
      %get3A_1491 = tpu.vector_load %arg11[%get3A_1489, %get3A_1490] {strides = array<i32>} : memref<152x16xf32, #tpu.memory_space<vmem>>, vector<16xf32>,
      %mul3A_1492 = arith.mulf %broadcast_in_dim3A_1469, %get3A_1491 : vector<16xf32>
      %add3A_1493 = arith.addf %add3A_1458, %mul3A_1492 : vector<16xf32>
      %eq3A_1494 = arith.constant 12 : i32
      %eq3A_1495 = vector.broadcast %eq3A_1494 : i32 to vector<16xi32>
      %eq3A_1496 = arith.cmpi eq, %iota3A, %eq3A_1495 : vector<16xi32>
      %broadcast_in_dim3A_1497 = arith.constant 0.000000e+00 : f32
      %broadcast_in_dim3A_1498 = vector.broadcast %broadcast_in_dim3A_1497 : f32 to vector<16xf32>
      %select_n3A_1499 = arith.select %eq3A_1496, %max3A_1046, %broadcast_in_dim3A_1498 : vector<16xi1>, vector<16xf32>
      %reduce_sum3A_1500 = arith.constant true
      %reduce_sum3A_1501 = vector.broadcast %reduce_sum3A_1500 : i1 to vector<16xi1>
      %reduce_sum3A_1502 = tpu.scan <sum>, %select_n3A_1499 masked %reduce_sum3A_1501 : vector<16xf32>, vector<16xi1> -> vector<16xf32>
      %reduce_sum3A_1503 = vector.extract %reduce_sum3A_1502[15] : f32 from vector<16xf32>
      %broadcast_in_dim3A_1504 = vector.broadcast %reduce_sum3A_1503 : f32 to vector<16xf32>
      %get3A_1505 = arith.constant 72 : i32
      %get3A_1506 = arith.index_cast %get3A_1505 : i32 to index
      %get3A_1507 = arith.constant 0 : index
      %get3A_1508 = tpu.vector_load %arg11[%get3A_1506, %get3A_1507] {strides = array<i32>} : memref<152x16xf32, #tpu.memory_space<vmem>>, vector<16xf32>,
      %mul3A_1509 = arith.mulf %broadcast_in_dim3A_1504, %get3A_1508 : vector<16xf32>
      %add3A_1510 = arith.addf %add3A_1475, %mul3A_1509 : vector<16xf32>
      %get3A_1511 = arith.constant 73 : i32
      %get3A_1512 = arith.index_cast %get3A_1511 : i32 to index
      %get3A_1513 = arith.constant 0 : index
      %get3A_1514 = tpu.vector_load %arg11[%get3A_1512, %get3A_1513] {strides = array<i32>} : memref<152x16xf32, #tpu.memory_space<vmem>>, vector<16xf32>,
      %mul3A_1515 = arith.mulf %broadcast_in_dim3A_1504, %get3A_1514 : vector<16xf32>
      %add3A_1516 = arith.addf %add3A_1481, %mul3A_1515 : vector<16xf32>
      %get3A_1517 = arith.constant 74 : i32
      %get3A_1518 = arith.index_cast %get3A_1517 : i32 to index
      %get3A_1519 = arith.constant 0 : index
      %get3A_1520 = tpu.vector_load %arg11[%get3A_1518, %get3A_1519] {strides = array<i32>} : memref<152x16xf32, #tpu.memory_space<vmem>>, vector<16xf32>,
      %mul3A_1521 = arith.mulf %broadcast_in_dim3A_1504, %get3A_1520 : vector<16xf32>
      %add3A_1522 = arith.addf %add3A_1487, %mul3A_1521 : vector<16xf32>
      %get3A_1523 = arith.constant 75 : i32
      %get3A_1524 = arith.index_cast %get3A_1523 : i32 to index
      %get3A_1525 = arith.constant 0 : index
      %get3A_1526 = tpu.vector_load %arg11[%get3A_1524, %get3A_1525] {strides = array<i32>} : memref<152x16xf32, #tpu.memory_space<vmem>>, vector<16xf32>,
      %mul3A_1527 = arith.mulf %broadcast_in_dim3A_1504, %get3A_1526 : vector<16xf32>
      %add3A_1528 = arith.addf %add3A_1493, %mul3A_1527 : vector<16xf32>
      %eq3A_1529 = arith.constant 13 : i32
      %eq3A_1530 = vector.broadcast %eq3A_1529 : i32 to vector<16xi32>
      %eq3A_1531 = arith.cmpi eq, %iota3A, %eq3A_1530 : vector<16xi32>
      %broadcast_in_dim3A_1532 = arith.constant 0.000000e+00 : f32
      %broadcast_in_dim3A_1533 = vector.broadcast %broadcast_in_dim3A_1532 : f32 to vector<16xf32>
      %select_n3A_1534 = arith.select %eq3A_1531, %max3A_1046, %broadcast_in_dim3A_1533 : vector<16xi1>, vector<16xf32>
      %reduce_sum3A_1535 = arith.constant true
      %reduce_sum3A_1536 = vector.broadcast %reduce_sum3A_1535 : i1 to vector<16xi1>
      %reduce_sum3A_1537 = tpu.scan <sum>, %select_n3A_1534 masked %reduce_sum3A_1536 : vector<16xf32>, vector<16xi1> -> vector<16xf32>
      %reduce_sum3A_1538 = vector.extract %reduce_sum3A_1537[15] : f32 from vector<16xf32>
      %broadcast_in_dim3A_1539 = vector.broadcast %reduce_sum3A_1538 : f32 to vector<16xf32>
      %get3A_1540 = arith.constant 76 : i32
      %get3A_1541 = arith.index_cast %get3A_1540 : i32 to index
      %get3A_1542 = arith.constant 0 : index
      %get3A_1543 = tpu.vector_load %arg11[%get3A_1541, %get3A_1542] {strides = array<i32>} : memref<152x16xf32, #tpu.memory_space<vmem>>, vector<16xf32>,
      %mul3A_1544 = arith.mulf %broadcast_in_dim3A_1539, %get3A_1543 : vector<16xf32>
      %add3A_1545 = arith.addf %add3A_1510, %mul3A_1544 : vector<16xf32>
      %get3A_1546 = arith.constant 77 : i32
      %get3A_1547 = arith.index_cast %get3A_1546 : i32 to index
      %get3A_1548 = arith.constant 0 : index
      %get3A_1549 = tpu.vector_load %arg11[%get3A_1547, %get3A_1548] {strides = array<i32>} : memref<152x16xf32, #tpu.memory_space<vmem>>, vector<16xf32>,
      %mul3A_1550 = arith.mulf %broadcast_in_dim3A_1539, %get3A_1549 : vector<16xf32>
      %add3A_1551 = arith.addf %add3A_1516, %mul3A_1550 : vector<16xf32>
      %get3A_1552 = arith.constant 78 : i32
      %get3A_1553 = arith.index_cast %get3A_1552 : i32 to index
      %get3A_1554 = arith.constant 0 : index
      %get3A_1555 = tpu.vector_load %arg11[%get3A_1553, %get3A_1554] {strides = array<i32>} : memref<152x16xf32, #tpu.memory_space<vmem>>, vector<16xf32>,
      %mul3A_1556 = arith.mulf %broadcast_in_dim3A_1539, %get3A_1555 : vector<16xf32>
      %add3A_1557 = arith.addf %add3A_1522, %mul3A_1556 : vector<16xf32>
      %get3A_1558 = arith.constant 79 : i32
      %get3A_1559 = arith.index_cast %get3A_1558 : i32 to index
      %get3A_1560 = arith.constant 0 : index
      %get3A_1561 = tpu.vector_load %arg11[%get3A_1559, %get3A_1560] {strides = array<i32>} : memref<152x16xf32, #tpu.memory_space<vmem>>, vector<16xf32>,
      %mul3A_1562 = arith.mulf %broadcast_in_dim3A_1539, %get3A_1561 : vector<16xf32>
      %add3A_1563 = arith.addf %add3A_1528, %mul3A_1562 : vector<16xf32>
      %eq3A_1564 = arith.constant 14 : i32
      %eq3A_1565 = vector.broadcast %eq3A_1564 : i32 to vector<16xi32>
      %eq3A_1566 = arith.cmpi eq, %iota3A, %eq3A_1565 : vector<16xi32>
      %broadcast_in_dim3A_1567 = arith.constant 0.000000e+00 : f32
      %broadcast_in_dim3A_1568 = vector.broadcast %broadcast_in_dim3A_1567 : f32 to vector<16xf32>
      %select_n3A_1569 = arith.select %eq3A_1566, %max3A_1046, %broadcast_in_dim3A_1568 : vector<16xi1>, vector<16xf32>
      %reduce_sum3A_1570 = arith.constant true
      %reduce_sum3A_1571 = vector.broadcast %reduce_sum3A_1570 : i1 to vector<16xi1>
      %reduce_sum3A_1572 = tpu.scan <sum>, %select_n3A_1569 masked %reduce_sum3A_1571 : vector<16xf32>, vector<16xi1> -> vector<16xf32>
      %reduce_sum3A_1573 = vector.extract %reduce_sum3A_1572[15] : f32 from vector<16xf32>
      %broadcast_in_dim3A_1574 = vector.broadcast %reduce_sum3A_1573 : f32 to vector<16xf32>
      %get3A_1575 = arith.constant 80 : i32
      %get3A_1576 = arith.index_cast %get3A_1575 : i32 to index
      %get3A_1577 = arith.constant 0 : index
      %get3A_1578 = tpu.vector_load %arg11[%get3A_1576, %get3A_1577] {strides = array<i32>} : memref<152x16xf32, #tpu.memory_space<vmem>>, vector<16xf32>,
      %mul3A_1579 = arith.mulf %broadcast_in_dim3A_1574, %get3A_1578 : vector<16xf32>
      %add3A_1580 = arith.addf %add3A_1545, %mul3A_1579 : vector<16xf32>
      %get3A_1581 = arith.constant 81 : i32
      %get3A_1582 = arith.index_cast %get3A_1581 : i32 to index
      %get3A_1583 = arith.constant 0 : index
      %get3A_1584 = tpu.vector_load %arg11[%get3A_1582, %get3A_1583] {strides = array<i32>} : memref<152x16xf32, #tpu.memory_space<vmem>>, vector<16xf32>,
      %mul3A_1585 = arith.mulf %broadcast_in_dim3A_1574, %get3A_1584 : vector<16xf32>
      %add3A_1586 = arith.addf %add3A_1551, %mul3A_1585 : vector<16xf32>
      %get3A_1587 = arith.constant 82 : i32
      %get3A_1588 = arith.index_cast %get3A_1587 : i32 to index
      %get3A_1589 = arith.constant 0 : index
      %get3A_1590 = tpu.vector_load %arg11[%get3A_1588, %get3A_1589] {strides = array<i32>} : memref<152x16xf32, #tpu.memory_space<vmem>>, vector<16xf32>,
      %mul3A_1591 = arith.mulf %broadcast_in_dim3A_1574, %get3A_1590 : vector<16xf32>
      %add3A_1592 = arith.addf %add3A_1557, %mul3A_1591 : vector<16xf32>
      %get3A_1593 = arith.constant 83 : i32
      %get3A_1594 = arith.index_cast %get3A_1593 : i32 to index
      %get3A_1595 = arith.constant 0 : index
      %get3A_1596 = tpu.vector_load %arg11[%get3A_1594, %get3A_1595] {strides = array<i32>} : memref<152x16xf32, #tpu.memory_space<vmem>>, vector<16xf32>,
      %mul3A_1597 = arith.mulf %broadcast_in_dim3A_1574, %get3A_1596 : vector<16xf32>
      %add3A_1598 = arith.addf %add3A_1563, %mul3A_1597 : vector<16xf32>
      %eq3A_1599 = arith.constant 15 : i32
      %eq3A_1600 = vector.broadcast %eq3A_1599 : i32 to vector<16xi32>
      %eq3A_1601 = arith.cmpi eq, %iota3A, %eq3A_1600 : vector<16xi32>
      %broadcast_in_dim3A_1602 = arith.constant 0.000000e+00 : f32
      %broadcast_in_dim3A_1603 = vector.broadcast %broadcast_in_dim3A_1602 : f32 to vector<16xf32>
      %select_n3A_1604 = arith.select %eq3A_1601, %max3A_1046, %broadcast_in_dim3A_1603 : vector<16xi1>, vector<16xf32>
      %reduce_sum3A_1605 = arith.constant true
      %reduce_sum3A_1606 = vector.broadcast %reduce_sum3A_1605 : i1 to vector<16xi1>
      %reduce_sum3A_1607 = tpu.scan <sum>, %select_n3A_1604 masked %reduce_sum3A_1606 : vector<16xf32>, vector<16xi1> -> vector<16xf32>
      %reduce_sum3A_1608 = vector.extract %reduce_sum3A_1607[15] : f32 from vector<16xf32>
      %broadcast_in_dim3A_1609 = vector.broadcast %reduce_sum3A_1608 : f32 to vector<16xf32>
      %get3A_1610 = arith.constant 84 : i32
      %get3A_1611 = arith.index_cast %get3A_1610 : i32 to index
      %get3A_1612 = arith.constant 0 : index
      %get3A_1613 = tpu.vector_load %arg11[%get3A_1611, %get3A_1612] {strides = array<i32>} : memref<152x16xf32, #tpu.memory_space<vmem>>, vector<16xf32>,
      %mul3A_1614 = arith.mulf %broadcast_in_dim3A_1609, %get3A_1613 : vector<16xf32>
      %add3A_1615 = arith.addf %add3A_1580, %mul3A_1614 : vector<16xf32>
      %get3A_1616 = arith.constant 85 : i32
      %get3A_1617 = arith.index_cast %get3A_1616 : i32 to index
      %get3A_1618 = arith.constant 0 : index
      %get3A_1619 = tpu.vector_load %arg11[%get3A_1617, %get3A_1618] {strides = array<i32>} : memref<152x16xf32, #tpu.memory_space<vmem>>, vector<16xf32>,
      %mul3A_1620 = arith.mulf %broadcast_in_dim3A_1609, %get3A_1619 : vector<16xf32>
      %add3A_1621 = arith.addf %add3A_1586, %mul3A_1620 : vector<16xf32>
      %get3A_1622 = arith.constant 86 : i32
      %get3A_1623 = arith.index_cast %get3A_1622 : i32 to index
      %get3A_1624 = arith.constant 0 : index
      %get3A_1625 = tpu.vector_load %arg11[%get3A_1623, %get3A_1624] {strides = array<i32>} : memref<152x16xf32, #tpu.memory_space<vmem>>, vector<16xf32>,
      %mul3A_1626 = arith.mulf %broadcast_in_dim3A_1609, %get3A_1625 : vector<16xf32>
      %add3A_1627 = arith.addf %add3A_1592, %mul3A_1626 : vector<16xf32>
      %get3A_1628 = arith.constant 87 : i32
      %get3A_1629 = arith.index_cast %get3A_1628 : i32 to index
      %get3A_1630 = arith.constant 0 : index
      %get3A_1631 = tpu.vector_load %arg11[%get3A_1629, %get3A_1630] {strides = array<i32>} : memref<152x16xf32, #tpu.memory_space<vmem>>, vector<16xf32>,
      %mul3A_1632 = arith.mulf %broadcast_in_dim3A_1609, %get3A_1631 : vector<16xf32>
      %add3A_1633 = arith.addf %add3A_1598, %mul3A_1632 : vector<16xf32>
      %eq3A_1634 = arith.constant 0 : i32
      %eq3A_1635 = vector.broadcast %eq3A_1634 : i32 to vector<16xi32>
      %eq3A_1636 = arith.cmpi eq, %iota3A, %eq3A_1635 : vector<16xi32>
      %broadcast_in_dim3A_1637 = arith.constant 0.000000e+00 : f32
      %broadcast_in_dim3A_1638 = vector.broadcast %broadcast_in_dim3A_1637 : f32 to vector<16xf32>
      %select_n3A_1639 = arith.select %eq3A_1636, %max3A_1058, %broadcast_in_dim3A_1638 : vector<16xi1>, vector<16xf32>
      %reduce_sum3A_1640 = arith.constant true
      %reduce_sum3A_1641 = vector.broadcast %reduce_sum3A_1640 : i1 to vector<16xi1>
      %reduce_sum3A_1642 = tpu.scan <sum>, %select_n3A_1639 masked %reduce_sum3A_1641 : vector<16xf32>, vector<16xi1> -> vector<16xf32>
      %reduce_sum3A_1643 = vector.extract %reduce_sum3A_1642[15] : f32 from vector<16xf32>
      %broadcast_in_dim3A_1644 = vector.broadcast %reduce_sum3A_1643 : f32 to vector<16xf32>
      %get3A_1645 = arith.constant 88 : i32
      %get3A_1646 = arith.index_cast %get3A_1645 : i32 to index
      %get3A_1647 = arith.constant 0 : index
      %get3A_1648 = tpu.vector_load %arg11[%get3A_1646, %get3A_1647] {strides = array<i32>} : memref<152x16xf32, #tpu.memory_space<vmem>>, vector<16xf32>,
      %mul3A_1649 = arith.mulf %broadcast_in_dim3A_1644, %get3A_1648 : vector<16xf32>
      %add3A_1650 = arith.addf %add3A_1615, %mul3A_1649 : vector<16xf32>
      %get3A_1651 = arith.constant 89 : i32
      %get3A_1652 = arith.index_cast %get3A_1651 : i32 to index
      %get3A_1653 = arith.constant 0 : index
      %get3A_1654 = tpu.vector_load %arg11[%get3A_1652, %get3A_1653] {strides = array<i32>} : memref<152x16xf32, #tpu.memory_space<vmem>>, vector<16xf32>,
      %mul3A_1655 = arith.mulf %broadcast_in_dim3A_1644, %get3A_1654 : vector<16xf32>
      %add3A_1656 = arith.addf %add3A_1621, %mul3A_1655 : vector<16xf32>
      %get3A_1657 = arith.constant 90 : i32
      %get3A_1658 = arith.index_cast %get3A_1657 : i32 to index
      %get3A_1659 = arith.constant 0 : index
      %get3A_1660 = tpu.vector_load %arg11[%get3A_1658, %get3A_1659] {strides = array<i32>} : memref<152x16xf32, #tpu.memory_space<vmem>>, vector<16xf32>,
      %mul3A_1661 = arith.mulf %broadcast_in_dim3A_1644, %get3A_1660 : vector<16xf32>
      %add3A_1662 = arith.addf %add3A_1627, %mul3A_1661 : vector<16xf32>
      %get3A_1663 = arith.constant 91 : i32
      %get3A_1664 = arith.index_cast %get3A_1663 : i32 to index
      %get3A_1665 = arith.constant 0 : index
      %get3A_1666 = tpu.vector_load %arg11[%get3A_1664, %get3A_1665] {strides = array<i32>} : memref<152x16xf32, #tpu.memory_space<vmem>>, vector<16xf32>,
      %mul3A_1667 = arith.mulf %broadcast_in_dim3A_1644, %get3A_1666 : vector<16xf32>
      %add3A_1668 = arith.addf %add3A_1633, %mul3A_1667 : vector<16xf32>
      %eq3A_1669 = arith.constant 1 : i32
      %eq3A_1670 = vector.broadcast %eq3A_1669 : i32 to vector<16xi32>
      %eq3A_1671 = arith.cmpi eq, %iota3A, %eq3A_1670 : vector<16xi32>
      %broadcast_in_dim3A_1672 = arith.constant 0.000000e+00 : f32
      %broadcast_in_dim3A_1673 = vector.broadcast %broadcast_in_dim3A_1672 : f32 to vector<16xf32>
      %select_n3A_1674 = arith.select %eq3A_1671, %max3A_1058, %broadcast_in_dim3A_1673 : vector<16xi1>, vector<16xf32>
      %reduce_sum3A_1675 = arith.constant true
      %reduce_sum3A_1676 = vector.broadcast %reduce_sum3A_1675 : i1 to vector<16xi1>
      %reduce_sum3A_1677 = tpu.scan <sum>, %select_n3A_1674 masked %reduce_sum3A_1676 : vector<16xf32>, vector<16xi1> -> vector<16xf32>
      %reduce_sum3A_1678 = vector.extract %reduce_sum3A_1677[15] : f32 from vector<16xf32>
      %broadcast_in_dim3A_1679 = vector.broadcast %reduce_sum3A_1678 : f32 to vector<16xf32>
      %get3A_1680 = arith.constant 92 : i32
      %get3A_1681 = arith.index_cast %get3A_1680 : i32 to index
      %get3A_1682 = arith.constant 0 : index
      %get3A_1683 = tpu.vector_load %arg11[%get3A_1681, %get3A_1682] {strides = array<i32>} : memref<152x16xf32, #tpu.memory_space<vmem>>, vector<16xf32>,
      %mul3A_1684 = arith.mulf %broadcast_in_dim3A_1679, %get3A_1683 : vector<16xf32>
      %add3A_1685 = arith.addf %add3A_1650, %mul3A_1684 : vector<16xf32>
      %get3A_1686 = arith.constant 93 : i32
      %get3A_1687 = arith.index_cast %get3A_1686 : i32 to index
      %get3A_1688 = arith.constant 0 : index
      %get3A_1689 = tpu.vector_load %arg11[%get3A_1687, %get3A_1688] {strides = array<i32>} : memref<152x16xf32, #tpu.memory_space<vmem>>, vector<16xf32>,
      %mul3A_1690 = arith.mulf %broadcast_in_dim3A_1679, %get3A_1689 : vector<16xf32>
      %add3A_1691 = arith.addf %add3A_1656, %mul3A_1690 : vector<16xf32>
      %get3A_1692 = arith.constant 94 : i32
      %get3A_1693 = arith.index_cast %get3A_1692 : i32 to index
      %get3A_1694 = arith.constant 0 : index
      %get3A_1695 = tpu.vector_load %arg11[%get3A_1693, %get3A_1694] {strides = array<i32>} : memref<152x16xf32, #tpu.memory_space<vmem>>, vector<16xf32>,
      %mul3A_1696 = arith.mulf %broadcast_in_dim3A_1679, %get3A_1695 : vector<16xf32>
      %add3A_1697 = arith.addf %add3A_1662, %mul3A_1696 : vector<16xf32>
      %get3A_1698 = arith.constant 95 : i32
      %get3A_1699 = arith.index_cast %get3A_1698 : i32 to index
      %get3A_1700 = arith.constant 0 : index
      %get3A_1701 = tpu.vector_load %arg11[%get3A_1699, %get3A_1700] {strides = array<i32>} : memref<152x16xf32, #tpu.memory_space<vmem>>, vector<16xf32>,
      %mul3A_1702 = arith.mulf %broadcast_in_dim3A_1679, %get3A_1701 : vector<16xf32>
      %add3A_1703 = arith.addf %add3A_1668, %mul3A_1702 : vector<16xf32>
      %eq3A_1704 = arith.constant 2 : i32
      %eq3A_1705 = vector.broadcast %eq3A_1704 : i32 to vector<16xi32>
      %eq3A_1706 = arith.cmpi eq, %iota3A, %eq3A_1705 : vector<16xi32>
      %broadcast_in_dim3A_1707 = arith.constant 0.000000e+00 : f32
      %broadcast_in_dim3A_1708 = vector.broadcast %broadcast_in_dim3A_1707 : f32 to vector<16xf32>
      %select_n3A_1709 = arith.select %eq3A_1706, %max3A_1058, %broadcast_in_dim3A_1708 : vector<16xi1>, vector<16xf32>
      %reduce_sum3A_1710 = arith.constant true
      %reduce_sum3A_1711 = vector.broadcast %reduce_sum3A_1710 : i1 to vector<16xi1>
      %reduce_sum3A_1712 = tpu.scan <sum>, %select_n3A_1709 masked %reduce_sum3A_1711 : vector<16xf32>, vector<16xi1> -> vector<16xf32>
      %reduce_sum3A_1713 = vector.extract %reduce_sum3A_1712[15] : f32 from vector<16xf32>
      %broadcast_in_dim3A_1714 = vector.broadcast %reduce_sum3A_1713 : f32 to vector<16xf32>
      %get3A_1715 = arith.constant 96 : i32
      %get3A_1716 = arith.index_cast %get3A_1715 : i32 to index
      %get3A_1717 = arith.constant 0 : index
      %get3A_1718 = tpu.vector_load %arg11[%get3A_1716, %get3A_1717] {strides = array<i32>} : memref<152x16xf32, #tpu.memory_space<vmem>>, vector<16xf32>,
      %mul3A_1719 = arith.mulf %broadcast_in_dim3A_1714, %get3A_1718 : vector<16xf32>
      %add3A_1720 = arith.addf %add3A_1685, %mul3A_1719 : vector<16xf32>
      %get3A_1721 = arith.constant 97 : i32
      %get3A_1722 = arith.index_cast %get3A_1721 : i32 to index
      %get3A_1723 = arith.constant 0 : index
      %get3A_1724 = tpu.vector_load %arg11[%get3A_1722, %get3A_1723] {strides = array<i32>} : memref<152x16xf32, #tpu.memory_space<vmem>>, vector<16xf32>,
      %mul3A_1725 = arith.mulf %broadcast_in_dim3A_1714, %get3A_1724 : vector<16xf32>
      %add3A_1726 = arith.addf %add3A_1691, %mul3A_1725 : vector<16xf32>
      %get3A_1727 = arith.constant 98 : i32
      %get3A_1728 = arith.index_cast %get3A_1727 : i32 to index
      %get3A_1729 = arith.constant 0 : index
      %get3A_1730 = tpu.vector_load %arg11[%get3A_1728, %get3A_1729] {strides = array<i32>} : memref<152x16xf32, #tpu.memory_space<vmem>>, vector<16xf32>,
      %mul3A_1731 = arith.mulf %broadcast_in_dim3A_1714, %get3A_1730 : vector<16xf32>
      %add3A_1732 = arith.addf %add3A_1697, %mul3A_1731 : vector<16xf32>
      %get3A_1733 = arith.constant 99 : i32
      %get3A_1734 = arith.index_cast %get3A_1733 : i32 to index
      %get3A_1735 = arith.constant 0 : index
      %get3A_1736 = tpu.vector_load %arg11[%get3A_1734, %get3A_1735] {strides = array<i32>} : memref<152x16xf32, #tpu.memory_space<vmem>>, vector<16xf32>,
      %mul3A_1737 = arith.mulf %broadcast_in_dim3A_1714, %get3A_1736 : vector<16xf32>
      %add3A_1738 = arith.addf %add3A_1703, %mul3A_1737 : vector<16xf32>
      %eq3A_1739 = arith.constant 3 : i32
      %eq3A_1740 = vector.broadcast %eq3A_1739 : i32 to vector<16xi32>
      %eq3A_1741 = arith.cmpi eq, %iota3A, %eq3A_1740 : vector<16xi32>
      %broadcast_in_dim3A_1742 = arith.constant 0.000000e+00 : f32
      %broadcast_in_dim3A_1743 = vector.broadcast %broadcast_in_dim3A_1742 : f32 to vector<16xf32>
      %select_n3A_1744 = arith.select %eq3A_1741, %max3A_1058, %broadcast_in_dim3A_1743 : vector<16xi1>, vector<16xf32>
      %reduce_sum3A_1745 = arith.constant true
      %reduce_sum3A_1746 = vector.broadcast %reduce_sum3A_1745 : i1 to vector<16xi1>
      %reduce_sum3A_1747 = tpu.scan <sum>, %select_n3A_1744 masked %reduce_sum3A_1746 : vector<16xf32>, vector<16xi1> -> vector<16xf32>
      %reduce_sum3A_1748 = vector.extract %reduce_sum3A_1747[15] : f32 from vector<16xf32>
      %broadcast_in_dim3A_1749 = vector.broadcast %reduce_sum3A_1748 : f32 to vector<16xf32>
      %get3A_1750 = arith.constant 100 : i32
      %get3A_1751 = arith.index_cast %get3A_1750 : i32 to index
      %get3A_1752 = arith.constant 0 : index
      %get3A_1753 = tpu.vector_load %arg11[%get3A_1751, %get3A_1752] {strides = array<i32>} : memref<152x16xf32, #tpu.memory_space<vmem>>, vector<16xf32>,
      %mul3A_1754 = arith.mulf %broadcast_in_dim3A_1749, %get3A_1753 : vector<16xf32>
      %add3A_1755 = arith.addf %add3A_1720, %mul3A_1754 : vector<16xf32>
      %get3A_1756 = arith.constant 101 : i32
      %get3A_1757 = arith.index_cast %get3A_1756 : i32 to index
      %get3A_1758 = arith.constant 0 : index
      %get3A_1759 = tpu.vector_load %arg11[%get3A_1757, %get3A_1758] {strides = array<i32>} : memref<152x16xf32, #tpu.memory_space<vmem>>, vector<16xf32>,
      %mul3A_1760 = arith.mulf %broadcast_in_dim3A_1749, %get3A_1759 : vector<16xf32>
      %add3A_1761 = arith.addf %add3A_1726, %mul3A_1760 : vector<16xf32>
      %get3A_1762 = arith.constant 102 : i32
      %get3A_1763 = arith.index_cast %get3A_1762 : i32 to index
      %get3A_1764 = arith.constant 0 : index
      %get3A_1765 = tpu.vector_load %arg11[%get3A_1763, %get3A_1764] {strides = array<i32>} : memref<152x16xf32, #tpu.memory_space<vmem>>, vector<16xf32>,
      %mul3A_1766 = arith.mulf %broadcast_in_dim3A_1749, %get3A_1765 : vector<16xf32>
      %add3A_1767 = arith.addf %add3A_1732, %mul3A_1766 : vector<16xf32>
      %get3A_1768 = arith.constant 103 : i32
      %get3A_1769 = arith.index_cast %get3A_1768 : i32 to index
      %get3A_1770 = arith.constant 0 : index
      %get3A_1771 = tpu.vector_load %arg11[%get3A_1769, %get3A_1770] {strides = array<i32>} : memref<152x16xf32, #tpu.memory_space<vmem>>, vector<16xf32>,
      %mul3A_1772 = arith.mulf %broadcast_in_dim3A_1749, %get3A_1771 : vector<16xf32>
      %add3A_1773 = arith.addf %add3A_1738, %mul3A_1772 : vector<16xf32>
      %eq3A_1774 = arith.constant 4 : i32
      %eq3A_1775 = vector.broadcast %eq3A_1774 : i32 to vector<16xi32>
      %eq3A_1776 = arith.cmpi eq, %iota3A, %eq3A_1775 : vector<16xi32>
      %broadcast_in_dim3A_1777 = arith.constant 0.000000e+00 : f32
      %broadcast_in_dim3A_1778 = vector.broadcast %broadcast_in_dim3A_1777 : f32 to vector<16xf32>
      %select_n3A_1779 = arith.select %eq3A_1776, %max3A_1058, %broadcast_in_dim3A_1778 : vector<16xi1>, vector<16xf32>
      %reduce_sum3A_1780 = arith.constant true
      %reduce_sum3A_1781 = vector.broadcast %reduce_sum3A_1780 : i1 to vector<16xi1>
      %reduce_sum3A_1782 = tpu.scan <sum>, %select_n3A_1779 masked %reduce_sum3A_1781 : vector<16xf32>, vector<16xi1> -> vector<16xf32>
      %reduce_sum3A_1783 = vector.extract %reduce_sum3A_1782[15] : f32 from vector<16xf32>
      %broadcast_in_dim3A_1784 = vector.broadcast %reduce_sum3A_1783 : f32 to vector<16xf32>
      %get3A_1785 = arith.constant 104 : i32
      %get3A_1786 = arith.index_cast %get3A_1785 : i32 to index
      %get3A_1787 = arith.constant 0 : index
      %get3A_1788 = tpu.vector_load %arg11[%get3A_1786, %get3A_1787] {strides = array<i32>} : memref<152x16xf32, #tpu.memory_space<vmem>>, vector<16xf32>,
      %mul3A_1789 = arith.mulf %broadcast_in_dim3A_1784, %get3A_1788 : vector<16xf32>
      %add3A_1790 = arith.addf %add3A_1755, %mul3A_1789 : vector<16xf32>
      %get3A_1791 = arith.constant 105 : i32
      %get3A_1792 = arith.index_cast %get3A_1791 : i32 to index
      %get3A_1793 = arith.constant 0 : index
      %get3A_1794 = tpu.vector_load %arg11[%get3A_1792, %get3A_1793] {strides = array<i32>} : memref<152x16xf32, #tpu.memory_space<vmem>>, vector<16xf32>,
      %mul3A_1795 = arith.mulf %broadcast_in_dim3A_1784, %get3A_1794 : vector<16xf32>
      %add3A_1796 = arith.addf %add3A_1761, %mul3A_1795 : vector<16xf32>
      %get3A_1797 = arith.constant 106 : i32
      %get3A_1798 = arith.index_cast %get3A_1797 : i32 to index
      %get3A_1799 = arith.constant 0 : index
      %get3A_1800 = tpu.vector_load %arg11[%get3A_1798, %get3A_1799] {strides = array<i32>} : memref<152x16xf32, #tpu.memory_space<vmem>>, vector<16xf32>,
      %mul3A_1801 = arith.mulf %broadcast_in_dim3A_1784, %get3A_1800 : vector<16xf32>
      %add3A_1802 = arith.addf %add3A_1767, %mul3A_1801 : vector<16xf32>
      %get3A_1803 = arith.constant 107 : i32
      %get3A_1804 = arith.index_cast %get3A_1803 : i32 to index
      %get3A_1805 = arith.constant 0 : index
      %get3A_1806 = tpu.vector_load %arg11[%get3A_1804, %get3A_1805] {strides = array<i32>} : memref<152x16xf32, #tpu.memory_space<vmem>>, vector<16xf32>,
      %mul3A_1807 = arith.mulf %broadcast_in_dim3A_1784, %get3A_1806 : vector<16xf32>
      %add3A_1808 = arith.addf %add3A_1773, %mul3A_1807 : vector<16xf32>
      %eq3A_1809 = arith.constant 5 : i32
      %eq3A_1810 = vector.broadcast %eq3A_1809 : i32 to vector<16xi32>
      %eq3A_1811 = arith.cmpi eq, %iota3A, %eq3A_1810 : vector<16xi32>
      %broadcast_in_dim3A_1812 = arith.constant 0.000000e+00 : f32
      %broadcast_in_dim3A_1813 = vector.broadcast %broadcast_in_dim3A_1812 : f32 to vector<16xf32>
      %select_n3A_1814 = arith.select %eq3A_1811, %max3A_1058, %broadcast_in_dim3A_1813 : vector<16xi1>, vector<16xf32>
      %reduce_sum3A_1815 = arith.constant true
      %reduce_sum3A_1816 = vector.broadcast %reduce_sum3A_1815 : i1 to vector<16xi1>
      %reduce_sum3A_1817 = tpu.scan <sum>, %select_n3A_1814 masked %reduce_sum3A_1816 : vector<16xf32>, vector<16xi1> -> vector<16xf32>
      %reduce_sum3A_1818 = vector.extract %reduce_sum3A_1817[15] : f32 from vector<16xf32>
      %broadcast_in_dim3A_1819 = vector.broadcast %reduce_sum3A_1818 : f32 to vector<16xf32>
      %get3A_1820 = arith.constant 108 : i32
      %get3A_1821 = arith.index_cast %get3A_1820 : i32 to index
      %get3A_1822 = arith.constant 0 : index
      %get3A_1823 = tpu.vector_load %arg11[%get3A_1821, %get3A_1822] {strides = array<i32>} : memref<152x16xf32, #tpu.memory_space<vmem>>, vector<16xf32>,
      %mul3A_1824 = arith.mulf %broadcast_in_dim3A_1819, %get3A_1823 : vector<16xf32>
      %add3A_1825 = arith.addf %add3A_1790, %mul3A_1824 : vector<16xf32>
      %get3A_1826 = arith.constant 109 : i32
      %get3A_1827 = arith.index_cast %get3A_1826 : i32 to index
      %get3A_1828 = arith.constant 0 : index
      %get3A_1829 = tpu.vector_load %arg11[%get3A_1827, %get3A_1828] {strides = array<i32>} : memref<152x16xf32, #tpu.memory_space<vmem>>, vector<16xf32>,
      %mul3A_1830 = arith.mulf %broadcast_in_dim3A_1819, %get3A_1829 : vector<16xf32>
      %add3A_1831 = arith.addf %add3A_1796, %mul3A_1830 : vector<16xf32>
      %get3A_1832 = arith.constant 110 : i32
      %get3A_1833 = arith.index_cast %get3A_1832 : i32 to index
      %get3A_1834 = arith.constant 0 : index
      %get3A_1835 = tpu.vector_load %arg11[%get3A_1833, %get3A_1834] {strides = array<i32>} : memref<152x16xf32, #tpu.memory_space<vmem>>, vector<16xf32>,
      %mul3A_1836 = arith.mulf %broadcast_in_dim3A_1819, %get3A_1835 : vector<16xf32>
      %add3A_1837 = arith.addf %add3A_1802, %mul3A_1836 : vector<16xf32>
      %get3A_1838 = arith.constant 111 : i32
      %get3A_1839 = arith.index_cast %get3A_1838 : i32 to index
      %get3A_1840 = arith.constant 0 : index
      %get3A_1841 = tpu.vector_load %arg11[%get3A_1839, %get3A_1840] {strides = array<i32>} : memref<152x16xf32, #tpu.memory_space<vmem>>, vector<16xf32>,
      %mul3A_1842 = arith.mulf %broadcast_in_dim3A_1819, %get3A_1841 : vector<16xf32>
      %add3A_1843 = arith.addf %add3A_1808, %mul3A_1842 : vector<16xf32>
      %eq3A_1844 = arith.constant 6 : i32
      %eq3A_1845 = vector.broadcast %eq3A_1844 : i32 to vector<16xi32>
      %eq3A_1846 = arith.cmpi eq, %iota3A, %eq3A_1845 : vector<16xi32>
      %broadcast_in_dim3A_1847 = arith.constant 0.000000e+00 : f32
      %broadcast_in_dim3A_1848 = vector.broadcast %broadcast_in_dim3A_1847 : f32 to vector<16xf32>
      %select_n3A_1849 = arith.select %eq3A_1846, %max3A_1058, %broadcast_in_dim3A_1848 : vector<16xi1>, vector<16xf32>
      %reduce_sum3A_1850 = arith.constant true
      %reduce_sum3A_1851 = vector.broadcast %reduce_sum3A_1850 : i1 to vector<16xi1>
      %reduce_sum3A_1852 = tpu.scan <sum>, %select_n3A_1849 masked %reduce_sum3A_1851 : vector<16xf32>, vector<16xi1> -> vector<16xf32>
      %reduce_sum3A_1853 = vector.extract %reduce_sum3A_1852[15] : f32 from vector<16xf32>
      %broadcast_in_dim3A_1854 = vector.broadcast %reduce_sum3A_1853 : f32 to vector<16xf32>
      %get3A_1855 = arith.constant 112 : i32
      %get3A_1856 = arith.index_cast %get3A_1855 : i32 to index
      %get3A_1857 = arith.constant 0 : index
      %get3A_1858 = tpu.vector_load %arg11[%get3A_1856, %get3A_1857] {strides = array<i32>} : memref<152x16xf32, #tpu.memory_space<vmem>>, vector<16xf32>,
      %mul3A_1859 = arith.mulf %broadcast_in_dim3A_1854, %get3A_1858 : vector<16xf32>
      %add3A_1860 = arith.addf %add3A_1825, %mul3A_1859 : vector<16xf32>
      %get3A_1861 = arith.constant 113 : i32
      %get3A_1862 = arith.index_cast %get3A_1861 : i32 to index
      %get3A_1863 = arith.constant 0 : index
      %get3A_1864 = tpu.vector_load %arg11[%get3A_1862, %get3A_1863] {strides = array<i32>} : memref<152x16xf32, #tpu.memory_space<vmem>>, vector<16xf32>,
      %mul3A_1865 = arith.mulf %broadcast_in_dim3A_1854, %get3A_1864 : vector<16xf32>
      %add3A_1866 = arith.addf %add3A_1831, %mul3A_1865 : vector<16xf32>
      %get3A_1867 = arith.constant 114 : i32
      %get3A_1868 = arith.index_cast %get3A_1867 : i32 to index
      %get3A_1869 = arith.constant 0 : index
      %get3A_1870 = tpu.vector_load %arg11[%get3A_1868, %get3A_1869] {strides = array<i32>} : memref<152x16xf32, #tpu.memory_space<vmem>>, vector<16xf32>,
      %mul3A_1871 = arith.mulf %broadcast_in_dim3A_1854, %get3A_1870 : vector<16xf32>
      %add3A_1872 = arith.addf %add3A_1837, %mul3A_1871 : vector<16xf32>
      %get3A_1873 = arith.constant 115 : i32
      %get3A_1874 = arith.index_cast %get3A_1873 : i32 to index
      %get3A_1875 = arith.constant 0 : index
      %get3A_1876 = tpu.vector_load %arg11[%get3A_1874, %get3A_1875] {strides = array<i32>} : memref<152x16xf32, #tpu.memory_space<vmem>>, vector<16xf32>,
      %mul3A_1877 = arith.mulf %broadcast_in_dim3A_1854, %get3A_1876 : vector<16xf32>
      %add3A_1878 = arith.addf %add3A_1843, %mul3A_1877 : vector<16xf32>
      %eq3A_1879 = arith.constant 7 : i32
      %eq3A_1880 = vector.broadcast %eq3A_1879 : i32 to vector<16xi32>
      %eq3A_1881 = arith.cmpi eq, %iota3A, %eq3A_1880 : vector<16xi32>
      %broadcast_in_dim3A_1882 = arith.constant 0.000000e+00 : f32
      %broadcast_in_dim3A_1883 = vector.broadcast %broadcast_in_dim3A_1882 : f32 to vector<16xf32>
      %select_n3A_1884 = arith.select %eq3A_1881, %max3A_1058, %broadcast_in_dim3A_1883 : vector<16xi1>, vector<16xf32>
      %reduce_sum3A_1885 = arith.constant true
      %reduce_sum3A_1886 = vector.broadcast %reduce_sum3A_1885 : i1 to vector<16xi1>
      %reduce_sum3A_1887 = tpu.scan <sum>, %select_n3A_1884 masked %reduce_sum3A_1886 : vector<16xf32>, vector<16xi1> -> vector<16xf32>
      %reduce_sum3A_1888 = vector.extract %reduce_sum3A_1887[15] : f32 from vector<16xf32>
      %broadcast_in_dim3A_1889 = vector.broadcast %reduce_sum3A_1888 : f32 to vector<16xf32>
      %get3A_1890 = arith.constant 116 : i32
      %get3A_1891 = arith.index_cast %get3A_1890 : i32 to index
      %get3A_1892 = arith.constant 0 : index
      %get3A_1893 = tpu.vector_load %arg11[%get3A_1891, %get3A_1892] {strides = array<i32>} : memref<152x16xf32, #tpu.memory_space<vmem>>, vector<16xf32>,
      %mul3A_1894 = arith.mulf %broadcast_in_dim3A_1889, %get3A_1893 : vector<16xf32>
      %add3A_1895 = arith.addf %add3A_1860, %mul3A_1894 : vector<16xf32>
      %get3A_1896 = arith.constant 117 : i32
      %get3A_1897 = arith.index_cast %get3A_1896 : i32 to index
      %get3A_1898 = arith.constant 0 : index
      %get3A_1899 = tpu.vector_load %arg11[%get3A_1897, %get3A_1898] {strides = array<i32>} : memref<152x16xf32, #tpu.memory_space<vmem>>, vector<16xf32>,
      %mul3A_1900 = arith.mulf %broadcast_in_dim3A_1889, %get3A_1899 : vector<16xf32>
      %add3A_1901 = arith.addf %add3A_1866, %mul3A_1900 : vector<16xf32>
      %get3A_1902 = arith.constant 118 : i32
      %get3A_1903 = arith.index_cast %get3A_1902 : i32 to index
      %get3A_1904 = arith.constant 0 : index
      %get3A_1905 = tpu.vector_load %arg11[%get3A_1903, %get3A_1904] {strides = array<i32>} : memref<152x16xf32, #tpu.memory_space<vmem>>, vector<16xf32>,
      %mul3A_1906 = arith.mulf %broadcast_in_dim3A_1889, %get3A_1905 : vector<16xf32>
      %add3A_1907 = arith.addf %add3A_1872, %mul3A_1906 : vector<16xf32>
      %get3A_1908 = arith.constant 119 : i32
      %get3A_1909 = arith.index_cast %get3A_1908 : i32 to index
      %get3A_1910 = arith.constant 0 : index
      %get3A_1911 = tpu.vector_load %arg11[%get3A_1909, %get3A_1910] {strides = array<i32>} : memref<152x16xf32, #tpu.memory_space<vmem>>, vector<16xf32>,
      %mul3A_1912 = arith.mulf %broadcast_in_dim3A_1889, %get3A_1911 : vector<16xf32>
      %add3A_1913 = arith.addf %add3A_1878, %mul3A_1912 : vector<16xf32>
      %eq3A_1914 = arith.constant 8 : i32
      %eq3A_1915 = vector.broadcast %eq3A_1914 : i32 to vector<16xi32>
      %eq3A_1916 = arith.cmpi eq, %iota3A, %eq3A_1915 : vector<16xi32>
      %broadcast_in_dim3A_1917 = arith.constant 0.000000e+00 : f32
      %broadcast_in_dim3A_1918 = vector.broadcast %broadcast_in_dim3A_1917 : f32 to vector<16xf32>
      %select_n3A_1919 = arith.select %eq3A_1916, %max3A_1058, %broadcast_in_dim3A_1918 : vector<16xi1>, vector<16xf32>
      %reduce_sum3A_1920 = arith.constant true
      %reduce_sum3A_1921 = vector.broadcast %reduce_sum3A_1920 : i1 to vector<16xi1>
      %reduce_sum3A_1922 = tpu.scan <sum>, %select_n3A_1919 masked %reduce_sum3A_1921 : vector<16xf32>, vector<16xi1> -> vector<16xf32>
      %reduce_sum3A_1923 = vector.extract %reduce_sum3A_1922[15] : f32 from vector<16xf32>
      %broadcast_in_dim3A_1924 = vector.broadcast %reduce_sum3A_1923 : f32 to vector<16xf32>
      %get3A_1925 = arith.constant 120 : i32
      %get3A_1926 = arith.index_cast %get3A_1925 : i32 to index
      %get3A_1927 = arith.constant 0 : index
      %get3A_1928 = tpu.vector_load %arg11[%get3A_1926, %get3A_1927] {strides = array<i32>} : memref<152x16xf32, #tpu.memory_space<vmem>>, vector<16xf32>,
      %mul3A_1929 = arith.mulf %broadcast_in_dim3A_1924, %get3A_1928 : vector<16xf32>
      %add3A_1930 = arith.addf %add3A_1895, %mul3A_1929 : vector<16xf32>
      %get3A_1931 = arith.constant 121 : i32
      %get3A_1932 = arith.index_cast %get3A_1931 : i32 to index
      %get3A_1933 = arith.constant 0 : index
      %get3A_1934 = tpu.vector_load %arg11[%get3A_1932, %get3A_1933] {strides = array<i32>} : memref<152x16xf32, #tpu.memory_space<vmem>>, vector<16xf32>,
      %mul3A_1935 = arith.mulf %broadcast_in_dim3A_1924, %get3A_1934 : vector<16xf32>
      %add3A_1936 = arith.addf %add3A_1901, %mul3A_1935 : vector<16xf32>
      %get3A_1937 = arith.constant 122 : i32
      %get3A_1938 = arith.index_cast %get3A_1937 : i32 to index
      %get3A_1939 = arith.constant 0 : index
      %get3A_1940 = tpu.vector_load %arg11[%get3A_1938, %get3A_1939] {strides = array<i32>} : memref<152x16xf32, #tpu.memory_space<vmem>>, vector<16xf32>,
      %mul3A_1941 = arith.mulf %broadcast_in_dim3A_1924, %get3A_1940 : vector<16xf32>
      %add3A_1942 = arith.addf %add3A_1907, %mul3A_1941 : vector<16xf32>
      %get3A_1943 = arith.constant 123 : i32
      %get3A_1944 = arith.index_cast %get3A_1943 : i32 to index
      %get3A_1945 = arith.constant 0 : index
      %get3A_1946 = tpu.vector_load %arg11[%get3A_1944, %get3A_1945] {strides = array<i32>} : memref<152x16xf32, #tpu.memory_space<vmem>>, vector<16xf32>,
      %mul3A_1947 = arith.mulf %broadcast_in_dim3A_1924, %get3A_1946 : vector<16xf32>
      %add3A_1948 = arith.addf %add3A_1913, %mul3A_1947 : vector<16xf32>
      %eq3A_1949 = arith.constant 9 : i32
      %eq3A_1950 = vector.broadcast %eq3A_1949 : i32 to vector<16xi32>
      %eq3A_1951 = arith.cmpi eq, %iota3A, %eq3A_1950 : vector<16xi32>
      %broadcast_in_dim3A_1952 = arith.constant 0.000000e+00 : f32
      %broadcast_in_dim3A_1953 = vector.broadcast %broadcast_in_dim3A_1952 : f32 to vector<16xf32>
      %select_n3A_1954 = arith.select %eq3A_1951, %max3A_1058, %broadcast_in_dim3A_1953 : vector<16xi1>, vector<16xf32>
      %reduce_sum3A_1955 = arith.constant true
      %reduce_sum3A_1956 = vector.broadcast %reduce_sum3A_1955 : i1 to vector<16xi1>
      %reduce_sum3A_1957 = tpu.scan <sum>, %select_n3A_1954 masked %reduce_sum3A_1956 : vector<16xf32>, vector<16xi1> -> vector<16xf32>
      %reduce_sum3A_1958 = vector.extract %reduce_sum3A_1957[15] : f32 from vector<16xf32>
      %broadcast_in_dim3A_1959 = vector.broadcast %reduce_sum3A_1958 : f32 to vector<16xf32>
      %get3A_1960 = arith.constant 124 : i32
      %get3A_1961 = arith.index_cast %get3A_1960 : i32 to index
      %get3A_1962 = arith.constant 0 : index
      %get3A_1963 = tpu.vector_load %arg11[%get3A_1961, %get3A_1962] {strides = array<i32>} : memref<152x16xf32, #tpu.memory_space<vmem>>, vector<16xf32>,
      %mul3A_1964 = arith.mulf %broadcast_in_dim3A_1959, %get3A_1963 : vector<16xf32>
      %add3A_1965 = arith.addf %add3A_1930, %mul3A_1964 : vector<16xf32>
      %get3A_1966 = arith.constant 125 : i32
      %get3A_1967 = arith.index_cast %get3A_1966 : i32 to index
      %get3A_1968 = arith.constant 0 : index
      %get3A_1969 = tpu.vector_load %arg11[%get3A_1967, %get3A_1968] {strides = array<i32>} : memref<152x16xf32, #tpu.memory_space<vmem>>, vector<16xf32>,
      %mul3A_1970 = arith.mulf %broadcast_in_dim3A_1959, %get3A_1969 : vector<16xf32>
      %add3A_1971 = arith.addf %add3A_1936, %mul3A_1970 : vector<16xf32>
      %get3A_1972 = arith.constant 126 : i32
      %get3A_1973 = arith.index_cast %get3A_1972 : i32 to index
      %get3A_1974 = arith.constant 0 : index
      %get3A_1975 = tpu.vector_load %arg11[%get3A_1973, %get3A_1974] {strides = array<i32>} : memref<152x16xf32, #tpu.memory_space<vmem>>, vector<16xf32>,
      %mul3A_1976 = arith.mulf %broadcast_in_dim3A_1959, %get3A_1975 : vector<16xf32>
      %add3A_1977 = arith.addf %add3A_1942, %mul3A_1976 : vector<16xf32>
      %get3A_1978 = arith.constant 127 : i32
      %get3A_1979 = arith.index_cast %get3A_1978 : i32 to index
      %get3A_1980 = arith.constant 0 : index
      %get3A_1981 = tpu.vector_load %arg11[%get3A_1979, %get3A_1980] {strides = array<i32>} : memref<152x16xf32, #tpu.memory_space<vmem>>, vector<16xf32>,
      %mul3A_1982 = arith.mulf %broadcast_in_dim3A_1959, %get3A_1981 : vector<16xf32>
      %add3A_1983 = arith.addf %add3A_1948, %mul3A_1982 : vector<16xf32>
      %eq3A_1984 = arith.constant 10 : i32
      %eq3A_1985 = vector.broadcast %eq3A_1984 : i32 to vector<16xi32>
      %eq3A_1986 = arith.cmpi eq, %iota3A, %eq3A_1985 : vector<16xi32>
      %broadcast_in_dim3A_1987 = arith.constant 0.000000e+00 : f32
      %broadcast_in_dim3A_1988 = vector.broadcast %broadcast_in_dim3A_1987 : f32 to vector<16xf32>
      %select_n3A_1989 = arith.select %eq3A_1986, %max3A_1058, %broadcast_in_dim3A_1988 : vector<16xi1>, vector<16xf32>
      %reduce_sum3A_1990 = arith.constant true
      %reduce_sum3A_1991 = vector.broadcast %reduce_sum3A_1990 : i1 to vector<16xi1>
      %reduce_sum3A_1992 = tpu.scan <sum>, %select_n3A_1989 masked %reduce_sum3A_1991 : vector<16xf32>, vector<16xi1> -> vector<16xf32>
      %reduce_sum3A_1993 = vector.extract %reduce_sum3A_1992[15] : f32 from vector<16xf32>
      %broadcast_in_dim3A_1994 = vector.broadcast %reduce_sum3A_1993 : f32 to vector<16xf32>
      %get3A_1995 = arith.constant 128 : i32
      %get3A_1996 = arith.index_cast %get3A_1995 : i32 to index
      %get3A_1997 = arith.constant 0 : index
      %get3A_1998 = tpu.vector_load %arg11[%get3A_1996, %get3A_1997] {strides = array<i32>} : memref<152x16xf32, #tpu.memory_space<vmem>>, vector<16xf32>,
      %mul3A_1999 = arith.mulf %broadcast_in_dim3A_1994, %get3A_1998 : vector<16xf32>
      %add3A_2000 = arith.addf %add3A_1965, %mul3A_1999 : vector<16xf32>
      %get3A_2001 = arith.constant 129 : i32
      %get3A_2002 = arith.index_cast %get3A_2001 : i32 to index
      %get3A_2003 = arith.constant 0 : index
      %get3A_2004 = tpu.vector_load %arg11[%get3A_2002, %get3A_2003] {strides = array<i32>} : memref<152x16xf32, #tpu.memory_space<vmem>>, vector<16xf32>,
      %mul3A_2005 = arith.mulf %broadcast_in_dim3A_1994, %get3A_2004 : vector<16xf32>
      %add3A_2006 = arith.addf %add3A_1971, %mul3A_2005 : vector<16xf32>
      %get3A_2007 = arith.constant 130 : i32
      %get3A_2008 = arith.index_cast %get3A_2007 : i32 to index
      %get3A_2009 = arith.constant 0 : index
      %get3A_2010 = tpu.vector_load %arg11[%get3A_2008, %get3A_2009] {strides = array<i32>} : memref<152x16xf32, #tpu.memory_space<vmem>>, vector<16xf32>,
      %mul3A_2011 = arith.mulf %broadcast_in_dim3A_1994, %get3A_2010 : vector<16xf32>
      %add3A_2012 = arith.addf %add3A_1977, %mul3A_2011 : vector<16xf32>
      %get3A_2013 = arith.constant 131 : i32
      %get3A_2014 = arith.index_cast %get3A_2013 : i32 to index
      %get3A_2015 = arith.constant 0 : index
      %get3A_2016 = tpu.vector_load %arg11[%get3A_2014, %get3A_2015] {strides = array<i32>} : memref<152x16xf32, #tpu.memory_space<vmem>>, vector<16xf32>,
      %mul3A_2017 = arith.mulf %broadcast_in_dim3A_1994, %get3A_2016 : vector<16xf32>
      %add3A_2018 = arith.addf %add3A_1983, %mul3A_2017 : vector<16xf32>
      %eq3A_2019 = arith.constant 11 : i32
      %eq3A_2020 = vector.broadcast %eq3A_2019 : i32 to vector<16xi32>
      %eq3A_2021 = arith.cmpi eq, %iota3A, %eq3A_2020 : vector<16xi32>
      %broadcast_in_dim3A_2022 = arith.constant 0.000000e+00 : f32
      %broadcast_in_dim3A_2023 = vector.broadcast %broadcast_in_dim3A_2022 : f32 to vector<16xf32>
      %select_n3A_2024 = arith.select %eq3A_2021, %max3A_1058, %broadcast_in_dim3A_2023 : vector<16xi1>, vector<16xf32>
      %reduce_sum3A_2025 = arith.constant true
      %reduce_sum3A_2026 = vector.broadcast %reduce_sum3A_2025 : i1 to vector<16xi1>
      %reduce_sum3A_2027 = tpu.scan <sum>, %select_n3A_2024 masked %reduce_sum3A_2026 : vector<16xf32>, vector<16xi1> -> vector<16xf32>
      %reduce_sum3A_2028 = vector.extract %reduce_sum3A_2027[15] : f32 from vector<16xf32>
      %broadcast_in_dim3A_2029 = vector.broadcast %reduce_sum3A_2028 : f32 to vector<16xf32>
      %get3A_2030 = arith.constant 132 : i32
      %get3A_2031 = arith.index_cast %get3A_2030 : i32 to index
      %get3A_2032 = arith.constant 0 : index
      %get3A_2033 = tpu.vector_load %arg11[%get3A_2031, %get3A_2032] {strides = array<i32>} : memref<152x16xf32, #tpu.memory_space<vmem>>, vector<16xf32>,
      %mul3A_2034 = arith.mulf %broadcast_in_dim3A_2029, %get3A_2033 : vector<16xf32>
      %add3A_2035 = arith.addf %add3A_2000, %mul3A_2034 : vector<16xf32>
      %get3A_2036 = arith.constant 133 : i32
      %get3A_2037 = arith.index_cast %get3A_2036 : i32 to index
      %get3A_2038 = arith.constant 0 : index
      %get3A_2039 = tpu.vector_load %arg11[%get3A_2037, %get3A_2038] {strides = array<i32>} : memref<152x16xf32, #tpu.memory_space<vmem>>, vector<16xf32>,
      %mul3A_2040 = arith.mulf %broadcast_in_dim3A_2029, %get3A_2039 : vector<16xf32>
      %add3A_2041 = arith.addf %add3A_2006, %mul3A_2040 : vector<16xf32>
      %get3A_2042 = arith.constant 134 : i32
      %get3A_2043 = arith.index_cast %get3A_2042 : i32 to index
      %get3A_2044 = arith.constant 0 : index
      %get3A_2045 = tpu.vector_load %arg11[%get3A_2043, %get3A_2044] {strides = array<i32>} : memref<152x16xf32, #tpu.memory_space<vmem>>, vector<16xf32>,
      %mul3A_2046 = arith.mulf %broadcast_in_dim3A_2029, %get3A_2045 : vector<16xf32>
      %add3A_2047 = arith.addf %add3A_2012, %mul3A_2046 : vector<16xf32>
      %get3A_2048 = arith.constant 135 : i32
      %get3A_2049 = arith.index_cast %get3A_2048 : i32 to index
      %get3A_2050 = arith.constant 0 : index
      %get3A_2051 = tpu.vector_load %arg11[%get3A_2049, %get3A_2050] {strides = array<i32>} : memref<152x16xf32, #tpu.memory_space<vmem>>, vector<16xf32>,
      %mul3A_2052 = arith.mulf %broadcast_in_dim3A_2029, %get3A_2051 : vector<16xf32>
      %add3A_2053 = arith.addf %add3A_2018, %mul3A_2052 : vector<16xf32>
      %eq3A_2054 = arith.constant 12 : i32
      %eq3A_2055 = vector.broadcast %eq3A_2054 : i32 to vector<16xi32>
      %eq3A_2056 = arith.cmpi eq, %iota3A, %eq3A_2055 : vector<16xi32>
      %broadcast_in_dim3A_2057 = arith.constant 0.000000e+00 : f32
      %broadcast_in_dim3A_2058 = vector.broadcast %broadcast_in_dim3A_2057 : f32 to vector<16xf32>
      %select_n3A_2059 = arith.select %eq3A_2056, %max3A_1058, %broadcast_in_dim3A_2058 : vector<16xi1>, vector<16xf32>
      %reduce_sum3A_2060 = arith.constant true
      %reduce_sum3A_2061 = vector.broadcast %reduce_sum3A_2060 : i1 to vector<16xi1>
      %reduce_sum3A_2062 = tpu.scan <sum>, %select_n3A_2059 masked %reduce_sum3A_2061 : vector<16xf32>, vector<16xi1> -> vector<16xf32>
      %reduce_sum3A_2063 = vector.extract %reduce_sum3A_2062[15] : f32 from vector<16xf32>
      %broadcast_in_dim3A_2064 = vector.broadcast %reduce_sum3A_2063 : f32 to vector<16xf32>
      %get3A_2065 = arith.constant 136 : i32
      %get3A_2066 = arith.index_cast %get3A_2065 : i32 to index
      %get3A_2067 = arith.constant 0 : index
      %get3A_2068 = tpu.vector_load %arg11[%get3A_2066, %get3A_2067] {strides = array<i32>} : memref<152x16xf32, #tpu.memory_space<vmem>>, vector<16xf32>,
      %mul3A_2069 = arith.mulf %broadcast_in_dim3A_2064, %get3A_2068 : vector<16xf32>
      %add3A_2070 = arith.addf %add3A_2035, %mul3A_2069 : vector<16xf32>
      %get3A_2071 = arith.constant 137 : i32
      %get3A_2072 = arith.index_cast %get3A_2071 : i32 to index
      %get3A_2073 = arith.constant 0 : index
      %get3A_2074 = tpu.vector_load %arg11[%get3A_2072, %get3A_2073] {strides = array<i32>} : memref<152x16xf32, #tpu.memory_space<vmem>>, vector<16xf32>,
      %mul3A_2075 = arith.mulf %broadcast_in_dim3A_2064, %get3A_2074 : vector<16xf32>
      %add3A_2076 = arith.addf %add3A_2041, %mul3A_2075 : vector<16xf32>
      %get3A_2077 = arith.constant 138 : i32
      %get3A_2078 = arith.index_cast %get3A_2077 : i32 to index
      %get3A_2079 = arith.constant 0 : index
      %get3A_2080 = tpu.vector_load %arg11[%get3A_2078, %get3A_2079] {strides = array<i32>} : memref<152x16xf32, #tpu.memory_space<vmem>>, vector<16xf32>,
      %mul3A_2081 = arith.mulf %broadcast_in_dim3A_2064, %get3A_2080 : vector<16xf32>
      %add3A_2082 = arith.addf %add3A_2047, %mul3A_2081 : vector<16xf32>
      %get3A_2083 = arith.constant 139 : i32
      %get3A_2084 = arith.index_cast %get3A_2083 : i32 to index
      %get3A_2085 = arith.constant 0 : index
      %get3A_2086 = tpu.vector_load %arg11[%get3A_2084, %get3A_2085] {strides = array<i32>} : memref<152x16xf32, #tpu.memory_space<vmem>>, vector<16xf32>,
      %mul3A_2087 = arith.mulf %broadcast_in_dim3A_2064, %get3A_2086 : vector<16xf32>
      %add3A_2088 = arith.addf %add3A_2053, %mul3A_2087 : vector<16xf32>
      %eq3A_2089 = arith.constant 13 : i32
      %eq3A_2090 = vector.broadcast %eq3A_2089 : i32 to vector<16xi32>
      %eq3A_2091 = arith.cmpi eq, %iota3A, %eq3A_2090 : vector<16xi32>
      %broadcast_in_dim3A_2092 = arith.constant 0.000000e+00 : f32
      %broadcast_in_dim3A_2093 = vector.broadcast %broadcast_in_dim3A_2092 : f32 to vector<16xf32>
      %select_n3A_2094 = arith.select %eq3A_2091, %max3A_1058, %broadcast_in_dim3A_2093 : vector<16xi1>, vector<16xf32>
      %reduce_sum3A_2095 = arith.constant true
      %reduce_sum3A_2096 = vector.broadcast %reduce_sum3A_2095 : i1 to vector<16xi1>
      %reduce_sum3A_2097 = tpu.scan <sum>, %select_n3A_2094 masked %reduce_sum3A_2096 : vector<16xf32>, vector<16xi1> -> vector<16xf32>
      %reduce_sum3A_2098 = vector.extract %reduce_sum3A_2097[15] : f32 from vector<16xf32>
      %broadcast_in_dim3A_2099 = vector.broadcast %reduce_sum3A_2098 : f32 to vector<16xf32>
      %get3A_2100 = arith.constant 140 : i32
      %get3A_2101 = arith.index_cast %get3A_2100 : i32 to index
      %get3A_2102 = arith.constant 0 : index
      %get3A_2103 = tpu.vector_load %arg11[%get3A_2101, %get3A_2102] {strides = array<i32>} : memref<152x16xf32, #tpu.memory_space<vmem>>, vector<16xf32>,
      %mul3A_2104 = arith.mulf %broadcast_in_dim3A_2099, %get3A_2103 : vector<16xf32>
      %add3A_2105 = arith.addf %add3A_2070, %mul3A_2104 : vector<16xf32>
      %get3A_2106 = arith.constant 141 : i32
      %get3A_2107 = arith.index_cast %get3A_2106 : i32 to index
      %get3A_2108 = arith.constant 0 : index
      %get3A_2109 = tpu.vector_load %arg11[%get3A_2107, %get3A_2108] {strides = array<i32>} : memref<152x16xf32, #tpu.memory_space<vmem>>, vector<16xf32>,
      %mul3A_2110 = arith.mulf %broadcast_in_dim3A_2099, %get3A_2109 : vector<16xf32>
      %add3A_2111 = arith.addf %add3A_2076, %mul3A_2110 : vector<16xf32>
      %get3A_2112 = arith.constant 142 : i32
      %get3A_2113 = arith.index_cast %get3A_2112 : i32 to index
      %get3A_2114 = arith.constant 0 : index
      %get3A_2115 = tpu.vector_load %arg11[%get3A_2113, %get3A_2114] {strides = array<i32>} : memref<152x16xf32, #tpu.memory_space<vmem>>, vector<16xf32>,
      %mul3A_2116 = arith.mulf %broadcast_in_dim3A_2099, %get3A_2115 : vector<16xf32>
      %add3A_2117 = arith.addf %add3A_2082, %mul3A_2116 : vector<16xf32>
      %get3A_2118 = arith.constant 143 : i32
      %get3A_2119 = arith.index_cast %get3A_2118 : i32 to index
      %get3A_2120 = arith.constant 0 : index
      %get3A_2121 = tpu.vector_load %arg11[%get3A_2119, %get3A_2120] {strides = array<i32>} : memref<152x16xf32, #tpu.memory_space<vmem>>, vector<16xf32>,
      %mul3A_2122 = arith.mulf %broadcast_in_dim3A_2099, %get3A_2121 : vector<16xf32>
      %add3A_2123 = arith.addf %add3A_2088, %mul3A_2122 : vector<16xf32>
      %eq3A_2124 = arith.constant 14 : i32
      %eq3A_2125 = vector.broadcast %eq3A_2124 : i32 to vector<16xi32>
      %eq3A_2126 = arith.cmpi eq, %iota3A, %eq3A_2125 : vector<16xi32>
      %broadcast_in_dim3A_2127 = arith.constant 0.000000e+00 : f32
      %broadcast_in_dim3A_2128 = vector.broadcast %broadcast_in_dim3A_2127 : f32 to vector<16xf32>
      %select_n3A_2129 = arith.select %eq3A_2126, %max3A_1058, %broadcast_in_dim3A_2128 : vector<16xi1>, vector<16xf32>
      %reduce_sum3A_2130 = arith.constant true
      %reduce_sum3A_2131 = vector.broadcast %reduce_sum3A_2130 : i1 to vector<16xi1>
      %reduce_sum3A_2132 = tpu.scan <sum>, %select_n3A_2129 masked %reduce_sum3A_2131 : vector<16xf32>, vector<16xi1> -> vector<16xf32>
      %reduce_sum3A_2133 = vector.extract %reduce_sum3A_2132[15] : f32 from vector<16xf32>
      %broadcast_in_dim3A_2134 = vector.broadcast %reduce_sum3A_2133 : f32 to vector<16xf32>
      %get3A_2135 = arith.constant 144 : i32
      %get3A_2136 = arith.index_cast %get3A_2135 : i32 to index
      %get3A_2137 = arith.constant 0 : index
      %get3A_2138 = tpu.vector_load %arg11[%get3A_2136, %get3A_2137] {strides = array<i32>} : memref<152x16xf32, #tpu.memory_space<vmem>>, vector<16xf32>,
      %mul3A_2139 = arith.mulf %broadcast_in_dim3A_2134, %get3A_2138 : vector<16xf32>
      %add3A_2140 = arith.addf %add3A_2105, %mul3A_2139 : vector<16xf32>
      %get3A_2141 = arith.constant 145 : i32
      %get3A_2142 = arith.index_cast %get3A_2141 : i32 to index
      %get3A_2143 = arith.constant 0 : index
      %get3A_2144 = tpu.vector_load %arg11[%get3A_2142, %get3A_2143] {strides = array<i32>} : memref<152x16xf32, #tpu.memory_space<vmem>>, vector<16xf32>,
      %mul3A_2145 = arith.mulf %broadcast_in_dim3A_2134, %get3A_2144 : vector<16xf32>
      %add3A_2146 = arith.addf %add3A_2111, %mul3A_2145 : vector<16xf32>
      %get3A_2147 = arith.constant 146 : i32
      %get3A_2148 = arith.index_cast %get3A_2147 : i32 to index
      %get3A_2149 = arith.constant 0 : index
      %get3A_2150 = tpu.vector_load %arg11[%get3A_2148, %get3A_2149] {strides = array<i32>} : memref<152x16xf32, #tpu.memory_space<vmem>>, vector<16xf32>,
      %mul3A_2151 = arith.mulf %broadcast_in_dim3A_2134, %get3A_2150 : vector<16xf32>
      %add3A_2152 = arith.addf %add3A_2117, %mul3A_2151 : vector<16xf32>
      %get3A_2153 = arith.constant 147 : i32
      %get3A_2154 = arith.index_cast %get3A_2153 : i32 to index
      %get3A_2155 = arith.constant 0 : index
      %get3A_2156 = tpu.vector_load %arg11[%get3A_2154, %get3A_2155] {strides = array<i32>} : memref<152x16xf32, #tpu.memory_space<vmem>>, vector<16xf32>,
      %mul3A_2157 = arith.mulf %broadcast_in_dim3A_2134, %get3A_2156 : vector<16xf32>
      %add3A_2158 = arith.addf %add3A_2123, %mul3A_2157 : vector<16xf32>
      %eq3A_2159 = arith.constant 15 : i32
      %eq3A_2160 = vector.broadcast %eq3A_2159 : i32 to vector<16xi32>
      %eq3A_2161 = arith.cmpi eq, %iota3A, %eq3A_2160 : vector<16xi32>
      %broadcast_in_dim3A_2162 = arith.constant 0.000000e+00 : f32
      %broadcast_in_dim3A_2163 = vector.broadcast %broadcast_in_dim3A_2162 : f32 to vector<16xf32>
      %select_n3A_2164 = arith.select %eq3A_2161, %max3A_1058, %broadcast_in_dim3A_2163 : vector<16xi1>, vector<16xf32>
      %reduce_sum3A_2165 = arith.constant true
      %reduce_sum3A_2166 = vector.broadcast %reduce_sum3A_2165 : i1 to vector<16xi1>
      %reduce_sum3A_2167 = tpu.scan <sum>, %select_n3A_2164 masked %reduce_sum3A_2166 : vector<16xf32>, vector<16xi1> -> vector<16xf32>
      %reduce_sum3A_2168 = vector.extract %reduce_sum3A_2167[15] : f32 from vector<16xf32>
      %broadcast_in_dim3A_2169 = vector.broadcast %reduce_sum3A_2168 : f32 to vector<16xf32>
      %get3A_2170 = arith.constant 148 : i32
      %get3A_2171 = arith.index_cast %get3A_2170 : i32 to index
      %get3A_2172 = arith.constant 0 : index
      %get3A_2173 = tpu.vector_load %arg11[%get3A_2171, %get3A_2172] {strides = array<i32>} : memref<152x16xf32, #tpu.memory_space<vmem>>, vector<16xf32>,
      %mul3A_2174 = arith.mulf %broadcast_in_dim3A_2169, %get3A_2173 : vector<16xf32>
      %add3A_2175 = arith.addf %add3A_2140, %mul3A_2174 : vector<16xf32>
      %get3A_2176 = arith.constant 149 : i32
      %get3A_2177 = arith.index_cast %get3A_2176 : i32 to index
      %get3A_2178 = arith.constant 0 : index
      %get3A_2179 = tpu.vector_load %arg11[%get3A_2177, %get3A_2178] {strides = array<i32>} : memref<152x16xf32, #tpu.memory_space<vmem>>, vector<16xf32>,
      %mul3A_2180 = arith.mulf %broadcast_in_dim3A_2169, %get3A_2179 : vector<16xf32>
      %add3A_2181 = arith.addf %add3A_2146, %mul3A_2180 : vector<16xf32>
      %get3A_2182 = arith.constant 150 : i32
      %get3A_2183 = arith.index_cast %get3A_2182 : i32 to index
      %get3A_2184 = arith.constant 0 : index
      %get3A_2185 = tpu.vector_load %arg11[%get3A_2183, %get3A_2184] {strides = array<i32>} : memref<152x16xf32, #tpu.memory_space<vmem>>, vector<16xf32>,
      %mul3A_2186 = arith.mulf %broadcast_in_dim3A_2169, %get3A_2185 : vector<16xf32>
      %add3A_2187 = arith.addf %add3A_2152, %mul3A_2186 : vector<16xf32>
      %get3A_2188 = arith.constant 151 : i32
      %get3A_2189 = arith.index_cast %get3A_2188 : i32 to index
      %get3A_2190 = arith.constant 0 : index
      %get3A_2191 = tpu.vector_load %arg11[%get3A_2189, %get3A_2190] {strides = array<i32>} : memref<152x16xf32, #tpu.memory_space<vmem>>, vector<16xf32>,
      %mul3A_2192 = arith.mulf %broadcast_in_dim3A_2169, %get3A_2191 : vector<16xf32>
      %add3A_2193 = arith.addf %add3A_2158, %mul3A_2192 : vector<16xf32>
      %swap3A_2194 = arith.constant 0 : i32
      %swap3A_2195 = arith.index_cast %swap3A_2194 : i32 to index
      %swap3A_2196 = arith.constant 0 : index
      %swap3A_2197 = tpu.vector_load %arg20[%swap3A_2195, %swap3A_2196] {strides = array<i32>} : memref<4x16xf32, #tpu.memory_space<vmem>>, vector<16xf32>,
      tpu.vector_store %arg20[%swap3A_2195, %swap3A_2196], %add3A_2175 {strides = array<i32>} : memref<4x16xf32, #tpu.memory_space<vmem>>, vector<16xf32>,
      %swap3A_2198 = arith.constant 1 : i32
      %swap3A_2199 = arith.index_cast %swap3A_2198 : i32 to index
      %swap3A_2200 = arith.constant 0 : index
      %swap3A_2201 = tpu.vector_load %arg20[%swap3A_2199, %swap3A_2200] {strides = array<i32>} : memref<4x16xf32, #tpu.memory_space<vmem>>, vector<16xf32>,
      tpu.vector_store %arg20[%swap3A_2199, %swap3A_2200], %add3A_2181 {strides = array<i32>} : memref<4x16xf32, #tpu.memory_space<vmem>>, vector<16xf32>,
      %swap3A_2202 = arith.constant 2 : i32
      %swap3A_2203 = arith.index_cast %swap3A_2202 : i32 to index
      %swap3A_2204 = arith.constant 0 : index
      %swap3A_2205 = tpu.vector_load %arg20[%swap3A_2203, %swap3A_2204] {strides = array<i32>} : memref<4x16xf32, #tpu.memory_space<vmem>>, vector<16xf32>,
      tpu.vector_store %arg20[%swap3A_2203, %swap3A_2204], %add3A_2187 {strides = array<i32>} : memref<4x16xf32, #tpu.memory_space<vmem>>, vector<16xf32>,
      %swap3A_2206 = arith.constant 3 : i32
      %swap3A_2207 = arith.index_cast %swap3A_2206 : i32 to index
      %swap3A_2208 = arith.constant 0 : index
      %swap3A_2209 = tpu.vector_load %arg20[%swap3A_2207, %swap3A_2208] {strides = array<i32>} : memref<4x16xf32, #tpu.memory_space<vmem>>, vector<16xf32>,
      tpu.vector_store %arg20[%swap3A_2207, %swap3A_2208], %add3A_2193 {strides = array<i32>} : memref<4x16xf32, #tpu.memory_space<vmem>>, vector<16xf32>,
      "tpu.region"() ({
        %run_scoped3A = tpu.sem_alloc : memref<!tpu.dma_semaphore, #tpu.memory_space<semaphore_mem>>
        tpu.enqueue_dma source(%arg20 : memref<4x16xf32, #tpu.memory_space<vmem>>) target(%arg8 : memref<4x16xf32, #tpu.memory_space<hbm>>) target_semaphore(%run_scoped3A : memref<!tpu.dma_semaphore, #tpu.memory_space<semaphore_mem>>)
        tpu.wait_dma2 semaphore(%run_scoped3A : memref<!tpu.dma_semaphore, #tpu.memory_space<semaphore_mem>>) src(%arg20 : memref<4x16xf32, #tpu.memory_space<vmem>>) dst(%arg8 : memref<4x16xf32, #tpu.memory_space<hbm>>)
        tpu.yield
      }) : () -> ()
    } else {
    }
    return
  }
}

</mosaic_0001>

<sc_bundles>
// kernel: kernel.3.cloned.1.call-start
scs
__scs_entry_jumppad:
0x0: {  	(pc) =	sbr.rel $0x88, $3  }
0x1: {  	(tag) =	ssettag $0x0;
	lr =	simm.s32 $0x1  }
0x2: {  	[smem:$0x3F95] =	sst lr;
	_ =	strace $0xD0000000  }
0x3: {  	_ = 	snop  }
0x4: {  	_ = 	snop  }
0x5: {  	_ = 	snop  }
0x6: {  	_ = 	snop  }
0x7: {  	_ = 	snop  }
__scs_overlays_trampoline_lowered:
0x8: {  	[smem:$0x3FA4] =	sst s0  }
0x9: {  	[smem:$0x3FA5] =	sst s1  }
0xa: {  	[smem:$0x3FA6] =	sst s2  }
0xb: {  	[smem:$0x3FA7] =	sst s3  }
0xc: {  	[smem:$0x3FA8] =	sst s4  }
0xd: {  	[smem:$0x3FA9] =	sst s5  }
0xe: {  	[smem:$0x3FAA] =	sst s6  }
0xf: {  	[smem:$0x3FAB] =	sst s7  }
0x10: {  	[smem:$0x3FAC] =	sst s8  }
0x11: {  	[smem:$0x3FAD] =	sst s9;
	s0 =	simm.s32 @!p0 $0x0  }
0x12: {  	s1 =	sld [smem:$0x3F93];
	s0 =	simm.s32 @p0 $0x1  }
0x13: {  	[smem:$0x3FAE] =	sst s0;
	s0 =	simm.s32 @!p1 $0x0  }
0x14: {  	s2 =	sld [smem:$0x3F92];
	s0 =	simm.s32 @p1 $0x1  }
0x15: {  	[smem:$0x3FAF] =	sst s0;
	s0 =	simm.s32 @!p2 $0x0  }
0x16: {  	s3 =	sld [smem:$0x3FDB];
	s0 =	simm.s32 @p2 $0x1  }
0x17: {  	s4 =	simm.s32 $0x1BF5;
	[smem:$0x3FB1] =	sst s0  }
0x18: {  	s0 =	sld [smem:$0x3F94];
	_ =	swait.ge [sflag:s4], $0x0  }
0x19: {  	s7 =	sld [smem:$0x3F95]  }
0x1a: {  	s8 =	sadd.s32 $0xFFFFE003, lr  }
0x1b: {  	s9 =	sadd.s32 $0xFFFFFEF7, lr;
	s5 =	simm.s32 $0xFFFFFFFF;
	p2 =	slt.u32 s8, $0xFFFFF086  }
0x1c: {  	p1 =	slt.u32 s9, $0xF7A;
	s5 =	simm.s32 @!p2 $0x0  }
0x1d: {  	s5 =	simm.s32 @p1 $0x1;
	p0 =	seq.s32 s7, s2  }
0x1e: {  	s7 =	smul.u32 @!p0 $0xF7A, s2;
	p2 =	seq.s32 @!p0 s5, $0x0  }
0x1f: {  	s9 =	smul.u32 $0xF7A, s1;
	s8 =	simm.s32 @!p0 $0x1BF5;
	p2 =	por !p2, p0  }
0x20: {  	[sflag:s8] =	ssyncset.s32 @!p0 $0xFFFFF086;
	s6 =	sadd.s32 @!p0 s3, s7;
	s7 =	simm.s32 @!p0 $0x108  }
0x21: {  	s3 =	sadd.s32 s3, s9;
	s6 =	sadd.s32 @!p0 $0x88, s6;
	s7 =	simm.s32 @p2 $0x1082  }
0x22: {  	[simem:s7], [sflag:s8] =	dma.local @!p0 [hbm:s6], $0xF7A  }
0x23: {  	s9 =	sor.u32 $0xD0000000, s2;
	s6 =	simm.s32 $0x108;
	_ =	swait.ge @!p0 [sflag:s8], $0x0  }
0x24: {  	s3 =	sadd.s32 $0x88, s3;
	s6 =	simm.s32 @!p1 $0x1082;
	[sflag:s4] =	ssyncset.s32 $0xFFFFF086  }
0x25: {  	[simem:s6], [sflag:s4] =	dma.local [hbm:s3], $0xF7A  }
0x26: {  	[smem:$0x3F95] =	sst s1;
	(tag) =	ssettag s2;
	_ =	strace s9  }
0x27: {  	s1 =	sld [smem:$0x3FA5]  }
0x28: {  	s2 =	sld [smem:$0x3FA6]  }
0x29: {  	s4 =	sld [smem:$0x3FA8]  }
0x2a: {  	p0 =	seq.s32 s5, $0x0;
	s5 =	sld [smem:$0x3FA9]  }
0x2b: {  	s6 =	sld [smem:$0x3FAA]  }
0x2c: {  	s7 =	sld [smem:$0x3FAB]  }
0x2d: {  	s3 =	simm.s32 $0x108;
	s8 =	sld [smem:$0x3FAC]  }
0x2e: {  	s3 =	simm.s32 @!p0 $0x1082;
	s9 =	sld [smem:$0x3FAD]  }
0x2f: {  	lr =	sadd.s32 s0, s3;
	s0 =	sld [smem:$0x3FA4]  }
0x30: {  	s3 =	sld [smem:$0x3FA7]  }
0x31: {  	[smem:$0x3FB0] =	sst s10  }
0x32: {  	s10 =	sld [smem:$0x3FAE];
	_ =	sdelay $0x3  }
0x33: {  	p0 =	seq.s32 s10, $0x1;
	s10 =	sld [smem:$0x3FB0];
	_ =	sdelay $0x3  }
0x34: {  	[smem:$0x3FB0] =	sst s10  }
0x35: {  	s10 =	sld [smem:$0x3FAF];
	_ =	sdelay $0x3  }
0x36: {  	p1 =	seq.s32 s10, $0x1;
	s10 =	sld [smem:$0x3FB0];
	_ =	sdelay $0x3  }
0x37: {  	[smem:$0x3FB0] =	sst s10  }
0x38: {  	s10 =	sld [smem:$0x3FB1]  }
0x39: {  	_ = 	snop;
	(pc) =	sbr.ind lr, $3  }
0x3a: {  	_ = 	snop  }
0x3b: {  	_ = 	snop  }
0x3c: {  	p2 =	seq.s32 s10, $0x1;
	s10 =	sld [smem:$0x3FB0]  }
0x3d: {  	_ =	shalt  }
0x3e: {  	_ =	shalt  }
0x3f: {  	_ =	shalt  }
0x40: {  	_ =	shalt  }
0x41: {  	_ =	shalt  }
0x42: {  	_ =	shalt  }
0x43: {  	_ =	shalt  }
0x44: {  	_ =	shalt  }
0x45: {  	_ =	shalt  }
0x46: {  	_ =	shalt  }
0x47: {  	_ =	shalt  }
0x48: {  	_ =	shalt  }
0x49: {  	_ =	shalt  }
0x4a: {  	_ =	shalt  }
0x4b: {  	_ =	shalt  }
0x4c: {  	_ =	shalt  }
0x4d: {  	_ =	shalt  }
0x4e: {  	_ =	shalt  }
0x4f: {  	_ =	shalt  }
0x50: {  	_ =	shalt  }
0x51: {  	_ =	shalt  }
0x52: {  	_ =	shalt  }
0x53: {  	_ =	shalt  }
0x54: {  	_ =	shalt  }
0x55: {  	_ =	shalt  }
0x56: {  	_ =	shalt  }
0x57: {  	_ =	shalt  }
0x58: {  	_ =	shalt  }
0x59: {  	_ =	shalt  }
0x5a: {  	_ =	shalt  }
0x5b: {  	_ =	shalt  }
0x5c: {  	_ =	shalt  }
0x5d: {  	_ =	shalt  }
0x5e: {  	_ =	shalt  }
0x5f: {  	_ =	shalt  }
0x60: {  	_ =	shalt  }
0x61: {  	_ =	shalt  }
0x62: {  	_ =	shalt  }
0x63: {  	_ =	shalt  }
0x64: {  	_ =	shalt  }
0x65: {  	_ =	shalt  }
0x66: {  	_ =	shalt  }
0x67: {  	_ =	shalt  }
0x68: {  	_ =	shalt  }
0x69: {  	_ =	shalt  }
0x6a: {  	_ =	shalt  }
0x6b: {  	_ =	shalt  }
0x6c: {  	_ =	shalt  }
0x6d: {  	_ =	shalt  }
0x6e: {  	_ =	shalt  }
0x6f: {  	_ =	shalt  }
0x70: {  	_ =	shalt  }
0x71: {  	_ =	shalt  }
0x72: {  	_ =	shalt  }
0x73: {  	_ =	shalt  }
0x74: {  	_ =	shalt  }
0x75: {  	_ =	shalt  }
0x76: {  	_ =	shalt  }
0x77: {  	_ =	shalt  }
0x78: {  	_ =	shalt  }
0x79: {  	_ =	shalt  }
0x7a: {  	_ =	shalt  }
0x7b: {  	_ =	shalt  }
0x7c: {  	_ =	shalt  }
0x7d: {  	_ =	shalt  }
0x7e: {  	_ =	shalt  }
0x7f: {  	_ =	shalt  }
0x80: {  	_ =	shalt  }
0x81: {  	_ =	shalt  }
0x82: {  	_ =	shalt  }
0x83: {  	_ =	shalt  }
0x84: {  	_ =	shalt  }
0x85: {  	_ =	shalt  }
0x86: {  	_ =	shalt  }
0x87: {  	_ =	shalt  }
.Lfunc_end0:
.L_simem_size_0:
called_computation_lowered:
.L_overlay_start_0:
0x88: {  	s0 =	sld [smem:$0x3FD9]  }
0x89: {  	s1 =	sld [smem:$0x3FFE];
	_ =	sdelay $0x3  }
0x8a: {  	s0 =	sadd.s32 s1, s0  }
0x8b: {  	[smem:$0x3FBC] =	sst s0  }
0x8c: {  	_ = 	snop  }
0x8d: {  	s0 =	sld [smem:$0x3FD0];
	(tm) =	ssettm $0x1  }
0x8e: {  	s16 =	sld [smem:$0x3FFB];
	_ =	sdelay $0x3  }
0x8f: {  	_ =	strace s16  }
0x90: {  	s1 =	sld [smem:$0x3FFC];
	_ =	sdelay $0x3  }
0x91: {  	_ =	strace s1  }
0x92: {  	s1 =	sld [smem:$0x3FFD];
	_ =	sdelay $0x3  }
0x93: {  	_ =	strace s1  }
0x94: {  	_ =	strace $0x8FFFFFFF  }
0x95: {  	s17 =	sld [smem:$0x3FDB];
	_ =	sdelay $0x1  }
0x96: {  	s2 =	simm.s32 $_scs_section_size  }
0x97: {  	s3 =	simm.s32 $_size__tile_overlayer_lowered;
	s4 =	simm.s32 $_tile_overlayer_lowered  }
0x98: {  	s20 =	simm.s32 $0x1BFF;
	s19 =	sshll.u32 s4, $0x1;
	s1 =	sadd.s32 s2, s17  }
0x99: {  	s5 =	simm.s32 $0x0;
	s18 =	sshll.u32 s3, $0x1;
	s3 =	sadd.s32 s19, s1  }
0x9a: {  	[timem:s5], [sflag:s20] =	dma.local [hbm:s3], s18  }
0x9b: {  	_ =	swait.ge [sflag:s20], s18  }
0x9c: {  	s2 =	ssub.s32 $0x0, s18;
	[sflag:s20] =	ssyncset.done $0x0  }
0x9d: {  	[sflag:s20] =	ssyncadd.s32 s2;
	_ =	sdelay $0x1  }
0x9e: {  	s21 =	simm.s32 $0x1B8B  }
0x9f: {  	_ =	swait.ge [sflag:s21], $0x1  }
0xa0: {  	[sflag:s21] =	ssyncset.done $0x0  }
0xa1: {  	s23 =	simm.s32 $0x1B8E;
	s22 =	sld [smem:$0x3FFE];
	[sflag:s21] =	ssyncadd.s32 $0xFFFFFFFF  }
0xa2: {  	s24 =	simm.s32 $execute0_lowered;
	[smem:$0x3FD2] =	sst s23  }
0xa3: {  	s3 =	sshll.u32 s24, $0x1;
	_ =	strace $0x80000046;
	[dreg:$0x1] =	wrdreg $0xFFFFFFFF  }
0xa4: {  	s25 =	simm.s32 $_size_execute0_lowered;
	s1 =	sadd.s32 s1, s3;
	[dreg:$0x0] =	wrdreg $0x0  }
0xa5: {  	s3 =	sshll.u32 s25, $0x1;
	[dreg:$0x2] =	wrdreg s1  }
0xa6: {  	[dreg:$0x3] =	wrdreg s3  }
0xa7: {  	[dreg:$0x4] =	wrdreg $0xC0  }
0xa8: {  	_ =	task [dreg:s5], $0x5FFFF  }
0xa9: {  	[dreg:$0x1] =	wrdreg $0xFFFFFFFF  }
0xaa: {  	[dreg:$0x0] =	wrdreg $0x60  }
0xab: {  	[dreg:$0x2] =	wrdreg s22  }
0xac: {  	[dreg:$0x3] =	wrdreg s0  }
0xad: {  	[dreg:$0x4] =	wrdreg $0x190E00  }
0xae: {  	[dreg:$0x5] =	wrdreg $0x9  }
0xaf: {  	_ =	task.clear_ibuf [dreg:s5], $0x6FFFF;
	_ =	strace $0x90000046  }
0xb0: {  	s26 =	simm.s32 $0x9;
	_ =	strace $0x80000048  }
0xb1: {  	_ =	swait.ge [sflag:s26], $0x1  }
0xb2: {  	[sflag:s26] =	ssyncadd.s32 $0xFFFFFFFF  }
0xb3: {  	_ =	strace $0x90000048  }
0xb4: {  	_ =	sfence  }
0xb5: {  	s28 =	sld [smem:$0x0];
	_ =	sdelay $0x1  }
0xb6: {  	s29 =	srdreg.scid  }
0xb7: {  	s30 =	sshll.u32 s29, $0xD;
	s31 =	sshrl.u32 s29, $0x2  }
0xb8: {  	s2 =	sand.u32 $0x4000, s30;
	s1 =	sand.u32 $0x1, s29;
	s0 =	sadd.s32 s31, s28  }
0xb9: {  	s1 =	sor.u32 s2, s1;
	s0 =	sshll.u32 s0, $0x11  }
0xba: {  	s0 =	sor.u32 s0, s1  }
0xbb: {  	s0 =	sadd.s32 $0x8F2B, s0  }
0xbc: {  	[sflag:s0] =	ssyncadd.remote.s32 $0x1  }
0xbd: {  	_ =	sfence.sel $0xFFFF  }
0xbe: {  	[dreg:$0x0] =	wrdreg $0xFFFFFFFF;
	(pc) =	sbr.abs _section_cstart, $3  }
0xbf: {  	[dreg:$0x1] =	wrdreg $0xFFFFFFFF  }
0xc0: {  	_ =	task.clear_ibuf [dreg:s5], $0x2FFFF;
	_ =	strace $0x9FFFFFFF  }
0xc1: {  	(tm) =	ssettm $0x7FFFFFFF  }
tec
execute0_lowered:
.L_overlay_start_1:
0x0: {  	(tag) =	ssettag $0x1  }
0x1: {  	s4 =	stileid.u32  }
0x2: {  	s7 =	rddreg [dreg:$0x0];
	s9 =	smul.u32 $0xC350, s4  }
0x3: {  	s1 =	rddreg [dreg:$0x1]  }
0x4: {  	s3 =	rddreg [dreg:$0x2];
	s10 =	simm.s32 $0x0;
	s2 =	sshrl.u32 s9, $0x3  }
0x5: {  	[smem:$0x7FF] =	sst s10;
	s2 =	sadd.s32 s2, s7  }
0x6: {  	s0 =	rddreg [dreg:$0x3];
	_ =	strace $0x80000047;
	s2 =	sadd.s32 $0x34800, s2  }
0x7: {  	[tilespmem:s10], [sflag:$0x1] =	stream.linear.gather [hbm4b:s2+s10], $0xC350, $0x38;
	[tilespmem:$0x19780] =	vst v63  }
0x8: {  	s5 =	simm.s32 $0x186B0;
	s31 =	simm.s32 $0x1;
	s30 =	sadd.s32 $0x3600, s7  }
0x9: {  	[tilespmem:s5], [sflag:$0x2] =	stream.linear.gather [hbm4b:s30+s10], $0x980, $0x38;
	[tilespmem:$0x19780] =	vst v63  }
0xa: {  	s8 =	simm.s32 $0x2;
	_ =	swait.ge [sflag:s31], $0xC350  }
.Ltmp0:
0xb: {  	s11 =	simm.s32 $0xC350;
	[sflag:s31] =	ssyncset.done $0x0;
	(pc) =	sbr.rel .LBB2_1-.Ltmp0, $4  }
0xc: {  	s13 =	simm.s32 $0x0;
	s14 =	simm.s32 $0x0;
	[sflag:s31] =	ssyncadd.s32 $0xFFFF3CB0  }
0xd: {  	s6 =	sadd.s32 $0x1C00, s7;
	s12 =	smov.u32 s9;
	_ =	swait.ge [sflag:s8], $0x980  }
0xe: {  	s2 =	sadd.s32 $0x1C000, s7;
	s5 =	sadd.s32 $0x3800, s7;
	[sflag:s8] =	ssyncset.done $0x0  }
0xf: {  	v0 =	vimm.s32 $0x0;
	v1 =	vlaneseq.u32;
	s7 =	sadd.s32 $0x200, s7;
	[sflag:s8] =	ssyncadd.s32 $0xFFFFF680;
	s8 =	simm.s32 $0x0  }
.LBB2_4:
0x10: {  	_ =	sdelay $0x4  }
0x11: {  	s16 =	sadd.s32 s17, s13;
	[tilespmem:v2+s11+$0x0] =	vst.idx.msk vm0, v3  }
0x12: {  	v2 =	vld [tilespmem:s16+$0x0];
	_ =	sdelay $0x4  }
0x13: {  	vm15 =	veq.s32 v2, $0x0  }
0x14: {  	v2 =	vsel vm15, $0x1, v0  }
0x15: {  	(xrf0) =	vadd.scan.msk.s32 $0xffff, v2;
	_ =	sdelay $0x5  }
0x16: {  	v2, _, _ =	vpop (xrf0)  }
0x17: {  	v3 =	vxor.u32 $0x80000000, v2  }
0x18: {  	(xrf0) =	vmax.scan.msk.u32 $0xffff, v3;
	_ =	sdelay $0x5  }
0x19: {  	v3, _, _ =	vpop (xrf0)  }
0x1a: {  	(v2sf) =	vpush v3, $0xF;
	_ =	sdelay $0x4  }
0x1b: {  	s30 =	spop (v2sf)  }
0x1c: {  	s8 =	sadd.s32 s30, s8  }
0x1d: {  	s8 =	sadd.s32 $0x80000000, s8  }
0x1e: {  	v3 =	vmov s8  }
0x1f: {  	v3 =	vadd.s32 $0xFFFFFFFF, v3  }
0x20: {  	v3 =	vbroadcast v3, $0x0;
	_ =	sdelay $0x1  }
0x21: {  	v2 =	vadd.s32 v2, v3;
	_ =	sdelay $0x2  }
0x22: {  	s15 =	sadd.s32 $0x10, s15;
	s31 =	spop (v2sf)  }
0x23: {  	v3 =	vor.u32 s15, v1;
	s8 =	sadd.s32 s31, s8  }
0x24: {  	[tilespmem:v2+s11+$0x0] =	vst.idx.msk vm15, v3;
	s8 =	sadd.s32 $0x80000000, s8  }
.LBB2_5:
0x25: {  	s14 =	sadd.s32 $0x1, s14  }
0x26: {  	p0 =	sne.s32 s14, $0x186  }
.Ltmp1:
0x27: {  	_ = 	snop;
	(pc) =	sbr.rel @!p0 .LBB2_6-.Ltmp1, $2  }
0x28: {  	_ =	sdelay $0x2  }
0x29: {  	s13 =	sadd.s32 $0x80, s13;
	s12 =	sadd.s32 $0x80, s12  }
.LBB2_1:
0x2a: {  	s15 =	sshll.u32 s14, $0x7  }
0x2b: {  	s15 =	sand.u32 $0x3FFFFF80, s15  }
0x2c: {  	v2 =	vld [tilespmem:s15+$0x0]  }
0x2d: {  	v3 =	vld [tilespmem:s15+$0x10];
	_ =	sdelay $0x1  }
0x2e: {  	v4 =	vld [tilespmem:s15+$0x20];
	_ =	sdelay $0x1  }
0x2f: {  	v5 =	vld [tilespmem:s15+$0x30]  }
0x30: {  	vm0 =	vlt.s32 v2, v3  }
0x31: {  	v2 =	vsel vm0, v2, v3;
	v3 =	vld [tilespmem:s15+$0x40]  }
0x32: {  	vm0 =	vlt.s32 v2, v4  }
0x33: {  	v62 =	vld [tilespmem:s15+$0x50];
	v2 =	vsel vm0, v2, v4  }
0x34: {  	vm0 =	vlt.s32 v2, v5  }
0x35: {  	v63 =	vld [tilespmem:s15+$0x60];
	v2 =	vsel vm0, v2, v5  }
0x36: {  	vm0 =	vlt.s32 v2, v3  }
0x37: {  	v2 =	vsel vm0, v2, v3;
	v3 =	vld [tilespmem:s15+$0x70]  }
0x38: {  	vm0 =	vlt.s32 v2, v62  }
0x39: {  	v2 =	vsel vm0, v2, v62  }
0x3a: {  	vm0 =	vlt.s32 v2, v63  }
0x3b: {  	v2 =	vsel vm0, v2, v63  }
0x3c: {  	vm0 =	vlt.s32 v2, v3  }
0x3d: {  	v2 =	vsel vm0, v2, v3  }
0x3e: {  	v2 =	vxor.u32 $0x80000000, v2  }
0x3f: {  	(xrf0) =	vmin.scan.msk.u32 $0xffff, v2;
	_ =	sdelay $0x5  }
0x40: {  	v2, _, _ =	vpop (xrf0)  }
0x41: {  	(v2sf) =	vpush v2, $0xF;
	_ =	sdelay $0xe  }
0x42: {  	s31 =	spop (v2sf)  }
0x43: {  	p0 =	sne.s32 s31, $0x80000000  }
.Ltmp2:
0x44: {  	_ = 	snop;
	(pc) =	sbr.rel @p0 .LBB2_5-.Ltmp2, $1  }
0x45: {  	_ =	sdelay $0x3  }
0x46: {  	s15 =	sshra.s32 s10, $0x2  }
0x47: {  	s15 =	sadd.s32 s15, s13  }
0x48: {  	v2 =	vld [tilespmem:s15+$0x0];
	_ =	sdelay $0x4  }
0x49: {  	vm0 =	veq.s32 v2, $0x0  }
0x4a: {  	v2 =	vsel vm0, $0x1, v0  }
0x4b: {  	(xrf0) =	vadd.scan.msk.s32 $0xffff, v2;
	_ =	sdelay $0x5  }
0x4c: {  	v2, _, _ =	vpop (xrf0)  }
0x4d: {  	v3 =	vxor.u32 $0x80000000, v2  }
0x4e: {  	(xrf0) =	vmax.scan.msk.u32 $0xffff, v3;
	v3 =	vmov s8  }
0x4f: {  	v3 =	vadd.s32 $0xFFFFFFFF, v3  }
0x50: {  	v3 =	vbroadcast v3, $0x0;
	_ =	sdelay $0x1  }
0x51: {  	v2 =	vadd.s32 v2, v3;
	_ =	sdelay $0x1  }
0x52: {  	v4, _, _ =	vpop (xrf0)  }
0x53: {  	s31 =	sadd.s32 $0x40, s10;
	(v2sf) =	vpush v4, $0xF  }
0x54: {  	s17 =	sshra.s32 s31, $0x2;
	s16 =	sadd.s32 $0x40, s31;
	s15 =	smov.u32 s12;
	v3 =	vor.u32 s12, v1  }
.LBB2_3:
0x55: {  	p0 =	sne.s32 s16, $0x1C0;
	s17 =	sadd.s32 s17, s13;
	[tilespmem:v2+s11+$0x0] =	vst.idx.msk vm0, v3  }
0x56: {  	v2 =	vld [tilespmem:s17+$0x0];
	_ =	sdelay $0x4  }
0x57: {  	vm0 =	veq.s32 v2, $0x0  }
0x58: {  	v2 =	vsel vm0, $0x1, v0  }
0x59: {  	(xrf0) =	vadd.scan.msk.s32 $0xffff, v2;
	_ =	sdelay $0x4  }
0x5a: {  	s17 =	spop (v2sf)  }
0x5b: {  	v2, _, _ =	vpop (xrf0);
	s8 =	sadd.s32 s17, s8  }
0x5c: {  	v3 =	vxor.u32 $0x80000000, v2;
	s8 =	sadd.s32 $0x80000000, s8  }
0x5d: {  	v4 =	vmov s8;
	(xrf0) =	vmax.scan.msk.u32 $0xffff, v3  }
0x5e: {  	v3 =	vadd.s32 $0xFFFFFFFF, v4  }
0x5f: {  	v3 =	vbroadcast v3, $0x0;
	_ =	sdelay $0x1  }
.Ltmp3:
0x60: {  	v2 =	vadd.s32 v2, v3;
	(pc) =	sbr.rel @p0 .LBB2_3-.Ltmp3, $4  }
0x61: {  	_ = 	snop  }
0x62: {  	v3, _, _ =	vpop (xrf0)  }
0x63: {  	s15 =	sadd.s32 $0x10, s15;
	(v2sf) =	vpush v3, $0xF  }
0x64: {  	s17 =	sshra.s32 s16, $0x2;
	s16 =	sadd.s32 $0x40, s16;
	v3 =	vor.u32 s15, v1  }
.Ltmp4:
0x65: {  	_ = 	snop;
	(pc) =	sbr.rel .LBB2_4-.Ltmp4, $1  }
0x66: {  	_ =	sdelay $0x3  }
.LBB2_6:
0x67: {  	s10 =	simm.s32 $0x0  }
0x68: {  	v0 =	vld [tilespmem:s10+$0xC300];
	_ =	sdelay $0x4  }
0x69: {  	v1 =	vimm.s32 $0x0;
	vm0 =	veq.s32 v0, $0x0  }
0x6a: {  	v0 =	vsel vm0, $0x1, v1  }
0x6b: {  	(xrf0) =	vadd.scan.msk.s32 $0xffff, v0;
	_ =	sdelay $0x5  }
0x6c: {  	v0, _, _ =	vpop (xrf0)  }
0x6d: {  	v3 =	vxor.u32 $0x80000000, v0  }
0x6e: {  	v2 =	vmov s8;
	(xrf0) =	vmax.scan.msk.u32 $0xffff, v3  }
0x6f: {  	v2 =	vadd.s32 $0xFFFFFFFF, v2  }
0x70: {  	v2 =	vbroadcast v2, $0x0;
	_ =	sdelay $0x1  }
0x71: {  	v2 =	vadd.s32 v0, v2;
	_ =	sdelay $0x1  }
0x72: {  	v3, _, _ =	vpop (xrf0)  }
0x73: {  	s10 =	sadd.s32 $0xC300, s9;
	v0 =	vlaneseq.u32;
	(v2sf) =	vpush v3, $0xF  }
0x74: {  	s9 =	simm.s32 $0xC350;
	v4 =	vor.u32 s10, v0  }
0x75: {  	s12 =	simm.s32 $0x10;
	s11 =	simm.s32 $0x80;
	[tilespmem:v2+s9+$0x0] =	vst.idx.msk vm0, v4  }
.LBB2_7:
0x76: {  	p0 =	sne.s32 s11, $0x100;
	v2 =	vld [tilespmem:s12+$0xC300];
	_ =	sdelay $0x4  }
0x77: {  	vm0 =	veq.s32 v2, $0x0  }
0x78: {  	v2 =	vsel vm0, $0x1, v1  }
0x79: {  	(xrf0) =	vadd.scan.msk.s32 $0xffff, v2;
	_ =	sdelay $0x4  }
0x7a: {  	s12 =	spop (v2sf)  }
0x7b: {  	v2, _, _ =	vpop (xrf0);
	s8 =	sadd.s32 s12, s8  }
0x7c: {  	v3 =	vxor.u32 $0x80000000, v2;
	s8 =	sadd.s32 $0x80000000, s8  }
0x7d: {  	v4 =	vmov s8;
	(xrf0) =	vmax.scan.msk.u32 $0xffff, v3  }
0x7e: {  	v3 =	vadd.s32 $0xFFFFFFFF, v4  }
0x7f: {  	v3 =	vbroadcast v3, $0x0;
	_ =	sdelay $0x1  }
0x80: {  	v2 =	vadd.s32 v2, v3  }
.Ltmp5:
0x81: {  	(pc) =	sbr.rel @p0 .LBB2_7-.Ltmp5, $4  }
0x82: {  	v3, _, _ =	vpop (xrf0)  }
0x83: {  	s10 =	sadd.s32 $0x10, s10;
	(v2sf) =	vpush v3, $0xF  }
0x84: {  	v3 =	vor.u32 s10, v0  }
0x85: {  	s12 =	sshra.s32 s11, $0x2;
	s11 =	sadd.s32 $0x40, s11;
	[tilespmem:v2+s9+$0x0] =	vst.idx.msk vm0, v3  }
0x86: {  	v2 =	vld [tilespmem:s12+$0xC300];
	_ =	sdelay $0x4  }
0x87: {  	vm0 =	veq.s32 v2, $0x0  }
0x88: {  	v1 =	vsel vm0, $0x1, v1  }
0x89: {  	(xrf0) =	vadd.scan.msk.s32 $0xffff, v1;
	_ =	sdelay $0x5  }
0x8a: {  	v1, _, _ =	vpop (xrf0)  }
0x8b: {  	v2 =	vxor.u32 $0x80000000, v1  }
0x8c: {  	(xrf0) =	vmax.scan.msk.u32 $0xffff, v2;
	_ =	sdelay $0x5  }
0x8d: {  	v2, _, _ =	vpop (xrf0)  }
0x8e: {  	(v2sf) =	vpush v2, $0xF;
	_ =	sdelay $0xc  }
0x8f: {  	s11 =	spop (v2sf)  }
0x90: {  	s8 =	sadd.s32 s11, s8  }
0x91: {  	s8 =	sadd.s32 $0x80000000, s8;
	s24 =	spop (v2sf)  }
0x92: {  	v2 =	vmov s8;
	s8 =	sadd.s32 s24, s8  }
0x93: {  	s8 =	sadd.s32 $0x80000000, s8  }
0x94: {  	s25 =	sadd.s32 $0xF, s8  }
0x95: {  	s26 =	sand.u32 $0xF, s25  }
0x96: {  	s13 =	sshra.s32 s25, $0x1F;
	p0 =	slt.s32 s25, $0x1;
	p1 =	sne.s32 s26, $0x0  }
0x97: {  	v2 =	vadd.s32 $0xFFFFFFFF, v2;
	s28 =	sshrl.u32 s13, $0x1C;
	p0 =	por !p0, !p1  }
0x98: {  	s12 =	simm.s32 $0x1;
	v2 =	vbroadcast v2, $0x0;
	s11 =	sadd.s32 s28, s25;
	p0 =	por !p0, !p0  }
0x99: {  	s10 =	sadd.s32 $0x10, s10;
	s11 =	sshra.s32 s11, $0x4;
	s12 =	simm.s32 @!p0 $0x0  }
0x9a: {  	v0 =	vor.u32 s10, v0;
	v1 =	vadd.s32 v1, v2;
	v2 =	vlaneseq.u32;
	s10 =	ssub.s32 s11, s12  }
0x9b: {  	v2 =	vadd.s32 s8, v2;
	p0 =	slt.s32 s10, $0x1  }
.Ltmp6:
0x9c: {  	_ = 	snop;
	(pc) =	sbr.rel @p0 .LBB2_9-.Ltmp6, $3  }
0x9d: {  	s29 =	smul.u32 $0x180, s4;
	_ =	sdelay $0x1  }
0x9e: {  	s31 =	simm.s32 $0xC350;
	s30 =	sshrl.u32 s29, $0x2;
	[tilespmem:v1+s9+$0x0] =	vst.idx.msk vm0, v0;
	v0 =	vimm.s32 $0x0  }
0x9f: {  	s9 =	sadd.s32 s30, s3;
	v1 =	vimm.f32 $-1.000000020e+30;
	[tilespmem:v2+s31+$0x0] =	vst.idx.msk $0xffff, v0;
	v0 =	vimm.f32 $0.0e+00;
	s11 =	simm.s32 $0x1  }
0xa0: {  	v2 =	vld [tilespmem:$0x186B0]  }
0xa1: {  	v3 =	vld [tilespmem:$0x18710]  }
0xa2: {  	v4 =	vld [tilespmem:$0x186C0]  }
0xa3: {  	v5 =	vld [tilespmem:$0x18730]  }
0xa4: {  	v6 =	vld [tilespmem:$0x18720]  }
0xa5: {  	v7 =	vld [tilespmem:$0x18740];
	_ =	sdelay $0x2  }
0xa6: {  	v8 =	vld [tilespmem:$0x18770]  }
0xa7: {  	v9 =	vld [tilespmem:$0x18780];
	v3 =	vmul.f32 v3, v2;
	v5 =	vmul.f32 v5, v4  }
0xa8: {  	v2 =	vmul.f32 v6, v2;
	v4 =	vmul.f32 v7, v4;
	_ =	sdelay $0x1  }
0xa9: {  	v3 =	vadd.f32 v5, v3;
	v4 =	vadd.f32 v4, v2  }
.Ltmp7:
0xaa: {  	_ = 	snop;
	(pc) =	sbr.rel .LBB2_11-.Ltmp7, $4  }
0xab: {  	v2 =	vadd.f32 v3, v8;
	v3 =	vadd.f32 v4, v9;
	v4 =	vld [tilespmem:$0x187B0]  }
0xac: {  	s12 =	simm.s32 $0x0;
	s13 =	simm.s32 $0x10;
	s14 =	simm.s32 $0x19030  }
0xad: {  	s15 =	simm.s32 $0x19040;
	s16 =	simm.s32 $0x19050;
	s17 =	simm.s32 $0x2;
	v7 =	vimm.f32 $0.0e+00  }
0xae: {  	s18 =	simm.s32 $0x19060;
	s19 =	simm.s32 $0x19070;
	s20 =	smov.u32 s8;
	v6 =	vimm.f32 $0.0e+00;
	v5 =	vld [tilespmem:$0x187C0];
	v8 =	vimm.f32 $0.0e+00;
	v9 =	vimm.f32 $-1.000000020e+30  }
.LBB2_9:
0xaf: {  	v9 =	vimm.f32 $-1.000000020e+30  }
0xb0: {  	v8 =	vimm.f32 $0.0e+00;
	v6 =	vimm.f32 $0.0e+00;
	v7 =	vimm.f32 $0.0e+00  }
.LBB2_26:
0xb1: {  	[tilespmem:$0x19080] =	vst v9  }
0xb2: {  	[tilespmem:$0x19090] =	vst v1  }
0xb3: {  	[tilespmem:$0x190A0] =	vst v8  }
0xb4: {  	[tilespmem:$0x190B0] =	vst v6  }
0xb5: {  	[tilespmem:$0x190C0] =	vst v7  }
0xb6: {  	[tilespmem:$0x190D0] =	vst v0;
	s2 =	simm.s32 $0x19080  }
0xb7: {  	[spmem:s9] =	stream.linear.scatter [tilespmem:s2], [sflag:$0x3], $0x60, $0x38;
	[tilespmem:$0x19780] =	vst v63  }
0xb8: {  	s2 =	simm.s32 $0x3  }
0xb9: {  	_ =	swait.ge [sflag:s2], $0x60  }
0xba: {  	[sflag:s2] =	ssyncset.done $0x0  }
0xbb: {  	[sflag:s2] =	ssyncadd.s32 $0xFFFFFFA0  }
0xbc: {  	p0 =	sne.s32 s4, $0x0;
	[bflag:$0x0] =	sbarrier.arrive $0xFFFF  }
0xbd: {  	_ =	sfence.sel @p0 $0x180000  }
0xbe: {  	[bflag:$0x0] =	sbarrier.arrive @p0 $0xFFFF  }
0xbf: {  	_ =	strace @p0 $0x90000047  }
0xc0: {  	[bflag:$0x2] =	sbarrier.arrive @p0 $0xFFFF  }
0xc1: {  	_ =	shalt @p0  }
.LBB2_27:
0xc2: {  	s4 =	simm.s32 $0x19140  }
0xc3: {  	[tilespmem:s4], [sflag:$0x3] =	stream.linear.gather [spmem:s3], $0x600, $0x38;
	[tilespmem:$0x19780] =	vst v63  }
0xc4: {  	_ =	swait.ge [sflag:s2], $0x600  }
0xc5: {  	[sflag:s2] =	ssyncset.done $0x0  }
0xc6: {  	[sflag:s2] =	ssyncadd.s32 $0xFFFFFA00  }
0xc7: {  	v0 =	vld [tilespmem:$0x19140]  }
0xc8: {  	v1 =	vld [tilespmem:$0x191A0]  }
0xc9: {  	v2 =	vld [tilespmem:$0x19150]  }
0xca: {  	v3 =	vld [tilespmem:$0x191B0]  }
0xcb: {  	v6 =	vld [tilespmem:$0x19200]  }
0xcc: {  	v26 =	vld [tilespmem:$0x19210]  }
0xcd: {  	v13 =	vld [tilespmem:$0x19260]  }
0xce: {  	v33 =	vld [tilespmem:$0x19270];
	v4 =	vmax.f32 v0, v1  }
0xcf: {  	v41 =	vld [tilespmem:$0x192C0];
	v5 =	vmax.f32 v2, v3;
	v0 =	vsub.f32 v0, v4;
	v1 =	vsub.f32 v1, v4  }
0xd0: {  	v17 =	vld [tilespmem:$0x192D0];
	v2 =	vsub.f32 v2, v5;
	v3 =	vsub.f32 v3, v5;
	v28 =	vmax.f32 v4, v6  }
0xd1: {  	v10 =	vmax.f32 v5, v26;
	v4 =	vsub.f32 v4, v28;
	v6 =	vsub.f32 v6, v28  }
0xd2: {  	v30 =	vsub.f32 v5, v10;
	v36 =	vmax.f32 v28, v13;
	v0 =	vmul.f32 $1.442695020e+00, v0  }
0xd3: {  	v40 =	vmax.f32 v10, v33;
	v1 =	vmul.f32 $1.442695020e+00, v1;
	v24 =	vmul.f32 $1.442695020e+00, v2  }
0xd4: {  	v27 =	vld [tilespmem:$0x19160];
	v25 =	vmul.f32 $1.442695020e+00, v3;
	v13 =	vsub.f32 v13, v36;
	(erf) = vpow2.f32 v0  }
0xd5: {  	v29 =	vld [tilespmem:$0x19170];
	v48 =	vmax.f32 v36, v41;
	v52 =	vmax.f32 v40, v17;
	(erf) = vpow2.f32 v1  }
0xd6: {  	v7 =	vld [tilespmem:$0x19180];
	v4 =	vmul.f32 $1.442695020e+00, v4;
	v53 =	vsub.f32 v41, v48;
	(erf) = vpow2.f32 v24  }
0xd7: {  	v8 =	vld [tilespmem:$0x191C0];
	v6 =	vmul.f32 $1.442695020e+00, v6;
	v57 =	vsub.f32 v17, v52;
	v13 =	vmul.f32 $1.442695020e+00, v13  }
0xd8: {  	v54 =	vld [tilespmem:$0x19320];
	v0 =	vsub.f32 v26, v10;
	v56 =	vmul.f32 $1.442695020e+00, v53;
	(erf) = vpow2.f32 v25  }
0xd9: {  	v58 =	vld [tilespmem:$0x19330];
	v10 =	vsub.f32 v10, v40;
	(erf) = vpow2.f32 v4;
	v4 =	vmul.f32 $1.442695020e+00, v30  }
0xda: {  	v12 =	vld [tilespmem:$0x191E0];
	v1 =	vsub.f32 v28, v36;
	v61 =	vmul.f32 $1.442695020e+00, v57;
	(erf) = vpow2.f32 v6  }
0xdb: {  	v9 =	vld [tilespmem:$0x19190];
	v0 =	vmul.f32 $1.442695020e+00, v0;
	(erf) = vpow2.f32 v4;
	v4 =	vsub.f32 v33, v40  }
0xdc: {  	v45 =	vmul.f32 $1.442695020e+00, v10;
	v1 =	vmul.f32 $1.442695020e+00, v1  }
0xdd: {  	v11 =	vld [tilespmem:$0x191D0];
	v63 =	vmax.f32 v48, v54;
	(erf) = vpow2.f32 v0;
	v4 =	vmul.f32 $1.442695020e+00, v4;
	v31 =	vpop (erf)  }
0xde: {  	v15 =	vld [tilespmem:$0x191F0];
	v24 =	vmax.f32 v52, v58;
	v32 =	vpop (erf);
	v2 =	vmul.f32 v31, v27;
	v5 =	vmul.f32 v31, v7  }
0xdf: {  	v7 =	vsub.f32 v52, v24;
	v14 =	vpop (erf);
	v8 =	vmul.f32 v32, v8;
	v6 =	vmul.f32 v32, v12  }
0xe0: {  	v17 =	vsub.f32 v58, v24;
	v3 =	vmul.f32 v14, v29;
	v37 =	vmul.f32 v14, v9  }
0xe1: {  	v35 =	vld [tilespmem:$0x19220];
	v12 =	vsub.f32 v40, v52;
	v16 =	vpop (erf);
	(erf) = vpow2.f32 v1;
	v27 =	vmul.f32 $1.442695020e+00, v7  }
0xe2: {  	v1 =	vsub.f32 v48, v63;
	v29 =	vmul.f32 $1.442695020e+00, v17;
	v11 =	vmul.f32 v16, v11  }
0xe3: {  	v44 =	vld [tilespmem:$0x19240];
	v14 =	vsub.f32 v54, v63;
	v38 =	vmul.f32 v16, v15;
	v39 =	vpop (erf);
	(erf) = vpow2.f32 v13  }
0xe4: {  	v43 =	vld [tilespmem:$0x19230];
	v34 =	vadd.f32 v8, v2;
	v59 =	vmul.f32 $1.442695020e+00, v12;
	v42 =	vpop (erf);
	(erf) = vpow2.f32 v45  }
0xe5: {  	v5 =	vadd.f32 v6, v5;
	v1 =	vmul.f32 $1.442695020e+00, v1;
	v14 =	vmul.f32 $1.442695020e+00, v14  }
0xe6: {  	v50 =	vld [tilespmem:$0x19250];
	v51 =	vsub.f32 v36, v48;
	v0 =	vmul.f32 v39, v34;
	v2 =	vmul.f32 v42, v35  }
0xe7: {  	v3 =	vadd.f32 v11, v3;
	v46 =	vpop (erf);
	(erf) = vpow2.f32 v4;
	v5 =	vmul.f32 v39, v5  }
0xe8: {  	v8 =	vadd.f32 v38, v37;
	v6 =	vmul.f32 v42, v44;
	v4 =	vmul.f32 $1.442695020e+00, v51;
	v39 =	vld [tilespmem:$0x19380];
	v47 =	vpop (erf)  }
0xe9: {  	v42 =	vld [tilespmem:$0x19390];
	v3 =	vmul.f32 v46, v3;
	v49 =	vmul.f32 v47, v43  }
0xea: {  	v55 =	vld [tilespmem:$0x19280];
	v8 =	vmul.f32 v46, v8;
	(erf) = vpow2.f32 v4  }
0xeb: {  	v51 =	vld [tilespmem:$0x193F0];
	v0 =	vadd.f32 v2, v0;
	v10 =	vmul.f32 v47, v50;
	(erf) = vpow2.f32 v56  }
0xec: {  	v18 =	vld [tilespmem:$0x192A0];
	v5 =	vadd.f32 v6, v5;
	v3 =	vadd.f32 v49, v3;
	(erf) = vpow2.f32 v59  }
0xed: {  	v8 =	vadd.f32 v10, v8;
	(erf) = vpow2.f32 v61;
	v46 =	vmax.f32 v63, v39  }
0xee: {  	v60 =	vld [tilespmem:$0x19290];
	v50 =	vmax.f32 v24, v42;
	v62 =	vpop (erf);
	(erf) = vpow2.f32 v1;
	v2 =	vsub.f32 v63, v46  }
0xef: {  	v48 =	vld [tilespmem:$0x193E0];
	v15 =	vsub.f32 v24, v50;
	v11 =	vsub.f32 v42, v50;
	v21 =	vpop (erf);
	v0 =	vmul.f32 v62, v0  }
0xf0: {  	v56 =	vld [tilespmem:$0x19440];
	v59 =	vmax.f32 v50, v51;
	v5 =	vmul.f32 v62, v5;
	v23 =	vmul.f32 v21, v55  }
0xf1: {  	v19 =	vld [tilespmem:$0x192B0];
	v61 =	vsub.f32 v50, v59;
	v22 =	vpop (erf);
	(erf) = vpow2.f32 v14;
	v32 =	vmul.f32 v21, v18  }
0xf2: {  	v62 =	vsub.f32 v51, v59;
	v2 =	vmul.f32 $1.442695020e+00, v2;
	v53 =	vmul.f32 $1.442695020e+00, v15  }
0xf3: {  	v14 =	vsub.f32 v39, v46;
	v54 =	vmul.f32 $1.442695020e+00, v11;
	v3 =	vmul.f32 v22, v3  }
0xf4: {  	v26 =	vld [tilespmem:$0x192E0];
	v55 =	vmax.f32 v46, v48;
	v25 =	vpop (erf);
	(erf) = vpow2.f32 v27;
	v35 =	vmul.f32 v22, v8  }
0xf5: {  	v31 =	vld [tilespmem:$0x19300];
	v57 =	vsub.f32 v46, v55;
	v21 =	vmul.f32 $1.442695020e+00, v61;
	v22 =	vmax.f32 v55, v56  }
0xf6: {  	v63 =	vld [tilespmem:$0x19450];
	v4 =	vmul.f32 v25, v60;
	v0 =	vadd.f32 v23, v0;
	v36 =	vmul.f32 v25, v19  }
0xf7: {  	v28 =	vld [tilespmem:$0x192F0];
	v1 =	vadd.f32 v32, v5;
	v14 =	vmul.f32 $1.442695020e+00, v14;
	v23 =	vmul.f32 $1.442695020e+00, v62;
	v30 =	vpop (erf)  }
0xf8: {  	v34 =	vld [tilespmem:$0x19310];
	(erf) = vpow2.f32 v29;
	v33 =	vpop (erf);
	v3 =	vadd.f32 v4, v3;
	v0 =	vmul.f32 v30, v0  }
0xf9: {  	v4 =	vadd.f32 v36, v35;
	v1 =	vmul.f32 v30, v1;
	v37 =	vpop (erf);
	v6 =	vmul.f32 v33, v26  }
0xfa: {  	v24 =	vsub.f32 v55, v22;
	v29 =	vld [tilespmem:$0x194A0];
	v41 =	vmul.f32 v33, v31;
	v3 =	vmul.f32 v37, v3  }
0xfb: {  	v40 =	vld [tilespmem:$0x19340];
	v32 =	vmax.f32 v59, v63;
	v38 =	vpop (erf);
	v4 =	vmul.f32 v37, v4;
	(erf) = vpow2.f32 v2  }
0xfc: {  	v52 =	vld [tilespmem:$0x19360];
	v26 =	vsub.f32 v56, v22;
	v2 =	vmul.f32 $1.442695020e+00, v57;
	v7 =	vmul.f32 v38, v28  }
0xfd: {  	v5 =	vmul.f32 v38, v34;
	v0 =	vadd.f32 v6, v0;
	(erf) = vpow2.f32 v14  }
0xfe: {  	v44 =	vpop (erf);
	v1 =	vadd.f32 v41, v1;
	v28 =	vmul.f32 $1.442695020e+00, v24;
	(erf) = vpow2.f32 v53  }
0xff: {  	v58 =	vld [tilespmem:$0x19370];
	v38 =	vmax.f32 v22, v29;
	v3 =	vadd.f32 v7, v3;
	v0 =	vmul.f32 v44, v0  }
0x100: {  	v43 =	vld [tilespmem:$0x19350];
	v4 =	vadd.f32 v5, v4;
	v45 =	vpop (erf);
	v1 =	vmul.f32 v44, v1;
	(erf) = vpow2.f32 v54  }
0x101: {  	v7 =	vsub.f32 v59, v32;
	v44 =	vld [tilespmem:$0x194B0];
	v8 =	vmul.f32 v45, v40;
	v5 =	vmul.f32 v45, v52  }
0x102: {  	v10 =	vsub.f32 v29, v38;
	v47 =	vpop (erf);
	(erf) = vpow2.f32 v2;
	v2 =	vmul.f32 $1.442695020e+00, v26  }
0x103: {  	v60 =	vsub.f32 v48, v55;
	v54 =	vld [tilespmem:$0x19510];
	v3 =	vmul.f32 v47, v3;
	v4 =	vmul.f32 v47, v4  }
0x104: {  	v36 =	vsub.f32 v63, v32;
	v7 =	vmul.f32 $1.442695020e+00, v7;
	v46 =	vmul.f32 $1.442695020e+00, v10;
	v47 =	vld [tilespmem:$0x19500];
	v49 =	vpop (erf)  }
0x105: {  	v20 =	vld [tilespmem:$0x193A0];
	v41 =	vsub.f32 v22, v38;
	v9 =	vmul.f32 v49, v43;
	v6 =	vmul.f32 v49, v58  }
0x106: {  	v31 =	vld [tilespmem:$0x193C0];
	v0 =	vadd.f32 v8, v0;
	v1 =	vadd.f32 v5, v1;
	v52 =	vmax.f32 v32, v44  }
0x107: {  	v3 =	vadd.f32 v9, v3;
	v9 =	vmul.f32 $1.442695020e+00, v60;
	v4 =	vadd.f32 v6, v4  }
0x108: {  	v57 =	vld [tilespmem:$0x19560];
	v27 =	vpop (erf);
	v53 =	vsub.f32 v32, v52;
	v55 =	vsub.f32 v44, v52;
	v61 =	vmax.f32 v52, v54  }
0x109: {  	v25 =	vld [tilespmem:$0x193B0];
	v30 =	vpop (erf);
	v0 =	vmul.f32 v27, v0;
	v1 =	vmul.f32 v27, v1;
	v56 =	vmax.f32 v38, v47  }
0x10a: {  	v24 =	vsub.f32 v52, v61;
	(erf) = vpow2.f32 v9;
	v15 =	vmul.f32 v30, v20  }
0x10b: {  	v33 =	vpop (erf);
	v13 =	vmul.f32 v30, v31;
	v14 =	vmul.f32 $1.442695020e+00, v55;
	v12 =	vsub.f32 v38, v56  }
0x10c: {  	v59 =	vsub.f32 v47, v56;
	(erf) = vpow2.f32 v21;
	v3 =	vmul.f32 v33, v3  }
0x10d: {  	v62 =	vld [tilespmem:$0x19570];
	v26 =	vmax.f32 v56, v57;
	v34 =	vpop (erf);
	v4 =	vmul.f32 v33, v4;
	(erf) = vpow2.f32 v23  }
0x10e: {  	v20 =	vld [tilespmem:$0x193D0];
	v29 =	vsub.f32 v56, v26;
	v11 =	vmul.f32 v34, v25;
	v12 =	vmul.f32 $1.442695020e+00, v12  }
0x10f: {  	v19 =	vsub.f32 v57, v26;
	v63 =	vmul.f32 $1.442695020e+00, v59;
	(erf) = vpow2.f32 v28  }
0x110: {  	v35 =	vld [tilespmem:$0x19400];
	v0 =	vadd.f32 v15, v0;
	v28 =	vmul.f32 $1.442695020e+00, v24;
	v31 =	vmul.f32 $1.442695020e+00, v29  }
0x111: {  	v40 =	vld [tilespmem:$0x19420];
	v39 =	vpop (erf);
	v1 =	vadd.f32 v13, v1;
	v32 =	vmul.f32 $1.442695020e+00, v19;
	(erf) = vpow2.f32 v2  }
0x112: {  	v27 =	vld [tilespmem:$0x195C0];
	v23 =	vmax.f32 v61, v62;
	v2 =	vmul.f32 $1.442695020e+00, v36;
	v0 =	vmul.f32 v39, v0  }
0x113: {  	v1 =	vmul.f32 v39, v1;
	v9 =	vmul.f32 v34, v20;
	v34 =	vsub.f32 v62, v23  }
0x114: {  	v37 =	vld [tilespmem:$0x19410];
	v25 =	vsub.f32 v54, v61;
	(erf) = vpow2.f32 v7;
	v7 =	vmul.f32 $1.442695020e+00, v41  }
0x115: {  	v3 =	vadd.f32 v11, v3;
	v39 =	vld [tilespmem:$0x195D0];
	(erf) = vpow2.f32 v2;
	v38 =	vmul.f32 $1.442695020e+00, v34;
	v42 =	vpop (erf)  }
0x116: {  	v4 =	vadd.f32 v9, v4;
	v11 =	vpop (erf);
	v18 =	vmul.f32 v42, v35;
	(erf) = vpow2.f32 v7  }
0x117: {  	v43 =	vld [tilespmem:$0x19460];
	v48 =	vmul.f32 v42, v40;
	v7 =	vmul.f32 $1.442695020e+00, v53;
	v35 =	vmax.f32 v26, v27  }
0x118: {  	v30 =	vld [tilespmem:$0x19480];
	v13 =	vpop (erf);
	v3 =	vmul.f32 v11, v3;
	(erf) = vpow2.f32 v46;
	v16 =	vsub.f32 v26, v35  }
0x119: {  	v11 =	vmul.f32 v11, v4;
	v0 =	vadd.f32 v18, v0;
	v45 =	vpop (erf);
	(erf) = vpow2.f32 v7  }
0x11a: {  	v46 =	vmax.f32 v23, v39;
	v5 =	vmul.f32 v13, v37;
	(erf) = vpow2.f32 v14  }
0x11b: {  	v18 =	vsub.f32 v27, v35;
	v49 =	vpop (erf);
	v16 =	vmul.f32 $1.442695020e+00, v16;
	v50 =	vmul.f32 v45, v0  }
0x11c: {  	v51 =	vld [tilespmem:$0x19470];
	v3 =	vadd.f32 v5, v3;
	v2 =	vmul.f32 v49, v43;
	(erf) = vpow2.f32 v12  }
0x11d: {  	v37 =	vld [tilespmem:$0x19430];
	v5 =	vadd.f32 v48, v1;
	v12 =	vmul.f32 $1.442695020e+00, v25;
	v8 =	vmul.f32 v49, v30  }
0x11e: {  	v41 =	vmul.f32 $1.442695020e+00, v18;
	v48 =	vsub.f32 v23, v46;
	(erf) = vpow2.f32 v63  }
0x11f: {  	v33 =	vsub.f32 v61, v23;
	v62 =	vld [tilespmem:$0x19490];
	v0 =	vpop (erf);
	v5 =	vmul.f32 v45, v5;
	(erf) = vpow2.f32 v28  }
0x120: {  	v58 =	vld [tilespmem:$0x194C0];
	v2 =	vadd.f32 v2, v50;
	v52 =	vmul.f32 $1.442695020e+00, v48;
	v3 =	vmul.f32 v0, v3  }
0x121: {  	v49 =	vld [tilespmem:$0x19630];
	v50 =	vsub.f32 v39, v46;
	v1 =	vpop (erf);
	(erf) = vpow2.f32 v12;
	v12 =	vmul.f32 $1.442695020e+00, v33  }
0x122: {  	v13 =	vmul.f32 v13, v37;
	v15 =	vmul.f32 v1, v51;
	v60 =	vpop (erf)  }
0x123: {  	v36 =	vld [tilespmem:$0x19520];
	v54 =	vmul.f32 $1.442695020e+00, v50;
	(erf) = vpow2.f32 v31;
	v22 =	vpop (erf)  }
0x124: {  	v42 =	vld [tilespmem:$0x194E0];
	v1 =	vmul.f32 v1, v62;
	(erf) = vpow2.f32 v32;
	v7 =	vpop (erf)  }
0x125: {  	v45 =	vld [tilespmem:$0x19620];
	v5 =	vadd.f32 v8, v5;
	v21 =	vmul.f32 v60, v2;
	v2 =	vpop (erf);
	(erf) = vpow2.f32 v12  }
0x126: {  	v55 =	vmax.f32 v46, v49;
	v11 =	vadd.f32 v13, v11;
	v6 =	vmul.f32 v22, v58  }
0x127: {  	v40 =	vld [tilespmem:$0x194D0];
	v15 =	vadd.f32 v15, v3;
	v10 =	vmul.f32 v60, v5;
	(erf) = vpow2.f32 v38  }
0x128: {  	v28 =	vld [tilespmem:$0x19680];
	v8 =	vsub.f32 v46, v55;
	v6 =	vadd.f32 v6, v21;
	v24 =	vpop (erf);
	(erf) = vpow2.f32 v16  }
0x129: {  	v23 =	vsub.f32 v49, v55;
	v9 =	vmul.f32 v22, v42;
	v15 =	vmul.f32 v7, v15;
	v18 =	vpop (erf)  }
0x12a: {  	v44 =	vld [tilespmem:$0x19580];
	v27 =	vmax.f32 v35, v45;
	v6 =	vmul.f32 v24, v6;
	v43 =	vmul.f32 v18, v36;
	v3 =	vpop (erf)  }
0x12b: {  	v30 =	vld [tilespmem:$0x196E0];
	v14 =	vsub.f32 v35, v27;
	v17 =	vsub.f32 v45, v27;
	v8 =	vmul.f32 $1.442695020e+00, v8;
	v4 =	vpop (erf)  }
0x12c: {  	v58 =	vmul.f32 $1.442695020e+00, v23;
	v47 =	vmul.f32 v2, v40;
	v6 =	vadd.f32 v43, v6;
	v20 =	vpop (erf)  }
0x12d: {  	v56 =	vld [tilespmem:$0x19690];
	v57 =	vmax.f32 v27, v28;
	v14 =	vmul.f32 $1.442695020e+00, v14;
	(erf) = vpow2.f32 v41;
	v25 =	vpop (erf)  }
0x12e: {  	v53 =	vld [tilespmem:$0x195E0];
	v59 =	vsub.f32 v27, v57;
	v17 =	vmul.f32 $1.442695020e+00, v17;
	v5 =	vpop (erf);
	(erf) = vpow2.f32 v52  }
0x12f: {  	v48 =	vld [tilespmem:$0x196F0];
	v60 =	vsub.f32 v28, v57;
	v26 =	vmul.f32 v20, v6;
	(erf) = vpow2.f32 v54  }
0x130: {  	v33 =	vld [tilespmem:$0x19540];
	v63 =	vmax.f32 v57, v30;
	v51 =	vmul.f32 v25, v44;
	v6 =	vpop (erf);
	(erf) = vpow2.f32 v14  }
0x131: {  	v62 =	vld [tilespmem:$0x196B0];
	v34 =	vsub.f32 v30, v63;
	v61 =	vmul.f32 $1.442695020e+00, v59;
	v19 =	vpop (erf);
	(erf) = vpow2.f32 v17  }
0x132: {  	v31 =	vld [tilespmem:$0x19530];
	v12 =	vadd.f32 v51, v26;
	(erf) = vpow2.f32 v8;
	v8 =	vmax.f32 v55, v56  }
0x133: {  	v13 =	vld [tilespmem:$0x18800];
	v27 =	vmul.f32 $1.442695020e+00, v60;
	v36 =	vmul.f32 $1.442695020e+00, v34;
	v22 =	vsub.f32 v55, v8  }
0x134: {  	v46 =	vld [tilespmem:$0x19600];
	v12 =	vmul.f32 v19, v12;
	(erf) = vpow2.f32 v58;
	v26 =	vsub.f32 v56, v8  }
0x135: {  	v35 =	vld [tilespmem:$0x19640];
	v14 =	vsub.f32 v57, v63;
	(erf) = vpow2.f32 v61;
	v32 =	vmul.f32 $1.442695020e+00, v22  }
0x136: {  	v45 =	vld [tilespmem:$0x19550];
	(erf) = vpow2.f32 v27;
	v26 =	vmul.f32 $1.442695020e+00, v26  }
0x137: {  	v23 =	vld [tilespmem:$0x18A20];
	v9 =	vadd.f32 v9, v10;
	v29 =	vpop (erf);
	v14 =	vmul.f32 $1.442695020e+00, v14;
	(erf) = vpow2.f32 v32  }
0x138: {  	v38 =	vld [tilespmem:$0x19590];
	v15 =	vadd.f32 v47, v15;
	v21 =	vmul.f32 v29, v53;
	v28 =	vpop (erf);
	(erf) = vpow2.f32 v26  }
0x139: {  	v40 =	vld [tilespmem:$0x195A0];
	v9 =	vmul.f32 v24, v9;
	v27 =	vpop (erf);
	(erf) = vpow2.f32 v14  }
0x13a: {  	v60 =	vld [tilespmem:$0x19670];
	v37 =	vmul.f32 v3, v15;
	v12 =	vadd.f32 v21, v12;
	v41 =	vpop (erf);
	(erf) = vpow2.f32 v36  }
0x13b: {  	v39 =	vmul.f32 v4, v31;
	v43 =	vmul.f32 v18, v33;
	v44 =	vld [tilespmem:$0x196A0];
	v42 =	vpop (erf)  }
0x13c: {  	v33 =	vld [tilespmem:$0x196D0];
	v12 =	vmul.f32 v41, v12;
	v22 =	vpop (erf);
	v16 =	vmul.f32 v42, v35  }
0x13d: {  	v0 =	vmul.f32 v0, v11;
	v10 =	vadd.f32 v39, v37;
	v9 =	vadd.f32 v43, v9;
	v39 =	vld [tilespmem:$0x19730];
	v24 =	vpop (erf)  }
0x13e: {  	v52 =	vld [tilespmem:$0x195B0];
	v47 =	vpop (erf);
	v12 =	vadd.f32 v16, v12  }
0x13f: {  	v0 =	vadd.f32 v1, v0;
	v50 =	vmul.f32 v25, v40;
	v9 =	vmul.f32 v20, v9;
	v51 =	vld [tilespmem:$0x19700];
	v49 =	vpop (erf)  }
0x140: {  	v20 =	vld [tilespmem:$0x18AE0];
	v12 =	vmul.f32 v47, v12;
	v18 =	vmul.f32 v49, v44;
	v30 =	vpop (erf)  }
0x141: {  	v0 =	vmul.f32 v7, v0;
	v10 =	vmul.f32 v5, v10;
	v9 =	vadd.f32 v50, v9;
	v53 =	vld [tilespmem:$0x195F0];
	v31 =	vpop (erf)  }
0x142: {  	v15 =	vmul.f32 v6, v38;
	v57 =	vld [tilespmem:$0x19660];
	v58 =	vmax.f32 v8, v48;
	v12 =	vadd.f32 v18, v12;
	v56 =	vpop (erf)  }
0x143: {  	v63 =	vld [tilespmem:$0x196C0];
	v9 =	vmul.f32 v19, v9;
	v11 =	vmul.f32 v29, v46;
	v8 =	vsub.f32 v8, v58;
	v59 =	vpop (erf)  }
0x144: {  	v17 =	vld [tilespmem:$0x194F0];
	v54 =	vadd.f32 v15, v10;
	v12 =	vmul.f32 v56, v12;
	v25 =	vmul.f32 v59, v51  }
0x145: {  	v15 =	vld [tilespmem:$0x18810];
	v9 =	vadd.f32 v11, v9;
	v8 =	vmul.f32 $1.442695020e+00, v8;
	v16 =	vsub.f32 v48, v58  }
0x146: {  	v32 =	vld [tilespmem:$0x19650];
	v7 =	vmul.f32 v28, v54;
	v61 =	vmul.f32 v27, v53;
	v12 =	vadd.f32 v25, v12  }
0x147: {  	v19 =	vld [tilespmem:$0x18B50];
	v9 =	vmul.f32 v41, v9;
	v16 =	vmul.f32 $1.442695020e+00, v16  }
0x148: {  	v55 =	vld [tilespmem:$0x19610];
	v18 =	vmul.f32 v42, v57;
	(erf) = vpow2.f32 v8;
	v34 =	vadd.f32 $1.000000020e-16, v12  }
0x149: {  	v1 =	vmul.f32 v6, v52;
	v52 =	vld [tilespmem:$0x18840];
	v7 =	vadd.f32 v61, v7;
	(erf) = vpow2.f32 v16  }
0x14a: {  	v2 =	vmul.f32 v2, v17;
	v54 =	vld [tilespmem:$0x18860];
	v9 =	vadd.f32 v18, v9;
	(erf) = vrcp.f32 v34  }
0x14b: {  	v36 =	vld [tilespmem:$0x19720];
	v37 =	vmul.f32 v22, v7;
	v38 =	vmul.f32 v24, v32  }
0x14c: {  	v0 =	vadd.f32 v2, v0;
	v26 =	vld [tilespmem:$0x18970];
	v40 =	vmul.f32 v49, v63;
	v9 =	vmul.f32 v47, v9  }
0x14d: {  	v53 =	vld [tilespmem:$0x18850];
	v10 =	vmul.f32 v27, v55;
	v2 =	vadd.f32 v38, v37  }
0x14e: {  	v27 =	vld [tilespmem:$0x18C50];
	v0 =	vmul.f32 v3, v0;
	v42 =	vmul.f32 v4, v45;
	v43 =	vadd.f32 v40, v9  }
0x14f: {  	v41 =	vld [tilespmem:$0x187D0];
	v2 =	vmul.f32 v30, v2;
	v44 =	vmul.f32 v31, v62  }
0x150: {  	v3 =	vld [tilespmem:$0x18820];
	v0 =	vadd.f32 v42, v0;
	v45 =	vmul.f32 v59, v36;
	v7 =	vmul.f32 v56, v43  }
0x151: {  	v35 =	vld [tilespmem:$0x19710];
	v46 =	vpop (erf)  }
0x152: {  	v61 =	vld [tilespmem:$0x188B0];
	v2 =	vadd.f32 v44, v2;
	v0 =	vmul.f32 v5, v0;
	v47 =	vpop (erf);
	v48 =	vadd.f32 v45, v7  }
0x153: {  	v58 =	vld [tilespmem:$0x18890];
	v11 =	vmul.f32 v24, v60;
	v51 =	vpop (erf)  }
0x154: {  	v60 =	vld [tilespmem:$0x188A0];
	v0 =	vadd.f32 v1, v0;
	v50 =	vmul.f32 v46, v2;
	v2 =	vmul.f32 v51, v48  }
0x155: {  	v24 =	vld [tilespmem:$0x18E60]  }
0x156: {  	v49 =	vld [tilespmem:$0x18830];
	v0 =	vmul.f32 v28, v0;
	v12 =	vmul.f32 v47, v35;
	v55 =	vadd.f32 v2, v41  }
0x157: {  	vm14 =	vmmov $0x1;
	v63 =	vld [tilespmem:$0x188D0]  }
0x158: {  	v37 =	vld [tilespmem:$0x18910];
	v0 =	vadd.f32 v10, v0;
	v12 =	vadd.f32 v12, v50;
	v1 =	vmax.f32 v55, $0.0e+00  }
0x159: {  	v4 =	vld [tilespmem:$0x187E0];
	v59 =	vnsel vm14, $0x0, v1  }
0x15a: {  	v57 =	vld [tilespmem:$0x18880];
	v0 =	vmul.f32 v22, v0;
	v12 =	vadd.f32 $1.000000020e-16, v12;
	(xrf2) =	vadd.scan.msk.f32 $0xffff, v59  }
0x15b: {  	vm9 =	vcmask $0x308;
	v62 =	vld [tilespmem:$0x188C0]  }
0x15c: {  	v32 =	vmul.f32 v31, v33;
	v31 =	vld [tilespmem:$0x189A0];
	v0 =	vadd.f32 v11, v0;
	(erf) = vrcp.f32 v12  }
0x15d: {  	v42 =	vld [tilespmem:$0x18940];
	v33 =	vsel vm9, $0x0, v1  }
0x15e: {  	v36 =	vld [tilespmem:$0x18900];
	v0 =	vmul.f32 v30, v0;
	(xrf2) =	vadd.scan.msk.f32 $0xffff, v33  }
0x15f: {  	vm7 =	vcmask $0x70C;
	v44 =	vld [tilespmem:$0x18950]  }
0x160: {  	v25 =	vld [tilespmem:$0x18A90];
	v0 =	vadd.f32 v32, v0;
	v38 =	vsel vm7, $0x0, v1  }
0x161: {  	vm2 =	vcmask $0xB10;
	v9 =	vld [tilespmem:$0x187F0];
	(xrf2) =	vadd.scan.msk.f32 $0xffff, v38  }
0x162: {  	vm0 =	vcmask $0xF14;
	v40 =	vld [tilespmem:$0x18930];
	v5 =	vmul.f32 v47, v39;
	v0 =	vmul.f32 v46, v0  }
0x163: {  	vm1 =	vcmask $0x1318;
	vm5 =	vcmask $0x171C;
	v56 =	vld [tilespmem:$0x18870];
	v46 =	vsel vm2, $0x0, v1  }
0x164: {  	vm3 =	vcmask $0x1B20;
	vm8 =	vcmask $0x1F24;
	v28 =	vld [tilespmem:$0x18960];
	v0 =	vadd.f32 v5, v0;
	v43, _, _ =	vpop (xrf2);
	(xrf2) =	vadd.scan.msk.f32 $0xffff, v46  }
0x165: {  	vm6 =	vcmask $0x2328;
	vm4 =	vcmask $0x272C;
	vm11 =	vcmask $0x2B30;
	v34 =	vld [tilespmem:$0x188E0];
	v41 =	vpop (erf)  }
0x166: {  	vm12 =	vcmask $0x2F34;
	v7 =	vld [tilespmem:$0x18980];
	v0 =	vmul.f32 v41, v0;
	v45 =	vbroadcast v43, $0xF  }
0x167: {  	vm10 =	vcmask $0x3338;
	vm13 =	vcmask $0x373C;
	v35 =	vld [tilespmem:$0x188F0];
	v50 =	vsel vm0, $0x0, v1  }
0x168: {  	vm15 =	vmmov $0x7fff;
	v39 =	vld [tilespmem:$0x18920];
	v0 =	vadd.f32 v0, v4;
	v48, _, _ =	vpop (xrf2);
	(xrf2) =	vadd.scan.msk.f32 $0xffff, v50;
	v47 =	vmul.f32 v45, v49  }
0x169: {  	v22 =	vld [tilespmem:$0x18A50];
	v55 =	vsel vm1, $0x0, v1;
	v14 =	vmul.f32 v45, v52;
	v49 =	vbroadcast v48, $0xF  }
0x16a: {  	v30 =	vld [tilespmem:$0x18990];
	v0 =	vmax.f32 v0, $0.0e+00;
	v6 =	vmul.f32 v45, v53;
	v5 =	vmul.f32 v54, v45  }
0x16b: {  	v59 =	vld [tilespmem:$0x18A00];
	v53, _, _ =	vpop (xrf2);
	(xrf2) =	vadd.scan.msk.f32 $0xffff, v55;
	v4 =	vadd.f32 v47, v9;
	v51 =	vadd.f32 v14, v13;
	v2 =	vmul.f32 v56, v49  }
0x16c: {  	v38 =	vld [tilespmem:$0x18A60];
	v6 =	vadd.f32 v6, v15;
	v10 =	vmul.f32 v57, v49;
	v15 =	vbroadcast v53, $0xF  }
0x16d: {  	v46 =	vld [tilespmem:$0x18AA0];
	v3 =	vadd.f32 v5, v3;
	v52 =	vmul.f32 v58, v49;
	v18 =	vmul.f32 v60, v49  }
0x16e: {  	v54 =	vld [tilespmem:$0x189D0];
	v58 =	vmul.f32 v61, v15;
	v60 =	vmul.f32 v63, v15;
	v63 =	vsel vm5, $0x0, v1;
	v61, _, _ =	vpop (xrf2)  }
0x16f: {  	v45 =	vsel vm8, $0x0, v1;
	v48 =	vld [tilespmem:$0x18AC0];
	v3 =	vadd.f32 v18, v3;
	(xrf2) =	vadd.scan.msk.f32 $0xffff, v63;
	v18 =	vbroadcast v61, $0xF  }
0x170: {  	v13 =	vld [tilespmem:$0x189B0];
	v2 =	vadd.f32 v2, v4;
	v57 =	vadd.f32 v10, v51;
	v11 =	vmul.f32 v62, v15  }
0x171: {  	v5 =	vld [tilespmem:$0x189C0];
	v15 =	vmul.f32 v34, v15;
	v34 =	vmul.f32 v37, v18;
	v37 =	vsel vm3, $0x0, v1  }
0x172: {  	v55 =	vsel vm4, $0x0, v1;
	v56 =	vld [tilespmem:$0x189E0];
	v6 =	vadd.f32 v52, v6;
	v32 =	vmul.f32 v35, v18;
	v35, _, _ =	vpop (xrf2);
	(xrf2) =	vadd.scan.msk.f32 $0xffff, v37  }
0x173: {  	v9 =	vld [tilespmem:$0x189F0];
	v51 =	vsel vm6, $0x0, v1;
	v2 =	vadd.f32 v58, v2;
	v4 =	vadd.f32 v11, v57  }
0x174: {  	v14 =	vld [tilespmem:$0x18A40];
	v6 =	vadd.f32 v60, v6;
	v33 =	vmul.f32 v36, v18;
	v36 =	vbroadcast v35, $0xF  }
0x175: {  	v62 =	vld [tilespmem:$0x18A10];
	v3 =	vadd.f32 v15, v3;
	v16 =	vmul.f32 v39, v18;
	v43, _, _ =	vpop (xrf2);
	v2 =	vadd.f32 v32, v2;
	(xrf2) =	vadd.scan.msk.f32 $0xffff, v45  }
0x176: {  	v10 =	vld [tilespmem:$0x18A30];
	v4 =	vadd.f32 v33, v4;
	v8 =	vmul.f32 v40, v36;
	v41 =	vmul.f32 v42, v36  }
0x177: {  	v52 =	vld [tilespmem:$0x18AD0];
	v6 =	vadd.f32 v34, v6;
	v42 =	vmul.f32 v44, v36;
	v44 =	vbroadcast v43, $0xF  }
0x178: {  	v63 =	vld [tilespmem:$0x18B60];
	v3 =	vadd.f32 v16, v3;
	v34 =	vsel vm12, $0x0, v1;
	v18 =	vmul.f32 v28, v36  }
0x179: {  	v39 =	vld [tilespmem:$0x18A70];
	v2 =	vadd.f32 v8, v2;
	v4 =	vadd.f32 v41, v4;
	v47 =	vmul.f32 v26, v44;
	v50, _, _ =	vpop (xrf2);
	(xrf2) =	vadd.scan.msk.f32 $0xffff, v51  }
0x17a: {  	v35 =	vld [tilespmem:$0x18B90];
	v6 =	vadd.f32 v42, v6;
	v7 =	vmul.f32 v7, v44;
	v53 =	vbroadcast v50, $0xF  }
0x17b: {  	v37 =	vld [tilespmem:$0x18BA0];
	v49 =	vmul.f32 v30, v44;
	v3 =	vadd.f32 v18, v3;
	v8 =	vmul.f32 v31, v44  }
0x17c: {  	v16 =	vld [tilespmem:$0x18AB0];
	v41 =	vsel vm10, $0x0, v1;
	v2 =	vadd.f32 v47, v2;
	v17 =	vmul.f32 v54, v53;
	v54, _, _ =	vpop (xrf2);
	(xrf2) =	vadd.scan.msk.f32 $0xffff, v55  }
0x17d: {  	v40 =	vld [tilespmem:$0x18A80];
	v4 =	vadd.f32 v7, v4;
	v6 =	vadd.f32 v49, v6;
	v57 =	vbroadcast v54, $0xF  }
0x17e: {  	v28 =	vld [tilespmem:$0x18B20];
	v3 =	vadd.f32 v8, v3;
	v13 =	vmul.f32 v13, v53;
	v5 =	vmul.f32 v5, v53  }
0x17f: {  	v26 =	vld [tilespmem:$0x18B00];
	v60, _, _ =	vpop (xrf2);
	v12 =	vmul.f32 v59, v57;
	v59 =	vmul.f32 v62, v57;
	v62 =	vsel vm11, $0x0, v1  }
0x180: {  	v31 =	vld [tilespmem:$0x18B10];
	v56 =	vmul.f32 v56, v53;
	v2 =	vadd.f32 v13, v2;
	v61 =	vbroadcast v60, $0xF;
	(xrf2) =	vadd.scan.msk.f32 $0xffff, v62  }
0x181: {  	v18 =	vld [tilespmem:$0x18B80];
	v4 =	vadd.f32 v5, v4;
	v58 =	vmul.f32 v9, v57;
	v23 =	vmul.f32 v23, v57  }
0x182: {  	v42 =	vld [tilespmem:$0x18BC0];
	v6 =	vadd.f32 v17, v6;
	v10 =	vmul.f32 v10, v61;
	v14 =	vmul.f32 v14, v61  }
0x183: {  	v44 =	vld [tilespmem:$0x18BD0];
	v3 =	vadd.f32 v56, v3;
	v36 =	vmul.f32 v22, v61;
	v8 =	vmul.f32 v38, v61;
	v30, _, _ =	vpop (xrf2);
	(xrf2) =	vadd.scan.msk.f32 $0xffff, v34  }
0x184: {  	v7 =	vld [tilespmem:$0x18AF0];
	v2 =	vadd.f32 v58, v2;
	v4 =	vadd.f32 v12, v4;
	v33 =	vbroadcast v30, $0xF  }
0x185: {  	v47 =	vld [tilespmem:$0x18BF0];
	v6 =	vadd.f32 v59, v6;
	v3 =	vadd.f32 v23, v3;
	v59 =	vnsel vm14, $0x0, v0  }
0x186: {  	v49 =	vld [tilespmem:$0x18C00];
	v2 =	vadd.f32 v10, v2;
	v11 =	vmul.f32 v39, v33;
	v39 =	vmul.f32 v40, v33;
	v40, _, _ =	vpop (xrf2)  }
0x187: {  	v51 =	vld [tilespmem:$0x18C10];
	v4 =	vadd.f32 v14, v4;
	v6 =	vadd.f32 v36, v6;
	(xrf2) =	vadd.scan.msk.f32 $0xffff, v41;
	v43 =	vbroadcast v40, $0xF  }
0x188: {  	v53 =	vld [tilespmem:$0x18C20];
	v3 =	vadd.f32 v8, v3;
	v30 =	vsel vm9, $0x0, v0;
	v45 =	vmul.f32 v25, v33  }
0x189: {  	v5 =	vld [tilespmem:$0x18B30];
	v12 =	vmul.f32 v46, v33;
	v21 =	vmul.f32 v48, v43;
	v48 =	vsel vm13, $0x0, v1  }
0x18a: {  	v13 =	vld [tilespmem:$0x18B70];
	v2 =	vadd.f32 v11, v2;
	v4 =	vadd.f32 v39, v4;
	v16 =	vmul.f32 v16, v43;
	v50, _, _ =	vpop (xrf2);
	(xrf2) =	vadd.scan.msk.f32 $0xffff, v48  }
0x18b: {  	v54 =	vld [tilespmem:$0x18C30];
	v6 =	vadd.f32 v45, v6;
	v3 =	vadd.f32 v12, v3;
	v52 =	vmul.f32 v52, v43  }
0x18c: {  	v9 =	vld [tilespmem:$0x18B40];
	v1 =	vsel vm15, $0x0, v1;
	v2 =	vadd.f32 v16, v2;
	v16 =	vbroadcast v50, $0xF  }
0x18d: {  	v38 =	vld [tilespmem:$0x18BB0];
	v8 =	vmul.f32 v20, v43;
	v43 =	vsel vm2, $0x0, v0;
	v4 =	vadd.f32 v21, v4;
	v56, _, _ =	vpop (xrf2);
	(xrf2) =	vadd.scan.msk.f32 $0xffff, v1  }
0x18e: {  	v14 =	vld [tilespmem:$0x18CD0];
	v6 =	vadd.f32 v52, v6;
	v7 =	vmul.f32 v7, v16;
	v55 =	vmul.f32 v26, v16  }
0x18f: {  	v46 =	vld [tilespmem:$0x18BE0];
	v3 =	vadd.f32 v8, v3;
	v57 =	vmul.f32 v31, v16;
	v26 =	vbroadcast v56, $0xF  }
0x190: {  	v41 =	vld [tilespmem:$0x18CF0];
	v58 =	vmul.f32 v28, v16;
	v2 =	vadd.f32 v7, v2;
	v4 =	vadd.f32 v55, v4  }
0x191: {  	v21 =	vld [tilespmem:$0x18C90];
	v6 =	vadd.f32 v57, v6;
	v5 =	vmul.f32 v5, v26;
	v61 =	vmul.f32 v9, v26;
	v60, _, _ =	vpop (xrf2);
	(xrf2) =	vadd.scan.msk.f32 $0xffff, v59  }
0x192: {  	v50 =	vld [tilespmem:$0x18D20];
	v3 =	vadd.f32 v58, v3;
	v62 =	vmul.f32 v19, v26;
	v8 =	vbroadcast v60, $0xF  }
0x193: {  	v1 =	vld [tilespmem:$0x18C40];
	v63 =	vmul.f32 v63, v26;
	v55 =	vsel vm0, $0x0, v0;
	v2 =	vadd.f32 v5, v2  }
0x194: {  	v28 =	vld [tilespmem:$0x18C60];
	v4 =	vadd.f32 v61, v4;
	v5 =	vadd.f32 v62, v6;
	v29 =	vmul.f32 v13, v8;
	v32, _, _ =	vpop (xrf2);
	(xrf2) =	vadd.scan.msk.f32 $0xffff, v30  }
0x195: {  	v16 =	vld [tilespmem:$0x18C70];
	v3 =	vadd.f32 v63, v3;
	v31 =	vmul.f32 v18, v8;
	v18 =	vbroadcast v32, $0xF  }
0x196: {  	v56 =	vld [tilespmem:$0x18D40];
	v62 =	vsel vm1, $0x0, v0;
	v33 =	vmul.f32 v35, v8;
	v35 =	vsel vm7, $0x0, v0  }
0x197: {  	v9 =	vld [tilespmem:$0x18C80];
	v34 =	vmul.f32 v37, v8;
	v2 =	vadd.f32 v29, v2;
	v36 =	vmul.f32 v38, v18;
	v38, _, _ =	vpop (xrf2);
	(xrf2) =	vadd.scan.msk.f32 $0xffff, v35  }
0x198: {  	v26 =	vld [tilespmem:$0x18CA0];
	v4 =	vadd.f32 v31, v4;
	v5 =	vadd.f32 v33, v5;
	v37 =	vmul.f32 v42, v18  }
0x199: {  	v19 =	vld [tilespmem:$0x18CC0];
	v3 =	vadd.f32 v34, v3;
	v39 =	vmul.f32 v44, v18;
	v40 =	vbroadcast v38, $0xF  }
0x19a: {  	v58 =	vld [tilespmem:$0x18D50];
	v32 =	vsel vm5, $0x0, v0;
	v42 =	vmul.f32 v46, v18;
	v2 =	vadd.f32 v36, v2  }
0x19b: {  	v60 =	vld [tilespmem:$0x18D60];
	v4 =	vadd.f32 v37, v4;
	v5 =	vadd.f32 v39, v5;
	v45 =	vmul.f32 v47, v40;
	v46, _, _ =	vpop (xrf2);
	(xrf2) =	vadd.scan.msk.f32 $0xffff, v43  }
0x19c: {  	v63 =	vld [tilespmem:$0x18D70];
	v3 =	vadd.f32 v42, v3;
	v48 =	vmul.f32 v49, v40;
	v49 =	vbroadcast v46, $0xF  }
0x19d: {  	v13 =	vld [tilespmem:$0x18CB0];
	v51 =	vmul.f32 v51, v40;
	v52 =	vmul.f32 v53, v40;
	v2 =	vadd.f32 v45, v2  }
0x19e: {  	v8 =	vld [tilespmem:$0x18CE0];
	v4 =	vadd.f32 v48, v4;
	v54 =	vmul.f32 v54, v49;
	v1 =	vmul.f32 v1, v49;
	v57, _, _ =	vpop (xrf2);
	(xrf2) =	vadd.scan.msk.f32 $0xffff, v55  }
0x19f: {  	v30 =	vld [tilespmem:$0x18D90];
	v5 =	vadd.f32 v51, v5;
	v59 =	vmul.f32 v27, v49;
	v6 =	vbroadcast v57, $0xF  }
0x1a0: {  	v31 =	vld [tilespmem:$0x18DA0];
	v3 =	vadd.f32 v52, v3;
	v61 =	vmul.f32 v28, v49;
	v2 =	vadd.f32 v54, v2  }
0x1a1: {  	v44 =	vld [tilespmem:$0x18D00];
	v1 =	vadd.f32 v1, v4;
	v5 =	vadd.f32 v59, v5;
	v25 =	vmul.f32 v16, v6;
	v27, _, _ =	vpop (xrf2);
	(xrf2) =	vadd.scan.msk.f32 $0xffff, v62  }
0x1a2: {  	v35 =	vld [tilespmem:$0x18DB0];
	v3 =	vadd.f32 v61, v3;
	v9 =	vmul.f32 v9, v6;
	v29 =	vmul.f32 v21, v6  }
0x1a3: {  	v37 =	vld [tilespmem:$0x18DC0];
	v6 =	vmul.f32 v26, v6;
	v16 =	vbroadcast v27, $0xF;
	v2 =	vadd.f32 v25, v2  }
0x1a4: {  	v42 =	vsel vm3, $0x0, v0;
	v47 =	vld [tilespmem:$0x18D10];
	v1 =	vadd.f32 v9, v1;
	v4 =	vadd.f32 v29, v5  }
0x1a5: {  	v39 =	vld [tilespmem:$0x18DD0];
	v3 =	vadd.f32 v6, v3;
	v33 =	vmul.f32 v13, v16;
	v34, _, _ =	vpop (xrf2);
	(xrf2) =	vadd.scan.msk.f32 $0xffff, v32;
	v36 =	vmul.f32 v19, v16  }
0x1a6: {  	v53 =	vld [tilespmem:$0x18D30];
	v29 =	vsel vm4, $0x0, v0;
	v38 =	vmul.f32 v14, v16;
	v9 =	vbroadcast v34, $0xF  }
0x1a7: {  	v45 =	vld [tilespmem:$0x18DF0];
	v8 =	vmul.f32 v8, v16;
	v2 =	vadd.f32 v33, v2;
	v1 =	vadd.f32 v36, v1  }
0x1a8: {  	v28 =	vld [tilespmem:$0x18D80];
	v4 =	vadd.f32 v38, v4;
	v40 =	vmul.f32 v41, v9;
	v43 =	vmul.f32 v44, v9;
	v44, _, _ =	vpop (xrf2);
	(xrf2) =	vadd.scan.msk.f32 $0xffff, v42  }
0x1a9: {  	v49 =	vld [tilespmem:$0x18E10];
	v3 =	vadd.f32 v8, v3;
	v46 =	vmul.f32 v47, v9;
	v8 =	vbroadcast v44, $0xF  }
0x1aa: {  	v54 =	vld [tilespmem:$0x18E20];
	v48 =	vmul.f32 v50, v9;
	v50 =	vsel vm8, $0x0, v0;
	v2 =	vadd.f32 v40, v2  }
0x1ab: {  	v57 =	vld [tilespmem:$0x18E30];
	v1 =	vadd.f32 v43, v1;
	v4 =	vadd.f32 v46, v4;
	v51 =	vmul.f32 v53, v8;
	v53, _, _ =	vpop (xrf2);
	(xrf2) =	vadd.scan.msk.f32 $0xffff, v50  }
0x1ac: {  	v59 =	vld [tilespmem:$0x18E40];
	v3 =	vadd.f32 v48, v3;
	v52 =	vmul.f32 v56, v8;
	v55 =	vmul.f32 v58, v8  }
0x1ad: {  	v26 =	vld [tilespmem:$0x18E70];
	v46 =	vsel vm12, $0x0, v0;
	v58 =	vmul.f32 v60, v8;
	v56 =	vbroadcast v53, $0xF  }
0x1ae: {  	v32 =	vld [tilespmem:$0x18E90];
	v60 =	vsel vm6, $0x0, v0;
	v2 =	vadd.f32 v51, v2;
	v1 =	vadd.f32 v52, v1  }
0x1af: {  	v41 =	vld [tilespmem:$0x18DE0];
	v4 =	vadd.f32 v55, v4;
	v61 =	vmul.f32 v63, v56;
	v62, _, _ =	vpop (xrf2);
	(xrf2) =	vadd.scan.msk.f32 $0xffff, v60;
	v23 =	vmul.f32 v28, v56  }
0x1b0: {  	v34 =	vld [tilespmem:$0x18EA0];
	v3 =	vadd.f32 v58, v3;
	v25 =	vmul.f32 v30, v56;
	v11 =	vbroadcast v62, $0xF  }
0x1b1: {  	v47 =	vld [tilespmem:$0x18E00];
	v7 =	vmul.f32 v31, v56;
	v62 =	vsel vm13, $0x0, v0;
	v2 =	vadd.f32 v61, v2  }
0x1b2: {  	v36 =	vld [tilespmem:$0x18EB0];
	v1 =	vadd.f32 v23, v1;
	v4 =	vadd.f32 v25, v4;
	v27 =	vmul.f32 v35, v11;
	v31, _, _ =	vpop (xrf2);
	(xrf2) =	vadd.scan.msk.f32 $0xffff, v29  }
0x1b3: {  	v40 =	vld [tilespmem:$0x18EC0];
	v3 =	vadd.f32 v7, v3;
	v30 =	vmul.f32 v37, v11;
	v7 =	vbroadcast v31, $0xF  }
0x1b4: {  	v43 =	vld [tilespmem:$0x18ED0];
	v33 =	vmul.f32 v39, v11;
	v35 =	vmul.f32 v41, v11;
	v37 =	vsel vm11, $0x0, v0  }
0x1b5: {  	v63 =	vld [tilespmem:$0x18E50];
	v2 =	vadd.f32 v27, v2;
	v1 =	vadd.f32 v30, v1;
	v38 =	vmul.f32 v45, v7;
	v39, _, _ =	vpop (xrf2);
	(xrf2) =	vadd.scan.msk.f32 $0xffff, v37  }
0x1b6: {  	v53 =	vld [tilespmem:$0x18F10];
	v4 =	vadd.f32 v33, v4;
	v15 =	vmul.f32 v47, v7;
	v41 =	vmul.f32 v49, v7;
	(xrf2) =	vadd.scan.msk.f32 $0xffff, v46  }
0x1b7: {  	v52 =	vld [tilespmem:$0x18F00];
	v3 =	vadd.f32 v35, v3;
	v44 =	vmul.f32 v54, v7;
	v42 =	vbroadcast v39, $0xF  }
0x1b8: {  	v28 =	vld [tilespmem:$0x18E80];
	v54 =	vsel vm10, $0x0, v0;
	v0 =	vsel vm15, $0x0, v0;
	v2 =	vadd.f32 v38, v2  }
0x1b9: {  	v56 =	vld [tilespmem:$0x18F20];
	v1 =	vadd.f32 v15, v1;
	v47 =	vmul.f32 v57, v42;
	v48, _, _ =	vpop (xrf2);
	v50 =	vmul.f32 v59, v42  }
0x1ba: {  	v61 =	vld [tilespmem:$0x18F40];
	v4 =	vadd.f32 v41, v4;
	v20 =	vmul.f32 v63, v42;
	(xrf2) =	vadd.scan.msk.f32 $0xffff, v54;
	v51 =	vbroadcast v48, $0xF  }
0x1bb: {  	v29 =	vld [tilespmem:$0x18F70];
	v3 =	vadd.f32 v44, v3;
	v9 =	vmul.f32 v24, v42;
	v2 =	vadd.f32 v47, v2  }
0x1bc: {  	v45 =	vld [tilespmem:$0x18EE0];
	v1 =	vadd.f32 v50, v1;
	v4 =	vadd.f32 v20, v4;
	v55 =	vmul.f32 v26, v51;
	v58, _, _ =	vpop (xrf2)  }
0x1bd: {  	v49 =	vld [tilespmem:$0x18EF0];
	v3 =	vadd.f32 v9, v3;
	v57 =	vmul.f32 v28, v51;
	v60 =	vbroadcast v58, $0xF  }
0x1be: {  	v30 =	vld [tilespmem:$0x18F80];
	v63 =	vmul.f32 v32, v51;
	v8 =	vmul.f32 v34, v51;
	(xrf2) =	vadd.scan.msk.f32 $0xffff, v62;
	v2 =	vadd.f32 v55, v2  }
0x1bf: {  	v59 =	vld [tilespmem:$0x18F30];
	v1 =	vadd.f32 v57, v1;
	v11 =	vmul.f32 v36, v60;
	v16 =	vmul.f32 v40, v60;
	v25, _, _ =	vpop (xrf2)  }
0x1c0: {  	v24 =	vld [tilespmem:$0x18F50];
	v4 =	vadd.f32 v63, v4;
	v27 =	vmul.f32 v43, v60;
	(xrf2) =	vadd.scan.msk.f32 $0xffff, v0;
	v28 =	vbroadcast v25, $0xF;
	v31, _, _ =	vpop (xrf2)  }
0x1c1: {  	v26 =	vld [tilespmem:$0x18F60];
	v3 =	vadd.f32 v8, v3;
	v5 =	vmul.f32 v45, v60;
	v8 =	vbroadcast v31, $0xF  }
0x1c2: {  	v33 =	vld [tilespmem:$0x18F90];
	v2 =	vadd.f32 v11, v2;
	v32 =	vmul.f32 v49, v28;
	v34 =	vmul.f32 v52, v28  }
0x1c3: {  	v35 =	vld [tilespmem:$0x18FA0];
	v1 =	vadd.f32 v16, v1;
	v36 =	vmul.f32 v53, v28;
	v6 =	vmul.f32 v56, v28  }
0x1c4: {  	v37 =	vld [tilespmem:$0x18FB0];
	v4 =	vadd.f32 v27, v4;
	v38, _, _ =	vpop (xrf2);
	v39 =	vmul.f32 v59, v8;
	v10 =	vmul.f32 v61, v8  }
0x1c5: {  	v47 =	vld [tilespmem:$0x18FF0];
	v3 =	vadd.f32 v5, v3;
	v41 =	vmul.f32 v24, v8;
	v42 =	vbroadcast v38, $0xF  }
0x1c6: {  	v50 =	vld [tilespmem:$0x19000];
	v44 =	vmul.f32 v26, v8;
	v2 =	vadd.f32 v32, v2;
	v1 =	vadd.f32 v34, v1  }
0x1c7: {  	v40 =	vld [tilespmem:$0x18FC0];
	v4 =	vadd.f32 v36, v4;
	v3 =	vadd.f32 v6, v3;
	v0 =	vmul.f32 v29, v42  }
0x1c8: {  	v43 =	vld [tilespmem:$0x18FD0];
	v48 =	vmul.f32 v30, v42;
	v51 =	vmul.f32 v33, v42;
	v2 =	vadd.f32 v39, v2;
	v46, _, _ =	vpop (xrf2)  }
0x1c9: {  	v45 =	vld [tilespmem:$0x18FE0];
	v1 =	vadd.f32 v10, v1;
	v4 =	vadd.f32 v41, v4;
	v49 =	vbroadcast v46, $0xF  }
0x1ca: {  	v54 =	vld [tilespmem:$0x19010];
	v52 =	vmul.f32 v35, v42;
	v3 =	vadd.f32 v44, v3;
	v0 =	vadd.f32 v0, v2;
	v53, _, _ =	vpop (xrf2)  }
0x1cb: {  	v56 =	vld [tilespmem:$0x19020];
	v1 =	vadd.f32 v48, v1;
	v55 =	vmul.f32 v37, v49;
	v11 =	vbroadcast v53, $0xF  }
0x1cc: {  	v2 =	vadd.f32 v51, v4;
	v3 =	vadd.f32 v52, v3;
	v57 =	vmul.f32 v40, v49  }
0x1cd: {  	v58 =	vmul.f32 v43, v49;
	v0 =	vadd.f32 v55, v0;
	v9 =	vmul.f32 v47, v11  }
0x1ce: {  	v59 =	vmul.f32 v45, v49;
	v1 =	vadd.f32 v57, v1;
	v60 =	vmul.f32 v50, v11  }
0x1cf: {  	v2 =	vadd.f32 v58, v2;
	v61 =	vmul.f32 v54, v11;
	v0 =	vadd.f32 v9, v0  }
0x1d0: {  	v3 =	vadd.f32 v59, v3;
	v62 =	vmul.f32 v56, v11;
	v1 =	vadd.f32 v60, v1  }
0x1d1: {  	v2 =	vadd.f32 v61, v2;
	[tilespmem:$0x19740] =	vst v0  }
0x1d2: {  	v63 =	vadd.f32 v62, v3;
	[tilespmem:$0x19750] =	vst v1  }
0x1d3: {  	[tilespmem:$0x19760] =	vst v2  }
0x1d4: {  	s30 =	simm.s32 $0x0;
	s31 =	simm.s32 $0x19740;
	[tilespmem:$0x19770] =	vst v63  }
0x1d5: {  	[hbm4b:s1+s30] =	stream.linear.scatter [tilespmem:s31], [sflag:$0x3], $0x40, $0x38;
	[tilespmem:$0x19780] =	vst v63  }
0x1d6: {  	_ =	swait.ge [sflag:s2], $0x40  }
0x1d7: {  	[sflag:s2] =	ssyncset.done $0x0  }
0x1d8: {  	[sflag:s2] =	ssyncadd.s32 $0xFFFFFFC0  }
0x1d9: {  	_ =	sfence.sel $0x180000  }
0x1da: {  	[bflag:$0x0] =	sbarrier.arrive $0xFFFF  }
0x1db: {  	_ =	strace $0x90000047  }
0x1dc: {  	s0 =	sadd.s32 $0x100000, s0;
	[bflag:$0x2] =	sbarrier.arrive $0xFFFF  }
0x1dd: {  	[sflag:s0] =	ssyncadd.tile.s32 $0x1;
	_ =	shalt  }
.LBB2_13:
0x1de: {  	v31 =	vmovc v6;
	v26 =	vmovc v9;
	v42 =	vmov v8;
	v30 =	vmov v7;
	v29 =	vmov v1  }
.LBB2_24:
0x1df: {  	_ = 	snop  }
0x1e0: {  	v28 =	vmax.f32 @p0 v28, v35;
	v35 =	vbroadcast @p1 v38, $0xF;
	v31 =	vmul.f32 @p3 v41, v31  }
0x1e1: {  	v54 =	vld [tilespmem:$0x18700];
	(erf) = vpow2.f32 @p2 v45;
	v39 =	vadd.f32 @p3 v39, v47;
	v45 =	vmul.f32 @p0 $2.000000030e-01, v27  }
0x1e2: {  	v55 =	vld [tilespmem:$0x18750];
	v12 =	vpsel p0, v13, v12;
	v28 =	vmul.f32 @p0 v28, v4;
	v57 =	vmul.f32 v24, v20  }
0x1e3: {  	v56 =	vld.idx.msk [tilespmem:v15+s16+$0x0], $0xffff;
	v14 =	vpsel p0, v16, v14;
	(erf) = vpow2.f32 @p2 v43;
	v59 =	vmul.f32 v32, v20  }
0x1e4: {  	v58 =	vld [tilespmem:$0x18790];
	v12 =	vpsel p0, v12, v0;
	v26 =	vmax.f32 @p1 v26, v35;
	v31 =	vadd.f32 @p3 v31, v33  }
0x1e5: {  	v18 =	vmul.f32 v18, v21;
	v27 =	vmax.f32 @p0 v27, v45;
	v24 =	vsub.f32 @p1 v35, v26  }
0x1e6: {  	v32 =	vsub.f32 @p1 v34, v26;
	v26 =	vpsel p1, v26, v9;
	v27 =	vmul.f32 @p0 v27, v5;
	v35 =	vpop @p2 (erf)  }
0x1e7: {  	v60 =	vld [tilespmem:$0x18760];
	v15 =	vadd.f32 v18, v57;
	v42 =	vmul.f32 @p2 v35, v42;
	v61 =	vmul.f32 v54, v21  }
0x1e8: {  	v34, _, _ =	vpop @p1 (xrf2);
	v31 =	vpsel p3, v31, v6;
	v24 =	vmul.f32 @p1 $1.442695020e+00, v24;
	v32 =	vmul.f32 @p1 $1.442695020e+00, v32  }
0x1e9: {  	v62 =	vld [tilespmem:$0x187A0];
	(xrf2) =	vadd.scan.msk.f32 @p0 $0xffff, v28;
	v45 =	vpop @p2 (erf);
	v30 =	vmul.f32 @p2 v35, v30;
	v63 =	vmul.f32 v58, v56;
	v15 =	vadd.f32 v15, v55  }
0x1ea: {  	v34 =	vbroadcast @p1 v34, $0xF;
	v28 =	vmul.f32 @p2 v45, v36;
	v20 =	vadd.f32 v61, v59  }
0x1eb: {  	(erf) = vpow2.f32 @p1 v32;
	v36 =	vadd.f32 @p2 v42, v45;
	v38 =	vadd.f32 v15, v2  }
0x1ec: {  	v29 =	vmax.f32 @p1 v29, v34;
	v28 =	vadd.f32 @p2 v28, v30;
	v18 =	vadd.f32 v20, v60  }
0x1ed: {  	(xrf2) =	vadd.scan.msk.f32 @p0 $0xffff, v27;
	(erf) = vpow2.f32 @p1 v24;
	v24 =	vsub.f32 @p1 v40, v29;
	v33 =	vsub.f32 @p1 v34, v29  }
0x1ee: {  	v43 =	vmul.f32 v62, v56;
	v21 =	vadd.f32 v63, v38;
	v41 =	vadd.f32 v18, v3  }
0x1ef: {  	v29 =	vpsel p1, v29, v1;
	v34 =	vmovc @p0 v26;
	v36 =	vpsel p2, v36, v8;
	v24 =	vmul.f32 @p1 $1.442695020e+00, v24  }
0x1f0: {  	v32 =	vmul.f32 @p1 $1.442695020e+00, v33;
	v20 =	vpop @p2 (erf);
	v47 =	vmul.f32 $2.000000030e-01, v21;
	v27 =	vadd.f32 v43, v41  }
0x1f1: {  	v17 =	vpsel p0, v34, v17;
	v30 =	vmul.f32 @p2 v20, v37;
	v22 =	vpsel p1, v24, v22  }
0x1f2: {  	v35 =	vpop @p2 (erf);
	v25 =	vpsel p1, v32, v25;
	v21 =	vmax.f32 v21, v47;
	v48 =	vmul.f32 $2.000000030e-01, v27  }
0x1f3: {  	v37 =	vpsel p3, v39, v0;
	v38, _, _ =	vpop @p0 (xrf2);
	(erf) = vpow2.f32 @p1 v25;
	v21 =	vmul.f32 v21, v4  }
0x1f4: {  	v23 =	vpsel p0, v38, v23;
	(erf) = vpow2.f32 @p1 v22;
	v22 =	vmovc @p0 v29;
	v49 =	vmax.f32 v27, v48  }
0x1f5: {  	v20 =	vpsel p2, v20, v0;
	v13 =	vbroadcast @p0 v23, $0xF;
	(xrf2) =	vadd.scan.msk.f32 $0xffff, v21;
	v50 =	vmul.f32 v49, v5  }
0x1f6: {  	v33 =	vmul.f32 @p2 v35, v37;
	v35 =	vpsel p2, v35, v0;
	v30 =	vpsel p2, v30, v0;
	v24 =	vmovc @p1 v44  }
0x1f7: {  	v16 =	vmul.f32 @p2 v35, v31;
	v19 =	vpsel p0, v22, v19;
	v21 =	vmax.f32 @p0 v26, v13;
	v22, _, _ =	vpop @p0 (xrf2);
	(xrf2) =	vadd.scan.msk.f32 $0xffff, v50  }
0x1f8: {  	v32 =	vpsel p2, v33, v0;
	v10 =	vpsel p1, v24, v10;
	v27 =	vmovc @p1 v46;
	v17 =	vsub.f32 @p0 v17, v21  }
0x1f9: {  	v23 =	vpsel p2, v28, v7;
	v16 =	vadd.f32 @p2 v16, v20;
	v11 =	vpsel p1, v27, v11  }
0x1fa: {  	v24 =	vpop @p1 (erf);
	v13 =	vsub.f32 @p0 v13, v21;
	v22 =	vbroadcast @p0 v22, $0xF;
	v17 =	vmul.f32 @p0 $1.442695020e+00, v17  }
0x1fb: {  	v25 =	vmul.f32 @p1 v24, v36;
	v51 =	vpsel p0, v21, v9;
	v9 =	vmul.f32 @p1 v24, v23  }
0x1fc: {  	v26 =	vpop @p1 (erf);
	v27 =	vadd.f32 @p2 v30, v32;
	v13 =	vmul.f32 @p0 $1.442695020e+00, v13;
	v21 =	vmax.f32 @p0 v29, v22  }
0x1fd: {  	v16 =	vpsel p2, v16, v6;
	v10 =	vmul.f32 @p1 v26, v10;
	v22 =	vsub.f32 @p0 v22, v21  }
0x1fe: {  	v23 =	vpsel p2, v27, v0;
	(erf) = vpow2.f32 @p0 v17;
	v19 =	vsub.f32 @p0 v19, v21;
	v17 =	vpop @p1 (erf)  }
0x1ff: {  	v10 =	vadd.f32 @p1 v10, v9;
	(erf) = vpow2.f32 @p0 v13;
	v22 =	vmul.f32 @p0 $1.442695020e+00, v22;
	v9, _, _ =	vpop (xrf2)  }
0x200: {  	v21 =	vpsel p0, v21, v1;
	v19 =	vmul.f32 @p0 $1.442695020e+00, v19;
	v13 =	vpop @p1 (erf);
	v52 =	vbroadcast v9, $0xF  }
0x201: {  	v11 =	vmul.f32 @p1 v17, v11;
	v23 =	vmul.f32 @p1 v13, v23;
	v1 =	vpsel p0, v22, v0;
	v53, _, _ =	vpop (xrf2)  }
0x202: {  	v19 =	vpsel p0, v19, v0;
	v9 =	vmax.f32 v51, v52;
	v22 =	vbroadcast v53, $0xF  }
0x203: {  	v13 =	vpsel p1, v13, v0;
	(erf) = vpow2.f32 @p0 v1;
	v54 =	vsub.f32 v51, v9  }
0x204: {  	(erf) = vpow2.f32 @p0 v19;
	v55 =	vsub.f32 v52, v9;
	v1 =	vmax.f32 v21, v22  }
0x205: {  	v19 =	vmul.f32 $1.442695020e+00, v54;
	v22 =	vsub.f32 v22, v1;
	v21 =	vsub.f32 v21, v1  }
0x206: {  	v24 =	vadd.f32 @p1 v25, v26;
	v13 =	vmul.f32 @p1 v13, v16;
	v20 =	vmul.f32 $1.442695020e+00, v55  }
0x207: {  	v10 =	vpsel p1, v10, v7;
	(erf) = vpow2.f32 v19;
	v56 =	vmul.f32 $1.442695020e+00, v22  }
0x208: {  	v17 =	vpsel p1, v17, v0;
	(erf) = vpow2.f32 v20;
	v57 =	vmul.f32 $1.442695020e+00, v21  }
0x209: {  	v11 =	vpsel p1, v11, v0;
	v23 =	vpsel p1, v23, v0;
	v21 =	vpop @p0 (erf);
	(erf) = vpow2.f32 v56  }
0x20a: {  	v11 =	vadd.f32 @p1 v11, v23;
	v13 =	vadd.f32 @p1 v13, v17;
	v16 =	vpop @p0 (erf);
	(erf) = vpow2.f32 v57  }
0x20b: {  	v22 =	vpsel p1, v24, v8;
	v10 =	vmul.f32 @p0 v21, v10;
	v12 =	vmul.f32 @p0 v16, v12  }
0x20c: {  	v14 =	vpsel p0, v14, v0;
	v11 =	vpsel p1, v11, v0;
	v17 =	vmul.f32 @p0 v21, v22;
	v19 =	vpop @p0 (erf)  }
0x20d: {  	v13 =	vpsel p1, v13, v6;
	v20 =	vpop @p0 (erf);
	v10 =	vadd.f32 @p0 v12, v10;
	v12 =	vmul.f32 @p0 v19, v14  }
0x20e: {  	v11 =	vmul.f32 @p0 v20, v11;
	v14 =	vadd.f32 @p0 v17, v16;
	v16 =	vpsel p0, v20, v0  }
0x20f: {  	v13 =	vmul.f32 @p0 v16, v13  }
0x210: {  	v17 =	vpsel p0, v19, v0;
	v11 =	vpsel p0, v11, v0;
	v12 =	vpsel p0, v12, v0;
	v58 =	vpop (erf)  }
0x211: {  	v7 =	vpsel p0, v10, v7;
	v10 =	vadd.f32 @p0 v12, v11;
	v11 =	vadd.f32 @p0 v13, v17;
	v59 =	vpop (erf)  }
0x212: {  	v8 =	vpsel p0, v14, v8;
	v61 =	vpop (erf)  }
0x213: {  	v8 =	vmul.f32 v58, v8;
	v7 =	vmul.f32 v58, v7;
	v6 =	vpsel p0, v11, v6;
	v63 =	vpop (erf)  }
0x214: {  	v60 =	vmul.f32 v59, v15;
	v0 =	vpsel p0, v10, v0;
	v6 =	vmul.f32 v63, v6  }
0x215: {  	v8 =	vadd.f32 v8, v59;
	v62 =	vmul.f32 v61, v18;
	v0 =	vmul.f32 v63, v0  }
0x216: {  	v7 =	vadd.f32 v60, v7;
	v6 =	vadd.f32 v6, v61  }
0x217: {  	v0 =	vadd.f32 v62, v0  }
.LBB2_25:
0x218: {  	s12 =	sadd.s32 $0x1, s12  }
0x219: {  	p0 =	sne.s32 s12, s10  }
.Ltmp8:
0x21a: {  	_ = 	snop;
	(pc) =	sbr.rel @!p0 .LBB2_26-.Ltmp8, $2  }
0x21b: {  	_ =	sdelay $0x2  }
0x21c: {  	s20 =	sadd.s32 $0xFFFFFFF0, s20  }
.LBB2_11:
0x21d: {  	s21 =	sshll.u32 s12, $0x4  }
0x21e: {  	v10 =	vld [tilespmem:s21+$0xC350];
	_ =	sdelay $0x4  }
0x21f: {  	[tilespmem:$0x19030] =	vst v10  }
0x220: {  	[tilespmem:s15], [sflag:$0x1] =	stream.indirect.gather [hbm4b:s2+s13], $0x1, s14, s13, $0xb8;
	[tilespmem:$0x19780] =	vst v63  }
0x221: {  	_ = 	snop  }
0x222: {  	[tilespmem:s16], [sflag:$0x2] =	stream.indirect.gather [hbm4b:s5+s13], $0x1, s14, s13, $0xb8;
	[tilespmem:$0x19780] =	vst v63  }
0x223: {  	_ =	swait.ge [sflag:s11], $0x10  }
0x224: {  	[sflag:s11] =	ssyncset.done $0x0  }
0x225: {  	[sflag:s11] =	ssyncadd.s32 $0xFFFFFFF0  }
0x226: {  	_ =	swait.ge [sflag:s17], $0x10  }
0x227: {  	[sflag:s17] =	ssyncset.done $0x0  }
0x228: {  	[sflag:s17] =	ssyncadd.s32 $0xFFFFFFF0  }
0x229: {  	[tilespmem:s18], [sflag:$0x1] =	stream.indirect.gather [hbm4b:s6+s13], $0x1, s15, s13, $0xb8;
	[tilespmem:$0x19780] =	vst v63  }
0x22a: {  	s21 =	ssub.s32 s8, s21  }
0x22b: {  	[tilespmem:s19], [sflag:$0x2] =	stream.indirect.gather [hbm4b:s7+s13], $0x1, s15, s13, $0xb8;
	[tilespmem:$0x19780] =	vst v63  }
0x22c: {  	p0 =	slt.s32 s21, $0x1;
	_ =	swait.ge [sflag:s11], $0x10  }
.Ltmp9:
0x22d: {  	[sflag:s11] =	ssyncset.done $0x0;
	(pc) =	sbr.rel @p0 .LBB2_25-.Ltmp9, $4  }
0x22e: {  	[sflag:s11] =	ssyncadd.s32 $0xFFFFFFF0  }
0x22f: {  	_ =	swait.ge [sflag:s17], $0x10  }
0x230: {  	[sflag:s17] =	ssyncset.done $0x0  }
0x231: {  	[sflag:s17] =	ssyncadd.s32 $0xFFFFFFF0  }
0x232: {  	s21 =	simm.s32 $0x0  }
0x233: {  	p0 =	sgt.s32 s20, $0x1;
	v15 =	vmov s21;
	s21 =	smov.u32 s20  }
0x234: {  	s21 =	simm.s32 @!p0 $0x1  }
0x235: {  	s21 =	smin.u32 s21, $0x10  }
0x236: {  	p4 =	sne.s32 s21, $0x1  }
.Ltmp10:
0x237: {  	v32 =	vld [tilespmem:$0x186E0];
	(pc) =	sbr.rel @!p4 .LBB2_13-.Ltmp10, $4  }
0x238: {  	v18 =	vld [tilespmem:$0x186F0]  }
0x239: {  	v24 =	vld [tilespmem:$0x186D0]  }
0x23a: {  	s22 =	simm.s32 $0x1;
	p1 =	por $0x0, $0x0;
	v20 =	vld.idx.msk [tilespmem:v15+s18+$0x0], $0xffff  }
0x23b: {  	p2 =	por $0x0, $0x0;
	p3 =	por $0x0, $0x0;
	p0 =	por $0x0, $0x0;
	v21 =	vld.idx.msk [tilespmem:v15+s19+$0x0], $0xffff  }
0x23c: {  	_ =	sdelay $0x1  }
0x23d: {  	v10 =	vld [tilespmem:$0x18700]  }
0x23e: {  	v11 =	vld [tilespmem:$0x18750]  }
0x23f: {  	v12 =	vld.idx.msk [tilespmem:v15+s16+$0x0], $0xffff  }
0x240: {  	v16 =	vld [tilespmem:$0x18790];
	v13 =	vmul.f32 v24, v20;
	v14 =	vmul.f32 v18, v21  }
0x241: {  	v17 =	vld [tilespmem:$0x18760]  }
0x242: {  	v18 =	vmul.f32 v32, v20;
	v13 =	vadd.f32 v14, v13;
	v14 =	vmul.f32 v10, v21  }
0x243: {  	v19 =	vld [tilespmem:$0x187A0];
	v15 =	vmov s22  }
0x244: {  	v10 =	vadd.f32 v13, v11;
	v11 =	vadd.f32 v14, v18  }
0x245: {  	p4 =	sne.s32 s21, $0x2  }
.Ltmp11:
0x246: {  	v24 =	vld [tilespmem:$0x186D0];
	v13 =	vmul.f32 v16, v12;
	v14 =	vadd.f32 v10, v2;
	v11 =	vadd.f32 v11, v17;
	(pc) =	sbr.rel @!p4 .LBB2_15-.Ltmp11, $4  }
0x247: {  	v32 =	vld [tilespmem:$0x186E0]  }
0x248: {  	v20 =	vld.idx.msk [tilespmem:v15+s18+$0x0], $0xffff;
	v12 =	vmul.f32 v19, v12;
	v28 =	vadd.f32 v13, v14;
	v13 =	vadd.f32 v11, v3  }
0x249: {  	v21 =	vld.idx.msk [tilespmem:v15+s19+$0x0], $0xffff  }
0x24a: {  	s22 =	simm.s32 $0x2;
	p0 =	por $0x1, $0x1;
	v18 =	vld [tilespmem:$0x186F0];
	v35 =	vmul.f32 $2.000000030e-01, v28;
	v27 =	vadd.f32 v12, v13  }
0x24b: {  	_ =	sdelay $0x1  }
0x24c: {  	v13 =	vld [tilespmem:$0x18700];
	v12 =	vmax.f32 v28, v35  }
0x24d: {  	v14 =	vld [tilespmem:$0x18750];
	v12 =	vmul.f32 v12, v4  }
0x24e: {  	v16 =	vld.idx.msk [tilespmem:v15+s16+$0x0], $0xffff  }
0x24f: {  	v17 =	vld [tilespmem:$0x18790];
	v15 =	vmul.f32 v24, v20;
	(xrf2) =	vadd.scan.msk.f32 $0xffff, v12;
	v12 =	vmul.f32 v18, v21  }
0x250: {  	v18 =	vld [tilespmem:$0x18760]  }
0x251: {  	v19 =	vmul.f32 v32, v20;
	v13 =	vmul.f32 v13, v21;
	v12 =	vadd.f32 v12, v15  }
0x252: {  	v20 =	vmul.f32 $2.000000030e-01, v27;
	v21 =	vld [tilespmem:$0x187A0]  }
0x253: {  	v15 =	vmov s22;
	v13 =	vadd.f32 v13, v19;
	v12 =	vadd.f32 v12, v14  }
0x254: {  	p4 =	sne.s32 s21, $0x3;
	v17 =	vmul.f32 v17, v16  }
.Ltmp12:
0x255: {  	v32 =	vld [tilespmem:$0x186E0];
	v19 =	vmax.f32 v27, v20;
	v14 =	vadd.f32 v13, v18;
	v20 =	vadd.f32 v12, v2;
	(pc) =	sbr.rel @!p4 .LBB2_17-.Ltmp12, $4  }
0x256: {  	v24 =	vld [tilespmem:$0x186D0];
	v13 =	vmul.f32 v19, v5  }
0x257: {  	v18 =	vld [tilespmem:$0x186F0];
	v16 =	vmul.f32 v21, v16;
	v28 =	vadd.f32 v17, v20;
	v17 =	vadd.f32 v14, v3  }
0x258: {  	v20 =	vld.idx.msk [tilespmem:v15+s18+$0x0], $0xffff  }
0x259: {  	p1 =	por $0x1, $0x1;
	s22 =	simm.s32 $0x3;
	(xrf2) =	vadd.scan.msk.f32 $0xffff, v13;
	v21 =	vld.idx.msk [tilespmem:v15+s19+$0x0], $0xffff;
	v38, _, _ =	vpop (xrf2);
	v35 =	vmul.f32 $2.000000030e-01, v28;
	v27 =	vadd.f32 v16, v17  }
0x25a: {  	_ =	sdelay $0x1  }
0x25b: {  	v16 =	vld [tilespmem:$0x18700]  }
0x25c: {  	v19 =	vbroadcast v38, $0xF;
	v22 =	vld [tilespmem:$0x18750];
	v13 =	vmax.f32 v28, v35  }
0x25d: {  	v23 =	vld.idx.msk [tilespmem:v15+s16+$0x0], $0xffff;
	v13 =	vmul.f32 v13, v4;
	v15 =	vmul.f32 v24, v20  }
0x25e: {  	v24 =	vmul.f32 $2.000000030e-01, v27;
	v18 =	vmul.f32 v18, v21  }
0x25f: {  	v25 =	vld [tilespmem:$0x18790];
	v17 =	vmax.f32 v9, v19;
	(xrf2) =	vadd.scan.msk.f32 $0xffff, v13  }
0x260: {  	v13 =	vsub.f32 v19, v17;
	v15 =	vadd.f32 v18, v15;
	v18 =	vld [tilespmem:$0x18760]  }
0x261: {  	v20 =	vmul.f32 v32, v20;
	v19 =	vmax.f32 v27, v24;
	v16 =	vmul.f32 v16, v21  }
0x262: {  	v21 =	vsub.f32 v9, v17;
	v26 =	vmul.f32 $1.442695020e+00, v13;
	v13 =	vadd.f32 v15, v22;
	v22 =	vld [tilespmem:$0x187A0];
	v24, _, _ =	vpop (xrf2)  }
0x263: {  	v16 =	vadd.f32 v16, v20;
	v15 =	vmov s22;
	v20 =	vbroadcast v24, $0xF  }
0x264: {  	p4 =	sne.s32 s21, $0x4;
	v21 =	vmul.f32 $1.442695020e+00, v21;
	v24 =	vmul.f32 v25, v23;
	v25 =	vadd.f32 v13, v2  }
.Ltmp13:
0x265: {  	v32 =	vld [tilespmem:$0x186E0];
	v27 =	vmul.f32 v19, v5;
	v16 =	vadd.f32 v16, v18;
	v19 =	vmax.f32 v1, v20;
	(pc) =	sbr.rel @!p4 .LBB2_19-.Ltmp13, $4  }
0x266: {  	(erf) = vpow2.f32 v21;
	v18 =	vld [tilespmem:$0x186F0];
	v28 =	vadd.f32 v24, v25;
	v25 =	vsub.f32 v1, v19  }
0x267: {  	v24 =	vld [tilespmem:$0x186D0];
	v29 =	vadd.f32 v16, v3;
	v30 =	vmul.f32 v22, v23;
	v31 =	vsub.f32 v20, v19  }
0x268: {  	(erf) = vpow2.f32 v26;
	v20 =	vld.idx.msk [tilespmem:v15+s18+$0x0], $0xffff;
	v35 =	vmul.f32 $2.000000030e-01, v28  }
0x269: {  	p2 =	por $0x1, $0x1;
	s22 =	simm.s32 $0x4;
	(xrf2) =	vadd.scan.msk.f32 $0xffff, v27;
	v21 =	vld.idx.msk [tilespmem:v15+s19+$0x0], $0xffff;
	v23, _, _ =	vpop (xrf2);
	v22 =	vmul.f32 $1.442695020e+00, v25;
	v27 =	vadd.f32 v30, v29;
	v25 =	vmul.f32 $1.442695020e+00, v31  }
0x26a: {  	_ =	sdelay $0x1  }
0x26b: {  	v26 =	vmax.f32 v28, v35;
	v29 =	vld [tilespmem:$0x18700]  }
0x26c: {  	v28 =	vbroadcast v23, $0xF;
	v31 =	vld [tilespmem:$0x18750];
	v30 =	vmul.f32 v26, v4  }
0x26d: {  	v34 =	vld.idx.msk [tilespmem:v15+s16+$0x0], $0xffff;
	(erf) = vpow2.f32 v25;
	v33 =	vmul.f32 $2.000000030e-01, v27  }
0x26e: {  	v59 =	vld [tilespmem:$0x18790];
	v26 =	vmax.f32 v17, v28;
	v15 =	vmul.f32 v24, v20;
	v18 =	vmul.f32 v18, v21  }
0x26f: {  	(erf) = vpow2.f32 v22;
	v24 =	vsub.f32 v28, v26;
	v27 =	vmax.f32 v27, v33  }
0x270: {  	(xrf2) =	vadd.scan.msk.f32 $0xffff, v30;
	v30 =	vsub.f32 v17, v26;
	v21 =	vmul.f32 v29, v21;
	v29 =	vld [tilespmem:$0x18760];
	v18 =	vadd.f32 v18, v15  }
0x271: {  	v20 =	vmul.f32 v32, v20;
	v27 =	vmul.f32 v27, v5  }
0x272: {  	v28 =	vpop (erf);
	v24 =	vmul.f32 $1.442695020e+00, v24;
	v30 =	vmul.f32 $1.442695020e+00, v30;
	v48 =	vadd.f32 v18, v31;
	v31 =	vld [tilespmem:$0x187A0]  }
0x273: {  	v36 =	vmul.f32 v28, v8;
	v37 =	vpop (erf);
	v20 =	vadd.f32 v21, v20;
	v21 =	vmul.f32 v59, v34  }
0x274: {  	v15 =	vmov s22;
	(erf) = vpow2.f32 v30;
	v60 =	vmul.f32 v37, v10  }
0x275: {  	v18 =	vmul.f32 v28, v7;
	(erf) = vpow2.f32 v24;
	v61, _, _ =	vpop (xrf2);
	v49 =	vadd.f32 v20, v29  }
0x276: {  	p4 =	sne.s32 s21, $0x5;
	v42 =	vadd.f32 v36, v37;
	v37 =	vmovc v14;
	v62 =	vbroadcast v61, $0xF;
	v28 =	vadd.f32 v48, v2  }
.Ltmp14:
0x277: {  	v32 =	vld [tilespmem:$0x186E0];
	(xrf2) =	vadd.scan.msk.f32 $0xffff, v27;
	v30 =	vadd.f32 v60, v18;
	v40 =	vadd.f32 v49, v3;
	v31 =	vmul.f32 v31, v34;
	(pc) =	sbr.rel @!p4 .LBB2_21-.Ltmp14, $4  }
0x278: {  	v24 =	vld [tilespmem:$0x186D0];
	v33 =	vpop (erf);
	v36 =	vmov v12;
	v29 =	vmax.f32 v19, v62;
	v28 =	vadd.f32 v21, v28  }
0x279: {  	v18 =	vld [tilespmem:$0x186F0];
	v39 =	vmul.f32 v33, v11;
	v41 =	vpop (erf);
	v21 =	vsub.f32 v19, v29;
	v63 =	vsub.f32 v62, v29  }
0x27a: {  	v20 =	vld.idx.msk [tilespmem:v15+s18+$0x0], $0xffff;
	v47 =	vmul.f32 v41, v0;
	v38, _, _ =	vpop (xrf2);
	v34 =	vmov v26;
	v35 =	vmul.f32 $2.000000030e-01, v28  }
0x27b: {  	p3 =	por $0x1, $0x1;
	s22 =	simm.s32 $0x5;
	v43 =	vmul.f32 $1.442695020e+00, v21;
	v21 =	vld.idx.msk [tilespmem:v15+s19+$0x0], $0xffff;
	v27 =	vadd.f32 v31, v40;
	v45 =	vmul.f32 $1.442695020e+00, v63;
	v40 =	vmovc v29;
	v31 =	vmovc v6  }
.LBB2_22:
0x27c: {  	v44 =	vld [tilespmem:$0x186E0];
	v28 =	vmax.f32 v28, v35;
	v35 =	vbroadcast v38, $0xF;
	v31 =	vmul.f32 v41, v31;
	s23 =	smov.u32 s22;
	s22 =	sadd.s32 $0x1, s22  }
0x27d: {  	p4 =	sne.s32 s21, s22;
	v38 =	vld [tilespmem:$0x18700];
	v50 =	vmul.f32 v28, v4;
	(erf) = vpow2.f32 v45;
	v46 =	vadd.f32 v39, v47  }
0x27e: {  	v51 =	vmul.f32 $2.000000030e-01, v27;
	v39 =	vld [tilespmem:$0x18750];
	v26 =	vmax.f32 v26, v35;
	v31 =	vadd.f32 v31, v33  }
0x27f: {  	v45 =	vld.idx.msk [tilespmem:v15+s16+$0x0], $0xffff;
	v15 =	vmul.f32 v24, v20;
	(xrf2) =	vadd.scan.msk.f32 $0xffff, v50;
	v24 =	vsub.f32 v35, v26;
	v28 =	vpop (erf);
	(erf) = vpow2.f32 v43  }
0x280: {  	v18 =	vmul.f32 v18, v21;
	v27 =	vmax.f32 v27, v51;
	v33 =	vld [tilespmem:$0x18790];
	v42 =	vmul.f32 v28, v42;
	v47 =	vpop (erf)  }
0x281: {  	v20 =	vmul.f32 v32, v20;
	v35 =	vsub.f32 v34, v26;
	v41, _, _ =	vpop (xrf2);
	v43 =	vmul.f32 v47, v36  }
0x282: {  	v34 =	vmovc v26;
	v18 =	vadd.f32 v18, v15;
	v24 =	vmul.f32 $1.442695020e+00, v24;
	v32 =	vmovc v44;
	v21 =	vmul.f32 v38, v21;
	v38 =	vld [tilespmem:$0x18760]  }
0x283: {  	v27 =	vmul.f32 v27, v5;
	v35 =	vmul.f32 $1.442695020e+00, v35;
	v36 =	vmovc v13;
	v13 =	vmov v48  }
0x284: {  	v15 =	vmov s23;
	v48 =	vadd.f32 v18, v39;
	v18 =	vmul.f32 v28, v30;
	v44 =	vld [tilespmem:$0x187A0]  }
0x285: {  	v50 =	vbroadcast v41, $0xF;
	v20 =	vadd.f32 v21, v20;
	v21 =	vmul.f32 v33, v45  }
0x286: {  	v28 =	vadd.f32 v48, v2;
	v30 =	vadd.f32 v43, v18;
	(erf) = vpow2.f32 v35;
	v33 =	vpop (erf)  }
.Ltmp15:
0x287: {  	v29 =	vmax.f32 v29, v50;
	v18 =	vld [tilespmem:$0x186F0];
	v51 =	vadd.f32 v20, v38;
	(xrf2) =	vadd.scan.msk.f32 $0xffff, v27;
	(erf) = vpow2.f32 v24;
	(pc) =	sbr.rel @p4 .LBB2_22-.Ltmp15, $4  }
0x288: {  	v28 =	vadd.f32 v21, v28;
	v27 =	vsub.f32 v40, v29;
	v39 =	vmul.f32 v33, v37;
	v24 =	vld [tilespmem:$0x186D0];
	v41 =	vpop (erf)  }
0x289: {  	v20 =	vld.idx.msk [tilespmem:v15+s18+$0x0], $0xffff;
	v52 =	vadd.f32 v51, v3;
	v44 =	vmul.f32 v44, v45;
	v38, _, _ =	vpop (xrf2);
	v45 =	vsub.f32 v50, v29  }
0x28a: {  	v42 =	vadd.f32 v42, v47;
	v37 =	vmovc v16;
	v16 =	vmovc v49;
	v35 =	vmul.f32 $2.000000030e-01, v28;
	v43 =	vmul.f32 $1.442695020e+00, v27;
	v21 =	vld.idx.msk [tilespmem:v15+s19+$0x0], $0xffff  }
0x28b: {  	v40 =	vmovc v29;
	v47 =	vmul.f32 v41, v46;
	v49 =	vmovc v51;
	v27 =	vadd.f32 v44, v52;
	v45 =	vmul.f32 $1.442695020e+00, v45  }
.Ltmp16:
0x28c: {  	(pc) =	sbr.rel .LBB2_24-.Ltmp16, $2  }
0x28d: {  	_ =	sdelay $0x2  }
0x28e: {  	v44 =	vmovc v13;
	v46 =	vmov v16;
	v13 =	vmov v48;
	v16 =	vmov v49  }
.LBB2_15:
.Ltmp17:
0x28f: {  	(pc) =	sbr.rel .LBB2_24-.Ltmp17, $3  }
0x290: {  	_ =	sdelay $0x1  }
0x291: {  	v13 =	vmov v10;
	v16 =	vmov v11  }
0x292: {  	v31 =	vmovc v6;
	v26 =	vmovc v9;
	v42 =	vmov v8;
	v30 =	vmov v7;
	v29 =	vmov v1  }
.LBB2_17:
.Ltmp18:
0x293: {  	(pc) =	sbr.rel .LBB2_24-.Ltmp18, $4  }
0x294: {  	_ = 	snop  }
0x295: {  	v44 =	vmov v10  }
0x296: {  	v13 =	vmovc v12;
	v46 =	vmovc v11;
	v16 =	vmov v14;
	v31 =	vmov v6;
	v26 =	vmov v9  }
0x297: {  	v42 =	vmovc v8;
	v34 =	vmovc v9;
	v30 =	vmov v7;
	v29 =	vmov v1;
	v40 =	vmov v1  }
.LBB2_19:
.Ltmp19:
0x298: {  	(pc) =	sbr.rel .LBB2_24-.Ltmp19, $4  }
0x299: {  	_ = 	snop  }
0x29a: {  	v38 =	vmovc v23;
	v31 =	vmov v6;
	v26 =	vmov v17;
	v42 =	vmov v8  }
0x29b: {  	v34 =	vmovc v17;
	v36 =	vmovc v10;
	v44 =	vmov v12;
	v30 =	vmov v7;
	v29 =	vmov v19  }
0x29c: {  	v40 =	vmovc v19;
	v37 =	vmovc v11;
	v46 =	vmov v14;
	v45 =	vmov v25;
	v43 =	vmov v22  }
.LBB2_21:
.Ltmp20:
0x29d: {  	(pc) =	sbr.rel .LBB2_24-.Ltmp20, $3  }
0x29e: {  	_ =	sdelay $0x1  }
0x29f: {  	v44 =	vmovc v13;
	v46 =	vmov v16;
	v31 =	vmov v6;
	v34 =	vmov v26  }
0x2a0: {  	v36 =	vmovc v12;
	v13 =	vmovc v48;
	v40 =	vmov v29;
	v37 =	vmov v14;
	v16 =	vmov v49  }
.Lfunc_end2:
_tile_overlayer_lowered:
.L_overlay_start_2:
0x2a1: {  	(tag) =	ssettag $0x2  }
0x2a2: {  	s0 =	rddreg [dreg:$0x0];
	s2 =	stileid.u32  }
0x2a3: {  	s1 =	rddreg [dreg:$0x1];
	p0 =	sne.s32 s2, $0x0  }
0x2a4: {  	s3 =	rddreg [dreg:$0x2];
	[bflag:$0x3] =	sbarrier.arrive $0xFFFF;
	s2 =	simm.s32 @!p0 $0x1C03  }
0x2a5: {  	[timem:s3], [sflag:s2] =	dma.local @!p0 [hbm:s0], s1  }
0x2a6: {  	s0 =	simm.s32 @!p0 $0x3  }
0x2a7: {  	_ =	swait.ge @!p0 [sflag:s0], s1  }
0x2a8: {  	s1 =	ssub.s32 @!p0 $0x0, s1;
	[sflag:s0] =	ssyncset.done @!p0 $0x0  }
0x2a9: {  	[sflag:s0] =	ssyncadd.s32 @!p0 s1  }
0x2aa: {  	[bflag:$0x3] =	sbarrier.arrive $0xFFFF  }
0x2ab: {  	_ =	shalt  }

</sc_bundles>
